<compile_context>
chip_gen: v7x
topology: tpu7x:2x2x1
jax: 0.10.2.dev20260603
libtpu: 0.0.44.dev20260713+nightly
codegen_flags: <defaults>
</compile_context>

<pallas_src>
import functools

import jax
import jax.numpy as jnp
from jax import lax
from jax.experimental import pallas as pl
from jax.experimental.pallas import tpu as pltpu
from jax.experimental.pallas import tpu_sc as plsc

_N = 10000
_E = 320000
_NUM_GRAPHS = 256
_NUM_REL = 3
_EP = 327680
_ROWS = _EP // 128
_ACC_ROWS = 30080
_STRIPE = _ACC_ROWS // 16
_EMB_PAD = 32768


def _emb_gather(tbl, idx2d):
    mesh = plsc.VectorSubcoreMesh(core_axis_name="c", subcore_axis_name="s")

    @functools.partial(
        pl.kernel,
        out_type=jax.ShapeDtypeStruct((_EMB_PAD, 32), jnp.float32),
        mesh=mesh,
        compiler_params=pltpu.CompilerParams(use_tc_tiling_on_sc=False),
        scratch_types=[
            pltpu.VMEM((8, 128), jnp.int32),
            pltpu.VMEM((1024, 32), jnp.float32),
            pltpu.SemaphoreType.DMA,
        ],
    )
    def k(tbl_hbm, idx_hbm, out_hbm, idx_v, rows_v, sem):
        cid = lax.axis_index("c")
        sid = lax.axis_index("s")
        wid = sid * 2 + cid
        pltpu.sync_copy(idx_hbm.at[pl.ds(wid * 8, 8)], idx_v)
        gathers = [
            pltpu.async_copy(
                tbl_hbm.at[idx_v.at[j]], rows_v.at[pl.ds(j * 128, 128)], sem
            )
            for j in range(8)
        ]
        for d in gathers:
            d.wait()
        pltpu.sync_copy(rows_v, out_hbm.at[pl.ds(wid * 1024, 1024)])

    return k(tbl, idx2d)


def _edge_agg(h_stack, gidx, sidx, z_acc, dh, krows):
    mesh = plsc.VectorSubcoreMesh(core_axis_name="c", subcore_axis_name="s")

    @functools.partial(
        pl.kernel,
        out_type=jax.ShapeDtypeStruct((2 * _ACC_ROWS, dh), jnp.float32),
        mesh=mesh,
        compiler_params=pltpu.CompilerParams(use_tc_tiling_on_sc=False),
        scratch_types=[
            pltpu.VMEM((krows, 128), jnp.int32),
            pltpu.VMEM((krows, 128), jnp.int32),
            pltpu.VMEM((krows * 128, dh), jnp.float32),
            pltpu.VMEM_SHARED((_ACC_ROWS, dh), jnp.float32),
            pltpu.SemaphoreType.DMA,
            pltpu.SemaphoreType.DMA,
        ],
    )
    def k(h_hbm, gidx_hbm, sidx_hbm, z_hbm,
          out_hbm, sidx_v, gidx_v, rows_v, acc_sh, sem, sem2):
        cid = lax.axis_index("c")
        tid = lax.axis_index("s")

        pltpu.sync_copy(z_hbm, acc_sh.at[pl.ds(tid * _STRIPE, _STRIPE)])
        plsc.subcore_barrier()

        def chunk(c, carry):
            r0 = tid * 160 + c * krows
            pltpu.sync_copy(sidx_hbm.at[pl.ds(r0, krows)], sidx_v)
            pltpu.sync_copy(gidx_hbm.at[pl.ds(cid * _ROWS + r0, krows)], gidx_v)
            gathers = [
                pltpu.async_copy(
                    h_hbm.at[gidx_v.at[j]],
                    rows_v.at[pl.ds(j * 128, 128)],
                    sem,
                )
                for j in range(krows)
            ]
            scatters = []
            for j in range(krows):
                gathers[j].wait()
                scatters.append(pltpu.async_copy(
                    rows_v.at[pl.ds(j * 128, 128)],
                    acc_sh.at[sidx_v.at[j]],
                    sem2,
                    add=True,
                ))
            for d in scatters:
                d.wait()
            return carry

        lax.fori_loop(0, 160 // krows, chunk, 0)
        plsc.subcore_barrier()

        pltpu.sync_copy(
            acc_sh.at[pl.ds(tid * _STRIPE, _STRIPE)],
            out_hbm.at[pl.ds(cid * _ACC_ROWS + tid * _STRIPE, _STRIPE)],
        )

    return k(h_stack, gidx, sidx, z_acc)


def _edge_counts(sidx, z_cnt, ones):
    mesh = plsc.VectorSubcoreMesh(core_axis_name="c", subcore_axis_name="s")
    half = _ROWS // 2

    @functools.partial(
        pl.kernel,
        out_type=jax.ShapeDtypeStruct((2 * _ACC_ROWS, 16), jnp.float32),
        mesh=mesh,
        compiler_params=pltpu.CompilerParams(use_tc_tiling_on_sc=False),
        scratch_types=[
            pltpu.VMEM((8, 128), jnp.int32),
            pltpu.VMEM((128, 16), jnp.float32),
            pltpu.VMEM_SHARED((_ACC_ROWS, 16), jnp.float32),
        ],
    )
    def k(sidx_hbm, z_hbm, ones_hbm, out_hbm, sidx_v, ones_v, cnt_sh):
        cid = lax.axis_index("c")
        tid = lax.axis_index("s")
        pltpu.sync_copy(z_hbm, cnt_sh.at[pl.ds(tid * _STRIPE, _STRIPE)])
        pltpu.sync_copy(ones_hbm, ones_v)
        plsc.subcore_barrier()

        def chunk(c, carry):
            r0 = cid * half + tid * (half // 16) + c * 8
            pltpu.sync_copy(sidx_hbm.at[pl.ds(r0, 8)], sidx_v)
            for j in range(8):
                pltpu.sync_copy(ones_v, cnt_sh.at[sidx_v.at[j]], add=True)
            return carry

        lax.fori_loop(0, half // 16 // 8, chunk, 0)
        plsc.subcore_barrier()
        pltpu.sync_copy(
            cnt_sh.at[pl.ds(tid * _STRIPE, _STRIPE)],
            out_hbm.at[pl.ds(cid * _ACC_ROWS + tid * _STRIPE, _STRIPE)],
        )

    return k(sidx, z_cnt, ones)


def _dense_layer(h, a0, a1, a2, cnt8, root, w, b2d, emit_stack=False):
    din = h.shape[1]
    br = 2000
    grid = (_N // br,)

    def body(h_ref, a0_ref, a1_ref, a2_ref, c_ref, root_ref, w_ref, b_ref,
             o_ref, *o2):
        acc = jnp.dot(h_ref[...], root_ref[...],
                      preferred_element_type=jnp.float32,
                      precision=lax.Precision.HIGHEST)
        for r, aref in enumerate((a0_ref, a1_ref, a2_ref)):
            recip = 1.0 / jnp.maximum(c_ref[:, r:r + 1], 1.0)
            acc = acc + jnp.dot(aref[...].astype(jnp.float32) * recip, w_ref[r],
                                preferred_element_type=jnp.float32,
                                precision=lax.Precision.HIGHEST)
        acc = jnp.maximum(acc + b_ref[...], 0.0)
        o_ref[...] = acc
        if emit_stack:
            for q in range(4):
                o2[0][q, :, :] = acc[:, 32 * q:32 * q + 32]

    node_spec = pl.BlockSpec((br, din), lambda i: (i, 0))
    out_specs = [pl.BlockSpec((br, 128), lambda i: (i, 0))]
    out_shape = [jax.ShapeDtypeStruct((_N, 128), jnp.float32)]
    if emit_stack:
        out_specs.append(pl.BlockSpec((4, br, 32), lambda i: (0, i, 0)))
        out_shape.append(jax.ShapeDtypeStruct((4, _N, 32), jnp.float32))
    res = pl.pallas_call(
        body,
        grid=grid,
        in_specs=[
            node_spec, node_spec, node_spec, node_spec,
            pl.BlockSpec((br, 8), lambda i: (i, 0)),
            pl.BlockSpec((din, 128), lambda i: (0, 0)),
            pl.BlockSpec((3, din, 128), lambda i: (0, 0, 0)),
            pl.BlockSpec((1, 128), lambda i: (0, 0)),
        ],
        out_specs=out_specs,
        out_shape=out_shape,
    )(h, a0, a1, a2, cnt8, root, w, b2d)
    return res if emit_stack else res[0]


def _pool_classify(h2, batch3d, wc, bc2d):
    br = 2000
    nsteps = _N // br

    def body(h_ref, b_ref, wc_ref, bc_ref, o_ref, sums, cnts):
        i = pl.program_id(0)

        @pl.when(i == 0)
        def _():
            sums[...] = jnp.zeros((_NUM_GRAPHS, 128), jnp.float32)
            cnts[...] = jnp.zeros((_NUM_GRAPHS, 8), jnp.float32)

        bb = b_ref[0, 0, :]
        onehot = (bb[:, None] == lax.broadcasted_iota(
            jnp.int32, (br, _NUM_GRAPHS), 1)).astype(jnp.float32)
        sums[...] += lax.dot_general(
            onehot, h_ref[...], (((0,), (0,)), ((), ())),
            preferred_element_type=jnp.float32,
            precision=lax.Precision.HIGHEST)
        cnts[:, 0:1] += lax.dot_general(
            onehot, jnp.ones((br, 1), jnp.float32), (((0,), (0,)), ((), ())),
            preferred_element_type=jnp.float32,
            precision=lax.Precision.HIGHEST)

        @pl.when(i == nsteps - 1)
        def _():
            recip = 1.0 / jnp.maximum(cnts[:, 0:1], 1.0)
            pooled = sums[...] * recip
            o_ref[...] = jnp.dot(pooled, wc_ref[...],
                                 preferred_element_type=jnp.float32,
                                 precision=lax.Precision.HIGHEST) + bc_ref[...]

    return pl.pallas_call(
        body,
        grid=(nsteps,),
        in_specs=[
            pl.BlockSpec((br, 128), lambda i: (i, 0)),
            pl.BlockSpec((1, 1, br), lambda i: (i, 0, 0)),
            pl.BlockSpec((128, 16), lambda i: (0, 0)),
            pl.BlockSpec((1, 16), lambda i: (0, 0)),
        ],
        out_specs=pl.BlockSpec((_NUM_GRAPHS, 16), lambda i: (0, 0)),
        out_shape=jax.ShapeDtypeStruct((_NUM_GRAPHS, 16), jnp.float32),
        scratch_shapes=[
            pltpu.VMEM((_NUM_GRAPHS, 128), jnp.float32),
            pltpu.VMEM((_NUM_GRAPHS, 8), jnp.float32),
        ],
    )(h2, batch3d, wc, bc2d)


def kernel(x, edge_index, edge_type, batch, shape_emb, color_emb, pos_emb,
           W1, root1, b1, W2, root2, b2, Wc, bc):
    tbl = jnp.concatenate([shape_emb, color_emb, pos_emb], axis=0)
    idx_flat = jnp.stack(
        [x[:, 0], x[:, 1] + 16, jnp.clip(x[:, 2], 0, 24) + 32], axis=1
    ).reshape(-1)
    idx_pad = jnp.concatenate(
        [idx_flat, jnp.zeros((_EMB_PAD - 3 * _N,), jnp.int32)]
    ).reshape(_EMB_PAD // 128, 128)
    e = _emb_gather(tbl, idx_pad)
    h0 = e[: 3 * _N].reshape(_N, 96)

    src = edge_index[0]
    dst = edge_index[1]
    pad = _EP - _E
    srcp = jnp.concatenate([src, jnp.zeros((pad,), jnp.int32)])
    sidx = jnp.concatenate(
        [edge_type * _N + dst, jnp.full((pad,), 3 * _N, jnp.int32)]
    ).reshape(_ROWS, 128)
    gidx = jnp.concatenate([srcp, srcp + _N]).reshape(2 * _ROWS, 128)

    z48 = jnp.zeros((_STRIPE, 48), jnp.float32)
    z16 = jnp.zeros((_STRIPE, 16), jnp.float32)
    ones = jnp.ones((128, 16), jnp.float32)

    cnt_raw = _edge_counts(sidx, z16, ones)
    cnt_sum = cnt_raw[:_ACC_ROWS] + cnt_raw[_ACC_ROWS:]
    cnt = cnt_sum[: 3 * _N, 0].reshape(3, _N)
    cnt8 = jnp.pad(cnt.T, ((0, 0), (0, 5)))

    h0_stack = h0.reshape(_N, 2, 48).transpose(1, 0, 2).reshape(2 * _N, 48)
    a1_raw = _edge_agg(h0_stack, gidx, sidx, z48, 48, 5)
    a1 = (a1_raw.reshape(2, _ACC_ROWS, 48)[:, : 3 * _N]
          .reshape(2, 3, _N, 48).transpose(1, 2, 0, 3).reshape(3, _N, 96))
    h1, h1_stack = _dense_layer(h0, a1[0], a1[1], a1[2], cnt8, root1, W1,
                                b1.reshape(1, 128), emit_stack=True)

    z32 = jnp.zeros((_STRIPE, 32), jnp.float32)
    stack4 = h1_stack.reshape(4 * _N, 32)
    a2a_raw = _edge_agg(stack4[: 2 * _N], gidx, sidx, z32, 32, 16)
    a2b_raw = _edge_agg(stack4[2 * _N:], gidx, sidx, z32, 32, 16)
    a2a = (a2a_raw.reshape(2, _ACC_ROWS, 32)[:, : 3 * _N]
           .reshape(2, 3, _N, 32).transpose(1, 2, 0, 3).reshape(3, _N, 64))
    a2b = (a2b_raw.reshape(2, _ACC_ROWS, 32)[:, : 3 * _N]
           .reshape(2, 3, _N, 32).transpose(1, 2, 0, 3).reshape(3, _N, 64))
    a2 = jnp.concatenate([a2a, a2b], axis=-1)
    h2 = _dense_layer(h1, a2[0], a2[1], a2[2], cnt8, root2, W2,
                      b2.reshape(1, 128))

    return _pool_classify(h2, batch.reshape(_N // 2000, 1, 2000), Wc,
                          bc.reshape(1, 16))

# --- scband reference (transcript-rebuilt; emitter-appended) ---
"""Pipeline reference for scband-spr-rgcn-88648124990250 (READ-ONLY COPY).

The authoritative reference and input builder live on the scoring server;
editing this copy changes nothing except your own understanding.
"""

import jax, jax.numpy as jnp
import numpy as np

NUM_SH = 16
NUM_CL = 16
MAX_POS = 25
NUM_LB = 16
EMB = 32
HID = 128
N = 10000
E = 320000
NUM_GRAPHS = 256
NUM_REL = 3


def setup_inputs(seed: int = 0):
    key = jax.random.key(seed)
    ks = jax.random.split(key, 16)
    x = jax.random.randint(ks[0], (N, 3), 0, 16, dtype=jnp.int32)
    edge_index = jax.random.randint(ks[1], (2, E), 0, N, dtype=jnp.int32)
    edge_type = jax.random.randint(ks[2], (E,), 0, NUM_REL, dtype=jnp.int32)
    batch = jnp.sort(jax.random.randint(ks[3], (N,), 0, NUM_GRAPHS, dtype=jnp.int32))
    s = 0.02
    shape_emb = jax.random.normal(ks[4], (NUM_SH, EMB), jnp.float32) * s
    color_emb = jax.random.normal(ks[5], (NUM_CL, EMB), jnp.float32) * s
    pos_emb = jax.random.normal(ks[6], (MAX_POS, EMB), jnp.float32) * s
    d_in1 = EMB * 3
    W1 = jax.random.normal(ks[7], (NUM_REL, d_in1, HID), jnp.float32) * (1.0 / np.sqrt(d_in1))
    root1 = jax.random.normal(ks[8], (d_in1, HID), jnp.float32) * (1.0 / np.sqrt(d_in1))
    b1 = jnp.zeros((HID,), jnp.float32)
    W2 = jax.random.normal(ks[9], (NUM_REL, HID, HID), jnp.float32) * (1.0 / np.sqrt(HID))
    root2 = jax.random.normal(ks[10], (HID, HID), jnp.float32) * (1.0 / np.sqrt(HID))
    b2 = jnp.zeros((HID,), jnp.float32)
    Wc = jax.random.normal(ks[11], (HID, NUM_LB), jnp.float32) * (1.0 / np.sqrt(HID))
    bc = jnp.zeros((NUM_LB,), jnp.float32)
    return {
        'x': x, 'edge_index': edge_index, 'edge_type': edge_type, 'batch': batch,
        'shape_emb': shape_emb, 'color_emb': color_emb, 'pos_emb': pos_emb,
        'W1': W1, 'root1': root1, 'b1': b1,
        'W2': W2, 'root2': root2, 'b2': b2,
        'Wc': Wc, 'bc': bc,
    }


def _rgcn_conv(h, src, dst, edge_type, W, root, bias):
    # PyG RGCNConv: out[i] = h[i] @ root + bias + sum_r mean_{j in N_r(i)} h[j] @ W[r]
    out = h @ root + bias
    h_src = jnp.take(h, src, axis=0)
    n = h.shape[0]
    for r in range(NUM_REL):
        mask = (edge_type == r).astype(h.dtype)
        msg = (h_src @ W[r]) * mask[:, None]
        s = jax.ops.segment_sum(msg, dst, num_segments=n)
        cnt = jax.ops.segment_sum(mask, dst, num_segments=n)
        out = out + s / jnp.maximum(cnt, 1.0)[:, None]
    return out


def reference(x, edge_index, edge_type, batch, shape_emb, color_emb, pos_emb,
              W1, root1, b1, W2, root2, b2, Wc, bc):
    shp = jnp.take(shape_emb, x[:, 0], axis=0)
    col = jnp.take(color_emb, x[:, 1], axis=0)
    pos = jnp.take(pos_emb, jnp.clip(x[:, 2], 0, MAX_POS - 1), axis=0)
    h = jnp.concatenate([shp, col, pos], axis=-1)
    src = edge_index[0]
    dst = edge_index[1]
    h = jax.nn.relu(_rgcn_conv(h, src, dst, edge_type, W1, root1, b1))
    h = jax.nn.relu(_rgcn_conv(h, src, dst, edge_type, W2, root2, b2))
    sums = jax.ops.segment_sum(h, batch, num_segments=NUM_GRAPHS)
    cnt = jax.ops.segment_sum(jnp.ones((h.shape[0],), h.dtype), batch, num_segments=NUM_GRAPHS)
    pooled = sums / jnp.maximum(cnt, 1.0)[:, None]
    return pooled @ Wc + bc

if __name__ == "__main__":
    import jax
    _d = setup_inputs()
    print(jax.jit(kernel)(*tuple(_d.values())))

</pallas_src>

<mosaic_0001>
#map = affine_map<(d0, d1) -> (0, 0)>
module attributes {stable_mosaic.version = 14 : i64} {
  func.func @k(%arg0: i32, %arg1: i32, %arg2: memref<57x32xf32, #tpu.memory_space<hbm>>, %arg3: memref<256x128xi32, #tpu.memory_space<hbm>>, %arg4: memref<32768x32xf32, #tpu.memory_space<hbm>>, %arg5: memref<8x128xi32, #tpu.memory_space<vmem>>, %arg6: memref<1024x32xf32, #tpu.memory_space<vmem>>, %arg7: memref<!tpu.dma_semaphore, #tpu.memory_space<semaphore_mem>>) attributes {dimension_semantics = [#tpu.dimension_semantics<core_parallel>, #tpu.dimension_semantics<subcore_parallel>], iteration_bounds = array<i64: 2, 16>, scalar_prefetch = 0 : i64, scratch_operands = 3 : i64, tpu.core_type = #tpu.core_type<sc_vector_subcore>, window_params = [{transform_indices = #map}, {transform_indices = #map}, {transform_indices = #map}]} {
    %mul3A = arith.constant 2 : i32
    %mul3A_0 = arith.muli %arg1, %mul3A : i32
    %add3A = arith.addi %mul3A_0, %arg0 : i32
    %mul3A_1 = arith.constant 8 : i32
    %mul3A_2 = arith.muli %add3A, %mul3A_1 : i32
    "tpu.region"() ({
      %run_scoped3A = tpu.sem_alloc : memref<!tpu.dma_semaphore, #tpu.memory_space<semaphore_mem>>
      %dma_start3A_163 = arith.constant 0 : i32
      %dma_start3A_164 = tpu.memref_slice %arg3[%mul3A_2, %dma_start3A_163] : memref<256x128xi32, #tpu.memory_space<hbm>> -> memref<8x128xi32, #tpu.memory_space<hbm>>
      %dma_start3A_165 = arith.constant 0 : i32
      %dma_start3A_166 = tpu.memref_slice %arg3[%mul3A_2, %dma_start3A_165] : memref<256x128xi32, #tpu.memory_space<hbm>> -> memref<8x128xi32, #tpu.memory_space<hbm>>
      tpu.enqueue_dma source(%dma_start3A_166 : memref<8x128xi32, #tpu.memory_space<hbm>>) target(%arg5 : memref<8x128xi32, #tpu.memory_space<vmem>>) target_semaphore(%run_scoped3A : memref<!tpu.dma_semaphore, #tpu.memory_space<semaphore_mem>>)
      %dma_wait3A_167 = arith.constant 0 : i32
      %dma_wait3A_168 = tpu.memref_slice %arg3[%mul3A_2, %dma_wait3A_167] : memref<256x128xi32, #tpu.memory_space<hbm>> -> memref<8x128xi32, #tpu.memory_space<hbm>>
      %dma_wait3A_169 = arith.constant 0 : i32
      %dma_wait3A_170 = tpu.memref_slice %arg3[%mul3A_2, %dma_wait3A_169] : memref<256x128xi32, #tpu.memory_space<hbm>> -> memref<8x128xi32, #tpu.memory_space<hbm>>
      tpu.wait_dma2 semaphore(%run_scoped3A : memref<!tpu.dma_semaphore, #tpu.memory_space<semaphore_mem>>) src(%dma_wait3A_170 : memref<8x128xi32, #tpu.memory_space<hbm>>) dst(%arg5 : memref<8x128xi32, #tpu.memory_space<vmem>>)
      tpu.yield
    }) : () -> ()
    %dma_start3A = arith.constant 0 : i32
    %dma_start3A_3 = arith.constant 0 : i32
    %dma_start3A_4 = arith.constant 0 : i32
    %dma_start3A_5 = tpu.memref_slice %arg6[%dma_start3A_3, %dma_start3A_4] : memref<1024x32xf32, #tpu.memory_space<vmem>> -> memref<128x32xf32, #tpu.memory_space<vmem>>
    %dma_start3A_6 = arith.constant 0 : i32
    %dma_start3A_7 = tpu.memref_slice %arg5[%dma_start3A, %dma_start3A_6] : memref<8x128xi32, #tpu.memory_space<vmem>> -> memref<1x128xi32, #tpu.memory_space<vmem>>
    %dma_start3A_8 = tpu.memref_squeeze %dma_start3A_7 : memref<1x128xi32, #tpu.memory_space<vmem>> -> memref<128xi32, #tpu.memory_space<vmem>>
    %dma_start3A_9 = arith.constant 0 : i32
    %dma_start3A_10 = arith.constant 0 : i32
    %dma_start3A_11 = tpu.memref_slice %arg2[%dma_start3A_9, %dma_start3A_10] : memref<57x32xf32, #tpu.memory_space<hbm>> -> memref<57x32xf32, #tpu.memory_space<hbm>>
    tpu.enqueue_indirect_dma source(%dma_start3A_11 : memref<57x32xf32, #tpu.memory_space<hbm>>) target(%dma_start3A_5 : memref<128x32xf32, #tpu.memory_space<vmem>>) offsets(%dma_start3A_8 : memref<128xi32, #tpu.memory_space<vmem>>) semaphore(%arg7 : memref<!tpu.dma_semaphore, #tpu.memory_space<semaphore_mem>>)
    %dma_start3A_12 = arith.constant 1 : i32
    %dma_start3A_13 = arith.constant 128 : i32
    %dma_start3A_14 = arith.constant 0 : i32
    %dma_start3A_15 = tpu.memref_slice %arg6[%dma_start3A_13, %dma_start3A_14] : memref<1024x32xf32, #tpu.memory_space<vmem>> -> memref<128x32xf32, #tpu.memory_space<vmem>>
    %dma_start3A_16 = arith.constant 0 : i32
    %dma_start3A_17 = tpu.memref_slice %arg5[%dma_start3A_12, %dma_start3A_16] : memref<8x128xi32, #tpu.memory_space<vmem>> -> memref<1x128xi32, #tpu.memory_space<vmem>>
    %dma_start3A_18 = tpu.memref_squeeze %dma_start3A_17 : memref<1x128xi32, #tpu.memory_space<vmem>> -> memref<128xi32, #tpu.memory_space<vmem>>
    %dma_start3A_19 = arith.constant 0 : i32
    %dma_start3A_20 = arith.constant 0 : i32
    %dma_start3A_21 = tpu.memref_slice %arg2[%dma_start3A_19, %dma_start3A_20] : memref<57x32xf32, #tpu.memory_space<hbm>> -> memref<57x32xf32, #tpu.memory_space<hbm>>
    tpu.enqueue_indirect_dma source(%dma_start3A_21 : memref<57x32xf32, #tpu.memory_space<hbm>>) target(%dma_start3A_15 : memref<128x32xf32, #tpu.memory_space<vmem>>) offsets(%dma_start3A_18 : memref<128xi32, #tpu.memory_space<vmem>>) semaphore(%arg7 : memref<!tpu.dma_semaphore, #tpu.memory_space<semaphore_mem>>)
    %dma_start3A_22 = arith.constant 2 : i32
    %dma_start3A_23 = arith.constant 256 : i32
    %dma_start3A_24 = arith.constant 0 : i32
    %dma_start3A_25 = tpu.memref_slice %arg6[%dma_start3A_23, %dma_start3A_24] : memref<1024x32xf32, #tpu.memory_space<vmem>> -> memref<128x32xf32, #tpu.memory_space<vmem>>
    %dma_start3A_26 = arith.constant 0 : i32
    %dma_start3A_27 = tpu.memref_slice %arg5[%dma_start3A_22, %dma_start3A_26] : memref<8x128xi32, #tpu.memory_space<vmem>> -> memref<1x128xi32, #tpu.memory_space<vmem>>
    %dma_start3A_28 = tpu.memref_squeeze %dma_start3A_27 : memref<1x128xi32, #tpu.memory_space<vmem>> -> memref<128xi32, #tpu.memory_space<vmem>>
    %dma_start3A_29 = arith.constant 0 : i32
    %dma_start3A_30 = arith.constant 0 : i32
    %dma_start3A_31 = tpu.memref_slice %arg2[%dma_start3A_29, %dma_start3A_30] : memref<57x32xf32, #tpu.memory_space<hbm>> -> memref<57x32xf32, #tpu.memory_space<hbm>>
    tpu.enqueue_indirect_dma source(%dma_start3A_31 : memref<57x32xf32, #tpu.memory_space<hbm>>) target(%dma_start3A_25 : memref<128x32xf32, #tpu.memory_space<vmem>>) offsets(%dma_start3A_28 : memref<128xi32, #tpu.memory_space<vmem>>) semaphore(%arg7 : memref<!tpu.dma_semaphore, #tpu.memory_space<semaphore_mem>>)
    %dma_start3A_32 = arith.constant 3 : i32
    %dma_start3A_33 = arith.constant 384 : i32
    %dma_start3A_34 = arith.constant 0 : i32
    %dma_start3A_35 = tpu.memref_slice %arg6[%dma_start3A_33, %dma_start3A_34] : memref<1024x32xf32, #tpu.memory_space<vmem>> -> memref<128x32xf32, #tpu.memory_space<vmem>>
    %dma_start3A_36 = arith.constant 0 : i32
    %dma_start3A_37 = tpu.memref_slice %arg5[%dma_start3A_32, %dma_start3A_36] : memref<8x128xi32, #tpu.memory_space<vmem>> -> memref<1x128xi32, #tpu.memory_space<vmem>>
    %dma_start3A_38 = tpu.memref_squeeze %dma_start3A_37 : memref<1x128xi32, #tpu.memory_space<vmem>> -> memref<128xi32, #tpu.memory_space<vmem>>
    %dma_start3A_39 = arith.constant 0 : i32
    %dma_start3A_40 = arith.constant 0 : i32
    %dma_start3A_41 = tpu.memref_slice %arg2[%dma_start3A_39, %dma_start3A_40] : memref<57x32xf32, #tpu.memory_space<hbm>> -> memref<57x32xf32, #tpu.memory_space<hbm>>
    tpu.enqueue_indirect_dma source(%dma_start3A_41 : memref<57x32xf32, #tpu.memory_space<hbm>>) target(%dma_start3A_35 : memref<128x32xf32, #tpu.memory_space<vmem>>) offsets(%dma_start3A_38 : memref<128xi32, #tpu.memory_space<vmem>>) semaphore(%arg7 : memref<!tpu.dma_semaphore, #tpu.memory_space<semaphore_mem>>)
    %dma_start3A_42 = arith.constant 4 : i32
    %dma_start3A_43 = arith.constant 512 : i32
    %dma_start3A_44 = arith.constant 0 : i32
    %dma_start3A_45 = tpu.memref_slice %arg6[%dma_start3A_43, %dma_start3A_44] : memref<1024x32xf32, #tpu.memory_space<vmem>> -> memref<128x32xf32, #tpu.memory_space<vmem>>
    %dma_start3A_46 = arith.constant 0 : i32
    %dma_start3A_47 = tpu.memref_slice %arg5[%dma_start3A_42, %dma_start3A_46] : memref<8x128xi32, #tpu.memory_space<vmem>> -> memref<1x128xi32, #tpu.memory_space<vmem>>
    %dma_start3A_48 = tpu.memref_squeeze %dma_start3A_47 : memref<1x128xi32, #tpu.memory_space<vmem>> -> memref<128xi32, #tpu.memory_space<vmem>>
    %dma_start3A_49 = arith.constant 0 : i32
    %dma_start3A_50 = arith.constant 0 : i32
    %dma_start3A_51 = tpu.memref_slice %arg2[%dma_start3A_49, %dma_start3A_50] : memref<57x32xf32, #tpu.memory_space<hbm>> -> memref<57x32xf32, #tpu.memory_space<hbm>>
    tpu.enqueue_indirect_dma source(%dma_start3A_51 : memref<57x32xf32, #tpu.memory_space<hbm>>) target(%dma_start3A_45 : memref<128x32xf32, #tpu.memory_space<vmem>>) offsets(%dma_start3A_48 : memref<128xi32, #tpu.memory_space<vmem>>) semaphore(%arg7 : memref<!tpu.dma_semaphore, #tpu.memory_space<semaphore_mem>>)
    %dma_start3A_52 = arith.constant 5 : i32
    %dma_start3A_53 = arith.constant 640 : i32
    %dma_start3A_54 = arith.constant 0 : i32
    %dma_start3A_55 = tpu.memref_slice %arg6[%dma_start3A_53, %dma_start3A_54] : memref<1024x32xf32, #tpu.memory_space<vmem>> -> memref<128x32xf32, #tpu.memory_space<vmem>>
    %dma_start3A_56 = arith.constant 0 : i32
    %dma_start3A_57 = tpu.memref_slice %arg5[%dma_start3A_52, %dma_start3A_56] : memref<8x128xi32, #tpu.memory_space<vmem>> -> memref<1x128xi32, #tpu.memory_space<vmem>>
    %dma_start3A_58 = tpu.memref_squeeze %dma_start3A_57 : memref<1x128xi32, #tpu.memory_space<vmem>> -> memref<128xi32, #tpu.memory_space<vmem>>
    %dma_start3A_59 = arith.constant 0 : i32
    %dma_start3A_60 = arith.constant 0 : i32
    %dma_start3A_61 = tpu.memref_slice %arg2[%dma_start3A_59, %dma_start3A_60] : memref<57x32xf32, #tpu.memory_space<hbm>> -> memref<57x32xf32, #tpu.memory_space<hbm>>
    tpu.enqueue_indirect_dma source(%dma_start3A_61 : memref<57x32xf32, #tpu.memory_space<hbm>>) target(%dma_start3A_55 : memref<128x32xf32, #tpu.memory_space<vmem>>) offsets(%dma_start3A_58 : memref<128xi32, #tpu.memory_space<vmem>>) semaphore(%arg7 : memref<!tpu.dma_semaphore, #tpu.memory_space<semaphore_mem>>)
    %dma_start3A_62 = arith.constant 6 : i32
    %dma_start3A_63 = arith.constant 768 : i32
    %dma_start3A_64 = arith.constant 0 : i32
    %dma_start3A_65 = tpu.memref_slice %arg6[%dma_start3A_63, %dma_start3A_64] : memref<1024x32xf32, #tpu.memory_space<vmem>> -> memref<128x32xf32, #tpu.memory_space<vmem>>
    %dma_start3A_66 = arith.constant 0 : i32
    %dma_start3A_67 = tpu.memref_slice %arg5[%dma_start3A_62, %dma_start3A_66] : memref<8x128xi32, #tpu.memory_space<vmem>> -> memref<1x128xi32, #tpu.memory_space<vmem>>
    %dma_start3A_68 = tpu.memref_squeeze %dma_start3A_67 : memref<1x128xi32, #tpu.memory_space<vmem>> -> memref<128xi32, #tpu.memory_space<vmem>>
    %dma_start3A_69 = arith.constant 0 : i32
    %dma_start3A_70 = arith.constant 0 : i32
    %dma_start3A_71 = tpu.memref_slice %arg2[%dma_start3A_69, %dma_start3A_70] : memref<57x32xf32, #tpu.memory_space<hbm>> -> memref<57x32xf32, #tpu.memory_space<hbm>>
    tpu.enqueue_indirect_dma source(%dma_start3A_71 : memref<57x32xf32, #tpu.memory_space<hbm>>) target(%dma_start3A_65 : memref<128x32xf32, #tpu.memory_space<vmem>>) offsets(%dma_start3A_68 : memref<128xi32, #tpu.memory_space<vmem>>) semaphore(%arg7 : memref<!tpu.dma_semaphore, #tpu.memory_space<semaphore_mem>>)
    %dma_start3A_72 = arith.constant 7 : i32
    %dma_start3A_73 = arith.constant 896 : i32
    %dma_start3A_74 = arith.constant 0 : i32
    %dma_start3A_75 = tpu.memref_slice %arg6[%dma_start3A_73, %dma_start3A_74] : memref<1024x32xf32, #tpu.memory_space<vmem>> -> memref<128x32xf32, #tpu.memory_space<vmem>>
    %dma_start3A_76 = arith.constant 0 : i32
    %dma_start3A_77 = tpu.memref_slice %arg5[%dma_start3A_72, %dma_start3A_76] : memref<8x128xi32, #tpu.memory_space<vmem>> -> memref<1x128xi32, #tpu.memory_space<vmem>>
    %dma_start3A_78 = tpu.memref_squeeze %dma_start3A_77 : memref<1x128xi32, #tpu.memory_space<vmem>> -> memref<128xi32, #tpu.memory_space<vmem>>
    %dma_start3A_79 = arith.constant 0 : i32
    %dma_start3A_80 = arith.constant 0 : i32
    %dma_start3A_81 = tpu.memref_slice %arg2[%dma_start3A_79, %dma_start3A_80] : memref<57x32xf32, #tpu.memory_space<hbm>> -> memref<57x32xf32, #tpu.memory_space<hbm>>
    tpu.enqueue_indirect_dma source(%dma_start3A_81 : memref<57x32xf32, #tpu.memory_space<hbm>>) target(%dma_start3A_75 : memref<128x32xf32, #tpu.memory_space<vmem>>) offsets(%dma_start3A_78 : memref<128xi32, #tpu.memory_space<vmem>>) semaphore(%arg7 : memref<!tpu.dma_semaphore, #tpu.memory_space<semaphore_mem>>)
    %dma_wait3A = arith.constant 0 : i32
    %dma_wait3A_82 = arith.constant 0 : i32
    %dma_wait3A_83 = arith.constant 0 : i32
    %dma_wait3A_84 = tpu.memref_slice %arg6[%dma_wait3A_82, %dma_wait3A_83] : memref<1024x32xf32, #tpu.memory_space<vmem>> -> memref<128x32xf32, #tpu.memory_space<vmem>>
    %dma_wait3A_85 = arith.constant 0 : i32
    %dma_wait3A_86 = tpu.memref_slice %arg5[%dma_wait3A, %dma_wait3A_85] : memref<8x128xi32, #tpu.memory_space<vmem>> -> memref<1x128xi32, #tpu.memory_space<vmem>>
    %dma_wait3A_87 = tpu.memref_squeeze %dma_wait3A_86 : memref<1x128xi32, #tpu.memory_space<vmem>> -> memref<128xi32, #tpu.memory_space<vmem>>
    %dma_wait3A_88 = arith.constant 0 : i32
    %dma_wait3A_89 = arith.constant 0 : i32
    %dma_wait3A_90 = tpu.memref_slice %arg2[%dma_wait3A_88, %dma_wait3A_89] : memref<57x32xf32, #tpu.memory_space<hbm>> -> memref<57x32xf32, #tpu.memory_space<hbm>>
    tpu.wait_indirect_dma semaphore(%arg7 : memref<!tpu.dma_semaphore, #tpu.memory_space<semaphore_mem>>) src(%dma_wait3A_90 : memref<57x32xf32, #tpu.memory_space<hbm>>) dst(%dma_wait3A_84 : memref<128x32xf32, #tpu.memory_space<vmem>>)
    %dma_wait3A_91 = arith.constant 1 : i32
    %dma_wait3A_92 = arith.constant 128 : i32
    %dma_wait3A_93 = arith.constant 0 : i32
    %dma_wait3A_94 = tpu.memref_slice %arg6[%dma_wait3A_92, %dma_wait3A_93] : memref<1024x32xf32, #tpu.memory_space<vmem>> -> memref<128x32xf32, #tpu.memory_space<vmem>>
    %dma_wait3A_95 = arith.constant 0 : i32
    %dma_wait3A_96 = tpu.memref_slice %arg5[%dma_wait3A_91, %dma_wait3A_95] : memref<8x128xi32, #tpu.memory_space<vmem>> -> memref<1x128xi32, #tpu.memory_space<vmem>>
    %dma_wait3A_97 = tpu.memref_squeeze %dma_wait3A_96 : memref<1x128xi32, #tpu.memory_space<vmem>> -> memref<128xi32, #tpu.memory_space<vmem>>
    %dma_wait3A_98 = arith.constant 0 : i32
    %dma_wait3A_99 = arith.constant 0 : i32
    %dma_wait3A_100 = tpu.memref_slice %arg2[%dma_wait3A_98, %dma_wait3A_99] : memref<57x32xf32, #tpu.memory_space<hbm>> -> memref<57x32xf32, #tpu.memory_space<hbm>>
    tpu.wait_indirect_dma semaphore(%arg7 : memref<!tpu.dma_semaphore, #tpu.memory_space<semaphore_mem>>) src(%dma_wait3A_100 : memref<57x32xf32, #tpu.memory_space<hbm>>) dst(%dma_wait3A_94 : memref<128x32xf32, #tpu.memory_space<vmem>>)
    %dma_wait3A_101 = arith.constant 2 : i32
    %dma_wait3A_102 = arith.constant 256 : i32
    %dma_wait3A_103 = arith.constant 0 : i32
    %dma_wait3A_104 = tpu.memref_slice %arg6[%dma_wait3A_102, %dma_wait3A_103] : memref<1024x32xf32, #tpu.memory_space<vmem>> -> memref<128x32xf32, #tpu.memory_space<vmem>>
    %dma_wait3A_105 = arith.constant 0 : i32
    %dma_wait3A_106 = tpu.memref_slice %arg5[%dma_wait3A_101, %dma_wait3A_105] : memref<8x128xi32, #tpu.memory_space<vmem>> -> memref<1x128xi32, #tpu.memory_space<vmem>>
    %dma_wait3A_107 = tpu.memref_squeeze %dma_wait3A_106 : memref<1x128xi32, #tpu.memory_space<vmem>> -> memref<128xi32, #tpu.memory_space<vmem>>
    %dma_wait3A_108 = arith.constant 0 : i32
    %dma_wait3A_109 = arith.constant 0 : i32
    %dma_wait3A_110 = tpu.memref_slice %arg2[%dma_wait3A_108, %dma_wait3A_109] : memref<57x32xf32, #tpu.memory_space<hbm>> -> memref<57x32xf32, #tpu.memory_space<hbm>>
    tpu.wait_indirect_dma semaphore(%arg7 : memref<!tpu.dma_semaphore, #tpu.memory_space<semaphore_mem>>) src(%dma_wait3A_110 : memref<57x32xf32, #tpu.memory_space<hbm>>) dst(%dma_wait3A_104 : memref<128x32xf32, #tpu.memory_space<vmem>>)
    %dma_wait3A_111 = arith.constant 3 : i32
    %dma_wait3A_112 = arith.constant 384 : i32
    %dma_wait3A_113 = arith.constant 0 : i32
    %dma_wait3A_114 = tpu.memref_slice %arg6[%dma_wait3A_112, %dma_wait3A_113] : memref<1024x32xf32, #tpu.memory_space<vmem>> -> memref<128x32xf32, #tpu.memory_space<vmem>>
    %dma_wait3A_115 = arith.constant 0 : i32
    %dma_wait3A_116 = tpu.memref_slice %arg5[%dma_wait3A_111, %dma_wait3A_115] : memref<8x128xi32, #tpu.memory_space<vmem>> -> memref<1x128xi32, #tpu.memory_space<vmem>>
    %dma_wait3A_117 = tpu.memref_squeeze %dma_wait3A_116 : memref<1x128xi32, #tpu.memory_space<vmem>> -> memref<128xi32, #tpu.memory_space<vmem>>
    %dma_wait3A_118 = arith.constant 0 : i32
    %dma_wait3A_119 = arith.constant 0 : i32
    %dma_wait3A_120 = tpu.memref_slice %arg2[%dma_wait3A_118, %dma_wait3A_119] : memref<57x32xf32, #tpu.memory_space<hbm>> -> memref<57x32xf32, #tpu.memory_space<hbm>>
    tpu.wait_indirect_dma semaphore(%arg7 : memref<!tpu.dma_semaphore, #tpu.memory_space<semaphore_mem>>) src(%dma_wait3A_120 : memref<57x32xf32, #tpu.memory_space<hbm>>) dst(%dma_wait3A_114 : memref<128x32xf32, #tpu.memory_space<vmem>>)
    %dma_wait3A_121 = arith.constant 4 : i32
    %dma_wait3A_122 = arith.constant 512 : i32
    %dma_wait3A_123 = arith.constant 0 : i32
    %dma_wait3A_124 = tpu.memref_slice %arg6[%dma_wait3A_122, %dma_wait3A_123] : memref<1024x32xf32, #tpu.memory_space<vmem>> -> memref<128x32xf32, #tpu.memory_space<vmem>>
    %dma_wait3A_125 = arith.constant 0 : i32
    %dma_wait3A_126 = tpu.memref_slice %arg5[%dma_wait3A_121, %dma_wait3A_125] : memref<8x128xi32, #tpu.memory_space<vmem>> -> memref<1x128xi32, #tpu.memory_space<vmem>>
    %dma_wait3A_127 = tpu.memref_squeeze %dma_wait3A_126 : memref<1x128xi32, #tpu.memory_space<vmem>> -> memref<128xi32, #tpu.memory_space<vmem>>
    %dma_wait3A_128 = arith.constant 0 : i32
    %dma_wait3A_129 = arith.constant 0 : i32
    %dma_wait3A_130 = tpu.memref_slice %arg2[%dma_wait3A_128, %dma_wait3A_129] : memref<57x32xf32, #tpu.memory_space<hbm>> -> memref<57x32xf32, #tpu.memory_space<hbm>>
    tpu.wait_indirect_dma semaphore(%arg7 : memref<!tpu.dma_semaphore, #tpu.memory_space<semaphore_mem>>) src(%dma_wait3A_130 : memref<57x32xf32, #tpu.memory_space<hbm>>) dst(%dma_wait3A_124 : memref<128x32xf32, #tpu.memory_space<vmem>>)
    %dma_wait3A_131 = arith.constant 5 : i32
    %dma_wait3A_132 = arith.constant 640 : i32
    %dma_wait3A_133 = arith.constant 0 : i32
    %dma_wait3A_134 = tpu.memref_slice %arg6[%dma_wait3A_132, %dma_wait3A_133] : memref<1024x32xf32, #tpu.memory_space<vmem>> -> memref<128x32xf32, #tpu.memory_space<vmem>>
    %dma_wait3A_135 = arith.constant 0 : i32
    %dma_wait3A_136 = tpu.memref_slice %arg5[%dma_wait3A_131, %dma_wait3A_135] : memref<8x128xi32, #tpu.memory_space<vmem>> -> memref<1x128xi32, #tpu.memory_space<vmem>>
    %dma_wait3A_137 = tpu.memref_squeeze %dma_wait3A_136 : memref<1x128xi32, #tpu.memory_space<vmem>> -> memref<128xi32, #tpu.memory_space<vmem>>
    %dma_wait3A_138 = arith.constant 0 : i32
    %dma_wait3A_139 = arith.constant 0 : i32
    %dma_wait3A_140 = tpu.memref_slice %arg2[%dma_wait3A_138, %dma_wait3A_139] : memref<57x32xf32, #tpu.memory_space<hbm>> -> memref<57x32xf32, #tpu.memory_space<hbm>>
    tpu.wait_indirect_dma semaphore(%arg7 : memref<!tpu.dma_semaphore, #tpu.memory_space<semaphore_mem>>) src(%dma_wait3A_140 : memref<57x32xf32, #tpu.memory_space<hbm>>) dst(%dma_wait3A_134 : memref<128x32xf32, #tpu.memory_space<vmem>>)
    %dma_wait3A_141 = arith.constant 6 : i32
    %dma_wait3A_142 = arith.constant 768 : i32
    %dma_wait3A_143 = arith.constant 0 : i32
    %dma_wait3A_144 = tpu.memref_slice %arg6[%dma_wait3A_142, %dma_wait3A_143] : memref<1024x32xf32, #tpu.memory_space<vmem>> -> memref<128x32xf32, #tpu.memory_space<vmem>>
    %dma_wait3A_145 = arith.constant 0 : i32
    %dma_wait3A_146 = tpu.memref_slice %arg5[%dma_wait3A_141, %dma_wait3A_145] : memref<8x128xi32, #tpu.memory_space<vmem>> -> memref<1x128xi32, #tpu.memory_space<vmem>>
    %dma_wait3A_147 = tpu.memref_squeeze %dma_wait3A_146 : memref<1x128xi32, #tpu.memory_space<vmem>> -> memref<128xi32, #tpu.memory_space<vmem>>
    %dma_wait3A_148 = arith.constant 0 : i32
    %dma_wait3A_149 = arith.constant 0 : i32
    %dma_wait3A_150 = tpu.memref_slice %arg2[%dma_wait3A_148, %dma_wait3A_149] : memref<57x32xf32, #tpu.memory_space<hbm>> -> memref<57x32xf32, #tpu.memory_space<hbm>>
    tpu.wait_indirect_dma semaphore(%arg7 : memref<!tpu.dma_semaphore, #tpu.memory_space<semaphore_mem>>) src(%dma_wait3A_150 : memref<57x32xf32, #tpu.memory_space<hbm>>) dst(%dma_wait3A_144 : memref<128x32xf32, #tpu.memory_space<vmem>>)
    %dma_wait3A_151 = arith.constant 7 : i32
    %dma_wait3A_152 = arith.constant 896 : i32
    %dma_wait3A_153 = arith.constant 0 : i32
    %dma_wait3A_154 = tpu.memref_slice %arg6[%dma_wait3A_152, %dma_wait3A_153] : memref<1024x32xf32, #tpu.memory_space<vmem>> -> memref<128x32xf32, #tpu.memory_space<vmem>>
    %dma_wait3A_155 = arith.constant 0 : i32
    %dma_wait3A_156 = tpu.memref_slice %arg5[%dma_wait3A_151, %dma_wait3A_155] : memref<8x128xi32, #tpu.memory_space<vmem>> -> memref<1x128xi32, #tpu.memory_space<vmem>>
    %dma_wait3A_157 = tpu.memref_squeeze %dma_wait3A_156 : memref<1x128xi32, #tpu.memory_space<vmem>> -> memref<128xi32, #tpu.memory_space<vmem>>
    %dma_wait3A_158 = arith.constant 0 : i32
    %dma_wait3A_159 = arith.constant 0 : i32
    %dma_wait3A_160 = tpu.memref_slice %arg2[%dma_wait3A_158, %dma_wait3A_159] : memref<57x32xf32, #tpu.memory_space<hbm>> -> memref<57x32xf32, #tpu.memory_space<hbm>>
    tpu.wait_indirect_dma semaphore(%arg7 : memref<!tpu.dma_semaphore, #tpu.memory_space<semaphore_mem>>) src(%dma_wait3A_160 : memref<57x32xf32, #tpu.memory_space<hbm>>) dst(%dma_wait3A_154 : memref<128x32xf32, #tpu.memory_space<vmem>>)
    %mul3A_161 = arith.constant 1024 : i32
    %mul3A_162 = arith.muli %add3A, %mul3A_161 : i32
    "tpu.region"() ({
      %run_scoped3A = tpu.sem_alloc : memref<!tpu.dma_semaphore, #tpu.memory_space<semaphore_mem>>
      %dma_start3A_163 = arith.constant 0 : i32
      %dma_start3A_164 = tpu.memref_slice %arg4[%mul3A_162, %dma_start3A_163] : memref<32768x32xf32, #tpu.memory_space<hbm>> -> memref<1024x32xf32, #tpu.memory_space<hbm>>
      %dma_start3A_165 = arith.constant 0 : i32
      %dma_start3A_166 = tpu.memref_slice %arg4[%mul3A_162, %dma_start3A_165] : memref<32768x32xf32, #tpu.memory_space<hbm>> -> memref<1024x32xf32, #tpu.memory_space<hbm>>
      tpu.enqueue_dma source(%arg6 : memref<1024x32xf32, #tpu.memory_space<vmem>>) target(%dma_start3A_166 : memref<1024x32xf32, #tpu.memory_space<hbm>>) target_semaphore(%run_scoped3A : memref<!tpu.dma_semaphore, #tpu.memory_space<semaphore_mem>>)
      %dma_wait3A_167 = arith.constant 0 : i32
      %dma_wait3A_168 = tpu.memref_slice %arg4[%mul3A_162, %dma_wait3A_167] : memref<32768x32xf32, #tpu.memory_space<hbm>> -> memref<1024x32xf32, #tpu.memory_space<hbm>>
      %dma_wait3A_169 = arith.constant 0 : i32
      %dma_wait3A_170 = tpu.memref_slice %arg4[%mul3A_162, %dma_wait3A_169] : memref<32768x32xf32, #tpu.memory_space<hbm>> -> memref<1024x32xf32, #tpu.memory_space<hbm>>
      tpu.wait_dma2 semaphore(%run_scoped3A : memref<!tpu.dma_semaphore, #tpu.memory_space<semaphore_mem>>) src(%arg6 : memref<1024x32xf32, #tpu.memory_space<vmem>>) dst(%dma_wait3A_170 : memref<1024x32xf32, #tpu.memory_space<hbm>>)
      tpu.yield
    }) : () -> ()
    return
  }
}

#map = affine_map<(d0, d1) -> (0, 0)>
module attributes {stable_mosaic.version = 14 : i64} {
  func.func @k(%arg0: i32, %arg1: i32, %arg2: memref<20000x32xf32, #tpu.memory_space<hbm>>, %arg3: memref<5120x128xi32, #tpu.memory_space<hbm>>, %arg4: memref<2560x128xi32, #tpu.memory_space<hbm>>, %arg5: memref<1880x32xf32, #tpu.memory_space<hbm>>, %arg6: memref<60160x32xf32, #tpu.memory_space<hbm>>, %arg7: memref<16x128xi32, #tpu.memory_space<vmem>>, %arg8: memref<16x128xi32, #tpu.memory_space<vmem>>, %arg9: memref<2048x32xf32, #tpu.memory_space<vmem>>, %arg10: memref<30080x32xf32, #tpu.memory_space<vmem_shared>>, %arg11: memref<!tpu.dma_semaphore, #tpu.memory_space<semaphore_mem>>, %arg12: memref<!tpu.dma_semaphore, #tpu.memory_space<semaphore_mem>>) attributes {dimension_semantics = [#tpu.dimension_semantics<core_parallel>, #tpu.dimension_semantics<subcore_parallel>], iteration_bounds = array<i64: 2, 16>, scalar_prefetch = 0 : i64, scratch_operands = 6 : i64, tpu.core_type = #tpu.core_type<sc_vector_subcore>, window_params = [{transform_indices = #map}, {transform_indices = #map}, {transform_indices = #map}, {transform_indices = #map}, {transform_indices = #map}]} {
    %mul3A = arith.constant 1880 : i32
    %mul3A_0 = arith.muli %arg1, %mul3A : i32
    "tpu.region"() ({
      %run_scoped3A = tpu.sem_alloc : memref<!tpu.dma_semaphore, #tpu.memory_space<semaphore_mem>>
      %dma_start3A = arith.constant 0 : i32
      %dma_start3A_13 = tpu.memref_slice %arg10[%mul3A_0, %dma_start3A] : memref<30080x32xf32, #tpu.memory_space<vmem_shared>> -> memref<1880x32xf32, #tpu.memory_space<vmem_shared>>
      tpu.enqueue_dma source(%arg5 : memref<1880x32xf32, #tpu.memory_space<hbm>>) target(%dma_start3A_13 : memref<1880x32xf32, #tpu.memory_space<vmem_shared>>) target_semaphore(%run_scoped3A : memref<!tpu.dma_semaphore, #tpu.memory_space<semaphore_mem>>)
      %dma_wait3A = arith.constant 0 : i32
      %dma_wait3A_14 = tpu.memref_slice %arg10[%mul3A_0, %dma_wait3A] : memref<30080x32xf32, #tpu.memory_space<vmem_shared>> -> memref<1880x32xf32, #tpu.memory_space<vmem_shared>>
      tpu.wait_dma2 semaphore(%run_scoped3A : memref<!tpu.dma_semaphore, #tpu.memory_space<semaphore_mem>>) src(%arg5 : memref<1880x32xf32, #tpu.memory_space<hbm>>) dst(%dma_wait3A_14 : memref<1880x32xf32, #tpu.memory_space<vmem_shared>>)
      tpu.yield
    }) : () -> ()
    %barrier3A = arith.constant 0 : index
    tpu.barrier barrier_id(%barrier3A)
    %scan3A = arith.constant 0 : i32
    %scan3A_1 = arith.constant 0 : i32
    %scan3A_2 = arith.constant 10 : i32
    %scan3A_3 = arith.addi %scan3A_1, %scan3A_2 : i32
    %scan3A_4 = arith.constant 1 : i32
    scf.for %scan3A_13 = %scan3A_1 to %scan3A_3 step %scan3A_4  : i32 {
      %mul3A_14 = arith.constant 160 : i32
      %mul3A_15 = arith.muli %arg1, %mul3A_14 : i32
      %mul3A_16 = arith.constant 16 : i32
      %mul3A_17 = arith.muli %scan3A_13, %mul3A_16 : i32
      %add3A_18 = arith.addi %mul3A_15, %mul3A_17 : i32
      "tpu.region"() ({
        %run_scoped3A = tpu.sem_alloc : memref<!tpu.dma_semaphore, #tpu.memory_space<semaphore_mem>>
        %dma_start3A_660 = arith.constant 0 : i32
        %dma_start3A_661 = tpu.memref_slice %arg4[%add3A_18, %dma_start3A_660] : memref<2560x128xi32, #tpu.memory_space<hbm>> -> memref<16x128xi32, #tpu.memory_space<hbm>>
        %dma_start3A_662 = arith.constant 0 : i32
        %dma_start3A_663 = tpu.memref_slice %arg4[%add3A_18, %dma_start3A_662] : memref<2560x128xi32, #tpu.memory_space<hbm>> -> memref<16x128xi32, #tpu.memory_space<hbm>>
        tpu.enqueue_dma source(%dma_start3A_663 : memref<16x128xi32, #tpu.memory_space<hbm>>) target(%arg7 : memref<16x128xi32, #tpu.memory_space<vmem>>) target_semaphore(%run_scoped3A : memref<!tpu.dma_semaphore, #tpu.memory_space<semaphore_mem>>)
        %dma_wait3A_664 = arith.constant 0 : i32
        %dma_wait3A_665 = tpu.memref_slice %arg4[%add3A_18, %dma_wait3A_664] : memref<2560x128xi32, #tpu.memory_space<hbm>> -> memref<16x128xi32, #tpu.memory_space<hbm>>
        %dma_wait3A_666 = arith.constant 0 : i32
        %dma_wait3A_667 = tpu.memref_slice %arg4[%add3A_18, %dma_wait3A_666] : memref<2560x128xi32, #tpu.memory_space<hbm>> -> memref<16x128xi32, #tpu.memory_space<hbm>>
        tpu.wait_dma2 semaphore(%run_scoped3A : memref<!tpu.dma_semaphore, #tpu.memory_space<semaphore_mem>>) src(%dma_wait3A_667 : memref<16x128xi32, #tpu.memory_space<hbm>>) dst(%arg7 : memref<16x128xi32, #tpu.memory_space<vmem>>)
        tpu.yield
      }) : () -> ()
      %mul3A_19 = arith.constant 2560 : i32
      %mul3A_20 = arith.muli %arg0, %mul3A_19 : i32
      %add3A_21 = arith.addi %mul3A_20, %add3A_18 : i32
      "tpu.region"() ({
        %run_scoped3A = tpu.sem_alloc : memref<!tpu.dma_semaphore, #tpu.memory_space<semaphore_mem>>
        %dma_start3A_660 = arith.constant 0 : i32
        %dma_start3A_661 = tpu.memref_slice %arg3[%add3A_21, %dma_start3A_660] : memref<5120x128xi32, #tpu.memory_space<hbm>> -> memref<16x128xi32, #tpu.memory_space<hbm>>
        %dma_start3A_662 = arith.constant 0 : i32
        %dma_start3A_663 = tpu.memref_slice %arg3[%add3A_21, %dma_start3A_662] : memref<5120x128xi32, #tpu.memory_space<hbm>> -> memref<16x128xi32, #tpu.memory_space<hbm>>
        tpu.enqueue_dma source(%dma_start3A_663 : memref<16x128xi32, #tpu.memory_space<hbm>>) target(%arg8 : memref<16x128xi32, #tpu.memory_space<vmem>>) target_semaphore(%run_scoped3A : memref<!tpu.dma_semaphore, #tpu.memory_space<semaphore_mem>>)
        %dma_wait3A_664 = arith.constant 0 : i32
        %dma_wait3A_665 = tpu.memref_slice %arg3[%add3A_21, %dma_wait3A_664] : memref<5120x128xi32, #tpu.memory_space<hbm>> -> memref<16x128xi32, #tpu.memory_space<hbm>>
        %dma_wait3A_666 = arith.constant 0 : i32
        %dma_wait3A_667 = tpu.memref_slice %arg3[%add3A_21, %dma_wait3A_666] : memref<5120x128xi32, #tpu.memory_space<hbm>> -> memref<16x128xi32, #tpu.memory_space<hbm>>
        tpu.wait_dma2 semaphore(%run_scoped3A : memref<!tpu.dma_semaphore, #tpu.memory_space<semaphore_mem>>) src(%dma_wait3A_667 : memref<16x128xi32, #tpu.memory_space<hbm>>) dst(%arg8 : memref<16x128xi32, #tpu.memory_space<vmem>>)
        tpu.yield
      }) : () -> ()
      %dma_start3A = arith.constant 0 : i32
      %dma_start3A_22 = arith.constant 0 : i32
      %dma_start3A_23 = arith.constant 0 : i32
      %dma_start3A_24 = tpu.memref_slice %arg9[%dma_start3A_22, %dma_start3A_23] : memref<2048x32xf32, #tpu.memory_space<vmem>> -> memref<128x32xf32, #tpu.memory_space<vmem>>
      %dma_start3A_25 = arith.constant 0 : i32
      %dma_start3A_26 = tpu.memref_slice %arg8[%dma_start3A, %dma_start3A_25] : memref<16x128xi32, #tpu.memory_space<vmem>> -> memref<1x128xi32, #tpu.memory_space<vmem>>
      %dma_start3A_27 = tpu.memref_squeeze %dma_start3A_26 : memref<1x128xi32, #tpu.memory_space<vmem>> -> memref<128xi32, #tpu.memory_space<vmem>>
      %dma_start3A_28 = arith.constant 0 : i32
      %dma_start3A_29 = arith.constant 0 : i32
      %dma_start3A_30 = tpu.memref_slice %arg2[%dma_start3A_28, %dma_start3A_29] : memref<20000x32xf32, #tpu.memory_space<hbm>> -> memref<20000x32xf32, #tpu.memory_space<hbm>>
      tpu.enqueue_indirect_dma source(%dma_start3A_30 : memref<20000x32xf32, #tpu.memory_space<hbm>>) target(%dma_start3A_24 : memref<128x32xf32, #tpu.memory_space<vmem>>) offsets(%dma_start3A_27 : memref<128xi32, #tpu.memory_space<vmem>>) semaphore(%arg11 : memref<!tpu.dma_semaphore, #tpu.memory_space<semaphore_mem>>)
      %dma_start3A_31 = arith.constant 1 : i32
      %dma_start3A_32 = arith.constant 128 : i32
      %dma_start3A_33 = arith.constant 0 : i32
      %dma_start3A_34 = tpu.memref_slice %arg9[%dma_start3A_32, %dma_start3A_33] : memref<2048x32xf32, #tpu.memory_space<vmem>> -> memref<128x32xf32, #tpu.memory_space<vmem>>
      %dma_start3A_35 = arith.constant 0 : i32
      %dma_start3A_36 = tpu.memref_slice %arg8[%dma_start3A_31, %dma_start3A_35] : memref<16x128xi32, #tpu.memory_space<vmem>> -> memref<1x128xi32, #tpu.memory_space<vmem>>
      %dma_start3A_37 = tpu.memref_squeeze %dma_start3A_36 : memref<1x128xi32, #tpu.memory_space<vmem>> -> memref<128xi32, #tpu.memory_space<vmem>>
      %dma_start3A_38 = arith.constant 0 : i32
      %dma_start3A_39 = arith.constant 0 : i32
      %dma_start3A_40 = tpu.memref_slice %arg2[%dma_start3A_38, %dma_start3A_39] : memref<20000x32xf32, #tpu.memory_space<hbm>> -> memref<20000x32xf32, #tpu.memory_space<hbm>>
      tpu.enqueue_indirect_dma source(%dma_start3A_40 : memref<20000x32xf32, #tpu.memory_space<hbm>>) target(%dma_start3A_34 : memref<128x32xf32, #tpu.memory_space<vmem>>) offsets(%dma_start3A_37 : memref<128xi32, #tpu.memory_space<vmem>>) semaphore(%arg11 : memref<!tpu.dma_semaphore, #tpu.memory_space<semaphore_mem>>)
      %dma_start3A_41 = arith.constant 2 : i32
      %dma_start3A_42 = arith.constant 256 : i32
      %dma_start3A_43 = arith.constant 0 : i32
      %dma_start3A_44 = tpu.memref_slice %arg9[%dma_start3A_42, %dma_start3A_43] : memref<2048x32xf32, #tpu.memory_space<vmem>> -> memref<128x32xf32, #tpu.memory_space<vmem>>
      %dma_start3A_45 = arith.constant 0 : i32
      %dma_start3A_46 = tpu.memref_slice %arg8[%dma_start3A_41, %dma_start3A_45] : memref<16x128xi32, #tpu.memory_space<vmem>> -> memref<1x128xi32, #tpu.memory_space<vmem>>
      %dma_start3A_47 = tpu.memref_squeeze %dma_start3A_46 : memref<1x128xi32, #tpu.memory_space<vmem>> -> memref<128xi32, #tpu.memory_space<vmem>>
      %dma_start3A_48 = arith.constant 0 : i32
      %dma_start3A_49 = arith.constant 0 : i32
      %dma_start3A_50 = tpu.memref_slice %arg2[%dma_start3A_48, %dma_start3A_49] : memref<20000x32xf32, #tpu.memory_space<hbm>> -> memref<20000x32xf32, #tpu.memory_space<hbm>>
      tpu.enqueue_indirect_dma source(%dma_start3A_50 : memref<20000x32xf32, #tpu.memory_space<hbm>>) target(%dma_start3A_44 : memref<128x32xf32, #tpu.memory_space<vmem>>) offsets(%dma_start3A_47 : memref<128xi32, #tpu.memory_space<vmem>>) semaphore(%arg11 : memref<!tpu.dma_semaphore, #tpu.memory_space<semaphore_mem>>)
      %dma_start3A_51 = arith.constant 3 : i32
      %dma_start3A_52 = arith.constant 384 : i32
      %dma_start3A_53 = arith.constant 0 : i32
      %dma_start3A_54 = tpu.memref_slice %arg9[%dma_start3A_52, %dma_start3A_53] : memref<2048x32xf32, #tpu.memory_space<vmem>> -> memref<128x32xf32, #tpu.memory_space<vmem>>
      %dma_start3A_55 = arith.constant 0 : i32
      %dma_start3A_56 = tpu.memref_slice %arg8[%dma_start3A_51, %dma_start3A_55] : memref<16x128xi32, #tpu.memory_space<vmem>> -> memref<1x128xi32, #tpu.memory_space<vmem>>
      %dma_start3A_57 = tpu.memref_squeeze %dma_start3A_56 : memref<1x128xi32, #tpu.memory_space<vmem>> -> memref<128xi32, #tpu.memory_space<vmem>>
      %dma_start3A_58 = arith.constant 0 : i32
      %dma_start3A_59 = arith.constant 0 : i32
      %dma_start3A_60 = tpu.memref_slice %arg2[%dma_start3A_58, %dma_start3A_59] : memref<20000x32xf32, #tpu.memory_space<hbm>> -> memref<20000x32xf32, #tpu.memory_space<hbm>>
      tpu.enqueue_indirect_dma source(%dma_start3A_60 : memref<20000x32xf32, #tpu.memory_space<hbm>>) target(%dma_start3A_54 : memref<128x32xf32, #tpu.memory_space<vmem>>) offsets(%dma_start3A_57 : memref<128xi32, #tpu.memory_space<vmem>>) semaphore(%arg11 : memref<!tpu.dma_semaphore, #tpu.memory_space<semaphore_mem>>)
      %dma_start3A_61 = arith.constant 4 : i32
      %dma_start3A_62 = arith.constant 512 : i32
      %dma_start3A_63 = arith.constant 0 : i32
      %dma_start3A_64 = tpu.memref_slice %arg9[%dma_start3A_62, %dma_start3A_63] : memref<2048x32xf32, #tpu.memory_space<vmem>> -> memref<128x32xf32, #tpu.memory_space<vmem>>
      %dma_start3A_65 = arith.constant 0 : i32
      %dma_start3A_66 = tpu.memref_slice %arg8[%dma_start3A_61, %dma_start3A_65] : memref<16x128xi32, #tpu.memory_space<vmem>> -> memref<1x128xi32, #tpu.memory_space<vmem>>
      %dma_start3A_67 = tpu.memref_squeeze %dma_start3A_66 : memref<1x128xi32, #tpu.memory_space<vmem>> -> memref<128xi32, #tpu.memory_space<vmem>>
      %dma_start3A_68 = arith.constant 0 : i32
      %dma_start3A_69 = arith.constant 0 : i32
      %dma_start3A_70 = tpu.memref_slice %arg2[%dma_start3A_68, %dma_start3A_69] : memref<20000x32xf32, #tpu.memory_space<hbm>> -> memref<20000x32xf32, #tpu.memory_space<hbm>>
      tpu.enqueue_indirect_dma source(%dma_start3A_70 : memref<20000x32xf32, #tpu.memory_space<hbm>>) target(%dma_start3A_64 : memref<128x32xf32, #tpu.memory_space<vmem>>) offsets(%dma_start3A_67 : memref<128xi32, #tpu.memory_space<vmem>>) semaphore(%arg11 : memref<!tpu.dma_semaphore, #tpu.memory_space<semaphore_mem>>)
      %dma_start3A_71 = arith.constant 5 : i32
      %dma_start3A_72 = arith.constant 640 : i32
      %dma_start3A_73 = arith.constant 0 : i32
      %dma_start3A_74 = tpu.memref_slice %arg9[%dma_start3A_72, %dma_start3A_73] : memref<2048x32xf32, #tpu.memory_space<vmem>> -> memref<128x32xf32, #tpu.memory_space<vmem>>
      %dma_start3A_75 = arith.constant 0 : i32
      %dma_start3A_76 = tpu.memref_slice %arg8[%dma_start3A_71, %dma_start3A_75] : memref<16x128xi32, #tpu.memory_space<vmem>> -> memref<1x128xi32, #tpu.memory_space<vmem>>
      %dma_start3A_77 = tpu.memref_squeeze %dma_start3A_76 : memref<1x128xi32, #tpu.memory_space<vmem>> -> memref<128xi32, #tpu.memory_space<vmem>>
      %dma_start3A_78 = arith.constant 0 : i32
      %dma_start3A_79 = arith.constant 0 : i32
      %dma_start3A_80 = tpu.memref_slice %arg2[%dma_start3A_78, %dma_start3A_79] : memref<20000x32xf32, #tpu.memory_space<hbm>> -> memref<20000x32xf32, #tpu.memory_space<hbm>>
      tpu.enqueue_indirect_dma source(%dma_start3A_80 : memref<20000x32xf32, #tpu.memory_space<hbm>>) target(%dma_start3A_74 : memref<128x32xf32, #tpu.memory_space<vmem>>) offsets(%dma_start3A_77 : memref<128xi32, #tpu.memory_space<vmem>>) semaphore(%arg11 : memref<!tpu.dma_semaphore, #tpu.memory_space<semaphore_mem>>)
      %dma_start3A_81 = arith.constant 6 : i32
      %dma_start3A_82 = arith.constant 768 : i32
      %dma_start3A_83 = arith.constant 0 : i32
      %dma_start3A_84 = tpu.memref_slice %arg9[%dma_start3A_82, %dma_start3A_83] : memref<2048x32xf32, #tpu.memory_space<vmem>> -> memref<128x32xf32, #tpu.memory_space<vmem>>
      %dma_start3A_85 = arith.constant 0 : i32
      %dma_start3A_86 = tpu.memref_slice %arg8[%dma_start3A_81, %dma_start3A_85] : memref<16x128xi32, #tpu.memory_space<vmem>> -> memref<1x128xi32, #tpu.memory_space<vmem>>
      %dma_start3A_87 = tpu.memref_squeeze %dma_start3A_86 : memref<1x128xi32, #tpu.memory_space<vmem>> -> memref<128xi32, #tpu.memory_space<vmem>>
      %dma_start3A_88 = arith.constant 0 : i32
      %dma_start3A_89 = arith.constant 0 : i32
      %dma_start3A_90 = tpu.memref_slice %arg2[%dma_start3A_88, %dma_start3A_89] : memref<20000x32xf32, #tpu.memory_space<hbm>> -> memref<20000x32xf32, #tpu.memory_space<hbm>>
      tpu.enqueue_indirect_dma source(%dma_start3A_90 : memref<20000x32xf32, #tpu.memory_space<hbm>>) target(%dma_start3A_84 : memref<128x32xf32, #tpu.memory_space<vmem>>) offsets(%dma_start3A_87 : memref<128xi32, #tpu.memory_space<vmem>>) semaphore(%arg11 : memref<!tpu.dma_semaphore, #tpu.memory_space<semaphore_mem>>)
      %dma_start3A_91 = arith.constant 7 : i32
      %dma_start3A_92 = arith.constant 896 : i32
      %dma_start3A_93 = arith.constant 0 : i32
      %dma_start3A_94 = tpu.memref_slice %arg9[%dma_start3A_92, %dma_start3A_93] : memref<2048x32xf32, #tpu.memory_space<vmem>> -> memref<128x32xf32, #tpu.memory_space<vmem>>
      %dma_start3A_95 = arith.constant 0 : i32
      %dma_start3A_96 = tpu.memref_slice %arg8[%dma_start3A_91, %dma_start3A_95] : memref<16x128xi32, #tpu.memory_space<vmem>> -> memref<1x128xi32, #tpu.memory_space<vmem>>
      %dma_start3A_97 = tpu.memref_squeeze %dma_start3A_96 : memref<1x128xi32, #tpu.memory_space<vmem>> -> memref<128xi32, #tpu.memory_space<vmem>>
      %dma_start3A_98 = arith.constant 0 : i32
      %dma_start3A_99 = arith.constant 0 : i32
      %dma_start3A_100 = tpu.memref_slice %arg2[%dma_start3A_98, %dma_start3A_99] : memref<20000x32xf32, #tpu.memory_space<hbm>> -> memref<20000x32xf32, #tpu.memory_space<hbm>>
      tpu.enqueue_indirect_dma source(%dma_start3A_100 : memref<20000x32xf32, #tpu.memory_space<hbm>>) target(%dma_start3A_94 : memref<128x32xf32, #tpu.memory_space<vmem>>) offsets(%dma_start3A_97 : memref<128xi32, #tpu.memory_space<vmem>>) semaphore(%arg11 : memref<!tpu.dma_semaphore, #tpu.memory_space<semaphore_mem>>)
      %dma_start3A_101 = arith.constant 8 : i32
      %dma_start3A_102 = arith.constant 1024 : i32
      %dma_start3A_103 = arith.constant 0 : i32
      %dma_start3A_104 = tpu.memref_slice %arg9[%dma_start3A_102, %dma_start3A_103] : memref<2048x32xf32, #tpu.memory_space<vmem>> -> memref<128x32xf32, #tpu.memory_space<vmem>>
      %dma_start3A_105 = arith.constant 0 : i32
      %dma_start3A_106 = tpu.memref_slice %arg8[%dma_start3A_101, %dma_start3A_105] : memref<16x128xi32, #tpu.memory_space<vmem>> -> memref<1x128xi32, #tpu.memory_space<vmem>>
      %dma_start3A_107 = tpu.memref_squeeze %dma_start3A_106 : memref<1x128xi32, #tpu.memory_space<vmem>> -> memref<128xi32, #tpu.memory_space<vmem>>
      %dma_start3A_108 = arith.constant 0 : i32
      %dma_start3A_109 = arith.constant 0 : i32
      %dma_start3A_110 = tpu.memref_slice %arg2[%dma_start3A_108, %dma_start3A_109] : memref<20000x32xf32, #tpu.memory_space<hbm>> -> memref<20000x32xf32, #tpu.memory_space<hbm>>
      tpu.enqueue_indirect_dma source(%dma_start3A_110 : memref<20000x32xf32, #tpu.memory_space<hbm>>) target(%dma_start3A_104 : memref<128x32xf32, #tpu.memory_space<vmem>>) offsets(%dma_start3A_107 : memref<128xi32, #tpu.memory_space<vmem>>) semaphore(%arg11 : memref<!tpu.dma_semaphore, #tpu.memory_space<semaphore_mem>>)
      %dma_start3A_111 = arith.constant 9 : i32
      %dma_start3A_112 = arith.constant 1152 : i32
      %dma_start3A_113 = arith.constant 0 : i32
      %dma_start3A_114 = tpu.memref_slice %arg9[%dma_start3A_112, %dma_start3A_113] : memref<2048x32xf32, #tpu.memory_space<vmem>> -> memref<128x32xf32, #tpu.memory_space<vmem>>
      %dma_start3A_115 = arith.constant 0 : i32
      %dma_start3A_116 = tpu.memref_slice %arg8[%dma_start3A_111, %dma_start3A_115] : memref<16x128xi32, #tpu.memory_space<vmem>> -> memref<1x128xi32, #tpu.memory_space<vmem>>
      %dma_start3A_117 = tpu.memref_squeeze %dma_start3A_116 : memref<1x128xi32, #tpu.memory_space<vmem>> -> memref<128xi32, #tpu.memory_space<vmem>>
      %dma_start3A_118 = arith.constant 0 : i32
      %dma_start3A_119 = arith.constant 0 : i32
      %dma_start3A_120 = tpu.memref_slice %arg2[%dma_start3A_118, %dma_start3A_119] : memref<20000x32xf32, #tpu.memory_space<hbm>> -> memref<20000x32xf32, #tpu.memory_space<hbm>>
      tpu.enqueue_indirect_dma source(%dma_start3A_120 : memref<20000x32xf32, #tpu.memory_space<hbm>>) target(%dma_start3A_114 : memref<128x32xf32, #tpu.memory_space<vmem>>) offsets(%dma_start3A_117 : memref<128xi32, #tpu.memory_space<vmem>>) semaphore(%arg11 : memref<!tpu.dma_semaphore, #tpu.memory_space<semaphore_mem>>)
      %dma_start3A_121 = arith.constant 10 : i32
      %dma_start3A_122 = arith.constant 1280 : i32
      %dma_start3A_123 = arith.constant 0 : i32
      %dma_start3A_124 = tpu.memref_slice %arg9[%dma_start3A_122, %dma_start3A_123] : memref<2048x32xf32, #tpu.memory_space<vmem>> -> memref<128x32xf32, #tpu.memory_space<vmem>>
      %dma_start3A_125 = arith.constant 0 : i32
      %dma_start3A_126 = tpu.memref_slice %arg8[%dma_start3A_121, %dma_start3A_125] : memref<16x128xi32, #tpu.memory_space<vmem>> -> memref<1x128xi32, #tpu.memory_space<vmem>>
      %dma_start3A_127 = tpu.memref_squeeze %dma_start3A_126 : memref<1x128xi32, #tpu.memory_space<vmem>> -> memref<128xi32, #tpu.memory_space<vmem>>
      %dma_start3A_128 = arith.constant 0 : i32
      %dma_start3A_129 = arith.constant 0 : i32
      %dma_start3A_130 = tpu.memref_slice %arg2[%dma_start3A_128, %dma_start3A_129] : memref<20000x32xf32, #tpu.memory_space<hbm>> -> memref<20000x32xf32, #tpu.memory_space<hbm>>
      tpu.enqueue_indirect_dma source(%dma_start3A_130 : memref<20000x32xf32, #tpu.memory_space<hbm>>) target(%dma_start3A_124 : memref<128x32xf32, #tpu.memory_space<vmem>>) offsets(%dma_start3A_127 : memref<128xi32, #tpu.memory_space<vmem>>) semaphore(%arg11 : memref<!tpu.dma_semaphore, #tpu.memory_space<semaphore_mem>>)
      %dma_start3A_131 = arith.constant 11 : i32
      %dma_start3A_132 = arith.constant 1408 : i32
      %dma_start3A_133 = arith.constant 0 : i32
      %dma_start3A_134 = tpu.memref_slice %arg9[%dma_start3A_132, %dma_start3A_133] : memref<2048x32xf32, #tpu.memory_space<vmem>> -> memref<128x32xf32, #tpu.memory_space<vmem>>
      %dma_start3A_135 = arith.constant 0 : i32
      %dma_start3A_136 = tpu.memref_slice %arg8[%dma_start3A_131, %dma_start3A_135] : memref<16x128xi32, #tpu.memory_space<vmem>> -> memref<1x128xi32, #tpu.memory_space<vmem>>
      %dma_start3A_137 = tpu.memref_squeeze %dma_start3A_136 : memref<1x128xi32, #tpu.memory_space<vmem>> -> memref<128xi32, #tpu.memory_space<vmem>>
      %dma_start3A_138 = arith.constant 0 : i32
      %dma_start3A_139 = arith.constant 0 : i32
      %dma_start3A_140 = tpu.memref_slice %arg2[%dma_start3A_138, %dma_start3A_139] : memref<20000x32xf32, #tpu.memory_space<hbm>> -> memref<20000x32xf32, #tpu.memory_space<hbm>>
      tpu.enqueue_indirect_dma source(%dma_start3A_140 : memref<20000x32xf32, #tpu.memory_space<hbm>>) target(%dma_start3A_134 : memref<128x32xf32, #tpu.memory_space<vmem>>) offsets(%dma_start3A_137 : memref<128xi32, #tpu.memory_space<vmem>>) semaphore(%arg11 : memref<!tpu.dma_semaphore, #tpu.memory_space<semaphore_mem>>)
      %dma_start3A_141 = arith.constant 12 : i32
      %dma_start3A_142 = arith.constant 1536 : i32
      %dma_start3A_143 = arith.constant 0 : i32
      %dma_start3A_144 = tpu.memref_slice %arg9[%dma_start3A_142, %dma_start3A_143] : memref<2048x32xf32, #tpu.memory_space<vmem>> -> memref<128x32xf32, #tpu.memory_space<vmem>>
      %dma_start3A_145 = arith.constant 0 : i32
      %dma_start3A_146 = tpu.memref_slice %arg8[%dma_start3A_141, %dma_start3A_145] : memref<16x128xi32, #tpu.memory_space<vmem>> -> memref<1x128xi32, #tpu.memory_space<vmem>>
      %dma_start3A_147 = tpu.memref_squeeze %dma_start3A_146 : memref<1x128xi32, #tpu.memory_space<vmem>> -> memref<128xi32, #tpu.memory_space<vmem>>
      %dma_start3A_148 = arith.constant 0 : i32
      %dma_start3A_149 = arith.constant 0 : i32
      %dma_start3A_150 = tpu.memref_slice %arg2[%dma_start3A_148, %dma_start3A_149] : memref<20000x32xf32, #tpu.memory_space<hbm>> -> memref<20000x32xf32, #tpu.memory_space<hbm>>
      tpu.enqueue_indirect_dma source(%dma_start3A_150 : memref<20000x32xf32, #tpu.memory_space<hbm>>) target(%dma_start3A_144 : memref<128x32xf32, #tpu.memory_space<vmem>>) offsets(%dma_start3A_147 : memref<128xi32, #tpu.memory_space<vmem>>) semaphore(%arg11 : memref<!tpu.dma_semaphore, #tpu.memory_space<semaphore_mem>>)
      %dma_start3A_151 = arith.constant 13 : i32
      %dma_start3A_152 = arith.constant 1664 : i32
      %dma_start3A_153 = arith.constant 0 : i32
      %dma_start3A_154 = tpu.memref_slice %arg9[%dma_start3A_152, %dma_start3A_153] : memref<2048x32xf32, #tpu.memory_space<vmem>> -> memref<128x32xf32, #tpu.memory_space<vmem>>
      %dma_start3A_155 = arith.constant 0 : i32
      %dma_start3A_156 = tpu.memref_slice %arg8[%dma_start3A_151, %dma_start3A_155] : memref<16x128xi32, #tpu.memory_space<vmem>> -> memref<1x128xi32, #tpu.memory_space<vmem>>
      %dma_start3A_157 = tpu.memref_squeeze %dma_start3A_156 : memref<1x128xi32, #tpu.memory_space<vmem>> -> memref<128xi32, #tpu.memory_space<vmem>>
      %dma_start3A_158 = arith.constant 0 : i32
      %dma_start3A_159 = arith.constant 0 : i32
      %dma_start3A_160 = tpu.memref_slice %arg2[%dma_start3A_158, %dma_start3A_159] : memref<20000x32xf32, #tpu.memory_space<hbm>> -> memref<20000x32xf32, #tpu.memory_space<hbm>>
      tpu.enqueue_indirect_dma source(%dma_start3A_160 : memref<20000x32xf32, #tpu.memory_space<hbm>>) target(%dma_start3A_154 : memref<128x32xf32, #tpu.memory_space<vmem>>) offsets(%dma_start3A_157 : memref<128xi32, #tpu.memory_space<vmem>>) semaphore(%arg11 : memref<!tpu.dma_semaphore, #tpu.memory_space<semaphore_mem>>)
      %dma_start3A_161 = arith.constant 14 : i32
      %dma_start3A_162 = arith.constant 1792 : i32
      %dma_start3A_163 = arith.constant 0 : i32
      %dma_start3A_164 = tpu.memref_slice %arg9[%dma_start3A_162, %dma_start3A_163] : memref<2048x32xf32, #tpu.memory_space<vmem>> -> memref<128x32xf32, #tpu.memory_space<vmem>>
      %dma_start3A_165 = arith.constant 0 : i32
      %dma_start3A_166 = tpu.memref_slice %arg8[%dma_start3A_161, %dma_start3A_165] : memref<16x128xi32, #tpu.memory_space<vmem>> -> memref<1x128xi32, #tpu.memory_space<vmem>>
      %dma_start3A_167 = tpu.memref_squeeze %dma_start3A_166 : memref<1x128xi32, #tpu.memory_space<vmem>> -> memref<128xi32, #tpu.memory_space<vmem>>
      %dma_start3A_168 = arith.constant 0 : i32
      %dma_start3A_169 = arith.constant 0 : i32
      %dma_start3A_170 = tpu.memref_slice %arg2[%dma_start3A_168, %dma_start3A_169] : memref<20000x32xf32, #tpu.memory_space<hbm>> -> memref<20000x32xf32, #tpu.memory_space<hbm>>
      tpu.enqueue_indirect_dma source(%dma_start3A_170 : memref<20000x32xf32, #tpu.memory_space<hbm>>) target(%dma_start3A_164 : memref<128x32xf32, #tpu.memory_space<vmem>>) offsets(%dma_start3A_167 : memref<128xi32, #tpu.memory_space<vmem>>) semaphore(%arg11 : memref<!tpu.dma_semaphore, #tpu.memory_space<semaphore_mem>>)
      %dma_start3A_171 = arith.constant 15 : i32
      %dma_start3A_172 = arith.constant 1920 : i32
      %dma_start3A_173 = arith.constant 0 : i32
      %dma_start3A_174 = tpu.memref_slice %arg9[%dma_start3A_172, %dma_start3A_173] : memref<2048x32xf32, #tpu.memory_space<vmem>> -> memref<128x32xf32, #tpu.memory_space<vmem>>
      %dma_start3A_175 = arith.constant 0 : i32
      %dma_start3A_176 = tpu.memref_slice %arg8[%dma_start3A_171, %dma_start3A_175] : memref<16x128xi32, #tpu.memory_space<vmem>> -> memref<1x128xi32, #tpu.memory_space<vmem>>
      %dma_start3A_177 = tpu.memref_squeeze %dma_start3A_176 : memref<1x128xi32, #tpu.memory_space<vmem>> -> memref<128xi32, #tpu.memory_space<vmem>>
      %dma_start3A_178 = arith.constant 0 : i32
      %dma_start3A_179 = arith.constant 0 : i32
      %dma_start3A_180 = tpu.memref_slice %arg2[%dma_start3A_178, %dma_start3A_179] : memref<20000x32xf32, #tpu.memory_space<hbm>> -> memref<20000x32xf32, #tpu.memory_space<hbm>>
      tpu.enqueue_indirect_dma source(%dma_start3A_180 : memref<20000x32xf32, #tpu.memory_space<hbm>>) target(%dma_start3A_174 : memref<128x32xf32, #tpu.memory_space<vmem>>) offsets(%dma_start3A_177 : memref<128xi32, #tpu.memory_space<vmem>>) semaphore(%arg11 : memref<!tpu.dma_semaphore, #tpu.memory_space<semaphore_mem>>)
      %dma_wait3A = arith.constant 0 : i32
      %dma_wait3A_181 = arith.constant 0 : i32
      %dma_wait3A_182 = arith.constant 0 : i32
      %dma_wait3A_183 = tpu.memref_slice %arg9[%dma_wait3A_181, %dma_wait3A_182] : memref<2048x32xf32, #tpu.memory_space<vmem>> -> memref<128x32xf32, #tpu.memory_space<vmem>>
      %dma_wait3A_184 = arith.constant 0 : i32
      %dma_wait3A_185 = tpu.memref_slice %arg8[%dma_wait3A, %dma_wait3A_184] : memref<16x128xi32, #tpu.memory_space<vmem>> -> memref<1x128xi32, #tpu.memory_space<vmem>>
      %dma_wait3A_186 = tpu.memref_squeeze %dma_wait3A_185 : memref<1x128xi32, #tpu.memory_space<vmem>> -> memref<128xi32, #tpu.memory_space<vmem>>
      %dma_wait3A_187 = arith.constant 0 : i32
      %dma_wait3A_188 = arith.constant 0 : i32
      %dma_wait3A_189 = tpu.memref_slice %arg2[%dma_wait3A_187, %dma_wait3A_188] : memref<20000x32xf32, #tpu.memory_space<hbm>> -> memref<20000x32xf32, #tpu.memory_space<hbm>>
      tpu.wait_indirect_dma semaphore(%arg11 : memref<!tpu.dma_semaphore, #tpu.memory_space<semaphore_mem>>) src(%dma_wait3A_189 : memref<20000x32xf32, #tpu.memory_space<hbm>>) dst(%dma_wait3A_183 : memref<128x32xf32, #tpu.memory_space<vmem>>)
      %dma_start3A_190 = arith.constant 0 : i32
      %dma_start3A_191 = arith.constant 0 : i32
      %dma_start3A_192 = arith.constant 0 : i32
      %dma_start3A_193 = tpu.memref_slice %arg9[%dma_start3A_191, %dma_start3A_192] : memref<2048x32xf32, #tpu.memory_space<vmem>> -> memref<128x32xf32, #tpu.memory_space<vmem>>
      %dma_start3A_194 = arith.constant 0 : i32
      %dma_start3A_195 = tpu.memref_slice %arg7[%dma_start3A_190, %dma_start3A_194] : memref<16x128xi32, #tpu.memory_space<vmem>> -> memref<1x128xi32, #tpu.memory_space<vmem>>
      %dma_start3A_196 = tpu.memref_squeeze %dma_start3A_195 : memref<1x128xi32, #tpu.memory_space<vmem>> -> memref<128xi32, #tpu.memory_space<vmem>>
      %dma_start3A_197 = arith.constant 0 : i32
      %dma_start3A_198 = arith.constant 0 : i32
      %dma_start3A_199 = tpu.memref_slice %arg10[%dma_start3A_197, %dma_start3A_198] : memref<30080x32xf32, #tpu.memory_space<vmem_shared>> -> memref<30080x32xf32, #tpu.memory_space<vmem_shared>>
      tpu.enqueue_indirect_dma source(%dma_start3A_193 : memref<128x32xf32, #tpu.memory_space<vmem>>) target(%dma_start3A_199 : memref<30080x32xf32, #tpu.memory_space<vmem_shared>>) offsets(%dma_start3A_196 : memref<128xi32, #tpu.memory_space<vmem>>) semaphore(%arg12 : memref<!tpu.dma_semaphore, #tpu.memory_space<semaphore_mem>>) {add = true}
      %dma_wait3A_200 = arith.constant 1 : i32
      %dma_wait3A_201 = arith.constant 128 : i32
      %dma_wait3A_202 = arith.constant 0 : i32
      %dma_wait3A_203 = tpu.memref_slice %arg9[%dma_wait3A_201, %dma_wait3A_202] : memref<2048x32xf32, #tpu.memory_space<vmem>> -> memref<128x32xf32, #tpu.memory_space<vmem>>
      %dma_wait3A_204 = arith.constant 0 : i32
      %dma_wait3A_205 = tpu.memref_slice %arg8[%dma_wait3A_200, %dma_wait3A_204] : memref<16x128xi32, #tpu.memory_space<vmem>> -> memref<1x128xi32, #tpu.memory_space<vmem>>
      %dma_wait3A_206 = tpu.memref_squeeze %dma_wait3A_205 : memref<1x128xi32, #tpu.memory_space<vmem>> -> memref<128xi32, #tpu.memory_space<vmem>>
      %dma_wait3A_207 = arith.constant 0 : i32
      %dma_wait3A_208 = arith.constant 0 : i32
      %dma_wait3A_209 = tpu.memref_slice %arg2[%dma_wait3A_207, %dma_wait3A_208] : memref<20000x32xf32, #tpu.memory_space<hbm>> -> memref<20000x32xf32, #tpu.memory_space<hbm>>
      tpu.wait_indirect_dma semaphore(%arg11 : memref<!tpu.dma_semaphore, #tpu.memory_space<semaphore_mem>>) src(%dma_wait3A_209 : memref<20000x32xf32, #tpu.memory_space<hbm>>) dst(%dma_wait3A_203 : memref<128x32xf32, #tpu.memory_space<vmem>>)
      %dma_start3A_210 = arith.constant 1 : i32
      %dma_start3A_211 = arith.constant 128 : i32
      %dma_start3A_212 = arith.constant 0 : i32
      %dma_start3A_213 = tpu.memref_slice %arg9[%dma_start3A_211, %dma_start3A_212] : memref<2048x32xf32, #tpu.memory_space<vmem>> -> memref<128x32xf32, #tpu.memory_space<vmem>>
      %dma_start3A_214 = arith.constant 0 : i32
      %dma_start3A_215 = tpu.memref_slice %arg7[%dma_start3A_210, %dma_start3A_214] : memref<16x128xi32, #tpu.memory_space<vmem>> -> memref<1x128xi32, #tpu.memory_space<vmem>>
      %dma_start3A_216 = tpu.memref_squeeze %dma_start3A_215 : memref<1x128xi32, #tpu.memory_space<vmem>> -> memref<128xi32, #tpu.memory_space<vmem>>
      %dma_start3A_217 = arith.constant 0 : i32
      %dma_start3A_218 = arith.constant 0 : i32
      %dma_start3A_219 = tpu.memref_slice %arg10[%dma_start3A_217, %dma_start3A_218] : memref<30080x32xf32, #tpu.memory_space<vmem_shared>> -> memref<30080x32xf32, #tpu.memory_space<vmem_shared>>
      tpu.enqueue_indirect_dma source(%dma_start3A_213 : memref<128x32xf32, #tpu.memory_space<vmem>>) target(%dma_start3A_219 : memref<30080x32xf32, #tpu.memory_space<vmem_shared>>) offsets(%dma_start3A_216 : memref<128xi32, #tpu.memory_space<vmem>>) semaphore(%arg12 : memref<!tpu.dma_semaphore, #tpu.memory_space<semaphore_mem>>) {add = true}
      %dma_wait3A_220 = arith.constant 2 : i32
      %dma_wait3A_221 = arith.constant 256 : i32
      %dma_wait3A_222 = arith.constant 0 : i32
      %dma_wait3A_223 = tpu.memref_slice %arg9[%dma_wait3A_221, %dma_wait3A_222] : memref<2048x32xf32, #tpu.memory_space<vmem>> -> memref<128x32xf32, #tpu.memory_space<vmem>>
      %dma_wait3A_224 = arith.constant 0 : i32
      %dma_wait3A_225 = tpu.memref_slice %arg8[%dma_wait3A_220, %dma_wait3A_224] : memref<16x128xi32, #tpu.memory_space<vmem>> -> memref<1x128xi32, #tpu.memory_space<vmem>>
      %dma_wait3A_226 = tpu.memref_squeeze %dma_wait3A_225 : memref<1x128xi32, #tpu.memory_space<vmem>> -> memref<128xi32, #tpu.memory_space<vmem>>
      %dma_wait3A_227 = arith.constant 0 : i32
      %dma_wait3A_228 = arith.constant 0 : i32
      %dma_wait3A_229 = tpu.memref_slice %arg2[%dma_wait3A_227, %dma_wait3A_228] : memref<20000x32xf32, #tpu.memory_space<hbm>> -> memref<20000x32xf32, #tpu.memory_space<hbm>>
      tpu.wait_indirect_dma semaphore(%arg11 : memref<!tpu.dma_semaphore, #tpu.memory_space<semaphore_mem>>) src(%dma_wait3A_229 : memref<20000x32xf32, #tpu.memory_space<hbm>>) dst(%dma_wait3A_223 : memref<128x32xf32, #tpu.memory_space<vmem>>)
      %dma_start3A_230 = arith.constant 2 : i32
      %dma_start3A_231 = arith.constant 256 : i32
      %dma_start3A_232 = arith.constant 0 : i32
      %dma_start3A_233 = tpu.memref_slice %arg9[%dma_start3A_231, %dma_start3A_232] : memref<2048x32xf32, #tpu.memory_space<vmem>> -> memref<128x32xf32, #tpu.memory_space<vmem>>
      %dma_start3A_234 = arith.constant 0 : i32
      %dma_start3A_235 = tpu.memref_slice %arg7[%dma_start3A_230, %dma_start3A_234] : memref<16x128xi32, #tpu.memory_space<vmem>> -> memref<1x128xi32, #tpu.memory_space<vmem>>
      %dma_start3A_236 = tpu.memref_squeeze %dma_start3A_235 : memref<1x128xi32, #tpu.memory_space<vmem>> -> memref<128xi32, #tpu.memory_space<vmem>>
      %dma_start3A_237 = arith.constant 0 : i32
      %dma_start3A_238 = arith.constant 0 : i32
      %dma_start3A_239 = tpu.memref_slice %arg10[%dma_start3A_237, %dma_start3A_238] : memref<30080x32xf32, #tpu.memory_space<vmem_shared>> -> memref<30080x32xf32, #tpu.memory_space<vmem_shared>>
      tpu.enqueue_indirect_dma source(%dma_start3A_233 : memref<128x32xf32, #tpu.memory_space<vmem>>) target(%dma_start3A_239 : memref<30080x32xf32, #tpu.memory_space<vmem_shared>>) offsets(%dma_start3A_236 : memref<128xi32, #tpu.memory_space<vmem>>) semaphore(%arg12 : memref<!tpu.dma_semaphore, #tpu.memory_space<semaphore_mem>>) {add = true}
      %dma_wait3A_240 = arith.constant 3 : i32
      %dma_wait3A_241 = arith.constant 384 : i32
      %dma_wait3A_242 = arith.constant 0 : i32
      %dma_wait3A_243 = tpu.memref_slice %arg9[%dma_wait3A_241, %dma_wait3A_242] : memref<2048x32xf32, #tpu.memory_space<vmem>> -> memref<128x32xf32, #tpu.memory_space<vmem>>
      %dma_wait3A_244 = arith.constant 0 : i32
      %dma_wait3A_245 = tpu.memref_slice %arg8[%dma_wait3A_240, %dma_wait3A_244] : memref<16x128xi32, #tpu.memory_space<vmem>> -> memref<1x128xi32, #tpu.memory_space<vmem>>
      %dma_wait3A_246 = tpu.memref_squeeze %dma_wait3A_245 : memref<1x128xi32, #tpu.memory_space<vmem>> -> memref<128xi32, #tpu.memory_space<vmem>>
      %dma_wait3A_247 = arith.constant 0 : i32
      %dma_wait3A_248 = arith.constant 0 : i32
      %dma_wait3A_249 = tpu.memref_slice %arg2[%dma_wait3A_247, %dma_wait3A_248] : memref<20000x32xf32, #tpu.memory_space<hbm>> -> memref<20000x32xf32, #tpu.memory_space<hbm>>
      tpu.wait_indirect_dma semaphore(%arg11 : memref<!tpu.dma_semaphore, #tpu.memory_space<semaphore_mem>>) src(%dma_wait3A_249 : memref<20000x32xf32, #tpu.memory_space<hbm>>) dst(%dma_wait3A_243 : memref<128x32xf32, #tpu.memory_space<vmem>>)
      %dma_start3A_250 = arith.constant 3 : i32
      %dma_start3A_251 = arith.constant 384 : i32
      %dma_start3A_252 = arith.constant 0 : i32
      %dma_start3A_253 = tpu.memref_slice %arg9[%dma_start3A_251, %dma_start3A_252] : memref<2048x32xf32, #tpu.memory_space<vmem>> -> memref<128x32xf32, #tpu.memory_space<vmem>>
      %dma_start3A_254 = arith.constant 0 : i32
      %dma_start3A_255 = tpu.memref_slice %arg7[%dma_start3A_250, %dma_start3A_254] : memref<16x128xi32, #tpu.memory_space<vmem>> -> memref<1x128xi32, #tpu.memory_space<vmem>>
      %dma_start3A_256 = tpu.memref_squeeze %dma_start3A_255 : memref<1x128xi32, #tpu.memory_space<vmem>> -> memref<128xi32, #tpu.memory_space<vmem>>
      %dma_start3A_257 = arith.constant 0 : i32
      %dma_start3A_258 = arith.constant 0 : i32
      %dma_start3A_259 = tpu.memref_slice %arg10[%dma_start3A_257, %dma_start3A_258] : memref<30080x32xf32, #tpu.memory_space<vmem_shared>> -> memref<30080x32xf32, #tpu.memory_space<vmem_shared>>
      tpu.enqueue_indirect_dma source(%dma_start3A_253 : memref<128x32xf32, #tpu.memory_space<vmem>>) target(%dma_start3A_259 : memref<30080x32xf32, #tpu.memory_space<vmem_shared>>) offsets(%dma_start3A_256 : memref<128xi32, #tpu.memory_space<vmem>>) semaphore(%arg12 : memref<!tpu.dma_semaphore, #tpu.memory_space<semaphore_mem>>) {add = true}
      %dma_wait3A_260 = arith.constant 4 : i32
      %dma_wait3A_261 = arith.constant 512 : i32
      %dma_wait3A_262 = arith.constant 0 : i32
      %dma_wait3A_263 = tpu.memref_slice %arg9[%dma_wait3A_261, %dma_wait3A_262] : memref<2048x32xf32, #tpu.memory_space<vmem>> -> memref<128x32xf32, #tpu.memory_space<vmem>>
      %dma_wait3A_264 = arith.constant 0 : i32
      %dma_wait3A_265 = tpu.memref_slice %arg8[%dma_wait3A_260, %dma_wait3A_264] : memref<16x128xi32, #tpu.memory_space<vmem>> -> memref<1x128xi32, #tpu.memory_space<vmem>>
      %dma_wait3A_266 = tpu.memref_squeeze %dma_wait3A_265 : memref<1x128xi32, #tpu.memory_space<vmem>> -> memref<128xi32, #tpu.memory_space<vmem>>
      %dma_wait3A_267 = arith.constant 0 : i32
      %dma_wait3A_268 = arith.constant 0 : i32
      %dma_wait3A_269 = tpu.memref_slice %arg2[%dma_wait3A_267, %dma_wait3A_268] : memref<20000x32xf32, #tpu.memory_space<hbm>> -> memref<20000x32xf32, #tpu.memory_space<hbm>>
      tpu.wait_indirect_dma semaphore(%arg11 : memref<!tpu.dma_semaphore, #tpu.memory_space<semaphore_mem>>) src(%dma_wait3A_269 : memref<20000x32xf32, #tpu.memory_space<hbm>>) dst(%dma_wait3A_263 : memref<128x32xf32, #tpu.memory_space<vmem>>)
      %dma_start3A_270 = arith.constant 4 : i32
      %dma_start3A_271 = arith.constant 512 : i32
      %dma_start3A_272 = arith.constant 0 : i32
      %dma_start3A_273 = tpu.memref_slice %arg9[%dma_start3A_271, %dma_start3A_272] : memref<2048x32xf32, #tpu.memory_space<vmem>> -> memref<128x32xf32, #tpu.memory_space<vmem>>
      %dma_start3A_274 = arith.constant 0 : i32
      %dma_start3A_275 = tpu.memref_slice %arg7[%dma_start3A_270, %dma_start3A_274] : memref<16x128xi32, #tpu.memory_space<vmem>> -> memref<1x128xi32, #tpu.memory_space<vmem>>
      %dma_start3A_276 = tpu.memref_squeeze %dma_start3A_275 : memref<1x128xi32, #tpu.memory_space<vmem>> -> memref<128xi32, #tpu.memory_space<vmem>>
      %dma_start3A_277 = arith.constant 0 : i32
      %dma_start3A_278 = arith.constant 0 : i32
      %dma_start3A_279 = tpu.memref_slice %arg10[%dma_start3A_277, %dma_start3A_278] : memref<30080x32xf32, #tpu.memory_space<vmem_shared>> -> memref<30080x32xf32, #tpu.memory_space<vmem_shared>>
      tpu.enqueue_indirect_dma source(%dma_start3A_273 : memref<128x32xf32, #tpu.memory_space<vmem>>) target(%dma_start3A_279 : memref<30080x32xf32, #tpu.memory_space<vmem_shared>>) offsets(%dma_start3A_276 : memref<128xi32, #tpu.memory_space<vmem>>) semaphore(%arg12 : memref<!tpu.dma_semaphore, #tpu.memory_space<semaphore_mem>>) {add = true}
      %dma_wait3A_280 = arith.constant 5 : i32
      %dma_wait3A_281 = arith.constant 640 : i32
      %dma_wait3A_282 = arith.constant 0 : i32
      %dma_wait3A_283 = tpu.memref_slice %arg9[%dma_wait3A_281, %dma_wait3A_282] : memref<2048x32xf32, #tpu.memory_space<vmem>> -> memref<128x32xf32, #tpu.memory_space<vmem>>
      %dma_wait3A_284 = arith.constant 0 : i32
      %dma_wait3A_285 = tpu.memref_slice %arg8[%dma_wait3A_280, %dma_wait3A_284] : memref<16x128xi32, #tpu.memory_space<vmem>> -> memref<1x128xi32, #tpu.memory_space<vmem>>
      %dma_wait3A_286 = tpu.memref_squeeze %dma_wait3A_285 : memref<1x128xi32, #tpu.memory_space<vmem>> -> memref<128xi32, #tpu.memory_space<vmem>>
      %dma_wait3A_287 = arith.constant 0 : i32
      %dma_wait3A_288 = arith.constant 0 : i32
      %dma_wait3A_289 = tpu.memref_slice %arg2[%dma_wait3A_287, %dma_wait3A_288] : memref<20000x32xf32, #tpu.memory_space<hbm>> -> memref<20000x32xf32, #tpu.memory_space<hbm>>
      tpu.wait_indirect_dma semaphore(%arg11 : memref<!tpu.dma_semaphore, #tpu.memory_space<semaphore_mem>>) src(%dma_wait3A_289 : memref<20000x32xf32, #tpu.memory_space<hbm>>) dst(%dma_wait3A_283 : memref<128x32xf32, #tpu.memory_space<vmem>>)
      %dma_start3A_290 = arith.constant 5 : i32
      %dma_start3A_291 = arith.constant 640 : i32
      %dma_start3A_292 = arith.constant 0 : i32
      %dma_start3A_293 = tpu.memref_slice %arg9[%dma_start3A_291, %dma_start3A_292] : memref<2048x32xf32, #tpu.memory_space<vmem>> -> memref<128x32xf32, #tpu.memory_space<vmem>>
      %dma_start3A_294 = arith.constant 0 : i32
      %dma_start3A_295 = tpu.memref_slice %arg7[%dma_start3A_290, %dma_start3A_294] : memref<16x128xi32, #tpu.memory_space<vmem>> -> memref<1x128xi32, #tpu.memory_space<vmem>>
      %dma_start3A_296 = tpu.memref_squeeze %dma_start3A_295 : memref<1x128xi32, #tpu.memory_space<vmem>> -> memref<128xi32, #tpu.memory_space<vmem>>
      %dma_start3A_297 = arith.constant 0 : i32
      %dma_start3A_298 = arith.constant 0 : i32
      %dma_start3A_299 = tpu.memref_slice %arg10[%dma_start3A_297, %dma_start3A_298] : memref<30080x32xf32, #tpu.memory_space<vmem_shared>> -> memref<30080x32xf32, #tpu.memory_space<vmem_shared>>
      tpu.enqueue_indirect_dma source(%dma_start3A_293 : memref<128x32xf32, #tpu.memory_space<vmem>>) target(%dma_start3A_299 : memref<30080x32xf32, #tpu.memory_space<vmem_shared>>) offsets(%dma_start3A_296 : memref<128xi32, #tpu.memory_space<vmem>>) semaphore(%arg12 : memref<!tpu.dma_semaphore, #tpu.memory_space<semaphore_mem>>) {add = true}
      %dma_wait3A_300 = arith.constant 6 : i32
      %dma_wait3A_301 = arith.constant 768 : i32
      %dma_wait3A_302 = arith.constant 0 : i32
      %dma_wait3A_303 = tpu.memref_slice %arg9[%dma_wait3A_301, %dma_wait3A_302] : memref<2048x32xf32, #tpu.memory_space<vmem>> -> memref<128x32xf32, #tpu.memory_space<vmem>>
      %dma_wait3A_304 = arith.constant 0 : i32
      %dma_wait3A_305 = tpu.memref_slice %arg8[%dma_wait3A_300, %dma_wait3A_304] : memref<16x128xi32, #tpu.memory_space<vmem>> -> memref<1x128xi32, #tpu.memory_space<vmem>>
      %dma_wait3A_306 = tpu.memref_squeeze %dma_wait3A_305 : memref<1x128xi32, #tpu.memory_space<vmem>> -> memref<128xi32, #tpu.memory_space<vmem>>
      %dma_wait3A_307 = arith.constant 0 : i32
      %dma_wait3A_308 = arith.constant 0 : i32
      %dma_wait3A_309 = tpu.memref_slice %arg2[%dma_wait3A_307, %dma_wait3A_308] : memref<20000x32xf32, #tpu.memory_space<hbm>> -> memref<20000x32xf32, #tpu.memory_space<hbm>>
      tpu.wait_indirect_dma semaphore(%arg11 : memref<!tpu.dma_semaphore, #tpu.memory_space<semaphore_mem>>) src(%dma_wait3A_309 : memref<20000x32xf32, #tpu.memory_space<hbm>>) dst(%dma_wait3A_303 : memref<128x32xf32, #tpu.memory_space<vmem>>)
      %dma_start3A_310 = arith.constant 6 : i32
      %dma_start3A_311 = arith.constant 768 : i32
      %dma_start3A_312 = arith.constant 0 : i32
      %dma_start3A_313 = tpu.memref_slice %arg9[%dma_start3A_311, %dma_start3A_312] : memref<2048x32xf32, #tpu.memory_space<vmem>> -> memref<128x32xf32, #tpu.memory_space<vmem>>
      %dma_start3A_314 = arith.constant 0 : i32
      %dma_start3A_315 = tpu.memref_slice %arg7[%dma_start3A_310, %dma_start3A_314] : memref<16x128xi32, #tpu.memory_space<vmem>> -> memref<1x128xi32, #tpu.memory_space<vmem>>
      %dma_start3A_316 = tpu.memref_squeeze %dma_start3A_315 : memref<1x128xi32, #tpu.memory_space<vmem>> -> memref<128xi32, #tpu.memory_space<vmem>>
      %dma_start3A_317 = arith.constant 0 : i32
      %dma_start3A_318 = arith.constant 0 : i32
      %dma_start3A_319 = tpu.memref_slice %arg10[%dma_start3A_317, %dma_start3A_318] : memref<30080x32xf32, #tpu.memory_space<vmem_shared>> -> memref<30080x32xf32, #tpu.memory_space<vmem_shared>>
      tpu.enqueue_indirect_dma source(%dma_start3A_313 : memref<128x32xf32, #tpu.memory_space<vmem>>) target(%dma_start3A_319 : memref<30080x32xf32, #tpu.memory_space<vmem_shared>>) offsets(%dma_start3A_316 : memref<128xi32, #tpu.memory_space<vmem>>) semaphore(%arg12 : memref<!tpu.dma_semaphore, #tpu.memory_space<semaphore_mem>>) {add = true}
      %dma_wait3A_320 = arith.constant 7 : i32
      %dma_wait3A_321 = arith.constant 896 : i32
      %dma_wait3A_322 = arith.constant 0 : i32
      %dma_wait3A_323 = tpu.memref_slice %arg9[%dma_wait3A_321, %dma_wait3A_322] : memref<2048x32xf32, #tpu.memory_space<vmem>> -> memref<128x32xf32, #tpu.memory_space<vmem>>
      %dma_wait3A_324 = arith.constant 0 : i32
      %dma_wait3A_325 = tpu.memref_slice %arg8[%dma_wait3A_320, %dma_wait3A_324] : memref<16x128xi32, #tpu.memory_space<vmem>> -> memref<1x128xi32, #tpu.memory_space<vmem>>
      %dma_wait3A_326 = tpu.memref_squeeze %dma_wait3A_325 : memref<1x128xi32, #tpu.memory_space<vmem>> -> memref<128xi32, #tpu.memory_space<vmem>>
      %dma_wait3A_327 = arith.constant 0 : i32
      %dma_wait3A_328 = arith.constant 0 : i32
      %dma_wait3A_329 = tpu.memref_slice %arg2[%dma_wait3A_327, %dma_wait3A_328] : memref<20000x32xf32, #tpu.memory_space<hbm>> -> memref<20000x32xf32, #tpu.memory_space<hbm>>
      tpu.wait_indirect_dma semaphore(%arg11 : memref<!tpu.dma_semaphore, #tpu.memory_space<semaphore_mem>>) src(%dma_wait3A_329 : memref<20000x32xf32, #tpu.memory_space<hbm>>) dst(%dma_wait3A_323 : memref<128x32xf32, #tpu.memory_space<vmem>>)
      %dma_start3A_330 = arith.constant 7 : i32
      %dma_start3A_331 = arith.constant 896 : i32
      %dma_start3A_332 = arith.constant 0 : i32
      %dma_start3A_333 = tpu.memref_slice %arg9[%dma_start3A_331, %dma_start3A_332] : memref<2048x32xf32, #tpu.memory_space<vmem>> -> memref<128x32xf32, #tpu.memory_space<vmem>>
      %dma_start3A_334 = arith.constant 0 : i32
      %dma_start3A_335 = tpu.memref_slice %arg7[%dma_start3A_330, %dma_start3A_334] : memref<16x128xi32, #tpu.memory_space<vmem>> -> memref<1x128xi32, #tpu.memory_space<vmem>>
      %dma_start3A_336 = tpu.memref_squeeze %dma_start3A_335 : memref<1x128xi32, #tpu.memory_space<vmem>> -> memref<128xi32, #tpu.memory_space<vmem>>
      %dma_start3A_337 = arith.constant 0 : i32
      %dma_start3A_338 = arith.constant 0 : i32
      %dma_start3A_339 = tpu.memref_slice %arg10[%dma_start3A_337, %dma_start3A_338] : memref<30080x32xf32, #tpu.memory_space<vmem_shared>> -> memref<30080x32xf32, #tpu.memory_space<vmem_shared>>
      tpu.enqueue_indirect_dma source(%dma_start3A_333 : memref<128x32xf32, #tpu.memory_space<vmem>>) target(%dma_start3A_339 : memref<30080x32xf32, #tpu.memory_space<vmem_shared>>) offsets(%dma_start3A_336 : memref<128xi32, #tpu.memory_space<vmem>>) semaphore(%arg12 : memref<!tpu.dma_semaphore, #tpu.memory_space<semaphore_mem>>) {add = true}
      %dma_wait3A_340 = arith.constant 8 : i32
      %dma_wait3A_341 = arith.constant 1024 : i32
      %dma_wait3A_342 = arith.constant 0 : i32
      %dma_wait3A_343 = tpu.memref_slice %arg9[%dma_wait3A_341, %dma_wait3A_342] : memref<2048x32xf32, #tpu.memory_space<vmem>> -> memref<128x32xf32, #tpu.memory_space<vmem>>
      %dma_wait3A_344 = arith.constant 0 : i32
      %dma_wait3A_345 = tpu.memref_slice %arg8[%dma_wait3A_340, %dma_wait3A_344] : memref<16x128xi32, #tpu.memory_space<vmem>> -> memref<1x128xi32, #tpu.memory_space<vmem>>
      %dma_wait3A_346 = tpu.memref_squeeze %dma_wait3A_345 : memref<1x128xi32, #tpu.memory_space<vmem>> -> memref<128xi32, #tpu.memory_space<vmem>>
      %dma_wait3A_347 = arith.constant 0 : i32
      %dma_wait3A_348 = arith.constant 0 : i32
      %dma_wait3A_349 = tpu.memref_slice %arg2[%dma_wait3A_347, %dma_wait3A_348] : memref<20000x32xf32, #tpu.memory_space<hbm>> -> memref<20000x32xf32, #tpu.memory_space<hbm>>
      tpu.wait_indirect_dma semaphore(%arg11 : memref<!tpu.dma_semaphore, #tpu.memory_space<semaphore_mem>>) src(%dma_wait3A_349 : memref<20000x32xf32, #tpu.memory_space<hbm>>) dst(%dma_wait3A_343 : memref<128x32xf32, #tpu.memory_space<vmem>>)
      %dma_start3A_350 = arith.constant 8 : i32
      %dma_start3A_351 = arith.constant 1024 : i32
      %dma_start3A_352 = arith.constant 0 : i32
      %dma_start3A_353 = tpu.memref_slice %arg9[%dma_start3A_351, %dma_start3A_352] : memref<2048x32xf32, #tpu.memory_space<vmem>> -> memref<128x32xf32, #tpu.memory_space<vmem>>
      %dma_start3A_354 = arith.constant 0 : i32
      %dma_start3A_355 = tpu.memref_slice %arg7[%dma_start3A_350, %dma_start3A_354] : memref<16x128xi32, #tpu.memory_space<vmem>> -> memref<1x128xi32, #tpu.memory_space<vmem>>
      %dma_start3A_356 = tpu.memref_squeeze %dma_start3A_355 : memref<1x128xi32, #tpu.memory_space<vmem>> -> memref<128xi32, #tpu.memory_space<vmem>>
      %dma_start3A_357 = arith.constant 0 : i32
      %dma_start3A_358 = arith.constant 0 : i32
      %dma_start3A_359 = tpu.memref_slice %arg10[%dma_start3A_357, %dma_start3A_358] : memref<30080x32xf32, #tpu.memory_space<vmem_shared>> -> memref<30080x32xf32, #tpu.memory_space<vmem_shared>>
      tpu.enqueue_indirect_dma source(%dma_start3A_353 : memref<128x32xf32, #tpu.memory_space<vmem>>) target(%dma_start3A_359 : memref<30080x32xf32, #tpu.memory_space<vmem_shared>>) offsets(%dma_start3A_356 : memref<128xi32, #tpu.memory_space<vmem>>) semaphore(%arg12 : memref<!tpu.dma_semaphore, #tpu.memory_space<semaphore_mem>>) {add = true}
      %dma_wait3A_360 = arith.constant 9 : i32
      %dma_wait3A_361 = arith.constant 1152 : i32
      %dma_wait3A_362 = arith.constant 0 : i32
      %dma_wait3A_363 = tpu.memref_slice %arg9[%dma_wait3A_361, %dma_wait3A_362] : memref<2048x32xf32, #tpu.memory_space<vmem>> -> memref<128x32xf32, #tpu.memory_space<vmem>>
      %dma_wait3A_364 = arith.constant 0 : i32
      %dma_wait3A_365 = tpu.memref_slice %arg8[%dma_wait3A_360, %dma_wait3A_364] : memref<16x128xi32, #tpu.memory_space<vmem>> -> memref<1x128xi32, #tpu.memory_space<vmem>>
      %dma_wait3A_366 = tpu.memref_squeeze %dma_wait3A_365 : memref<1x128xi32, #tpu.memory_space<vmem>> -> memref<128xi32, #tpu.memory_space<vmem>>
      %dma_wait3A_367 = arith.constant 0 : i32
      %dma_wait3A_368 = arith.constant 0 : i32
      %dma_wait3A_369 = tpu.memref_slice %arg2[%dma_wait3A_367, %dma_wait3A_368] : memref<20000x32xf32, #tpu.memory_space<hbm>> -> memref<20000x32xf32, #tpu.memory_space<hbm>>
      tpu.wait_indirect_dma semaphore(%arg11 : memref<!tpu.dma_semaphore, #tpu.memory_space<semaphore_mem>>) src(%dma_wait3A_369 : memref<20000x32xf32, #tpu.memory_space<hbm>>) dst(%dma_wait3A_363 : memref<128x32xf32, #tpu.memory_space<vmem>>)
      %dma_start3A_370 = arith.constant 9 : i32
      %dma_start3A_371 = arith.constant 1152 : i32
      %dma_start3A_372 = arith.constant 0 : i32
      %dma_start3A_373 = tpu.memref_slice %arg9[%dma_start3A_371, %dma_start3A_372] : memref<2048x32xf32, #tpu.memory_space<vmem>> -> memref<128x32xf32, #tpu.memory_space<vmem>>
      %dma_start3A_374 = arith.constant 0 : i32
      %dma_start3A_375 = tpu.memref_slice %arg7[%dma_start3A_370, %dma_start3A_374] : memref<16x128xi32, #tpu.memory_space<vmem>> -> memref<1x128xi32, #tpu.memory_space<vmem>>
      %dma_start3A_376 = tpu.memref_squeeze %dma_start3A_375 : memref<1x128xi32, #tpu.memory_space<vmem>> -> memref<128xi32, #tpu.memory_space<vmem>>
      %dma_start3A_377 = arith.constant 0 : i32
      %dma_start3A_378 = arith.constant 0 : i32
      %dma_start3A_379 = tpu.memref_slice %arg10[%dma_start3A_377, %dma_start3A_378] : memref<30080x32xf32, #tpu.memory_space<vmem_shared>> -> memref<30080x32xf32, #tpu.memory_space<vmem_shared>>
      tpu.enqueue_indirect_dma source(%dma_start3A_373 : memref<128x32xf32, #tpu.memory_space<vmem>>) target(%dma_start3A_379 : memref<30080x32xf32, #tpu.memory_space<vmem_shared>>) offsets(%dma_start3A_376 : memref<128xi32, #tpu.memory_space<vmem>>) semaphore(%arg12 : memref<!tpu.dma_semaphore, #tpu.memory_space<semaphore_mem>>) {add = true}
      %dma_wait3A_380 = arith.constant 10 : i32
      %dma_wait3A_381 = arith.constant 1280 : i32
      %dma_wait3A_382 = arith.constant 0 : i32
      %dma_wait3A_383 = tpu.memref_slice %arg9[%dma_wait3A_381, %dma_wait3A_382] : memref<2048x32xf32, #tpu.memory_space<vmem>> -> memref<128x32xf32, #tpu.memory_space<vmem>>
      %dma_wait3A_384 = arith.constant 0 : i32
      %dma_wait3A_385 = tpu.memref_slice %arg8[%dma_wait3A_380, %dma_wait3A_384] : memref<16x128xi32, #tpu.memory_space<vmem>> -> memref<1x128xi32, #tpu.memory_space<vmem>>
      %dma_wait3A_386 = tpu.memref_squeeze %dma_wait3A_385 : memref<1x128xi32, #tpu.memory_space<vmem>> -> memref<128xi32, #tpu.memory_space<vmem>>
      %dma_wait3A_387 = arith.constant 0 : i32
      %dma_wait3A_388 = arith.constant 0 : i32
      %dma_wait3A_389 = tpu.memref_slice %arg2[%dma_wait3A_387, %dma_wait3A_388] : memref<20000x32xf32, #tpu.memory_space<hbm>> -> memref<20000x32xf32, #tpu.memory_space<hbm>>
      tpu.wait_indirect_dma semaphore(%arg11 : memref<!tpu.dma_semaphore, #tpu.memory_space<semaphore_mem>>) src(%dma_wait3A_389 : memref<20000x32xf32, #tpu.memory_space<hbm>>) dst(%dma_wait3A_383 : memref<128x32xf32, #tpu.memory_space<vmem>>)
      %dma_start3A_390 = arith.constant 10 : i32
      %dma_start3A_391 = arith.constant 1280 : i32
      %dma_start3A_392 = arith.constant 0 : i32
      %dma_start3A_393 = tpu.memref_slice %arg9[%dma_start3A_391, %dma_start3A_392] : memref<2048x32xf32, #tpu.memory_space<vmem>> -> memref<128x32xf32, #tpu.memory_space<vmem>>
      %dma_start3A_394 = arith.constant 0 : i32
      %dma_start3A_395 = tpu.memref_slice %arg7[%dma_start3A_390, %dma_start3A_394] : memref<16x128xi32, #tpu.memory_space<vmem>> -> memref<1x128xi32, #tpu.memory_space<vmem>>
      %dma_start3A_396 = tpu.memref_squeeze %dma_start3A_395 : memref<1x128xi32, #tpu.memory_space<vmem>> -> memref<128xi32, #tpu.memory_space<vmem>>
      %dma_start3A_397 = arith.constant 0 : i32
      %dma_start3A_398 = arith.constant 0 : i32
      %dma_start3A_399 = tpu.memref_slice %arg10[%dma_start3A_397, %dma_start3A_398] : memref<30080x32xf32, #tpu.memory_space<vmem_shared>> -> memref<30080x32xf32, #tpu.memory_space<vmem_shared>>
      tpu.enqueue_indirect_dma source(%dma_start3A_393 : memref<128x32xf32, #tpu.memory_space<vmem>>) target(%dma_start3A_399 : memref<30080x32xf32, #tpu.memory_space<vmem_shared>>) offsets(%dma_start3A_396 : memref<128xi32, #tpu.memory_space<vmem>>) semaphore(%arg12 : memref<!tpu.dma_semaphore, #tpu.memory_space<semaphore_mem>>) {add = true}
      %dma_wait3A_400 = arith.constant 11 : i32
      %dma_wait3A_401 = arith.constant 1408 : i32
      %dma_wait3A_402 = arith.constant 0 : i32
      %dma_wait3A_403 = tpu.memref_slice %arg9[%dma_wait3A_401, %dma_wait3A_402] : memref<2048x32xf32, #tpu.memory_space<vmem>> -> memref<128x32xf32, #tpu.memory_space<vmem>>
      %dma_wait3A_404 = arith.constant 0 : i32
      %dma_wait3A_405 = tpu.memref_slice %arg8[%dma_wait3A_400, %dma_wait3A_404] : memref<16x128xi32, #tpu.memory_space<vmem>> -> memref<1x128xi32, #tpu.memory_space<vmem>>
      %dma_wait3A_406 = tpu.memref_squeeze %dma_wait3A_405 : memref<1x128xi32, #tpu.memory_space<vmem>> -> memref<128xi32, #tpu.memory_space<vmem>>
      %dma_wait3A_407 = arith.constant 0 : i32
      %dma_wait3A_408 = arith.constant 0 : i32
      %dma_wait3A_409 = tpu.memref_slice %arg2[%dma_wait3A_407, %dma_wait3A_408] : memref<20000x32xf32, #tpu.memory_space<hbm>> -> memref<20000x32xf32, #tpu.memory_space<hbm>>
      tpu.wait_indirect_dma semaphore(%arg11 : memref<!tpu.dma_semaphore, #tpu.memory_space<semaphore_mem>>) src(%dma_wait3A_409 : memref<20000x32xf32, #tpu.memory_space<hbm>>) dst(%dma_wait3A_403 : memref<128x32xf32, #tpu.memory_space<vmem>>)
      %dma_start3A_410 = arith.constant 11 : i32
      %dma_start3A_411 = arith.constant 1408 : i32
      %dma_start3A_412 = arith.constant 0 : i32
      %dma_start3A_413 = tpu.memref_slice %arg9[%dma_start3A_411, %dma_start3A_412] : memref<2048x32xf32, #tpu.memory_space<vmem>> -> memref<128x32xf32, #tpu.memory_space<vmem>>
      %dma_start3A_414 = arith.constant 0 : i32
      %dma_start3A_415 = tpu.memref_slice %arg7[%dma_start3A_410, %dma_start3A_414] : memref<16x128xi32, #tpu.memory_space<vmem>> -> memref<1x128xi32, #tpu.memory_space<vmem>>
      %dma_start3A_416 = tpu.memref_squeeze %dma_start3A_415 : memref<1x128xi32, #tpu.memory_space<vmem>> -> memref<128xi32, #tpu.memory_space<vmem>>
      %dma_start3A_417 = arith.constant 0 : i32
      %dma_start3A_418 = arith.constant 0 : i32
      %dma_start3A_419 = tpu.memref_slice %arg10[%dma_start3A_417, %dma_start3A_418] : memref<30080x32xf32, #tpu.memory_space<vmem_shared>> -> memref<30080x32xf32, #tpu.memory_space<vmem_shared>>
      tpu.enqueue_indirect_dma source(%dma_start3A_413 : memref<128x32xf32, #tpu.memory_space<vmem>>) target(%dma_start3A_419 : memref<30080x32xf32, #tpu.memory_space<vmem_shared>>) offsets(%dma_start3A_416 : memref<128xi32, #tpu.memory_space<vmem>>) semaphore(%arg12 : memref<!tpu.dma_semaphore, #tpu.memory_space<semaphore_mem>>) {add = true}
      %dma_wait3A_420 = arith.constant 12 : i32
      %dma_wait3A_421 = arith.constant 1536 : i32
      %dma_wait3A_422 = arith.constant 0 : i32
      %dma_wait3A_423 = tpu.memref_slice %arg9[%dma_wait3A_421, %dma_wait3A_422] : memref<2048x32xf32, #tpu.memory_space<vmem>> -> memref<128x32xf32, #tpu.memory_space<vmem>>
      %dma_wait3A_424 = arith.constant 0 : i32
      %dma_wait3A_425 = tpu.memref_slice %arg8[%dma_wait3A_420, %dma_wait3A_424] : memref<16x128xi32, #tpu.memory_space<vmem>> -> memref<1x128xi32, #tpu.memory_space<vmem>>
      %dma_wait3A_426 = tpu.memref_squeeze %dma_wait3A_425 : memref<1x128xi32, #tpu.memory_space<vmem>> -> memref<128xi32, #tpu.memory_space<vmem>>
      %dma_wait3A_427 = arith.constant 0 : i32
      %dma_wait3A_428 = arith.constant 0 : i32
      %dma_wait3A_429 = tpu.memref_slice %arg2[%dma_wait3A_427, %dma_wait3A_428] : memref<20000x32xf32, #tpu.memory_space<hbm>> -> memref<20000x32xf32, #tpu.memory_space<hbm>>
      tpu.wait_indirect_dma semaphore(%arg11 : memref<!tpu.dma_semaphore, #tpu.memory_space<semaphore_mem>>) src(%dma_wait3A_429 : memref<20000x32xf32, #tpu.memory_space<hbm>>) dst(%dma_wait3A_423 : memref<128x32xf32, #tpu.memory_space<vmem>>)
      %dma_start3A_430 = arith.constant 12 : i32
      %dma_start3A_431 = arith.constant 1536 : i32
      %dma_start3A_432 = arith.constant 0 : i32
      %dma_start3A_433 = tpu.memref_slice %arg9[%dma_start3A_431, %dma_start3A_432] : memref<2048x32xf32, #tpu.memory_space<vmem>> -> memref<128x32xf32, #tpu.memory_space<vmem>>
      %dma_start3A_434 = arith.constant 0 : i32
      %dma_start3A_435 = tpu.memref_slice %arg7[%dma_start3A_430, %dma_start3A_434] : memref<16x128xi32, #tpu.memory_space<vmem>> -> memref<1x128xi32, #tpu.memory_space<vmem>>
      %dma_start3A_436 = tpu.memref_squeeze %dma_start3A_435 : memref<1x128xi32, #tpu.memory_space<vmem>> -> memref<128xi32, #tpu.memory_space<vmem>>
      %dma_start3A_437 = arith.constant 0 : i32
      %dma_start3A_438 = arith.constant 0 : i32
      %dma_start3A_439 = tpu.memref_slice %arg10[%dma_start3A_437, %dma_start3A_438] : memref<30080x32xf32, #tpu.memory_space<vmem_shared>> -> memref<30080x32xf32, #tpu.memory_space<vmem_shared>>
      tpu.enqueue_indirect_dma source(%dma_start3A_433 : memref<128x32xf32, #tpu.memory_space<vmem>>) target(%dma_start3A_439 : memref<30080x32xf32, #tpu.memory_space<vmem_shared>>) offsets(%dma_start3A_436 : memref<128xi32, #tpu.memory_space<vmem>>) semaphore(%arg12 : memref<!tpu.dma_semaphore, #tpu.memory_space<semaphore_mem>>) {add = true}
      %dma_wait3A_440 = arith.constant 13 : i32
      %dma_wait3A_441 = arith.constant 1664 : i32
      %dma_wait3A_442 = arith.constant 0 : i32
      %dma_wait3A_443 = tpu.memref_slice %arg9[%dma_wait3A_441, %dma_wait3A_442] : memref<2048x32xf32, #tpu.memory_space<vmem>> -> memref<128x32xf32, #tpu.memory_space<vmem>>
      %dma_wait3A_444 = arith.constant 0 : i32
      %dma_wait3A_445 = tpu.memref_slice %arg8[%dma_wait3A_440, %dma_wait3A_444] : memref<16x128xi32, #tpu.memory_space<vmem>> -> memref<1x128xi32, #tpu.memory_space<vmem>>
      %dma_wait3A_446 = tpu.memref_squeeze %dma_wait3A_445 : memref<1x128xi32, #tpu.memory_space<vmem>> -> memref<128xi32, #tpu.memory_space<vmem>>
      %dma_wait3A_447 = arith.constant 0 : i32
      %dma_wait3A_448 = arith.constant 0 : i32
      %dma_wait3A_449 = tpu.memref_slice %arg2[%dma_wait3A_447, %dma_wait3A_448] : memref<20000x32xf32, #tpu.memory_space<hbm>> -> memref<20000x32xf32, #tpu.memory_space<hbm>>
      tpu.wait_indirect_dma semaphore(%arg11 : memref<!tpu.dma_semaphore, #tpu.memory_space<semaphore_mem>>) src(%dma_wait3A_449 : memref<20000x32xf32, #tpu.memory_space<hbm>>) dst(%dma_wait3A_443 : memref<128x32xf32, #tpu.memory_space<vmem>>)
      %dma_start3A_450 = arith.constant 13 : i32
      %dma_start3A_451 = arith.constant 1664 : i32
      %dma_start3A_452 = arith.constant 0 : i32
      %dma_start3A_453 = tpu.memref_slice %arg9[%dma_start3A_451, %dma_start3A_452] : memref<2048x32xf32, #tpu.memory_space<vmem>> -> memref<128x32xf32, #tpu.memory_space<vmem>>
      %dma_start3A_454 = arith.constant 0 : i32
      %dma_start3A_455 = tpu.memref_slice %arg7[%dma_start3A_450, %dma_start3A_454] : memref<16x128xi32, #tpu.memory_space<vmem>> -> memref<1x128xi32, #tpu.memory_space<vmem>>
      %dma_start3A_456 = tpu.memref_squeeze %dma_start3A_455 : memref<1x128xi32, #tpu.memory_space<vmem>> -> memref<128xi32, #tpu.memory_space<vmem>>
      %dma_start3A_457 = arith.constant 0 : i32
      %dma_start3A_458 = arith.constant 0 : i32
      %dma_start3A_459 = tpu.memref_slice %arg10[%dma_start3A_457, %dma_start3A_458] : memref<30080x32xf32, #tpu.memory_space<vmem_shared>> -> memref<30080x32xf32, #tpu.memory_space<vmem_shared>>
      tpu.enqueue_indirect_dma source(%dma_start3A_453 : memref<128x32xf32, #tpu.memory_space<vmem>>) target(%dma_start3A_459 : memref<30080x32xf32, #tpu.memory_space<vmem_shared>>) offsets(%dma_start3A_456 : memref<128xi32, #tpu.memory_space<vmem>>) semaphore(%arg12 : memref<!tpu.dma_semaphore, #tpu.memory_space<semaphore_mem>>) {add = true}
      %dma_wait3A_460 = arith.constant 14 : i32
      %dma_wait3A_461 = arith.constant 1792 : i32
      %dma_wait3A_462 = arith.constant 0 : i32
      %dma_wait3A_463 = tpu.memref_slice %arg9[%dma_wait3A_461, %dma_wait3A_462] : memref<2048x32xf32, #tpu.memory_space<vmem>> -> memref<128x32xf32, #tpu.memory_space<vmem>>
      %dma_wait3A_464 = arith.constant 0 : i32
      %dma_wait3A_465 = tpu.memref_slice %arg8[%dma_wait3A_460, %dma_wait3A_464] : memref<16x128xi32, #tpu.memory_space<vmem>> -> memref<1x128xi32, #tpu.memory_space<vmem>>
      %dma_wait3A_466 = tpu.memref_squeeze %dma_wait3A_465 : memref<1x128xi32, #tpu.memory_space<vmem>> -> memref<128xi32, #tpu.memory_space<vmem>>
      %dma_wait3A_467 = arith.constant 0 : i32
      %dma_wait3A_468 = arith.constant 0 : i32
      %dma_wait3A_469 = tpu.memref_slice %arg2[%dma_wait3A_467, %dma_wait3A_468] : memref<20000x32xf32, #tpu.memory_space<hbm>> -> memref<20000x32xf32, #tpu.memory_space<hbm>>
      tpu.wait_indirect_dma semaphore(%arg11 : memref<!tpu.dma_semaphore, #tpu.memory_space<semaphore_mem>>) src(%dma_wait3A_469 : memref<20000x32xf32, #tpu.memory_space<hbm>>) dst(%dma_wait3A_463 : memref<128x32xf32, #tpu.memory_space<vmem>>)
      %dma_start3A_470 = arith.constant 14 : i32
      %dma_start3A_471 = arith.constant 1792 : i32
      %dma_start3A_472 = arith.constant 0 : i32
      %dma_start3A_473 = tpu.memref_slice %arg9[%dma_start3A_471, %dma_start3A_472] : memref<2048x32xf32, #tpu.memory_space<vmem>> -> memref<128x32xf32, #tpu.memory_space<vmem>>
      %dma_start3A_474 = arith.constant 0 : i32
      %dma_start3A_475 = tpu.memref_slice %arg7[%dma_start3A_470, %dma_start3A_474] : memref<16x128xi32, #tpu.memory_space<vmem>> -> memref<1x128xi32, #tpu.memory_space<vmem>>
      %dma_start3A_476 = tpu.memref_squeeze %dma_start3A_475 : memref<1x128xi32, #tpu.memory_space<vmem>> -> memref<128xi32, #tpu.memory_space<vmem>>
      %dma_start3A_477 = arith.constant 0 : i32
      %dma_start3A_478 = arith.constant 0 : i32
      %dma_start3A_479 = tpu.memref_slice %arg10[%dma_start3A_477, %dma_start3A_478] : memref<30080x32xf32, #tpu.memory_space<vmem_shared>> -> memref<30080x32xf32, #tpu.memory_space<vmem_shared>>
      tpu.enqueue_indirect_dma source(%dma_start3A_473 : memref<128x32xf32, #tpu.memory_space<vmem>>) target(%dma_start3A_479 : memref<30080x32xf32, #tpu.memory_space<vmem_shared>>) offsets(%dma_start3A_476 : memref<128xi32, #tpu.memory_space<vmem>>) semaphore(%arg12 : memref<!tpu.dma_semaphore, #tpu.memory_space<semaphore_mem>>) {add = true}
      %dma_wait3A_480 = arith.constant 15 : i32
      %dma_wait3A_481 = arith.constant 1920 : i32
      %dma_wait3A_482 = arith.constant 0 : i32
      %dma_wait3A_483 = tpu.memref_slice %arg9[%dma_wait3A_481, %dma_wait3A_482] : memref<2048x32xf32, #tpu.memory_space<vmem>> -> memref<128x32xf32, #tpu.memory_space<vmem>>
      %dma_wait3A_484 = arith.constant 0 : i32
      %dma_wait3A_485 = tpu.memref_slice %arg8[%dma_wait3A_480, %dma_wait3A_484] : memref<16x128xi32, #tpu.memory_space<vmem>> -> memref<1x128xi32, #tpu.memory_space<vmem>>
      %dma_wait3A_486 = tpu.memref_squeeze %dma_wait3A_485 : memref<1x128xi32, #tpu.memory_space<vmem>> -> memref<128xi32, #tpu.memory_space<vmem>>
      %dma_wait3A_487 = arith.constant 0 : i32
      %dma_wait3A_488 = arith.constant 0 : i32
      %dma_wait3A_489 = tpu.memref_slice %arg2[%dma_wait3A_487, %dma_wait3A_488] : memref<20000x32xf32, #tpu.memory_space<hbm>> -> memref<20000x32xf32, #tpu.memory_space<hbm>>
      tpu.wait_indirect_dma semaphore(%arg11 : memref<!tpu.dma_semaphore, #tpu.memory_space<semaphore_mem>>) src(%dma_wait3A_489 : memref<20000x32xf32, #tpu.memory_space<hbm>>) dst(%dma_wait3A_483 : memref<128x32xf32, #tpu.memory_space<vmem>>)
      %dma_start3A_490 = arith.constant 15 : i32
      %dma_start3A_491 = arith.constant 1920 : i32
      %dma_start3A_492 = arith.constant 0 : i32
      %dma_start3A_493 = tpu.memref_slice %arg9[%dma_start3A_491, %dma_start3A_492] : memref<2048x32xf32, #tpu.memory_space<vmem>> -> memref<128x32xf32, #tpu.memory_space<vmem>>
      %dma_start3A_494 = arith.constant 0 : i32
      %dma_start3A_495 = tpu.memref_slice %arg7[%dma_start3A_490, %dma_start3A_494] : memref<16x128xi32, #tpu.memory_space<vmem>> -> memref<1x128xi32, #tpu.memory_space<vmem>>
      %dma_start3A_496 = tpu.memref_squeeze %dma_start3A_495 : memref<1x128xi32, #tpu.memory_space<vmem>> -> memref<128xi32, #tpu.memory_space<vmem>>
      %dma_start3A_497 = arith.constant 0 : i32
      %dma_start3A_498 = arith.constant 0 : i32
      %dma_start3A_499 = tpu.memref_slice %arg10[%dma_start3A_497, %dma_start3A_498] : memref<30080x32xf32, #tpu.memory_space<vmem_shared>> -> memref<30080x32xf32, #tpu.memory_space<vmem_shared>>
      tpu.enqueue_indirect_dma source(%dma_start3A_493 : memref<128x32xf32, #tpu.memory_space<vmem>>) target(%dma_start3A_499 : memref<30080x32xf32, #tpu.memory_space<vmem_shared>>) offsets(%dma_start3A_496 : memref<128xi32, #tpu.memory_space<vmem>>) semaphore(%arg12 : memref<!tpu.dma_semaphore, #tpu.memory_space<semaphore_mem>>) {add = true}
      %dma_wait3A_500 = arith.constant 0 : i32
      %dma_wait3A_501 = arith.constant 0 : i32
      %dma_wait3A_502 = arith.constant 0 : i32
      %dma_wait3A_503 = tpu.memref_slice %arg9[%dma_wait3A_501, %dma_wait3A_502] : memref<2048x32xf32, #tpu.memory_space<vmem>> -> memref<128x32xf32, #tpu.memory_space<vmem>>
      %dma_wait3A_504 = arith.constant 0 : i32
      %dma_wait3A_505 = tpu.memref_slice %arg7[%dma_wait3A_500, %dma_wait3A_504] : memref<16x128xi32, #tpu.memory_space<vmem>> -> memref<1x128xi32, #tpu.memory_space<vmem>>
      %dma_wait3A_506 = tpu.memref_squeeze %dma_wait3A_505 : memref<1x128xi32, #tpu.memory_space<vmem>> -> memref<128xi32, #tpu.memory_space<vmem>>
      %dma_wait3A_507 = arith.constant 0 : i32
      %dma_wait3A_508 = arith.constant 0 : i32
      %dma_wait3A_509 = tpu.memref_slice %arg10[%dma_wait3A_507, %dma_wait3A_508] : memref<30080x32xf32, #tpu.memory_space<vmem_shared>> -> memref<30080x32xf32, #tpu.memory_space<vmem_shared>>
      tpu.wait_indirect_dma semaphore(%arg12 : memref<!tpu.dma_semaphore, #tpu.memory_space<semaphore_mem>>) src(%dma_wait3A_503 : memref<128x32xf32, #tpu.memory_space<vmem>>) dst(%dma_wait3A_509 : memref<30080x32xf32, #tpu.memory_space<vmem_shared>>)
      %dma_wait3A_510 = arith.constant 1 : i32
      %dma_wait3A_511 = arith.constant 128 : i32
      %dma_wait3A_512 = arith.constant 0 : i32
      %dma_wait3A_513 = tpu.memref_slice %arg9[%dma_wait3A_511, %dma_wait3A_512] : memref<2048x32xf32, #tpu.memory_space<vmem>> -> memref<128x32xf32, #tpu.memory_space<vmem>>
      %dma_wait3A_514 = arith.constant 0 : i32
      %dma_wait3A_515 = tpu.memref_slice %arg7[%dma_wait3A_510, %dma_wait3A_514] : memref<16x128xi32, #tpu.memory_space<vmem>> -> memref<1x128xi32, #tpu.memory_space<vmem>>
      %dma_wait3A_516 = tpu.memref_squeeze %dma_wait3A_515 : memref<1x128xi32, #tpu.memory_space<vmem>> -> memref<128xi32, #tpu.memory_space<vmem>>
      %dma_wait3A_517 = arith.constant 0 : i32
      %dma_wait3A_518 = arith.constant 0 : i32
      %dma_wait3A_519 = tpu.memref_slice %arg10[%dma_wait3A_517, %dma_wait3A_518] : memref<30080x32xf32, #tpu.memory_space<vmem_shared>> -> memref<30080x32xf32, #tpu.memory_space<vmem_shared>>
      tpu.wait_indirect_dma semaphore(%arg12 : memref<!tpu.dma_semaphore, #tpu.memory_space<semaphore_mem>>) src(%dma_wait3A_513 : memref<128x32xf32, #tpu.memory_space<vmem>>) dst(%dma_wait3A_519 : memref<30080x32xf32, #tpu.memory_space<vmem_shared>>)
      %dma_wait3A_520 = arith.constant 2 : i32
      %dma_wait3A_521 = arith.constant 256 : i32
      %dma_wait3A_522 = arith.constant 0 : i32
      %dma_wait3A_523 = tpu.memref_slice %arg9[%dma_wait3A_521, %dma_wait3A_522] : memref<2048x32xf32, #tpu.memory_space<vmem>> -> memref<128x32xf32, #tpu.memory_space<vmem>>
      %dma_wait3A_524 = arith.constant 0 : i32
      %dma_wait3A_525 = tpu.memref_slice %arg7[%dma_wait3A_520, %dma_wait3A_524] : memref<16x128xi32, #tpu.memory_space<vmem>> -> memref<1x128xi32, #tpu.memory_space<vmem>>
      %dma_wait3A_526 = tpu.memref_squeeze %dma_wait3A_525 : memref<1x128xi32, #tpu.memory_space<vmem>> -> memref<128xi32, #tpu.memory_space<vmem>>
      %dma_wait3A_527 = arith.constant 0 : i32
      %dma_wait3A_528 = arith.constant 0 : i32
      %dma_wait3A_529 = tpu.memref_slice %arg10[%dma_wait3A_527, %dma_wait3A_528] : memref<30080x32xf32, #tpu.memory_space<vmem_shared>> -> memref<30080x32xf32, #tpu.memory_space<vmem_shared>>
      tpu.wait_indirect_dma semaphore(%arg12 : memref<!tpu.dma_semaphore, #tpu.memory_space<semaphore_mem>>) src(%dma_wait3A_523 : memref<128x32xf32, #tpu.memory_space<vmem>>) dst(%dma_wait3A_529 : memref<30080x32xf32, #tpu.memory_space<vmem_shared>>)
      %dma_wait3A_530 = arith.constant 3 : i32
      %dma_wait3A_531 = arith.constant 384 : i32
      %dma_wait3A_532 = arith.constant 0 : i32
      %dma_wait3A_533 = tpu.memref_slice %arg9[%dma_wait3A_531, %dma_wait3A_532] : memref<2048x32xf32, #tpu.memory_space<vmem>> -> memref<128x32xf32, #tpu.memory_space<vmem>>
      %dma_wait3A_534 = arith.constant 0 : i32
      %dma_wait3A_535 = tpu.memref_slice %arg7[%dma_wait3A_530, %dma_wait3A_534] : memref<16x128xi32, #tpu.memory_space<vmem>> -> memref<1x128xi32, #tpu.memory_space<vmem>>
      %dma_wait3A_536 = tpu.memref_squeeze %dma_wait3A_535 : memref<1x128xi32, #tpu.memory_space<vmem>> -> memref<128xi32, #tpu.memory_space<vmem>>
      %dma_wait3A_537 = arith.constant 0 : i32
      %dma_wait3A_538 = arith.constant 0 : i32
      %dma_wait3A_539 = tpu.memref_slice %arg10[%dma_wait3A_537, %dma_wait3A_538] : memref<30080x32xf32, #tpu.memory_space<vmem_shared>> -> memref<30080x32xf32, #tpu.memory_space<vmem_shared>>
      tpu.wait_indirect_dma semaphore(%arg12 : memref<!tpu.dma_semaphore, #tpu.memory_space<semaphore_mem>>) src(%dma_wait3A_533 : memref<128x32xf32, #tpu.memory_space<vmem>>) dst(%dma_wait3A_539 : memref<30080x32xf32, #tpu.memory_space<vmem_shared>>)
      %dma_wait3A_540 = arith.constant 4 : i32
      %dma_wait3A_541 = arith.constant 512 : i32
      %dma_wait3A_542 = arith.constant 0 : i32
      %dma_wait3A_543 = tpu.memref_slice %arg9[%dma_wait3A_541, %dma_wait3A_542] : memref<2048x32xf32, #tpu.memory_space<vmem>> -> memref<128x32xf32, #tpu.memory_space<vmem>>
      %dma_wait3A_544 = arith.constant 0 : i32
      %dma_wait3A_545 = tpu.memref_slice %arg7[%dma_wait3A_540, %dma_wait3A_544] : memref<16x128xi32, #tpu.memory_space<vmem>> -> memref<1x128xi32, #tpu.memory_space<vmem>>
      %dma_wait3A_546 = tpu.memref_squeeze %dma_wait3A_545 : memref<1x128xi32, #tpu.memory_space<vmem>> -> memref<128xi32, #tpu.memory_space<vmem>>
      %dma_wait3A_547 = arith.constant 0 : i32
      %dma_wait3A_548 = arith.constant 0 : i32
      %dma_wait3A_549 = tpu.memref_slice %arg10[%dma_wait3A_547, %dma_wait3A_548] : memref<30080x32xf32, #tpu.memory_space<vmem_shared>> -> memref<30080x32xf32, #tpu.memory_space<vmem_shared>>
      tpu.wait_indirect_dma semaphore(%arg12 : memref<!tpu.dma_semaphore, #tpu.memory_space<semaphore_mem>>) src(%dma_wait3A_543 : memref<128x32xf32, #tpu.memory_space<vmem>>) dst(%dma_wait3A_549 : memref<30080x32xf32, #tpu.memory_space<vmem_shared>>)
      %dma_wait3A_550 = arith.constant 5 : i32
      %dma_wait3A_551 = arith.constant 640 : i32
      %dma_wait3A_552 = arith.constant 0 : i32
      %dma_wait3A_553 = tpu.memref_slice %arg9[%dma_wait3A_551, %dma_wait3A_552] : memref<2048x32xf32, #tpu.memory_space<vmem>> -> memref<128x32xf32, #tpu.memory_space<vmem>>
      %dma_wait3A_554 = arith.constant 0 : i32
      %dma_wait3A_555 = tpu.memref_slice %arg7[%dma_wait3A_550, %dma_wait3A_554] : memref<16x128xi32, #tpu.memory_space<vmem>> -> memref<1x128xi32, #tpu.memory_space<vmem>>
      %dma_wait3A_556 = tpu.memref_squeeze %dma_wait3A_555 : memref<1x128xi32, #tpu.memory_space<vmem>> -> memref<128xi32, #tpu.memory_space<vmem>>
      %dma_wait3A_557 = arith.constant 0 : i32
      %dma_wait3A_558 = arith.constant 0 : i32
      %dma_wait3A_559 = tpu.memref_slice %arg10[%dma_wait3A_557, %dma_wait3A_558] : memref<30080x32xf32, #tpu.memory_space<vmem_shared>> -> memref<30080x32xf32, #tpu.memory_space<vmem_shared>>
      tpu.wait_indirect_dma semaphore(%arg12 : memref<!tpu.dma_semaphore, #tpu.memory_space<semaphore_mem>>) src(%dma_wait3A_553 : memref<128x32xf32, #tpu.memory_space<vmem>>) dst(%dma_wait3A_559 : memref<30080x32xf32, #tpu.memory_space<vmem_shared>>)
      %dma_wait3A_560 = arith.constant 6 : i32
      %dma_wait3A_561 = arith.constant 768 : i32
      %dma_wait3A_562 = arith.constant 0 : i32
      %dma_wait3A_563 = tpu.memref_slice %arg9[%dma_wait3A_561, %dma_wait3A_562] : memref<2048x32xf32, #tpu.memory_space<vmem>> -> memref<128x32xf32, #tpu.memory_space<vmem>>
      %dma_wait3A_564 = arith.constant 0 : i32
      %dma_wait3A_565 = tpu.memref_slice %arg7[%dma_wait3A_560, %dma_wait3A_564] : memref<16x128xi32, #tpu.memory_space<vmem>> -> memref<1x128xi32, #tpu.memory_space<vmem>>
      %dma_wait3A_566 = tpu.memref_squeeze %dma_wait3A_565 : memref<1x128xi32, #tpu.memory_space<vmem>> -> memref<128xi32, #tpu.memory_space<vmem>>
      %dma_wait3A_567 = arith.constant 0 : i32
      %dma_wait3A_568 = arith.constant 0 : i32
      %dma_wait3A_569 = tpu.memref_slice %arg10[%dma_wait3A_567, %dma_wait3A_568] : memref<30080x32xf32, #tpu.memory_space<vmem_shared>> -> memref<30080x32xf32, #tpu.memory_space<vmem_shared>>
      tpu.wait_indirect_dma semaphore(%arg12 : memref<!tpu.dma_semaphore, #tpu.memory_space<semaphore_mem>>) src(%dma_wait3A_563 : memref<128x32xf32, #tpu.memory_space<vmem>>) dst(%dma_wait3A_569 : memref<30080x32xf32, #tpu.memory_space<vmem_shared>>)
      %dma_wait3A_570 = arith.constant 7 : i32
      %dma_wait3A_571 = arith.constant 896 : i32
      %dma_wait3A_572 = arith.constant 0 : i32
      %dma_wait3A_573 = tpu.memref_slice %arg9[%dma_wait3A_571, %dma_wait3A_572] : memref<2048x32xf32, #tpu.memory_space<vmem>> -> memref<128x32xf32, #tpu.memory_space<vmem>>
      %dma_wait3A_574 = arith.constant 0 : i32
      %dma_wait3A_575 = tpu.memref_slice %arg7[%dma_wait3A_570, %dma_wait3A_574] : memref<16x128xi32, #tpu.memory_space<vmem>> -> memref<1x128xi32, #tpu.memory_space<vmem>>
      %dma_wait3A_576 = tpu.memref_squeeze %dma_wait3A_575 : memref<1x128xi32, #tpu.memory_space<vmem>> -> memref<128xi32, #tpu.memory_space<vmem>>
      %dma_wait3A_577 = arith.constant 0 : i32
      %dma_wait3A_578 = arith.constant 0 : i32
      %dma_wait3A_579 = tpu.memref_slice %arg10[%dma_wait3A_577, %dma_wait3A_578] : memref<30080x32xf32, #tpu.memory_space<vmem_shared>> -> memref<30080x32xf32, #tpu.memory_space<vmem_shared>>
      tpu.wait_indirect_dma semaphore(%arg12 : memref<!tpu.dma_semaphore, #tpu.memory_space<semaphore_mem>>) src(%dma_wait3A_573 : memref<128x32xf32, #tpu.memory_space<vmem>>) dst(%dma_wait3A_579 : memref<30080x32xf32, #tpu.memory_space<vmem_shared>>)
      %dma_wait3A_580 = arith.constant 8 : i32
      %dma_wait3A_581 = arith.constant 1024 : i32
      %dma_wait3A_582 = arith.constant 0 : i32
      %dma_wait3A_583 = tpu.memref_slice %arg9[%dma_wait3A_581, %dma_wait3A_582] : memref<2048x32xf32, #tpu.memory_space<vmem>> -> memref<128x32xf32, #tpu.memory_space<vmem>>
      %dma_wait3A_584 = arith.constant 0 : i32
      %dma_wait3A_585 = tpu.memref_slice %arg7[%dma_wait3A_580, %dma_wait3A_584] : memref<16x128xi32, #tpu.memory_space<vmem>> -> memref<1x128xi32, #tpu.memory_space<vmem>>
      %dma_wait3A_586 = tpu.memref_squeeze %dma_wait3A_585 : memref<1x128xi32, #tpu.memory_space<vmem>> -> memref<128xi32, #tpu.memory_space<vmem>>
      %dma_wait3A_587 = arith.constant 0 : i32
      %dma_wait3A_588 = arith.constant 0 : i32
      %dma_wait3A_589 = tpu.memref_slice %arg10[%dma_wait3A_587, %dma_wait3A_588] : memref<30080x32xf32, #tpu.memory_space<vmem_shared>> -> memref<30080x32xf32, #tpu.memory_space<vmem_shared>>
      tpu.wait_indirect_dma semaphore(%arg12 : memref<!tpu.dma_semaphore, #tpu.memory_space<semaphore_mem>>) src(%dma_wait3A_583 : memref<128x32xf32, #tpu.memory_space<vmem>>) dst(%dma_wait3A_589 : memref<30080x32xf32, #tpu.memory_space<vmem_shared>>)
      %dma_wait3A_590 = arith.constant 9 : i32
      %dma_wait3A_591 = arith.constant 1152 : i32
      %dma_wait3A_592 = arith.constant 0 : i32
      %dma_wait3A_593 = tpu.memref_slice %arg9[%dma_wait3A_591, %dma_wait3A_592] : memref<2048x32xf32, #tpu.memory_space<vmem>> -> memref<128x32xf32, #tpu.memory_space<vmem>>
      %dma_wait3A_594 = arith.constant 0 : i32
      %dma_wait3A_595 = tpu.memref_slice %arg7[%dma_wait3A_590, %dma_wait3A_594] : memref<16x128xi32, #tpu.memory_space<vmem>> -> memref<1x128xi32, #tpu.memory_space<vmem>>
      %dma_wait3A_596 = tpu.memref_squeeze %dma_wait3A_595 : memref<1x128xi32, #tpu.memory_space<vmem>> -> memref<128xi32, #tpu.memory_space<vmem>>
      %dma_wait3A_597 = arith.constant 0 : i32
      %dma_wait3A_598 = arith.constant 0 : i32
      %dma_wait3A_599 = tpu.memref_slice %arg10[%dma_wait3A_597, %dma_wait3A_598] : memref<30080x32xf32, #tpu.memory_space<vmem_shared>> -> memref<30080x32xf32, #tpu.memory_space<vmem_shared>>
      tpu.wait_indirect_dma semaphore(%arg12 : memref<!tpu.dma_semaphore, #tpu.memory_space<semaphore_mem>>) src(%dma_wait3A_593 : memref<128x32xf32, #tpu.memory_space<vmem>>) dst(%dma_wait3A_599 : memref<30080x32xf32, #tpu.memory_space<vmem_shared>>)
      %dma_wait3A_600 = arith.constant 10 : i32
      %dma_wait3A_601 = arith.constant 1280 : i32
      %dma_wait3A_602 = arith.constant 0 : i32
      %dma_wait3A_603 = tpu.memref_slice %arg9[%dma_wait3A_601, %dma_wait3A_602] : memref<2048x32xf32, #tpu.memory_space<vmem>> -> memref<128x32xf32, #tpu.memory_space<vmem>>
      %dma_wait3A_604 = arith.constant 0 : i32
      %dma_wait3A_605 = tpu.memref_slice %arg7[%dma_wait3A_600, %dma_wait3A_604] : memref<16x128xi32, #tpu.memory_space<vmem>> -> memref<1x128xi32, #tpu.memory_space<vmem>>
      %dma_wait3A_606 = tpu.memref_squeeze %dma_wait3A_605 : memref<1x128xi32, #tpu.memory_space<vmem>> -> memref<128xi32, #tpu.memory_space<vmem>>
      %dma_wait3A_607 = arith.constant 0 : i32
      %dma_wait3A_608 = arith.constant 0 : i32
      %dma_wait3A_609 = tpu.memref_slice %arg10[%dma_wait3A_607, %dma_wait3A_608] : memref<30080x32xf32, #tpu.memory_space<vmem_shared>> -> memref<30080x32xf32, #tpu.memory_space<vmem_shared>>
      tpu.wait_indirect_dma semaphore(%arg12 : memref<!tpu.dma_semaphore, #tpu.memory_space<semaphore_mem>>) src(%dma_wait3A_603 : memref<128x32xf32, #tpu.memory_space<vmem>>) dst(%dma_wait3A_609 : memref<30080x32xf32, #tpu.memory_space<vmem_shared>>)
      %dma_wait3A_610 = arith.constant 11 : i32
      %dma_wait3A_611 = arith.constant 1408 : i32
      %dma_wait3A_612 = arith.constant 0 : i32
      %dma_wait3A_613 = tpu.memref_slice %arg9[%dma_wait3A_611, %dma_wait3A_612] : memref<2048x32xf32, #tpu.memory_space<vmem>> -> memref<128x32xf32, #tpu.memory_space<vmem>>
      %dma_wait3A_614 = arith.constant 0 : i32
      %dma_wait3A_615 = tpu.memref_slice %arg7[%dma_wait3A_610, %dma_wait3A_614] : memref<16x128xi32, #tpu.memory_space<vmem>> -> memref<1x128xi32, #tpu.memory_space<vmem>>
      %dma_wait3A_616 = tpu.memref_squeeze %dma_wait3A_615 : memref<1x128xi32, #tpu.memory_space<vmem>> -> memref<128xi32, #tpu.memory_space<vmem>>
      %dma_wait3A_617 = arith.constant 0 : i32
      %dma_wait3A_618 = arith.constant 0 : i32
      %dma_wait3A_619 = tpu.memref_slice %arg10[%dma_wait3A_617, %dma_wait3A_618] : memref<30080x32xf32, #tpu.memory_space<vmem_shared>> -> memref<30080x32xf32, #tpu.memory_space<vmem_shared>>
      tpu.wait_indirect_dma semaphore(%arg12 : memref<!tpu.dma_semaphore, #tpu.memory_space<semaphore_mem>>) src(%dma_wait3A_613 : memref<128x32xf32, #tpu.memory_space<vmem>>) dst(%dma_wait3A_619 : memref<30080x32xf32, #tpu.memory_space<vmem_shared>>)
      %dma_wait3A_620 = arith.constant 12 : i32
      %dma_wait3A_621 = arith.constant 1536 : i32
      %dma_wait3A_622 = arith.constant 0 : i32
      %dma_wait3A_623 = tpu.memref_slice %arg9[%dma_wait3A_621, %dma_wait3A_622] : memref<2048x32xf32, #tpu.memory_space<vmem>> -> memref<128x32xf32, #tpu.memory_space<vmem>>
      %dma_wait3A_624 = arith.constant 0 : i32
      %dma_wait3A_625 = tpu.memref_slice %arg7[%dma_wait3A_620, %dma_wait3A_624] : memref<16x128xi32, #tpu.memory_space<vmem>> -> memref<1x128xi32, #tpu.memory_space<vmem>>
      %dma_wait3A_626 = tpu.memref_squeeze %dma_wait3A_625 : memref<1x128xi32, #tpu.memory_space<vmem>> -> memref<128xi32, #tpu.memory_space<vmem>>
      %dma_wait3A_627 = arith.constant 0 : i32
      %dma_wait3A_628 = arith.constant 0 : i32
      %dma_wait3A_629 = tpu.memref_slice %arg10[%dma_wait3A_627, %dma_wait3A_628] : memref<30080x32xf32, #tpu.memory_space<vmem_shared>> -> memref<30080x32xf32, #tpu.memory_space<vmem_shared>>
      tpu.wait_indirect_dma semaphore(%arg12 : memref<!tpu.dma_semaphore, #tpu.memory_space<semaphore_mem>>) src(%dma_wait3A_623 : memref<128x32xf32, #tpu.memory_space<vmem>>) dst(%dma_wait3A_629 : memref<30080x32xf32, #tpu.memory_space<vmem_shared>>)
      %dma_wait3A_630 = arith.constant 13 : i32
      %dma_wait3A_631 = arith.constant 1664 : i32
      %dma_wait3A_632 = arith.constant 0 : i32
      %dma_wait3A_633 = tpu.memref_slice %arg9[%dma_wait3A_631, %dma_wait3A_632] : memref<2048x32xf32, #tpu.memory_space<vmem>> -> memref<128x32xf32, #tpu.memory_space<vmem>>
      %dma_wait3A_634 = arith.constant 0 : i32
      %dma_wait3A_635 = tpu.memref_slice %arg7[%dma_wait3A_630, %dma_wait3A_634] : memref<16x128xi32, #tpu.memory_space<vmem>> -> memref<1x128xi32, #tpu.memory_space<vmem>>
      %dma_wait3A_636 = tpu.memref_squeeze %dma_wait3A_635 : memref<1x128xi32, #tpu.memory_space<vmem>> -> memref<128xi32, #tpu.memory_space<vmem>>
      %dma_wait3A_637 = arith.constant 0 : i32
      %dma_wait3A_638 = arith.constant 0 : i32
      %dma_wait3A_639 = tpu.memref_slice %arg10[%dma_wait3A_637, %dma_wait3A_638] : memref<30080x32xf32, #tpu.memory_space<vmem_shared>> -> memref<30080x32xf32, #tpu.memory_space<vmem_shared>>
      tpu.wait_indirect_dma semaphore(%arg12 : memref<!tpu.dma_semaphore, #tpu.memory_space<semaphore_mem>>) src(%dma_wait3A_633 : memref<128x32xf32, #tpu.memory_space<vmem>>) dst(%dma_wait3A_639 : memref<30080x32xf32, #tpu.memory_space<vmem_shared>>)
      %dma_wait3A_640 = arith.constant 14 : i32
      %dma_wait3A_641 = arith.constant 1792 : i32
      %dma_wait3A_642 = arith.constant 0 : i32
      %dma_wait3A_643 = tpu.memref_slice %arg9[%dma_wait3A_641, %dma_wait3A_642] : memref<2048x32xf32, #tpu.memory_space<vmem>> -> memref<128x32xf32, #tpu.memory_space<vmem>>
      %dma_wait3A_644 = arith.constant 0 : i32
      %dma_wait3A_645 = tpu.memref_slice %arg7[%dma_wait3A_640, %dma_wait3A_644] : memref<16x128xi32, #tpu.memory_space<vmem>> -> memref<1x128xi32, #tpu.memory_space<vmem>>
      %dma_wait3A_646 = tpu.memref_squeeze %dma_wait3A_645 : memref<1x128xi32, #tpu.memory_space<vmem>> -> memref<128xi32, #tpu.memory_space<vmem>>
      %dma_wait3A_647 = arith.constant 0 : i32
      %dma_wait3A_648 = arith.constant 0 : i32
      %dma_wait3A_649 = tpu.memref_slice %arg10[%dma_wait3A_647, %dma_wait3A_648] : memref<30080x32xf32, #tpu.memory_space<vmem_shared>> -> memref<30080x32xf32, #tpu.memory_space<vmem_shared>>
      tpu.wait_indirect_dma semaphore(%arg12 : memref<!tpu.dma_semaphore, #tpu.memory_space<semaphore_mem>>) src(%dma_wait3A_643 : memref<128x32xf32, #tpu.memory_space<vmem>>) dst(%dma_wait3A_649 : memref<30080x32xf32, #tpu.memory_space<vmem_shared>>)
      %dma_wait3A_650 = arith.constant 15 : i32
      %dma_wait3A_651 = arith.constant 1920 : i32
      %dma_wait3A_652 = arith.constant 0 : i32
      %dma_wait3A_653 = tpu.memref_slice %arg9[%dma_wait3A_651, %dma_wait3A_652] : memref<2048x32xf32, #tpu.memory_space<vmem>> -> memref<128x32xf32, #tpu.memory_space<vmem>>
      %dma_wait3A_654 = arith.constant 0 : i32
      %dma_wait3A_655 = tpu.memref_slice %arg7[%dma_wait3A_650, %dma_wait3A_654] : memref<16x128xi32, #tpu.memory_space<vmem>> -> memref<1x128xi32, #tpu.memory_space<vmem>>
      %dma_wait3A_656 = tpu.memref_squeeze %dma_wait3A_655 : memref<1x128xi32, #tpu.memory_space<vmem>> -> memref<128xi32, #tpu.memory_space<vmem>>
      %dma_wait3A_657 = arith.constant 0 : i32
      %dma_wait3A_658 = arith.constant 0 : i32
      %dma_wait3A_659 = tpu.memref_slice %arg10[%dma_wait3A_657, %dma_wait3A_658] : memref<30080x32xf32, #tpu.memory_space<vmem_shared>> -> memref<30080x32xf32, #tpu.memory_space<vmem_shared>>
      tpu.wait_indirect_dma semaphore(%arg12 : memref<!tpu.dma_semaphore, #tpu.memory_space<semaphore_mem>>) src(%dma_wait3A_653 : memref<128x32xf32, #tpu.memory_space<vmem>>) dst(%dma_wait3A_659 : memref<30080x32xf32, #tpu.memory_space<vmem_shared>>)
    }
    %scan3A_5 = arith.constant 10 : i32
    %barrier3A_6 = arith.constant 0 : index
    tpu.barrier barrier_id(%barrier3A_6)
    %mul3A_7 = arith.constant 1880 : i32
    %mul3A_8 = arith.muli %arg1, %mul3A_7 : i32
    %mul3A_9 = arith.constant 30080 : i32
    %mul3A_10 = arith.muli %arg0, %mul3A_9 : i32
    %mul3A_11 = arith.constant 1880 : i32
    %mul3A_12 = arith.muli %arg1, %mul3A_11 : i32
    %add3A = arith.addi %mul3A_10, %mul3A_12 : i32
    "tpu.region"() ({
      %run_scoped3A = tpu.sem_alloc : memref<!tpu.dma_semaphore, #tpu.memory_space<semaphore_mem>>
      %dma_start3A = arith.constant 0 : i32
      %dma_start3A_13 = tpu.memref_slice %arg6[%add3A, %dma_start3A] : memref<60160x32xf32, #tpu.memory_space<hbm>> -> memref<1880x32xf32, #tpu.memory_space<hbm>>
      %dma_start3A_14 = arith.constant 0 : i32
      %dma_start3A_15 = tpu.memref_slice %arg10[%mul3A_8, %dma_start3A_14] : memref<30080x32xf32, #tpu.memory_space<vmem_shared>> -> memref<1880x32xf32, #tpu.memory_space<vmem_shared>>
      tpu.enqueue_dma source(%dma_start3A_15 : memref<1880x32xf32, #tpu.memory_space<vmem_shared>>) target(%dma_start3A_13 : memref<1880x32xf32, #tpu.memory_space<hbm>>) target_semaphore(%run_scoped3A : memref<!tpu.dma_semaphore, #tpu.memory_space<semaphore_mem>>)
      %dma_wait3A = arith.constant 0 : i32
      %dma_wait3A_16 = tpu.memref_slice %arg6[%add3A, %dma_wait3A] : memref<60160x32xf32, #tpu.memory_space<hbm>> -> memref<1880x32xf32, #tpu.memory_space<hbm>>
      %dma_wait3A_17 = arith.constant 0 : i32
      %dma_wait3A_18 = tpu.memref_slice %arg10[%mul3A_8, %dma_wait3A_17] : memref<30080x32xf32, #tpu.memory_space<vmem_shared>> -> memref<1880x32xf32, #tpu.memory_space<vmem_shared>>
      tpu.wait_dma2 semaphore(%run_scoped3A : memref<!tpu.dma_semaphore, #tpu.memory_space<semaphore_mem>>) src(%dma_wait3A_18 : memref<1880x32xf32, #tpu.memory_space<vmem_shared>>) dst(%dma_wait3A_16 : memref<1880x32xf32, #tpu.memory_space<hbm>>)
      tpu.yield
    }) : () -> ()
    return
  }
}

#map = affine_map<(d0, d1) -> (0, 0)>
module attributes {stable_mosaic.version = 14 : i64} {
  func.func @k(%arg0: i32, %arg1: i32, %arg2: memref<20000x48xf32, #tpu.memory_space<hbm>>, %arg3: memref<5120x128xi32, #tpu.memory_space<hbm>>, %arg4: memref<2560x128xi32, #tpu.memory_space<hbm>>, %arg5: memref<1880x48xf32, #tpu.memory_space<hbm>>, %arg6: memref<60160x48xf32, #tpu.memory_space<hbm>>, %arg7: memref<5x128xi32, #tpu.memory_space<vmem>>, %arg8: memref<5x128xi32, #tpu.memory_space<vmem>>, %arg9: memref<640x48xf32, #tpu.memory_space<vmem>>, %arg10: memref<30080x48xf32, #tpu.memory_space<vmem_shared>>, %arg11: memref<!tpu.dma_semaphore, #tpu.memory_space<semaphore_mem>>, %arg12: memref<!tpu.dma_semaphore, #tpu.memory_space<semaphore_mem>>) attributes {dimension_semantics = [#tpu.dimension_semantics<core_parallel>, #tpu.dimension_semantics<subcore_parallel>], iteration_bounds = array<i64: 2, 16>, scalar_prefetch = 0 : i64, scratch_operands = 6 : i64, tpu.core_type = #tpu.core_type<sc_vector_subcore>, window_params = [{transform_indices = #map}, {transform_indices = #map}, {transform_indices = #map}, {transform_indices = #map}, {transform_indices = #map}]} {
    %mul3A = arith.constant 1880 : i32
    %mul3A_0 = arith.muli %arg1, %mul3A : i32
    "tpu.region"() ({
      %run_scoped3A = tpu.sem_alloc : memref<!tpu.dma_semaphore, #tpu.memory_space<semaphore_mem>>
      %dma_start3A = arith.constant 0 : i32
      %dma_start3A_13 = tpu.memref_slice %arg10[%mul3A_0, %dma_start3A] : memref<30080x48xf32, #tpu.memory_space<vmem_shared>> -> memref<1880x48xf32, #tpu.memory_space<vmem_shared>>
      tpu.enqueue_dma source(%arg5 : memref<1880x48xf32, #tpu.memory_space<hbm>>) target(%dma_start3A_13 : memref<1880x48xf32, #tpu.memory_space<vmem_shared>>) target_semaphore(%run_scoped3A : memref<!tpu.dma_semaphore, #tpu.memory_space<semaphore_mem>>)
      %dma_wait3A = arith.constant 0 : i32
      %dma_wait3A_14 = tpu.memref_slice %arg10[%mul3A_0, %dma_wait3A] : memref<30080x48xf32, #tpu.memory_space<vmem_shared>> -> memref<1880x48xf32, #tpu.memory_space<vmem_shared>>
      tpu.wait_dma2 semaphore(%run_scoped3A : memref<!tpu.dma_semaphore, #tpu.memory_space<semaphore_mem>>) src(%arg5 : memref<1880x48xf32, #tpu.memory_space<hbm>>) dst(%dma_wait3A_14 : memref<1880x48xf32, #tpu.memory_space<vmem_shared>>)
      tpu.yield
    }) : () -> ()
    %barrier3A = arith.constant 0 : index
    tpu.barrier barrier_id(%barrier3A)
    %scan3A = arith.constant 0 : i32
    %scan3A_1 = arith.constant 0 : i32
    %scan3A_2 = arith.constant 32 : i32
    %scan3A_3 = arith.addi %scan3A_1, %scan3A_2 : i32
    %scan3A_4 = arith.constant 1 : i32
    scf.for %scan3A_13 = %scan3A_1 to %scan3A_3 step %scan3A_4  : i32 {
      %mul3A_14 = arith.constant 160 : i32
      %mul3A_15 = arith.muli %arg1, %mul3A_14 : i32
      %mul3A_16 = arith.constant 5 : i32
      %mul3A_17 = arith.muli %scan3A_13, %mul3A_16 : i32
      %add3A_18 = arith.addi %mul3A_15, %mul3A_17 : i32
      "tpu.region"() ({
        %run_scoped3A = tpu.sem_alloc : memref<!tpu.dma_semaphore, #tpu.memory_space<semaphore_mem>>
        %dma_start3A_220 = arith.constant 0 : i32
        %dma_start3A_221 = tpu.memref_slice %arg4[%add3A_18, %dma_start3A_220] : memref<2560x128xi32, #tpu.memory_space<hbm>> -> memref<5x128xi32, #tpu.memory_space<hbm>>
        %dma_start3A_222 = arith.constant 0 : i32
        %dma_start3A_223 = tpu.memref_slice %arg4[%add3A_18, %dma_start3A_222] : memref<2560x128xi32, #tpu.memory_space<hbm>> -> memref<5x128xi32, #tpu.memory_space<hbm>>
        tpu.enqueue_dma source(%dma_start3A_223 : memref<5x128xi32, #tpu.memory_space<hbm>>) target(%arg7 : memref<5x128xi32, #tpu.memory_space<vmem>>) target_semaphore(%run_scoped3A : memref<!tpu.dma_semaphore, #tpu.memory_space<semaphore_mem>>)
        %dma_wait3A_224 = arith.constant 0 : i32
        %dma_wait3A_225 = tpu.memref_slice %arg4[%add3A_18, %dma_wait3A_224] : memref<2560x128xi32, #tpu.memory_space<hbm>> -> memref<5x128xi32, #tpu.memory_space<hbm>>
        %dma_wait3A_226 = arith.constant 0 : i32
        %dma_wait3A_227 = tpu.memref_slice %arg4[%add3A_18, %dma_wait3A_226] : memref<2560x128xi32, #tpu.memory_space<hbm>> -> memref<5x128xi32, #tpu.memory_space<hbm>>
        tpu.wait_dma2 semaphore(%run_scoped3A : memref<!tpu.dma_semaphore, #tpu.memory_space<semaphore_mem>>) src(%dma_wait3A_227 : memref<5x128xi32, #tpu.memory_space<hbm>>) dst(%arg7 : memref<5x128xi32, #tpu.memory_space<vmem>>)
        tpu.yield
      }) : () -> ()
      %mul3A_19 = arith.constant 2560 : i32
      %mul3A_20 = arith.muli %arg0, %mul3A_19 : i32
      %add3A_21 = arith.addi %mul3A_20, %add3A_18 : i32
      "tpu.region"() ({
        %run_scoped3A = tpu.sem_alloc : memref<!tpu.dma_semaphore, #tpu.memory_space<semaphore_mem>>
        %dma_start3A_220 = arith.constant 0 : i32
        %dma_start3A_221 = tpu.memref_slice %arg3[%add3A_21, %dma_start3A_220] : memref<5120x128xi32, #tpu.memory_space<hbm>> -> memref<5x128xi32, #tpu.memory_space<hbm>>
        %dma_start3A_222 = arith.constant 0 : i32
        %dma_start3A_223 = tpu.memref_slice %arg3[%add3A_21, %dma_start3A_222] : memref<5120x128xi32, #tpu.memory_space<hbm>> -> memref<5x128xi32, #tpu.memory_space<hbm>>
        tpu.enqueue_dma source(%dma_start3A_223 : memref<5x128xi32, #tpu.memory_space<hbm>>) target(%arg8 : memref<5x128xi32, #tpu.memory_space<vmem>>) target_semaphore(%run_scoped3A : memref<!tpu.dma_semaphore, #tpu.memory_space<semaphore_mem>>)
        %dma_wait3A_224 = arith.constant 0 : i32
        %dma_wait3A_225 = tpu.memref_slice %arg3[%add3A_21, %dma_wait3A_224] : memref<5120x128xi32, #tpu.memory_space<hbm>> -> memref<5x128xi32, #tpu.memory_space<hbm>>
        %dma_wait3A_226 = arith.constant 0 : i32
        %dma_wait3A_227 = tpu.memref_slice %arg3[%add3A_21, %dma_wait3A_226] : memref<5120x128xi32, #tpu.memory_space<hbm>> -> memref<5x128xi32, #tpu.memory_space<hbm>>
        tpu.wait_dma2 semaphore(%run_scoped3A : memref<!tpu.dma_semaphore, #tpu.memory_space<semaphore_mem>>) src(%dma_wait3A_227 : memref<5x128xi32, #tpu.memory_space<hbm>>) dst(%arg8 : memref<5x128xi32, #tpu.memory_space<vmem>>)
        tpu.yield
      }) : () -> ()
      %dma_start3A = arith.constant 0 : i32
      %dma_start3A_22 = arith.constant 0 : i32
      %dma_start3A_23 = arith.constant 0 : i32
      %dma_start3A_24 = tpu.memref_slice %arg9[%dma_start3A_22, %dma_start3A_23] : memref<640x48xf32, #tpu.memory_space<vmem>> -> memref<128x48xf32, #tpu.memory_space<vmem>>
      %dma_start3A_25 = arith.constant 0 : i32
      %dma_start3A_26 = tpu.memref_slice %arg8[%dma_start3A, %dma_start3A_25] : memref<5x128xi32, #tpu.memory_space<vmem>> -> memref<1x128xi32, #tpu.memory_space<vmem>>
      %dma_start3A_27 = tpu.memref_squeeze %dma_start3A_26 : memref<1x128xi32, #tpu.memory_space<vmem>> -> memref<128xi32, #tpu.memory_space<vmem>>
      %dma_start3A_28 = arith.constant 0 : i32
      %dma_start3A_29 = arith.constant 0 : i32
      %dma_start3A_30 = tpu.memref_slice %arg2[%dma_start3A_28, %dma_start3A_29] : memref<20000x48xf32, #tpu.memory_space<hbm>> -> memref<20000x48xf32, #tpu.memory_space<hbm>>
      tpu.enqueue_indirect_dma source(%dma_start3A_30 : memref<20000x48xf32, #tpu.memory_space<hbm>>) target(%dma_start3A_24 : memref<128x48xf32, #tpu.memory_space<vmem>>) offsets(%dma_start3A_27 : memref<128xi32, #tpu.memory_space<vmem>>) semaphore(%arg11 : memref<!tpu.dma_semaphore, #tpu.memory_space<semaphore_mem>>)
      %dma_start3A_31 = arith.constant 1 : i32
      %dma_start3A_32 = arith.constant 128 : i32
      %dma_start3A_33 = arith.constant 0 : i32
      %dma_start3A_34 = tpu.memref_slice %arg9[%dma_start3A_32, %dma_start3A_33] : memref<640x48xf32, #tpu.memory_space<vmem>> -> memref<128x48xf32, #tpu.memory_space<vmem>>
      %dma_start3A_35 = arith.constant 0 : i32
      %dma_start3A_36 = tpu.memref_slice %arg8[%dma_start3A_31, %dma_start3A_35] : memref<5x128xi32, #tpu.memory_space<vmem>> -> memref<1x128xi32, #tpu.memory_space<vmem>>
      %dma_start3A_37 = tpu.memref_squeeze %dma_start3A_36 : memref<1x128xi32, #tpu.memory_space<vmem>> -> memref<128xi32, #tpu.memory_space<vmem>>
      %dma_start3A_38 = arith.constant 0 : i32
      %dma_start3A_39 = arith.constant 0 : i32
      %dma_start3A_40 = tpu.memref_slice %arg2[%dma_start3A_38, %dma_start3A_39] : memref<20000x48xf32, #tpu.memory_space<hbm>> -> memref<20000x48xf32, #tpu.memory_space<hbm>>
      tpu.enqueue_indirect_dma source(%dma_start3A_40 : memref<20000x48xf32, #tpu.memory_space<hbm>>) target(%dma_start3A_34 : memref<128x48xf32, #tpu.memory_space<vmem>>) offsets(%dma_start3A_37 : memref<128xi32, #tpu.memory_space<vmem>>) semaphore(%arg11 : memref<!tpu.dma_semaphore, #tpu.memory_space<semaphore_mem>>)
      %dma_start3A_41 = arith.constant 2 : i32
      %dma_start3A_42 = arith.constant 256 : i32
      %dma_start3A_43 = arith.constant 0 : i32
      %dma_start3A_44 = tpu.memref_slice %arg9[%dma_start3A_42, %dma_start3A_43] : memref<640x48xf32, #tpu.memory_space<vmem>> -> memref<128x48xf32, #tpu.memory_space<vmem>>
      %dma_start3A_45 = arith.constant 0 : i32
      %dma_start3A_46 = tpu.memref_slice %arg8[%dma_start3A_41, %dma_start3A_45] : memref<5x128xi32, #tpu.memory_space<vmem>> -> memref<1x128xi32, #tpu.memory_space<vmem>>
      %dma_start3A_47 = tpu.memref_squeeze %dma_start3A_46 : memref<1x128xi32, #tpu.memory_space<vmem>> -> memref<128xi32, #tpu.memory_space<vmem>>
      %dma_start3A_48 = arith.constant 0 : i32
      %dma_start3A_49 = arith.constant 0 : i32
      %dma_start3A_50 = tpu.memref_slice %arg2[%dma_start3A_48, %dma_start3A_49] : memref<20000x48xf32, #tpu.memory_space<hbm>> -> memref<20000x48xf32, #tpu.memory_space<hbm>>
      tpu.enqueue_indirect_dma source(%dma_start3A_50 : memref<20000x48xf32, #tpu.memory_space<hbm>>) target(%dma_start3A_44 : memref<128x48xf32, #tpu.memory_space<vmem>>) offsets(%dma_start3A_47 : memref<128xi32, #tpu.memory_space<vmem>>) semaphore(%arg11 : memref<!tpu.dma_semaphore, #tpu.memory_space<semaphore_mem>>)
      %dma_start3A_51 = arith.constant 3 : i32
      %dma_start3A_52 = arith.constant 384 : i32
      %dma_start3A_53 = arith.constant 0 : i32
      %dma_start3A_54 = tpu.memref_slice %arg9[%dma_start3A_52, %dma_start3A_53] : memref<640x48xf32, #tpu.memory_space<vmem>> -> memref<128x48xf32, #tpu.memory_space<vmem>>
      %dma_start3A_55 = arith.constant 0 : i32
      %dma_start3A_56 = tpu.memref_slice %arg8[%dma_start3A_51, %dma_start3A_55] : memref<5x128xi32, #tpu.memory_space<vmem>> -> memref<1x128xi32, #tpu.memory_space<vmem>>
      %dma_start3A_57 = tpu.memref_squeeze %dma_start3A_56 : memref<1x128xi32, #tpu.memory_space<vmem>> -> memref<128xi32, #tpu.memory_space<vmem>>
      %dma_start3A_58 = arith.constant 0 : i32
      %dma_start3A_59 = arith.constant 0 : i32
      %dma_start3A_60 = tpu.memref_slice %arg2[%dma_start3A_58, %dma_start3A_59] : memref<20000x48xf32, #tpu.memory_space<hbm>> -> memref<20000x48xf32, #tpu.memory_space<hbm>>
      tpu.enqueue_indirect_dma source(%dma_start3A_60 : memref<20000x48xf32, #tpu.memory_space<hbm>>) target(%dma_start3A_54 : memref<128x48xf32, #tpu.memory_space<vmem>>) offsets(%dma_start3A_57 : memref<128xi32, #tpu.memory_space<vmem>>) semaphore(%arg11 : memref<!tpu.dma_semaphore, #tpu.memory_space<semaphore_mem>>)
      %dma_start3A_61 = arith.constant 4 : i32
      %dma_start3A_62 = arith.constant 512 : i32
      %dma_start3A_63 = arith.constant 0 : i32
      %dma_start3A_64 = tpu.memref_slice %arg9[%dma_start3A_62, %dma_start3A_63] : memref<640x48xf32, #tpu.memory_space<vmem>> -> memref<128x48xf32, #tpu.memory_space<vmem>>
      %dma_start3A_65 = arith.constant 0 : i32
      %dma_start3A_66 = tpu.memref_slice %arg8[%dma_start3A_61, %dma_start3A_65] : memref<5x128xi32, #tpu.memory_space<vmem>> -> memref<1x128xi32, #tpu.memory_space<vmem>>
      %dma_start3A_67 = tpu.memref_squeeze %dma_start3A_66 : memref<1x128xi32, #tpu.memory_space<vmem>> -> memref<128xi32, #tpu.memory_space<vmem>>
      %dma_start3A_68 = arith.constant 0 : i32
      %dma_start3A_69 = arith.constant 0 : i32
      %dma_start3A_70 = tpu.memref_slice %arg2[%dma_start3A_68, %dma_start3A_69] : memref<20000x48xf32, #tpu.memory_space<hbm>> -> memref<20000x48xf32, #tpu.memory_space<hbm>>
      tpu.enqueue_indirect_dma source(%dma_start3A_70 : memref<20000x48xf32, #tpu.memory_space<hbm>>) target(%dma_start3A_64 : memref<128x48xf32, #tpu.memory_space<vmem>>) offsets(%dma_start3A_67 : memref<128xi32, #tpu.memory_space<vmem>>) semaphore(%arg11 : memref<!tpu.dma_semaphore, #tpu.memory_space<semaphore_mem>>)
      %dma_wait3A = arith.constant 0 : i32
      %dma_wait3A_71 = arith.constant 0 : i32
      %dma_wait3A_72 = arith.constant 0 : i32
      %dma_wait3A_73 = tpu.memref_slice %arg9[%dma_wait3A_71, %dma_wait3A_72] : memref<640x48xf32, #tpu.memory_space<vmem>> -> memref<128x48xf32, #tpu.memory_space<vmem>>
      %dma_wait3A_74 = arith.constant 0 : i32
      %dma_wait3A_75 = tpu.memref_slice %arg8[%dma_wait3A, %dma_wait3A_74] : memref<5x128xi32, #tpu.memory_space<vmem>> -> memref<1x128xi32, #tpu.memory_space<vmem>>
      %dma_wait3A_76 = tpu.memref_squeeze %dma_wait3A_75 : memref<1x128xi32, #tpu.memory_space<vmem>> -> memref<128xi32, #tpu.memory_space<vmem>>
      %dma_wait3A_77 = arith.constant 0 : i32
      %dma_wait3A_78 = arith.constant 0 : i32
      %dma_wait3A_79 = tpu.memref_slice %arg2[%dma_wait3A_77, %dma_wait3A_78] : memref<20000x48xf32, #tpu.memory_space<hbm>> -> memref<20000x48xf32, #tpu.memory_space<hbm>>
      tpu.wait_indirect_dma semaphore(%arg11 : memref<!tpu.dma_semaphore, #tpu.memory_space<semaphore_mem>>) src(%dma_wait3A_79 : memref<20000x48xf32, #tpu.memory_space<hbm>>) dst(%dma_wait3A_73 : memref<128x48xf32, #tpu.memory_space<vmem>>)
      %dma_start3A_80 = arith.constant 0 : i32
      %dma_start3A_81 = arith.constant 0 : i32
      %dma_start3A_82 = arith.constant 0 : i32
      %dma_start3A_83 = tpu.memref_slice %arg9[%dma_start3A_81, %dma_start3A_82] : memref<640x48xf32, #tpu.memory_space<vmem>> -> memref<128x48xf32, #tpu.memory_space<vmem>>
      %dma_start3A_84 = arith.constant 0 : i32
      %dma_start3A_85 = tpu.memref_slice %arg7[%dma_start3A_80, %dma_start3A_84] : memref<5x128xi32, #tpu.memory_space<vmem>> -> memref<1x128xi32, #tpu.memory_space<vmem>>
      %dma_start3A_86 = tpu.memref_squeeze %dma_start3A_85 : memref<1x128xi32, #tpu.memory_space<vmem>> -> memref<128xi32, #tpu.memory_space<vmem>>
      %dma_start3A_87 = arith.constant 0 : i32
      %dma_start3A_88 = arith.constant 0 : i32
      %dma_start3A_89 = tpu.memref_slice %arg10[%dma_start3A_87, %dma_start3A_88] : memref<30080x48xf32, #tpu.memory_space<vmem_shared>> -> memref<30080x48xf32, #tpu.memory_space<vmem_shared>>
      tpu.enqueue_indirect_dma source(%dma_start3A_83 : memref<128x48xf32, #tpu.memory_space<vmem>>) target(%dma_start3A_89 : memref<30080x48xf32, #tpu.memory_space<vmem_shared>>) offsets(%dma_start3A_86 : memref<128xi32, #tpu.memory_space<vmem>>) semaphore(%arg12 : memref<!tpu.dma_semaphore, #tpu.memory_space<semaphore_mem>>) {add = true}
      %dma_wait3A_90 = arith.constant 1 : i32
      %dma_wait3A_91 = arith.constant 128 : i32
      %dma_wait3A_92 = arith.constant 0 : i32
      %dma_wait3A_93 = tpu.memref_slice %arg9[%dma_wait3A_91, %dma_wait3A_92] : memref<640x48xf32, #tpu.memory_space<vmem>> -> memref<128x48xf32, #tpu.memory_space<vmem>>
      %dma_wait3A_94 = arith.constant 0 : i32
      %dma_wait3A_95 = tpu.memref_slice %arg8[%dma_wait3A_90, %dma_wait3A_94] : memref<5x128xi32, #tpu.memory_space<vmem>> -> memref<1x128xi32, #tpu.memory_space<vmem>>
      %dma_wait3A_96 = tpu.memref_squeeze %dma_wait3A_95 : memref<1x128xi32, #tpu.memory_space<vmem>> -> memref<128xi32, #tpu.memory_space<vmem>>
      %dma_wait3A_97 = arith.constant 0 : i32
      %dma_wait3A_98 = arith.constant 0 : i32
      %dma_wait3A_99 = tpu.memref_slice %arg2[%dma_wait3A_97, %dma_wait3A_98] : memref<20000x48xf32, #tpu.memory_space<hbm>> -> memref<20000x48xf32, #tpu.memory_space<hbm>>
      tpu.wait_indirect_dma semaphore(%arg11 : memref<!tpu.dma_semaphore, #tpu.memory_space<semaphore_mem>>) src(%dma_wait3A_99 : memref<20000x48xf32, #tpu.memory_space<hbm>>) dst(%dma_wait3A_93 : memref<128x48xf32, #tpu.memory_space<vmem>>)
      %dma_start3A_100 = arith.constant 1 : i32
      %dma_start3A_101 = arith.constant 128 : i32
      %dma_start3A_102 = arith.constant 0 : i32
      %dma_start3A_103 = tpu.memref_slice %arg9[%dma_start3A_101, %dma_start3A_102] : memref<640x48xf32, #tpu.memory_space<vmem>> -> memref<128x48xf32, #tpu.memory_space<vmem>>
      %dma_start3A_104 = arith.constant 0 : i32
      %dma_start3A_105 = tpu.memref_slice %arg7[%dma_start3A_100, %dma_start3A_104] : memref<5x128xi32, #tpu.memory_space<vmem>> -> memref<1x128xi32, #tpu.memory_space<vmem>>
      %dma_start3A_106 = tpu.memref_squeeze %dma_start3A_105 : memref<1x128xi32, #tpu.memory_space<vmem>> -> memref<128xi32, #tpu.memory_space<vmem>>
      %dma_start3A_107 = arith.constant 0 : i32
      %dma_start3A_108 = arith.constant 0 : i32
      %dma_start3A_109 = tpu.memref_slice %arg10[%dma_start3A_107, %dma_start3A_108] : memref<30080x48xf32, #tpu.memory_space<vmem_shared>> -> memref<30080x48xf32, #tpu.memory_space<vmem_shared>>
      tpu.enqueue_indirect_dma source(%dma_start3A_103 : memref<128x48xf32, #tpu.memory_space<vmem>>) target(%dma_start3A_109 : memref<30080x48xf32, #tpu.memory_space<vmem_shared>>) offsets(%dma_start3A_106 : memref<128xi32, #tpu.memory_space<vmem>>) semaphore(%arg12 : memref<!tpu.dma_semaphore, #tpu.memory_space<semaphore_mem>>) {add = true}
      %dma_wait3A_110 = arith.constant 2 : i32
      %dma_wait3A_111 = arith.constant 256 : i32
      %dma_wait3A_112 = arith.constant 0 : i32
      %dma_wait3A_113 = tpu.memref_slice %arg9[%dma_wait3A_111, %dma_wait3A_112] : memref<640x48xf32, #tpu.memory_space<vmem>> -> memref<128x48xf32, #tpu.memory_space<vmem>>
      %dma_wait3A_114 = arith.constant 0 : i32
      %dma_wait3A_115 = tpu.memref_slice %arg8[%dma_wait3A_110, %dma_wait3A_114] : memref<5x128xi32, #tpu.memory_space<vmem>> -> memref<1x128xi32, #tpu.memory_space<vmem>>
      %dma_wait3A_116 = tpu.memref_squeeze %dma_wait3A_115 : memref<1x128xi32, #tpu.memory_space<vmem>> -> memref<128xi32, #tpu.memory_space<vmem>>
      %dma_wait3A_117 = arith.constant 0 : i32
      %dma_wait3A_118 = arith.constant 0 : i32
      %dma_wait3A_119 = tpu.memref_slice %arg2[%dma_wait3A_117, %dma_wait3A_118] : memref<20000x48xf32, #tpu.memory_space<hbm>> -> memref<20000x48xf32, #tpu.memory_space<hbm>>
      tpu.wait_indirect_dma semaphore(%arg11 : memref<!tpu.dma_semaphore, #tpu.memory_space<semaphore_mem>>) src(%dma_wait3A_119 : memref<20000x48xf32, #tpu.memory_space<hbm>>) dst(%dma_wait3A_113 : memref<128x48xf32, #tpu.memory_space<vmem>>)
      %dma_start3A_120 = arith.constant 2 : i32
      %dma_start3A_121 = arith.constant 256 : i32
      %dma_start3A_122 = arith.constant 0 : i32
      %dma_start3A_123 = tpu.memref_slice %arg9[%dma_start3A_121, %dma_start3A_122] : memref<640x48xf32, #tpu.memory_space<vmem>> -> memref<128x48xf32, #tpu.memory_space<vmem>>
      %dma_start3A_124 = arith.constant 0 : i32
      %dma_start3A_125 = tpu.memref_slice %arg7[%dma_start3A_120, %dma_start3A_124] : memref<5x128xi32, #tpu.memory_space<vmem>> -> memref<1x128xi32, #tpu.memory_space<vmem>>
      %dma_start3A_126 = tpu.memref_squeeze %dma_start3A_125 : memref<1x128xi32, #tpu.memory_space<vmem>> -> memref<128xi32, #tpu.memory_space<vmem>>
      %dma_start3A_127 = arith.constant 0 : i32
      %dma_start3A_128 = arith.constant 0 : i32
      %dma_start3A_129 = tpu.memref_slice %arg10[%dma_start3A_127, %dma_start3A_128] : memref<30080x48xf32, #tpu.memory_space<vmem_shared>> -> memref<30080x48xf32, #tpu.memory_space<vmem_shared>>
      tpu.enqueue_indirect_dma source(%dma_start3A_123 : memref<128x48xf32, #tpu.memory_space<vmem>>) target(%dma_start3A_129 : memref<30080x48xf32, #tpu.memory_space<vmem_shared>>) offsets(%dma_start3A_126 : memref<128xi32, #tpu.memory_space<vmem>>) semaphore(%arg12 : memref<!tpu.dma_semaphore, #tpu.memory_space<semaphore_mem>>) {add = true}
      %dma_wait3A_130 = arith.constant 3 : i32
      %dma_wait3A_131 = arith.constant 384 : i32
      %dma_wait3A_132 = arith.constant 0 : i32
      %dma_wait3A_133 = tpu.memref_slice %arg9[%dma_wait3A_131, %dma_wait3A_132] : memref<640x48xf32, #tpu.memory_space<vmem>> -> memref<128x48xf32, #tpu.memory_space<vmem>>
      %dma_wait3A_134 = arith.constant 0 : i32
      %dma_wait3A_135 = tpu.memref_slice %arg8[%dma_wait3A_130, %dma_wait3A_134] : memref<5x128xi32, #tpu.memory_space<vmem>> -> memref<1x128xi32, #tpu.memory_space<vmem>>
      %dma_wait3A_136 = tpu.memref_squeeze %dma_wait3A_135 : memref<1x128xi32, #tpu.memory_space<vmem>> -> memref<128xi32, #tpu.memory_space<vmem>>
      %dma_wait3A_137 = arith.constant 0 : i32
      %dma_wait3A_138 = arith.constant 0 : i32
      %dma_wait3A_139 = tpu.memref_slice %arg2[%dma_wait3A_137, %dma_wait3A_138] : memref<20000x48xf32, #tpu.memory_space<hbm>> -> memref<20000x48xf32, #tpu.memory_space<hbm>>
      tpu.wait_indirect_dma semaphore(%arg11 : memref<!tpu.dma_semaphore, #tpu.memory_space<semaphore_mem>>) src(%dma_wait3A_139 : memref<20000x48xf32, #tpu.memory_space<hbm>>) dst(%dma_wait3A_133 : memref<128x48xf32, #tpu.memory_space<vmem>>)
      %dma_start3A_140 = arith.constant 3 : i32
      %dma_start3A_141 = arith.constant 384 : i32
      %dma_start3A_142 = arith.constant 0 : i32
      %dma_start3A_143 = tpu.memref_slice %arg9[%dma_start3A_141, %dma_start3A_142] : memref<640x48xf32, #tpu.memory_space<vmem>> -> memref<128x48xf32, #tpu.memory_space<vmem>>
      %dma_start3A_144 = arith.constant 0 : i32
      %dma_start3A_145 = tpu.memref_slice %arg7[%dma_start3A_140, %dma_start3A_144] : memref<5x128xi32, #tpu.memory_space<vmem>> -> memref<1x128xi32, #tpu.memory_space<vmem>>
      %dma_start3A_146 = tpu.memref_squeeze %dma_start3A_145 : memref<1x128xi32, #tpu.memory_space<vmem>> -> memref<128xi32, #tpu.memory_space<vmem>>
      %dma_start3A_147 = arith.constant 0 : i32
      %dma_start3A_148 = arith.constant 0 : i32
      %dma_start3A_149 = tpu.memref_slice %arg10[%dma_start3A_147, %dma_start3A_148] : memref<30080x48xf32, #tpu.memory_space<vmem_shared>> -> memref<30080x48xf32, #tpu.memory_space<vmem_shared>>
      tpu.enqueue_indirect_dma source(%dma_start3A_143 : memref<128x48xf32, #tpu.memory_space<vmem>>) target(%dma_start3A_149 : memref<30080x48xf32, #tpu.memory_space<vmem_shared>>) offsets(%dma_start3A_146 : memref<128xi32, #tpu.memory_space<vmem>>) semaphore(%arg12 : memref<!tpu.dma_semaphore, #tpu.memory_space<semaphore_mem>>) {add = true}
      %dma_wait3A_150 = arith.constant 4 : i32
      %dma_wait3A_151 = arith.constant 512 : i32
      %dma_wait3A_152 = arith.constant 0 : i32
      %dma_wait3A_153 = tpu.memref_slice %arg9[%dma_wait3A_151, %dma_wait3A_152] : memref<640x48xf32, #tpu.memory_space<vmem>> -> memref<128x48xf32, #tpu.memory_space<vmem>>
      %dma_wait3A_154 = arith.constant 0 : i32
      %dma_wait3A_155 = tpu.memref_slice %arg8[%dma_wait3A_150, %dma_wait3A_154] : memref<5x128xi32, #tpu.memory_space<vmem>> -> memref<1x128xi32, #tpu.memory_space<vmem>>
      %dma_wait3A_156 = tpu.memref_squeeze %dma_wait3A_155 : memref<1x128xi32, #tpu.memory_space<vmem>> -> memref<128xi32, #tpu.memory_space<vmem>>
      %dma_wait3A_157 = arith.constant 0 : i32
      %dma_wait3A_158 = arith.constant 0 : i32
      %dma_wait3A_159 = tpu.memref_slice %arg2[%dma_wait3A_157, %dma_wait3A_158] : memref<20000x48xf32, #tpu.memory_space<hbm>> -> memref<20000x48xf32, #tpu.memory_space<hbm>>
      tpu.wait_indirect_dma semaphore(%arg11 : memref<!tpu.dma_semaphore, #tpu.memory_space<semaphore_mem>>) src(%dma_wait3A_159 : memref<20000x48xf32, #tpu.memory_space<hbm>>) dst(%dma_wait3A_153 : memref<128x48xf32, #tpu.memory_space<vmem>>)
      %dma_start3A_160 = arith.constant 4 : i32
      %dma_start3A_161 = arith.constant 512 : i32
      %dma_start3A_162 = arith.constant 0 : i32
      %dma_start3A_163 = tpu.memref_slice %arg9[%dma_start3A_161, %dma_start3A_162] : memref<640x48xf32, #tpu.memory_space<vmem>> -> memref<128x48xf32, #tpu.memory_space<vmem>>
      %dma_start3A_164 = arith.constant 0 : i32
      %dma_start3A_165 = tpu.memref_slice %arg7[%dma_start3A_160, %dma_start3A_164] : memref<5x128xi32, #tpu.memory_space<vmem>> -> memref<1x128xi32, #tpu.memory_space<vmem>>
      %dma_start3A_166 = tpu.memref_squeeze %dma_start3A_165 : memref<1x128xi32, #tpu.memory_space<vmem>> -> memref<128xi32, #tpu.memory_space<vmem>>
      %dma_start3A_167 = arith.constant 0 : i32
      %dma_start3A_168 = arith.constant 0 : i32
      %dma_start3A_169 = tpu.memref_slice %arg10[%dma_start3A_167, %dma_start3A_168] : memref<30080x48xf32, #tpu.memory_space<vmem_shared>> -> memref<30080x48xf32, #tpu.memory_space<vmem_shared>>
      tpu.enqueue_indirect_dma source(%dma_start3A_163 : memref<128x48xf32, #tpu.memory_space<vmem>>) target(%dma_start3A_169 : memref<30080x48xf32, #tpu.memory_space<vmem_shared>>) offsets(%dma_start3A_166 : memref<128xi32, #tpu.memory_space<vmem>>) semaphore(%arg12 : memref<!tpu.dma_semaphore, #tpu.memory_space<semaphore_mem>>) {add = true}
      %dma_wait3A_170 = arith.constant 0 : i32
      %dma_wait3A_171 = arith.constant 0 : i32
      %dma_wait3A_172 = arith.constant 0 : i32
      %dma_wait3A_173 = tpu.memref_slice %arg9[%dma_wait3A_171, %dma_wait3A_172] : memref<640x48xf32, #tpu.memory_space<vmem>> -> memref<128x48xf32, #tpu.memory_space<vmem>>
      %dma_wait3A_174 = arith.constant 0 : i32
      %dma_wait3A_175 = tpu.memref_slice %arg7[%dma_wait3A_170, %dma_wait3A_174] : memref<5x128xi32, #tpu.memory_space<vmem>> -> memref<1x128xi32, #tpu.memory_space<vmem>>
      %dma_wait3A_176 = tpu.memref_squeeze %dma_wait3A_175 : memref<1x128xi32, #tpu.memory_space<vmem>> -> memref<128xi32, #tpu.memory_space<vmem>>
      %dma_wait3A_177 = arith.constant 0 : i32
      %dma_wait3A_178 = arith.constant 0 : i32
      %dma_wait3A_179 = tpu.memref_slice %arg10[%dma_wait3A_177, %dma_wait3A_178] : memref<30080x48xf32, #tpu.memory_space<vmem_shared>> -> memref<30080x48xf32, #tpu.memory_space<vmem_shared>>
      tpu.wait_indirect_dma semaphore(%arg12 : memref<!tpu.dma_semaphore, #tpu.memory_space<semaphore_mem>>) src(%dma_wait3A_173 : memref<128x48xf32, #tpu.memory_space<vmem>>) dst(%dma_wait3A_179 : memref<30080x48xf32, #tpu.memory_space<vmem_shared>>)
      %dma_wait3A_180 = arith.constant 1 : i32
      %dma_wait3A_181 = arith.constant 128 : i32
      %dma_wait3A_182 = arith.constant 0 : i32
      %dma_wait3A_183 = tpu.memref_slice %arg9[%dma_wait3A_181, %dma_wait3A_182] : memref<640x48xf32, #tpu.memory_space<vmem>> -> memref<128x48xf32, #tpu.memory_space<vmem>>
      %dma_wait3A_184 = arith.constant 0 : i32
      %dma_wait3A_185 = tpu.memref_slice %arg7[%dma_wait3A_180, %dma_wait3A_184] : memref<5x128xi32, #tpu.memory_space<vmem>> -> memref<1x128xi32, #tpu.memory_space<vmem>>
      %dma_wait3A_186 = tpu.memref_squeeze %dma_wait3A_185 : memref<1x128xi32, #tpu.memory_space<vmem>> -> memref<128xi32, #tpu.memory_space<vmem>>
      %dma_wait3A_187 = arith.constant 0 : i32
      %dma_wait3A_188 = arith.constant 0 : i32
      %dma_wait3A_189 = tpu.memref_slice %arg10[%dma_wait3A_187, %dma_wait3A_188] : memref<30080x48xf32, #tpu.memory_space<vmem_shared>> -> memref<30080x48xf32, #tpu.memory_space<vmem_shared>>
      tpu.wait_indirect_dma semaphore(%arg12 : memref<!tpu.dma_semaphore, #tpu.memory_space<semaphore_mem>>) src(%dma_wait3A_183 : memref<128x48xf32, #tpu.memory_space<vmem>>) dst(%dma_wait3A_189 : memref<30080x48xf32, #tpu.memory_space<vmem_shared>>)
      %dma_wait3A_190 = arith.constant 2 : i32
      %dma_wait3A_191 = arith.constant 256 : i32
      %dma_wait3A_192 = arith.constant 0 : i32
      %dma_wait3A_193 = tpu.memref_slice %arg9[%dma_wait3A_191, %dma_wait3A_192] : memref<640x48xf32, #tpu.memory_space<vmem>> -> memref<128x48xf32, #tpu.memory_space<vmem>>
      %dma_wait3A_194 = arith.constant 0 : i32
      %dma_wait3A_195 = tpu.memref_slice %arg7[%dma_wait3A_190, %dma_wait3A_194] : memref<5x128xi32, #tpu.memory_space<vmem>> -> memref<1x128xi32, #tpu.memory_space<vmem>>
      %dma_wait3A_196 = tpu.memref_squeeze %dma_wait3A_195 : memref<1x128xi32, #tpu.memory_space<vmem>> -> memref<128xi32, #tpu.memory_space<vmem>>
      %dma_wait3A_197 = arith.constant 0 : i32
      %dma_wait3A_198 = arith.constant 0 : i32
      %dma_wait3A_199 = tpu.memref_slice %arg10[%dma_wait3A_197, %dma_wait3A_198] : memref<30080x48xf32, #tpu.memory_space<vmem_shared>> -> memref<30080x48xf32, #tpu.memory_space<vmem_shared>>
      tpu.wait_indirect_dma semaphore(%arg12 : memref<!tpu.dma_semaphore, #tpu.memory_space<semaphore_mem>>) src(%dma_wait3A_193 : memref<128x48xf32, #tpu.memory_space<vmem>>) dst(%dma_wait3A_199 : memref<30080x48xf32, #tpu.memory_space<vmem_shared>>)
      %dma_wait3A_200 = arith.constant 3 : i32
      %dma_wait3A_201 = arith.constant 384 : i32
      %dma_wait3A_202 = arith.constant 0 : i32
      %dma_wait3A_203 = tpu.memref_slice %arg9[%dma_wait3A_201, %dma_wait3A_202] : memref<640x48xf32, #tpu.memory_space<vmem>> -> memref<128x48xf32, #tpu.memory_space<vmem>>
      %dma_wait3A_204 = arith.constant 0 : i32
      %dma_wait3A_205 = tpu.memref_slice %arg7[%dma_wait3A_200, %dma_wait3A_204] : memref<5x128xi32, #tpu.memory_space<vmem>> -> memref<1x128xi32, #tpu.memory_space<vmem>>
      %dma_wait3A_206 = tpu.memref_squeeze %dma_wait3A_205 : memref<1x128xi32, #tpu.memory_space<vmem>> -> memref<128xi32, #tpu.memory_space<vmem>>
      %dma_wait3A_207 = arith.constant 0 : i32
      %dma_wait3A_208 = arith.constant 0 : i32
      %dma_wait3A_209 = tpu.memref_slice %arg10[%dma_wait3A_207, %dma_wait3A_208] : memref<30080x48xf32, #tpu.memory_space<vmem_shared>> -> memref<30080x48xf32, #tpu.memory_space<vmem_shared>>
      tpu.wait_indirect_dma semaphore(%arg12 : memref<!tpu.dma_semaphore, #tpu.memory_space<semaphore_mem>>) src(%dma_wait3A_203 : memref<128x48xf32, #tpu.memory_space<vmem>>) dst(%dma_wait3A_209 : memref<30080x48xf32, #tpu.memory_space<vmem_shared>>)
      %dma_wait3A_210 = arith.constant 4 : i32
      %dma_wait3A_211 = arith.constant 512 : i32
      %dma_wait3A_212 = arith.constant 0 : i32
      %dma_wait3A_213 = tpu.memref_slice %arg9[%dma_wait3A_211, %dma_wait3A_212] : memref<640x48xf32, #tpu.memory_space<vmem>> -> memref<128x48xf32, #tpu.memory_space<vmem>>
      %dma_wait3A_214 = arith.constant 0 : i32
      %dma_wait3A_215 = tpu.memref_slice %arg7[%dma_wait3A_210, %dma_wait3A_214] : memref<5x128xi32, #tpu.memory_space<vmem>> -> memref<1x128xi32, #tpu.memory_space<vmem>>
      %dma_wait3A_216 = tpu.memref_squeeze %dma_wait3A_215 : memref<1x128xi32, #tpu.memory_space<vmem>> -> memref<128xi32, #tpu.memory_space<vmem>>
      %dma_wait3A_217 = arith.constant 0 : i32
      %dma_wait3A_218 = arith.constant 0 : i32
      %dma_wait3A_219 = tpu.memref_slice %arg10[%dma_wait3A_217, %dma_wait3A_218] : memref<30080x48xf32, #tpu.memory_space<vmem_shared>> -> memref<30080x48xf32, #tpu.memory_space<vmem_shared>>
      tpu.wait_indirect_dma semaphore(%arg12 : memref<!tpu.dma_semaphore, #tpu.memory_space<semaphore_mem>>) src(%dma_wait3A_213 : memref<128x48xf32, #tpu.memory_space<vmem>>) dst(%dma_wait3A_219 : memref<30080x48xf32, #tpu.memory_space<vmem_shared>>)
    }
    %scan3A_5 = arith.constant 32 : i32
    %barrier3A_6 = arith.constant 0 : index
    tpu.barrier barrier_id(%barrier3A_6)
    %mul3A_7 = arith.constant 1880 : i32
    %mul3A_8 = arith.muli %arg1, %mul3A_7 : i32
    %mul3A_9 = arith.constant 30080 : i32
    %mul3A_10 = arith.muli %arg0, %mul3A_9 : i32
    %mul3A_11 = arith.constant 1880 : i32
    %mul3A_12 = arith.muli %arg1, %mul3A_11 : i32
    %add3A = arith.addi %mul3A_10, %mul3A_12 : i32
    "tpu.region"() ({
      %run_scoped3A = tpu.sem_alloc : memref<!tpu.dma_semaphore, #tpu.memory_space<semaphore_mem>>
      %dma_start3A = arith.constant 0 : i32
      %dma_start3A_13 = tpu.memref_slice %arg6[%add3A, %dma_start3A] : memref<60160x48xf32, #tpu.memory_space<hbm>> -> memref<1880x48xf32, #tpu.memory_space<hbm>>
      %dma_start3A_14 = arith.constant 0 : i32
      %dma_start3A_15 = tpu.memref_slice %arg10[%mul3A_8, %dma_start3A_14] : memref<30080x48xf32, #tpu.memory_space<vmem_shared>> -> memref<1880x48xf32, #tpu.memory_space<vmem_shared>>
      tpu.enqueue_dma source(%dma_start3A_15 : memref<1880x48xf32, #tpu.memory_space<vmem_shared>>) target(%dma_start3A_13 : memref<1880x48xf32, #tpu.memory_space<hbm>>) target_semaphore(%run_scoped3A : memref<!tpu.dma_semaphore, #tpu.memory_space<semaphore_mem>>)
      %dma_wait3A = arith.constant 0 : i32
      %dma_wait3A_16 = tpu.memref_slice %arg6[%add3A, %dma_wait3A] : memref<60160x48xf32, #tpu.memory_space<hbm>> -> memref<1880x48xf32, #tpu.memory_space<hbm>>
      %dma_wait3A_17 = arith.constant 0 : i32
      %dma_wait3A_18 = tpu.memref_slice %arg10[%mul3A_8, %dma_wait3A_17] : memref<30080x48xf32, #tpu.memory_space<vmem_shared>> -> memref<1880x48xf32, #tpu.memory_space<vmem_shared>>
      tpu.wait_dma2 semaphore(%run_scoped3A : memref<!tpu.dma_semaphore, #tpu.memory_space<semaphore_mem>>) src(%dma_wait3A_18 : memref<1880x48xf32, #tpu.memory_space<vmem_shared>>) dst(%dma_wait3A_16 : memref<1880x48xf32, #tpu.memory_space<hbm>>)
      tpu.yield
    }) : () -> ()
    return
  }
}

#map = affine_map<(d0, d1) -> (0, 0)>
module attributes {stable_mosaic.version = 14 : i64} {
  func.func @k(%arg0: i32, %arg1: i32, %arg2: memref<2560x128xi32, #tpu.memory_space<hbm>>, %arg3: memref<1880x16xf32, #tpu.memory_space<hbm>>, %arg4: memref<128x16xf32, #tpu.memory_space<hbm>>, %arg5: memref<60160x16xf32, #tpu.memory_space<hbm>>, %arg6: memref<8x128xi32, #tpu.memory_space<vmem>>, %arg7: memref<128x16xf32, #tpu.memory_space<vmem>>, %arg8: memref<30080x16xf32, #tpu.memory_space<vmem_shared>>) attributes {dimension_semantics = [#tpu.dimension_semantics<core_parallel>, #tpu.dimension_semantics<subcore_parallel>], iteration_bounds = array<i64: 2, 16>, scalar_prefetch = 0 : i64, scratch_operands = 3 : i64, tpu.core_type = #tpu.core_type<sc_vector_subcore>, window_params = [{transform_indices = #map}, {transform_indices = #map}, {transform_indices = #map}, {transform_indices = #map}]} {
    %mul3A = arith.constant 1880 : i32
    %mul3A_0 = arith.muli %arg1, %mul3A : i32
    "tpu.region"() ({
      %run_scoped3A = tpu.sem_alloc : memref<!tpu.dma_semaphore, #tpu.memory_space<semaphore_mem>>
      %dma_start3A = arith.constant 0 : i32
      %dma_start3A_13 = tpu.memref_slice %arg8[%mul3A_0, %dma_start3A] : memref<30080x16xf32, #tpu.memory_space<vmem_shared>> -> memref<1880x16xf32, #tpu.memory_space<vmem_shared>>
      tpu.enqueue_dma source(%arg3 : memref<1880x16xf32, #tpu.memory_space<hbm>>) target(%dma_start3A_13 : memref<1880x16xf32, #tpu.memory_space<vmem_shared>>) target_semaphore(%run_scoped3A : memref<!tpu.dma_semaphore, #tpu.memory_space<semaphore_mem>>)
      %dma_wait3A = arith.constant 0 : i32
      %dma_wait3A_14 = tpu.memref_slice %arg8[%mul3A_0, %dma_wait3A] : memref<30080x16xf32, #tpu.memory_space<vmem_shared>> -> memref<1880x16xf32, #tpu.memory_space<vmem_shared>>
      tpu.wait_dma2 semaphore(%run_scoped3A : memref<!tpu.dma_semaphore, #tpu.memory_space<semaphore_mem>>) src(%arg3 : memref<1880x16xf32, #tpu.memory_space<hbm>>) dst(%dma_wait3A_14 : memref<1880x16xf32, #tpu.memory_space<vmem_shared>>)
      tpu.yield
    }) : () -> ()
    "tpu.region"() ({
      %run_scoped3A = tpu.sem_alloc : memref<!tpu.dma_semaphore, #tpu.memory_space<semaphore_mem>>
      tpu.enqueue_dma source(%arg4 : memref<128x16xf32, #tpu.memory_space<hbm>>) target(%arg7 : memref<128x16xf32, #tpu.memory_space<vmem>>) target_semaphore(%run_scoped3A : memref<!tpu.dma_semaphore, #tpu.memory_space<semaphore_mem>>)
      tpu.wait_dma2 semaphore(%run_scoped3A : memref<!tpu.dma_semaphore, #tpu.memory_space<semaphore_mem>>) src(%arg4 : memref<128x16xf32, #tpu.memory_space<hbm>>) dst(%arg7 : memref<128x16xf32, #tpu.memory_space<vmem>>)
      tpu.yield
    }) : () -> ()
    %barrier3A = arith.constant 0 : index
    tpu.barrier barrier_id(%barrier3A)
    %scan3A = arith.constant 0 : i32
    %scan3A_1 = arith.constant 0 : i32
    %scan3A_2 = arith.constant 10 : i32
    %scan3A_3 = arith.addi %scan3A_1, %scan3A_2 : i32
    %scan3A_4 = arith.constant 1 : i32
    scf.for %scan3A_13 = %scan3A_1 to %scan3A_3 step %scan3A_4  : i32 {
      %mul3A_14 = arith.constant 1280 : i32
      %mul3A_15 = arith.muli %arg0, %mul3A_14 : i32
      %mul3A_16 = arith.constant 80 : i32
      %mul3A_17 = arith.muli %arg1, %mul3A_16 : i32
      %add3A_18 = arith.addi %mul3A_15, %mul3A_17 : i32
      %mul3A_19 = arith.constant 8 : i32
      %mul3A_20 = arith.muli %scan3A_13, %mul3A_19 : i32
      %add3A_21 = arith.addi %add3A_18, %mul3A_20 : i32
      "tpu.region"() ({
        %run_scoped3A_29 = tpu.sem_alloc : memref<!tpu.dma_semaphore, #tpu.memory_space<semaphore_mem>>
        %dma_start3A = arith.constant 0 : i32
        %dma_start3A_30 = tpu.memref_slice %arg2[%add3A_21, %dma_start3A] : memref<2560x128xi32, #tpu.memory_space<hbm>> -> memref<8x128xi32, #tpu.memory_space<hbm>>
        %dma_start3A_31 = arith.constant 0 : i32
        %dma_start3A_32 = tpu.memref_slice %arg2[%add3A_21, %dma_start3A_31] : memref<2560x128xi32, #tpu.memory_space<hbm>> -> memref<8x128xi32, #tpu.memory_space<hbm>>
        tpu.enqueue_dma source(%dma_start3A_32 : memref<8x128xi32, #tpu.memory_space<hbm>>) target(%arg6 : memref<8x128xi32, #tpu.memory_space<vmem>>) target_semaphore(%run_scoped3A_29 : memref<!tpu.dma_semaphore, #tpu.memory_space<semaphore_mem>>)
        %dma_wait3A = arith.constant 0 : i32
        %dma_wait3A_33 = tpu.memref_slice %arg2[%add3A_21, %dma_wait3A] : memref<2560x128xi32, #tpu.memory_space<hbm>> -> memref<8x128xi32, #tpu.memory_space<hbm>>
        %dma_wait3A_34 = arith.constant 0 : i32
        %dma_wait3A_35 = tpu.memref_slice %arg2[%add3A_21, %dma_wait3A_34] : memref<2560x128xi32, #tpu.memory_space<hbm>> -> memref<8x128xi32, #tpu.memory_space<hbm>>
        tpu.wait_dma2 semaphore(%run_scoped3A_29 : memref<!tpu.dma_semaphore, #tpu.memory_space<semaphore_mem>>) src(%dma_wait3A_35 : memref<8x128xi32, #tpu.memory_space<hbm>>) dst(%arg6 : memref<8x128xi32, #tpu.memory_space<vmem>>)
        tpu.yield
      }) : () -> ()
      %run_scoped3A = arith.constant 0 : i32
      "tpu.region"() ({
        %run_scoped3A_29 = tpu.sem_alloc : memref<!tpu.dma_semaphore, #tpu.memory_space<semaphore_mem>>
        %dma_start3A = arith.constant 0 : i32
        %dma_start3A_30 = tpu.memref_slice %arg6[%run_scoped3A, %dma_start3A] : memref<8x128xi32, #tpu.memory_space<vmem>> -> memref<1x128xi32, #tpu.memory_space<vmem>>
        %dma_start3A_31 = tpu.memref_squeeze %dma_start3A_30 : memref<1x128xi32, #tpu.memory_space<vmem>> -> memref<128xi32, #tpu.memory_space<vmem>>
        %dma_start3A_32 = arith.constant 0 : i32
        %dma_start3A_33 = arith.constant 0 : i32
        %dma_start3A_34 = tpu.memref_slice %arg8[%dma_start3A_32, %dma_start3A_33] : memref<30080x16xf32, #tpu.memory_space<vmem_shared>> -> memref<30080x16xf32, #tpu.memory_space<vmem_shared>>
        tpu.enqueue_indirect_dma source(%arg7 : memref<128x16xf32, #tpu.memory_space<vmem>>) target(%dma_start3A_34 : memref<30080x16xf32, #tpu.memory_space<vmem_shared>>) offsets(%dma_start3A_31 : memref<128xi32, #tpu.memory_space<vmem>>) semaphore(%run_scoped3A_29 : memref<!tpu.dma_semaphore, #tpu.memory_space<semaphore_mem>>) {add = true}
        %dma_wait3A = arith.constant 0 : i32
        %dma_wait3A_35 = tpu.memref_slice %arg6[%run_scoped3A, %dma_wait3A] : memref<8x128xi32, #tpu.memory_space<vmem>> -> memref<1x128xi32, #tpu.memory_space<vmem>>
        %dma_wait3A_36 = tpu.memref_squeeze %dma_wait3A_35 : memref<1x128xi32, #tpu.memory_space<vmem>> -> memref<128xi32, #tpu.memory_space<vmem>>
        %dma_wait3A_37 = arith.constant 0 : i32
        %dma_wait3A_38 = arith.constant 0 : i32
        %dma_wait3A_39 = tpu.memref_slice %arg8[%dma_wait3A_37, %dma_wait3A_38] : memref<30080x16xf32, #tpu.memory_space<vmem_shared>> -> memref<30080x16xf32, #tpu.memory_space<vmem_shared>>
        tpu.wait_indirect_dma semaphore(%run_scoped3A_29 : memref<!tpu.dma_semaphore, #tpu.memory_space<semaphore_mem>>) src(%arg7 : memref<128x16xf32, #tpu.memory_space<vmem>>) dst(%dma_wait3A_39 : memref<30080x16xf32, #tpu.memory_space<vmem_shared>>)
        tpu.yield
      }) : () -> ()
      %run_scoped3A_22 = arith.constant 1 : i32
      "tpu.region"() ({
        %run_scoped3A_29 = tpu.sem_alloc : memref<!tpu.dma_semaphore, #tpu.memory_space<semaphore_mem>>
        %dma_start3A = arith.constant 0 : i32
        %dma_start3A_30 = tpu.memref_slice %arg6[%run_scoped3A_22, %dma_start3A] : memref<8x128xi32, #tpu.memory_space<vmem>> -> memref<1x128xi32, #tpu.memory_space<vmem>>
        %dma_start3A_31 = tpu.memref_squeeze %dma_start3A_30 : memref<1x128xi32, #tpu.memory_space<vmem>> -> memref<128xi32, #tpu.memory_space<vmem>>
        %dma_start3A_32 = arith.constant 0 : i32
        %dma_start3A_33 = arith.constant 0 : i32
        %dma_start3A_34 = tpu.memref_slice %arg8[%dma_start3A_32, %dma_start3A_33] : memref<30080x16xf32, #tpu.memory_space<vmem_shared>> -> memref<30080x16xf32, #tpu.memory_space<vmem_shared>>
        tpu.enqueue_indirect_dma source(%arg7 : memref<128x16xf32, #tpu.memory_space<vmem>>) target(%dma_start3A_34 : memref<30080x16xf32, #tpu.memory_space<vmem_shared>>) offsets(%dma_start3A_31 : memref<128xi32, #tpu.memory_space<vmem>>) semaphore(%run_scoped3A_29 : memref<!tpu.dma_semaphore, #tpu.memory_space<semaphore_mem>>) {add = true}
        %dma_wait3A = arith.constant 0 : i32
        %dma_wait3A_35 = tpu.memref_slice %arg6[%run_scoped3A_22, %dma_wait3A] : memref<8x128xi32, #tpu.memory_space<vmem>> -> memref<1x128xi32, #tpu.memory_space<vmem>>
        %dma_wait3A_36 = tpu.memref_squeeze %dma_wait3A_35 : memref<1x128xi32, #tpu.memory_space<vmem>> -> memref<128xi32, #tpu.memory_space<vmem>>
        %dma_wait3A_37 = arith.constant 0 : i32
        %dma_wait3A_38 = arith.constant 0 : i32
        %dma_wait3A_39 = tpu.memref_slice %arg8[%dma_wait3A_37, %dma_wait3A_38] : memref<30080x16xf32, #tpu.memory_space<vmem_shared>> -> memref<30080x16xf32, #tpu.memory_space<vmem_shared>>
        tpu.wait_indirect_dma semaphore(%run_scoped3A_29 : memref<!tpu.dma_semaphore, #tpu.memory_space<semaphore_mem>>) src(%arg7 : memref<128x16xf32, #tpu.memory_space<vmem>>) dst(%dma_wait3A_39 : memref<30080x16xf32, #tpu.memory_space<vmem_shared>>)
        tpu.yield
      }) : () -> ()
      %run_scoped3A_23 = arith.constant 2 : i32
      "tpu.region"() ({
        %run_scoped3A_29 = tpu.sem_alloc : memref<!tpu.dma_semaphore, #tpu.memory_space<semaphore_mem>>
        %dma_start3A = arith.constant 0 : i32
        %dma_start3A_30 = tpu.memref_slice %arg6[%run_scoped3A_23, %dma_start3A] : memref<8x128xi32, #tpu.memory_space<vmem>> -> memref<1x128xi32, #tpu.memory_space<vmem>>
        %dma_start3A_31 = tpu.memref_squeeze %dma_start3A_30 : memref<1x128xi32, #tpu.memory_space<vmem>> -> memref<128xi32, #tpu.memory_space<vmem>>
        %dma_start3A_32 = arith.constant 0 : i32
        %dma_start3A_33 = arith.constant 0 : i32
        %dma_start3A_34 = tpu.memref_slice %arg8[%dma_start3A_32, %dma_start3A_33] : memref<30080x16xf32, #tpu.memory_space<vmem_shared>> -> memref<30080x16xf32, #tpu.memory_space<vmem_shared>>
        tpu.enqueue_indirect_dma source(%arg7 : memref<128x16xf32, #tpu.memory_space<vmem>>) target(%dma_start3A_34 : memref<30080x16xf32, #tpu.memory_space<vmem_shared>>) offsets(%dma_start3A_31 : memref<128xi32, #tpu.memory_space<vmem>>) semaphore(%run_scoped3A_29 : memref<!tpu.dma_semaphore, #tpu.memory_space<semaphore_mem>>) {add = true}
        %dma_wait3A = arith.constant 0 : i32
        %dma_wait3A_35 = tpu.memref_slice %arg6[%run_scoped3A_23, %dma_wait3A] : memref<8x128xi32, #tpu.memory_space<vmem>> -> memref<1x128xi32, #tpu.memory_space<vmem>>
        %dma_wait3A_36 = tpu.memref_squeeze %dma_wait3A_35 : memref<1x128xi32, #tpu.memory_space<vmem>> -> memref<128xi32, #tpu.memory_space<vmem>>
        %dma_wait3A_37 = arith.constant 0 : i32
        %dma_wait3A_38 = arith.constant 0 : i32
        %dma_wait3A_39 = tpu.memref_slice %arg8[%dma_wait3A_37, %dma_wait3A_38] : memref<30080x16xf32, #tpu.memory_space<vmem_shared>> -> memref<30080x16xf32, #tpu.memory_space<vmem_shared>>
        tpu.wait_indirect_dma semaphore(%run_scoped3A_29 : memref<!tpu.dma_semaphore, #tpu.memory_space<semaphore_mem>>) src(%arg7 : memref<128x16xf32, #tpu.memory_space<vmem>>) dst(%dma_wait3A_39 : memref<30080x16xf32, #tpu.memory_space<vmem_shared>>)
        tpu.yield
      }) : () -> ()
      %run_scoped3A_24 = arith.constant 3 : i32
      "tpu.region"() ({
        %run_scoped3A_29 = tpu.sem_alloc : memref<!tpu.dma_semaphore, #tpu.memory_space<semaphore_mem>>
        %dma_start3A = arith.constant 0 : i32
        %dma_start3A_30 = tpu.memref_slice %arg6[%run_scoped3A_24, %dma_start3A] : memref<8x128xi32, #tpu.memory_space<vmem>> -> memref<1x128xi32, #tpu.memory_space<vmem>>
        %dma_start3A_31 = tpu.memref_squeeze %dma_start3A_30 : memref<1x128xi32, #tpu.memory_space<vmem>> -> memref<128xi32, #tpu.memory_space<vmem>>
        %dma_start3A_32 = arith.constant 0 : i32
        %dma_start3A_33 = arith.constant 0 : i32
        %dma_start3A_34 = tpu.memref_slice %arg8[%dma_start3A_32, %dma_start3A_33] : memref<30080x16xf32, #tpu.memory_space<vmem_shared>> -> memref<30080x16xf32, #tpu.memory_space<vmem_shared>>
        tpu.enqueue_indirect_dma source(%arg7 : memref<128x16xf32, #tpu.memory_space<vmem>>) target(%dma_start3A_34 : memref<30080x16xf32, #tpu.memory_space<vmem_shared>>) offsets(%dma_start3A_31 : memref<128xi32, #tpu.memory_space<vmem>>) semaphore(%run_scoped3A_29 : memref<!tpu.dma_semaphore, #tpu.memory_space<semaphore_mem>>) {add = true}
        %dma_wait3A = arith.constant 0 : i32
        %dma_wait3A_35 = tpu.memref_slice %arg6[%run_scoped3A_24, %dma_wait3A] : memref<8x128xi32, #tpu.memory_space<vmem>> -> memref<1x128xi32, #tpu.memory_space<vmem>>
        %dma_wait3A_36 = tpu.memref_squeeze %dma_wait3A_35 : memref<1x128xi32, #tpu.memory_space<vmem>> -> memref<128xi32, #tpu.memory_space<vmem>>
        %dma_wait3A_37 = arith.constant 0 : i32
        %dma_wait3A_38 = arith.constant 0 : i32
        %dma_wait3A_39 = tpu.memref_slice %arg8[%dma_wait3A_37, %dma_wait3A_38] : memref<30080x16xf32, #tpu.memory_space<vmem_shared>> -> memref<30080x16xf32, #tpu.memory_space<vmem_shared>>
        tpu.wait_indirect_dma semaphore(%run_scoped3A_29 : memref<!tpu.dma_semaphore, #tpu.memory_space<semaphore_mem>>) src(%arg7 : memref<128x16xf32, #tpu.memory_space<vmem>>) dst(%dma_wait3A_39 : memref<30080x16xf32, #tpu.memory_space<vmem_shared>>)
        tpu.yield
      }) : () -> ()
      %run_scoped3A_25 = arith.constant 4 : i32
      "tpu.region"() ({
        %run_scoped3A_29 = tpu.sem_alloc : memref<!tpu.dma_semaphore, #tpu.memory_space<semaphore_mem>>
        %dma_start3A = arith.constant 0 : i32
        %dma_start3A_30 = tpu.memref_slice %arg6[%run_scoped3A_25, %dma_start3A] : memref<8x128xi32, #tpu.memory_space<vmem>> -> memref<1x128xi32, #tpu.memory_space<vmem>>
        %dma_start3A_31 = tpu.memref_squeeze %dma_start3A_30 : memref<1x128xi32, #tpu.memory_space<vmem>> -> memref<128xi32, #tpu.memory_space<vmem>>
        %dma_start3A_32 = arith.constant 0 : i32
        %dma_start3A_33 = arith.constant 0 : i32
        %dma_start3A_34 = tpu.memref_slice %arg8[%dma_start3A_32, %dma_start3A_33] : memref<30080x16xf32, #tpu.memory_space<vmem_shared>> -> memref<30080x16xf32, #tpu.memory_space<vmem_shared>>
        tpu.enqueue_indirect_dma source(%arg7 : memref<128x16xf32, #tpu.memory_space<vmem>>) target(%dma_start3A_34 : memref<30080x16xf32, #tpu.memory_space<vmem_shared>>) offsets(%dma_start3A_31 : memref<128xi32, #tpu.memory_space<vmem>>) semaphore(%run_scoped3A_29 : memref<!tpu.dma_semaphore, #tpu.memory_space<semaphore_mem>>) {add = true}
        %dma_wait3A = arith.constant 0 : i32
        %dma_wait3A_35 = tpu.memref_slice %arg6[%run_scoped3A_25, %dma_wait3A] : memref<8x128xi32, #tpu.memory_space<vmem>> -> memref<1x128xi32, #tpu.memory_space<vmem>>
        %dma_wait3A_36 = tpu.memref_squeeze %dma_wait3A_35 : memref<1x128xi32, #tpu.memory_space<vmem>> -> memref<128xi32, #tpu.memory_space<vmem>>
        %dma_wait3A_37 = arith.constant 0 : i32
        %dma_wait3A_38 = arith.constant 0 : i32
        %dma_wait3A_39 = tpu.memref_slice %arg8[%dma_wait3A_37, %dma_wait3A_38] : memref<30080x16xf32, #tpu.memory_space<vmem_shared>> -> memref<30080x16xf32, #tpu.memory_space<vmem_shared>>
        tpu.wait_indirect_dma semaphore(%run_scoped3A_29 : memref<!tpu.dma_semaphore, #tpu.memory_space<semaphore_mem>>) src(%arg7 : memref<128x16xf32, #tpu.memory_space<vmem>>) dst(%dma_wait3A_39 : memref<30080x16xf32, #tpu.memory_space<vmem_shared>>)
        tpu.yield
      }) : () -> ()
      %run_scoped3A_26 = arith.constant 5 : i32
      "tpu.region"() ({
        %run_scoped3A_29 = tpu.sem_alloc : memref<!tpu.dma_semaphore, #tpu.memory_space<semaphore_mem>>
        %dma_start3A = arith.constant 0 : i32
        %dma_start3A_30 = tpu.memref_slice %arg6[%run_scoped3A_26, %dma_start3A] : memref<8x128xi32, #tpu.memory_space<vmem>> -> memref<1x128xi32, #tpu.memory_space<vmem>>
        %dma_start3A_31 = tpu.memref_squeeze %dma_start3A_30 : memref<1x128xi32, #tpu.memory_space<vmem>> -> memref<128xi32, #tpu.memory_space<vmem>>
        %dma_start3A_32 = arith.constant 0 : i32
        %dma_start3A_33 = arith.constant 0 : i32
        %dma_start3A_34 = tpu.memref_slice %arg8[%dma_start3A_32, %dma_start3A_33] : memref<30080x16xf32, #tpu.memory_space<vmem_shared>> -> memref<30080x16xf32, #tpu.memory_space<vmem_shared>>
        tpu.enqueue_indirect_dma source(%arg7 : memref<128x16xf32, #tpu.memory_space<vmem>>) target(%dma_start3A_34 : memref<30080x16xf32, #tpu.memory_space<vmem_shared>>) offsets(%dma_start3A_31 : memref<128xi32, #tpu.memory_space<vmem>>) semaphore(%run_scoped3A_29 : memref<!tpu.dma_semaphore, #tpu.memory_space<semaphore_mem>>) {add = true}
        %dma_wait3A = arith.constant 0 : i32
        %dma_wait3A_35 = tpu.memref_slice %arg6[%run_scoped3A_26, %dma_wait3A] : memref<8x128xi32, #tpu.memory_space<vmem>> -> memref<1x128xi32, #tpu.memory_space<vmem>>
        %dma_wait3A_36 = tpu.memref_squeeze %dma_wait3A_35 : memref<1x128xi32, #tpu.memory_space<vmem>> -> memref<128xi32, #tpu.memory_space<vmem>>
        %dma_wait3A_37 = arith.constant 0 : i32
        %dma_wait3A_38 = arith.constant 0 : i32
        %dma_wait3A_39 = tpu.memref_slice %arg8[%dma_wait3A_37, %dma_wait3A_38] : memref<30080x16xf32, #tpu.memory_space<vmem_shared>> -> memref<30080x16xf32, #tpu.memory_space<vmem_shared>>
        tpu.wait_indirect_dma semaphore(%run_scoped3A_29 : memref<!tpu.dma_semaphore, #tpu.memory_space<semaphore_mem>>) src(%arg7 : memref<128x16xf32, #tpu.memory_space<vmem>>) dst(%dma_wait3A_39 : memref<30080x16xf32, #tpu.memory_space<vmem_shared>>)
        tpu.yield
      }) : () -> ()
      %run_scoped3A_27 = arith.constant 6 : i32
      "tpu.region"() ({
        %run_scoped3A_29 = tpu.sem_alloc : memref<!tpu.dma_semaphore, #tpu.memory_space<semaphore_mem>>
        %dma_start3A = arith.constant 0 : i32
        %dma_start3A_30 = tpu.memref_slice %arg6[%run_scoped3A_27, %dma_start3A] : memref<8x128xi32, #tpu.memory_space<vmem>> -> memref<1x128xi32, #tpu.memory_space<vmem>>
        %dma_start3A_31 = tpu.memref_squeeze %dma_start3A_30 : memref<1x128xi32, #tpu.memory_space<vmem>> -> memref<128xi32, #tpu.memory_space<vmem>>
        %dma_start3A_32 = arith.constant 0 : i32
        %dma_start3A_33 = arith.constant 0 : i32
        %dma_start3A_34 = tpu.memref_slice %arg8[%dma_start3A_32, %dma_start3A_33] : memref<30080x16xf32, #tpu.memory_space<vmem_shared>> -> memref<30080x16xf32, #tpu.memory_space<vmem_shared>>
        tpu.enqueue_indirect_dma source(%arg7 : memref<128x16xf32, #tpu.memory_space<vmem>>) target(%dma_start3A_34 : memref<30080x16xf32, #tpu.memory_space<vmem_shared>>) offsets(%dma_start3A_31 : memref<128xi32, #tpu.memory_space<vmem>>) semaphore(%run_scoped3A_29 : memref<!tpu.dma_semaphore, #tpu.memory_space<semaphore_mem>>) {add = true}
        %dma_wait3A = arith.constant 0 : i32
        %dma_wait3A_35 = tpu.memref_slice %arg6[%run_scoped3A_27, %dma_wait3A] : memref<8x128xi32, #tpu.memory_space<vmem>> -> memref<1x128xi32, #tpu.memory_space<vmem>>
        %dma_wait3A_36 = tpu.memref_squeeze %dma_wait3A_35 : memref<1x128xi32, #tpu.memory_space<vmem>> -> memref<128xi32, #tpu.memory_space<vmem>>
        %dma_wait3A_37 = arith.constant 0 : i32
        %dma_wait3A_38 = arith.constant 0 : i32
        %dma_wait3A_39 = tpu.memref_slice %arg8[%dma_wait3A_37, %dma_wait3A_38] : memref<30080x16xf32, #tpu.memory_space<vmem_shared>> -> memref<30080x16xf32, #tpu.memory_space<vmem_shared>>
        tpu.wait_indirect_dma semaphore(%run_scoped3A_29 : memref<!tpu.dma_semaphore, #tpu.memory_space<semaphore_mem>>) src(%arg7 : memref<128x16xf32, #tpu.memory_space<vmem>>) dst(%dma_wait3A_39 : memref<30080x16xf32, #tpu.memory_space<vmem_shared>>)
        tpu.yield
      }) : () -> ()
      %run_scoped3A_28 = arith.constant 7 : i32
      "tpu.region"() ({
        %run_scoped3A_29 = tpu.sem_alloc : memref<!tpu.dma_semaphore, #tpu.memory_space<semaphore_mem>>
        %dma_start3A = arith.constant 0 : i32
        %dma_start3A_30 = tpu.memref_slice %arg6[%run_scoped3A_28, %dma_start3A] : memref<8x128xi32, #tpu.memory_space<vmem>> -> memref<1x128xi32, #tpu.memory_space<vmem>>
        %dma_start3A_31 = tpu.memref_squeeze %dma_start3A_30 : memref<1x128xi32, #tpu.memory_space<vmem>> -> memref<128xi32, #tpu.memory_space<vmem>>
        %dma_start3A_32 = arith.constant 0 : i32
        %dma_start3A_33 = arith.constant 0 : i32
        %dma_start3A_34 = tpu.memref_slice %arg8[%dma_start3A_32, %dma_start3A_33] : memref<30080x16xf32, #tpu.memory_space<vmem_shared>> -> memref<30080x16xf32, #tpu.memory_space<vmem_shared>>
        tpu.enqueue_indirect_dma source(%arg7 : memref<128x16xf32, #tpu.memory_space<vmem>>) target(%dma_start3A_34 : memref<30080x16xf32, #tpu.memory_space<vmem_shared>>) offsets(%dma_start3A_31 : memref<128xi32, #tpu.memory_space<vmem>>) semaphore(%run_scoped3A_29 : memref<!tpu.dma_semaphore, #tpu.memory_space<semaphore_mem>>) {add = true}
        %dma_wait3A = arith.constant 0 : i32
        %dma_wait3A_35 = tpu.memref_slice %arg6[%run_scoped3A_28, %dma_wait3A] : memref<8x128xi32, #tpu.memory_space<vmem>> -> memref<1x128xi32, #tpu.memory_space<vmem>>
        %dma_wait3A_36 = tpu.memref_squeeze %dma_wait3A_35 : memref<1x128xi32, #tpu.memory_space<vmem>> -> memref<128xi32, #tpu.memory_space<vmem>>
        %dma_wait3A_37 = arith.constant 0 : i32
        %dma_wait3A_38 = arith.constant 0 : i32
        %dma_wait3A_39 = tpu.memref_slice %arg8[%dma_wait3A_37, %dma_wait3A_38] : memref<30080x16xf32, #tpu.memory_space<vmem_shared>> -> memref<30080x16xf32, #tpu.memory_space<vmem_shared>>
        tpu.wait_indirect_dma semaphore(%run_scoped3A_29 : memref<!tpu.dma_semaphore, #tpu.memory_space<semaphore_mem>>) src(%arg7 : memref<128x16xf32, #tpu.memory_space<vmem>>) dst(%dma_wait3A_39 : memref<30080x16xf32, #tpu.memory_space<vmem_shared>>)
        tpu.yield
      }) : () -> ()
    }
    %scan3A_5 = arith.constant 10 : i32
    %barrier3A_6 = arith.constant 0 : index
    tpu.barrier barrier_id(%barrier3A_6)
    %mul3A_7 = arith.constant 1880 : i32
    %mul3A_8 = arith.muli %arg1, %mul3A_7 : i32
    %mul3A_9 = arith.constant 30080 : i32
    %mul3A_10 = arith.muli %arg0, %mul3A_9 : i32
    %mul3A_11 = arith.constant 1880 : i32
    %mul3A_12 = arith.muli %arg1, %mul3A_11 : i32
    %add3A = arith.addi %mul3A_10, %mul3A_12 : i32
    "tpu.region"() ({
      %run_scoped3A = tpu.sem_alloc : memref<!tpu.dma_semaphore, #tpu.memory_space<semaphore_mem>>
      %dma_start3A = arith.constant 0 : i32
      %dma_start3A_13 = tpu.memref_slice %arg5[%add3A, %dma_start3A] : memref<60160x16xf32, #tpu.memory_space<hbm>> -> memref<1880x16xf32, #tpu.memory_space<hbm>>
      %dma_start3A_14 = arith.constant 0 : i32
      %dma_start3A_15 = tpu.memref_slice %arg8[%mul3A_8, %dma_start3A_14] : memref<30080x16xf32, #tpu.memory_space<vmem_shared>> -> memref<1880x16xf32, #tpu.memory_space<vmem_shared>>
      tpu.enqueue_dma source(%dma_start3A_15 : memref<1880x16xf32, #tpu.memory_space<vmem_shared>>) target(%dma_start3A_13 : memref<1880x16xf32, #tpu.memory_space<hbm>>) target_semaphore(%run_scoped3A : memref<!tpu.dma_semaphore, #tpu.memory_space<semaphore_mem>>)
      %dma_wait3A = arith.constant 0 : i32
      %dma_wait3A_16 = tpu.memref_slice %arg5[%add3A, %dma_wait3A] : memref<60160x16xf32, #tpu.memory_space<hbm>> -> memref<1880x16xf32, #tpu.memory_space<hbm>>
      %dma_wait3A_17 = arith.constant 0 : i32
      %dma_wait3A_18 = tpu.memref_slice %arg8[%mul3A_8, %dma_wait3A_17] : memref<30080x16xf32, #tpu.memory_space<vmem_shared>> -> memref<1880x16xf32, #tpu.memory_space<vmem_shared>>
      tpu.wait_dma2 semaphore(%run_scoped3A : memref<!tpu.dma_semaphore, #tpu.memory_space<semaphore_mem>>) src(%dma_wait3A_18 : memref<1880x16xf32, #tpu.memory_space<vmem_shared>>) dst(%dma_wait3A_16 : memref<1880x16xf32, #tpu.memory_space<hbm>>)
      tpu.yield
    }) : () -> ()
    return
  }
}

#map = affine_map<(d0, d1) -> (0, 0)>
module attributes {stable_mosaic.version = 14 : i64} {
  func.func @k(%arg0: i32, %arg1: i32, %arg2: memref<20000x32xf32, #tpu.memory_space<hbm>>, %arg3: memref<5120x128xi32, #tpu.memory_space<hbm>>, %arg4: memref<2560x128xi32, #tpu.memory_space<hbm>>, %arg5: memref<1880x32xf32, #tpu.memory_space<hbm>>, %arg6: memref<60160x32xf32, #tpu.memory_space<hbm>>, %arg7: memref<16x128xi32, #tpu.memory_space<vmem>>, %arg8: memref<16x128xi32, #tpu.memory_space<vmem>>, %arg9: memref<2048x32xf32, #tpu.memory_space<vmem>>, %arg10: memref<30080x32xf32, #tpu.memory_space<vmem_shared>>, %arg11: memref<!tpu.dma_semaphore, #tpu.memory_space<semaphore_mem>>, %arg12: memref<!tpu.dma_semaphore, #tpu.memory_space<semaphore_mem>>) attributes {dimension_semantics = [#tpu.dimension_semantics<core_parallel>, #tpu.dimension_semantics<subcore_parallel>], iteration_bounds = array<i64: 2, 16>, scalar_prefetch = 0 : i64, scratch_operands = 6 : i64, tpu.core_type = #tpu.core_type<sc_vector_subcore>, window_params = [{transform_indices = #map}, {transform_indices = #map}, {transform_indices = #map}, {transform_indices = #map}, {transform_indices = #map}]} {
    %mul3A = arith.constant 1880 : i32
    %mul3A_0 = arith.muli %arg1, %mul3A : i32
    "tpu.region"() ({
      %run_scoped3A = tpu.sem_alloc : memref<!tpu.dma_semaphore, #tpu.memory_space<semaphore_mem>>
      %dma_start3A = arith.constant 0 : i32
      %dma_start3A_13 = tpu.memref_slice %arg10[%mul3A_0, %dma_start3A] : memref<30080x32xf32, #tpu.memory_space<vmem_shared>> -> memref<1880x32xf32, #tpu.memory_space<vmem_shared>>
      tpu.enqueue_dma source(%arg5 : memref<1880x32xf32, #tpu.memory_space<hbm>>) target(%dma_start3A_13 : memref<1880x32xf32, #tpu.memory_space<vmem_shared>>) target_semaphore(%run_scoped3A : memref<!tpu.dma_semaphore, #tpu.memory_space<semaphore_mem>>)
      %dma_wait3A = arith.constant 0 : i32
      %dma_wait3A_14 = tpu.memref_slice %arg10[%mul3A_0, %dma_wait3A] : memref<30080x32xf32, #tpu.memory_space<vmem_shared>> -> memref<1880x32xf32, #tpu.memory_space<vmem_shared>>
      tpu.wait_dma2 semaphore(%run_scoped3A : memref<!tpu.dma_semaphore, #tpu.memory_space<semaphore_mem>>) src(%arg5 : memref<1880x32xf32, #tpu.memory_space<hbm>>) dst(%dma_wait3A_14 : memref<1880x32xf32, #tpu.memory_space<vmem_shared>>)
      tpu.yield
    }) : () -> ()
    %barrier3A = arith.constant 0 : index
    tpu.barrier barrier_id(%barrier3A)
    %scan3A = arith.constant 0 : i32
    %scan3A_1 = arith.constant 0 : i32
    %scan3A_2 = arith.constant 10 : i32
    %scan3A_3 = arith.addi %scan3A_1, %scan3A_2 : i32
    %scan3A_4 = arith.constant 1 : i32
    scf.for %scan3A_13 = %scan3A_1 to %scan3A_3 step %scan3A_4  : i32 {
      %mul3A_14 = arith.constant 160 : i32
      %mul3A_15 = arith.muli %arg1, %mul3A_14 : i32
      %mul3A_16 = arith.constant 16 : i32
      %mul3A_17 = arith.muli %scan3A_13, %mul3A_16 : i32
      %add3A_18 = arith.addi %mul3A_15, %mul3A_17 : i32
      "tpu.region"() ({
        %run_scoped3A = tpu.sem_alloc : memref<!tpu.dma_semaphore, #tpu.memory_space<semaphore_mem>>
        %dma_start3A_660 = arith.constant 0 : i32
        %dma_start3A_661 = tpu.memref_slice %arg4[%add3A_18, %dma_start3A_660] : memref<2560x128xi32, #tpu.memory_space<hbm>> -> memref<16x128xi32, #tpu.memory_space<hbm>>
        %dma_start3A_662 = arith.constant 0 : i32
        %dma_start3A_663 = tpu.memref_slice %arg4[%add3A_18, %dma_start3A_662] : memref<2560x128xi32, #tpu.memory_space<hbm>> -> memref<16x128xi32, #tpu.memory_space<hbm>>
        tpu.enqueue_dma source(%dma_start3A_663 : memref<16x128xi32, #tpu.memory_space<hbm>>) target(%arg7 : memref<16x128xi32, #tpu.memory_space<vmem>>) target_semaphore(%run_scoped3A : memref<!tpu.dma_semaphore, #tpu.memory_space<semaphore_mem>>)
        %dma_wait3A_664 = arith.constant 0 : i32
        %dma_wait3A_665 = tpu.memref_slice %arg4[%add3A_18, %dma_wait3A_664] : memref<2560x128xi32, #tpu.memory_space<hbm>> -> memref<16x128xi32, #tpu.memory_space<hbm>>
        %dma_wait3A_666 = arith.constant 0 : i32
        %dma_wait3A_667 = tpu.memref_slice %arg4[%add3A_18, %dma_wait3A_666] : memref<2560x128xi32, #tpu.memory_space<hbm>> -> memref<16x128xi32, #tpu.memory_space<hbm>>
        tpu.wait_dma2 semaphore(%run_scoped3A : memref<!tpu.dma_semaphore, #tpu.memory_space<semaphore_mem>>) src(%dma_wait3A_667 : memref<16x128xi32, #tpu.memory_space<hbm>>) dst(%arg7 : memref<16x128xi32, #tpu.memory_space<vmem>>)
        tpu.yield
      }) : () -> ()
      %mul3A_19 = arith.constant 2560 : i32
      %mul3A_20 = arith.muli %arg0, %mul3A_19 : i32
      %add3A_21 = arith.addi %mul3A_20, %add3A_18 : i32
      "tpu.region"() ({
        %run_scoped3A = tpu.sem_alloc : memref<!tpu.dma_semaphore, #tpu.memory_space<semaphore_mem>>
        %dma_start3A_660 = arith.constant 0 : i32
        %dma_start3A_661 = tpu.memref_slice %arg3[%add3A_21, %dma_start3A_660] : memref<5120x128xi32, #tpu.memory_space<hbm>> -> memref<16x128xi32, #tpu.memory_space<hbm>>
        %dma_start3A_662 = arith.constant 0 : i32
        %dma_start3A_663 = tpu.memref_slice %arg3[%add3A_21, %dma_start3A_662] : memref<5120x128xi32, #tpu.memory_space<hbm>> -> memref<16x128xi32, #tpu.memory_space<hbm>>
        tpu.enqueue_dma source(%dma_start3A_663 : memref<16x128xi32, #tpu.memory_space<hbm>>) target(%arg8 : memref<16x128xi32, #tpu.memory_space<vmem>>) target_semaphore(%run_scoped3A : memref<!tpu.dma_semaphore, #tpu.memory_space<semaphore_mem>>)
        %dma_wait3A_664 = arith.constant 0 : i32
        %dma_wait3A_665 = tpu.memref_slice %arg3[%add3A_21, %dma_wait3A_664] : memref<5120x128xi32, #tpu.memory_space<hbm>> -> memref<16x128xi32, #tpu.memory_space<hbm>>
        %dma_wait3A_666 = arith.constant 0 : i32
        %dma_wait3A_667 = tpu.memref_slice %arg3[%add3A_21, %dma_wait3A_666] : memref<5120x128xi32, #tpu.memory_space<hbm>> -> memref<16x128xi32, #tpu.memory_space<hbm>>
        tpu.wait_dma2 semaphore(%run_scoped3A : memref<!tpu.dma_semaphore, #tpu.memory_space<semaphore_mem>>) src(%dma_wait3A_667 : memref<16x128xi32, #tpu.memory_space<hbm>>) dst(%arg8 : memref<16x128xi32, #tpu.memory_space<vmem>>)
        tpu.yield
      }) : () -> ()
      %dma_start3A = arith.constant 0 : i32
      %dma_start3A_22 = arith.constant 0 : i32
      %dma_start3A_23 = arith.constant 0 : i32
      %dma_start3A_24 = tpu.memref_slice %arg9[%dma_start3A_22, %dma_start3A_23] : memref<2048x32xf32, #tpu.memory_space<vmem>> -> memref<128x32xf32, #tpu.memory_space<vmem>>
      %dma_start3A_25 = arith.constant 0 : i32
      %dma_start3A_26 = tpu.memref_slice %arg8[%dma_start3A, %dma_start3A_25] : memref<16x128xi32, #tpu.memory_space<vmem>> -> memref<1x128xi32, #tpu.memory_space<vmem>>
      %dma_start3A_27 = tpu.memref_squeeze %dma_start3A_26 : memref<1x128xi32, #tpu.memory_space<vmem>> -> memref<128xi32, #tpu.memory_space<vmem>>
      %dma_start3A_28 = arith.constant 0 : i32
      %dma_start3A_29 = arith.constant 0 : i32
      %dma_start3A_30 = tpu.memref_slice %arg2[%dma_start3A_28, %dma_start3A_29] : memref<20000x32xf32, #tpu.memory_space<hbm>> -> memref<20000x32xf32, #tpu.memory_space<hbm>>
      tpu.enqueue_indirect_dma source(%dma_start3A_30 : memref<20000x32xf32, #tpu.memory_space<hbm>>) target(%dma_start3A_24 : memref<128x32xf32, #tpu.memory_space<vmem>>) offsets(%dma_start3A_27 : memref<128xi32, #tpu.memory_space<vmem>>) semaphore(%arg11 : memref<!tpu.dma_semaphore, #tpu.memory_space<semaphore_mem>>)
      %dma_start3A_31 = arith.constant 1 : i32
      %dma_start3A_32 = arith.constant 128 : i32
      %dma_start3A_33 = arith.constant 0 : i32
      %dma_start3A_34 = tpu.memref_slice %arg9[%dma_start3A_32, %dma_start3A_33] : memref<2048x32xf32, #tpu.memory_space<vmem>> -> memref<128x32xf32, #tpu.memory_space<vmem>>
      %dma_start3A_35 = arith.constant 0 : i32
      %dma_start3A_36 = tpu.memref_slice %arg8[%dma_start3A_31, %dma_start3A_35] : memref<16x128xi32, #tpu.memory_space<vmem>> -> memref<1x128xi32, #tpu.memory_space<vmem>>
      %dma_start3A_37 = tpu.memref_squeeze %dma_start3A_36 : memref<1x128xi32, #tpu.memory_space<vmem>> -> memref<128xi32, #tpu.memory_space<vmem>>
      %dma_start3A_38 = arith.constant 0 : i32
      %dma_start3A_39 = arith.constant 0 : i32
      %dma_start3A_40 = tpu.memref_slice %arg2[%dma_start3A_38, %dma_start3A_39] : memref<20000x32xf32, #tpu.memory_space<hbm>> -> memref<20000x32xf32, #tpu.memory_space<hbm>>
      tpu.enqueue_indirect_dma source(%dma_start3A_40 : memref<20000x32xf32, #tpu.memory_space<hbm>>) target(%dma_start3A_34 : memref<128x32xf32, #tpu.memory_space<vmem>>) offsets(%dma_start3A_37 : memref<128xi32, #tpu.memory_space<vmem>>) semaphore(%arg11 : memref<!tpu.dma_semaphore, #tpu.memory_space<semaphore_mem>>)
      %dma_start3A_41 = arith.constant 2 : i32
      %dma_start3A_42 = arith.constant 256 : i32
      %dma_start3A_43 = arith.constant 0 : i32
      %dma_start3A_44 = tpu.memref_slice %arg9[%dma_start3A_42, %dma_start3A_43] : memref<2048x32xf32, #tpu.memory_space<vmem>> -> memref<128x32xf32, #tpu.memory_space<vmem>>
      %dma_start3A_45 = arith.constant 0 : i32
      %dma_start3A_46 = tpu.memref_slice %arg8[%dma_start3A_41, %dma_start3A_45] : memref<16x128xi32, #tpu.memory_space<vmem>> -> memref<1x128xi32, #tpu.memory_space<vmem>>
      %dma_start3A_47 = tpu.memref_squeeze %dma_start3A_46 : memref<1x128xi32, #tpu.memory_space<vmem>> -> memref<128xi32, #tpu.memory_space<vmem>>
      %dma_start3A_48 = arith.constant 0 : i32
      %dma_start3A_49 = arith.constant 0 : i32
      %dma_start3A_50 = tpu.memref_slice %arg2[%dma_start3A_48, %dma_start3A_49] : memref<20000x32xf32, #tpu.memory_space<hbm>> -> memref<20000x32xf32, #tpu.memory_space<hbm>>
      tpu.enqueue_indirect_dma source(%dma_start3A_50 : memref<20000x32xf32, #tpu.memory_space<hbm>>) target(%dma_start3A_44 : memref<128x32xf32, #tpu.memory_space<vmem>>) offsets(%dma_start3A_47 : memref<128xi32, #tpu.memory_space<vmem>>) semaphore(%arg11 : memref<!tpu.dma_semaphore, #tpu.memory_space<semaphore_mem>>)
      %dma_start3A_51 = arith.constant 3 : i32
      %dma_start3A_52 = arith.constant 384 : i32
      %dma_start3A_53 = arith.constant 0 : i32
      %dma_start3A_54 = tpu.memref_slice %arg9[%dma_start3A_52, %dma_start3A_53] : memref<2048x32xf32, #tpu.memory_space<vmem>> -> memref<128x32xf32, #tpu.memory_space<vmem>>
      %dma_start3A_55 = arith.constant 0 : i32
      %dma_start3A_56 = tpu.memref_slice %arg8[%dma_start3A_51, %dma_start3A_55] : memref<16x128xi32, #tpu.memory_space<vmem>> -> memref<1x128xi32, #tpu.memory_space<vmem>>
      %dma_start3A_57 = tpu.memref_squeeze %dma_start3A_56 : memref<1x128xi32, #tpu.memory_space<vmem>> -> memref<128xi32, #tpu.memory_space<vmem>>
      %dma_start3A_58 = arith.constant 0 : i32
      %dma_start3A_59 = arith.constant 0 : i32
      %dma_start3A_60 = tpu.memref_slice %arg2[%dma_start3A_58, %dma_start3A_59] : memref<20000x32xf32, #tpu.memory_space<hbm>> -> memref<20000x32xf32, #tpu.memory_space<hbm>>
      tpu.enqueue_indirect_dma source(%dma_start3A_60 : memref<20000x32xf32, #tpu.memory_space<hbm>>) target(%dma_start3A_54 : memref<128x32xf32, #tpu.memory_space<vmem>>) offsets(%dma_start3A_57 : memref<128xi32, #tpu.memory_space<vmem>>) semaphore(%arg11 : memref<!tpu.dma_semaphore, #tpu.memory_space<semaphore_mem>>)
      %dma_start3A_61 = arith.constant 4 : i32
      %dma_start3A_62 = arith.constant 512 : i32
      %dma_start3A_63 = arith.constant 0 : i32
      %dma_start3A_64 = tpu.memref_slice %arg9[%dma_start3A_62, %dma_start3A_63] : memref<2048x32xf32, #tpu.memory_space<vmem>> -> memref<128x32xf32, #tpu.memory_space<vmem>>
      %dma_start3A_65 = arith.constant 0 : i32
      %dma_start3A_66 = tpu.memref_slice %arg8[%dma_start3A_61, %dma_start3A_65] : memref<16x128xi32, #tpu.memory_space<vmem>> -> memref<1x128xi32, #tpu.memory_space<vmem>>
      %dma_start3A_67 = tpu.memref_squeeze %dma_start3A_66 : memref<1x128xi32, #tpu.memory_space<vmem>> -> memref<128xi32, #tpu.memory_space<vmem>>
      %dma_start3A_68 = arith.constant 0 : i32
      %dma_start3A_69 = arith.constant 0 : i32
      %dma_start3A_70 = tpu.memref_slice %arg2[%dma_start3A_68, %dma_start3A_69] : memref<20000x32xf32, #tpu.memory_space<hbm>> -> memref<20000x32xf32, #tpu.memory_space<hbm>>
      tpu.enqueue_indirect_dma source(%dma_start3A_70 : memref<20000x32xf32, #tpu.memory_space<hbm>>) target(%dma_start3A_64 : memref<128x32xf32, #tpu.memory_space<vmem>>) offsets(%dma_start3A_67 : memref<128xi32, #tpu.memory_space<vmem>>) semaphore(%arg11 : memref<!tpu.dma_semaphore, #tpu.memory_space<semaphore_mem>>)
      %dma_start3A_71 = arith.constant 5 : i32
      %dma_start3A_72 = arith.constant 640 : i32
      %dma_start3A_73 = arith.constant 0 : i32
      %dma_start3A_74 = tpu.memref_slice %arg9[%dma_start3A_72, %dma_start3A_73] : memref<2048x32xf32, #tpu.memory_space<vmem>> -> memref<128x32xf32, #tpu.memory_space<vmem>>
      %dma_start3A_75 = arith.constant 0 : i32
      %dma_start3A_76 = tpu.memref_slice %arg8[%dma_start3A_71, %dma_start3A_75] : memref<16x128xi32, #tpu.memory_space<vmem>> -> memref<1x128xi32, #tpu.memory_space<vmem>>
      %dma_start3A_77 = tpu.memref_squeeze %dma_start3A_76 : memref<1x128xi32, #tpu.memory_space<vmem>> -> memref<128xi32, #tpu.memory_space<vmem>>
      %dma_start3A_78 = arith.constant 0 : i32
      %dma_start3A_79 = arith.constant 0 : i32
      %dma_start3A_80 = tpu.memref_slice %arg2[%dma_start3A_78, %dma_start3A_79] : memref<20000x32xf32, #tpu.memory_space<hbm>> -> memref<20000x32xf32, #tpu.memory_space<hbm>>
      tpu.enqueue_indirect_dma source(%dma_start3A_80 : memref<20000x32xf32, #tpu.memory_space<hbm>>) target(%dma_start3A_74 : memref<128x32xf32, #tpu.memory_space<vmem>>) offsets(%dma_start3A_77 : memref<128xi32, #tpu.memory_space<vmem>>) semaphore(%arg11 : memref<!tpu.dma_semaphore, #tpu.memory_space<semaphore_mem>>)
      %dma_start3A_81 = arith.constant 6 : i32
      %dma_start3A_82 = arith.constant 768 : i32
      %dma_start3A_83 = arith.constant 0 : i32
      %dma_start3A_84 = tpu.memref_slice %arg9[%dma_start3A_82, %dma_start3A_83] : memref<2048x32xf32, #tpu.memory_space<vmem>> -> memref<128x32xf32, #tpu.memory_space<vmem>>
      %dma_start3A_85 = arith.constant 0 : i32
      %dma_start3A_86 = tpu.memref_slice %arg8[%dma_start3A_81, %dma_start3A_85] : memref<16x128xi32, #tpu.memory_space<vmem>> -> memref<1x128xi32, #tpu.memory_space<vmem>>
      %dma_start3A_87 = tpu.memref_squeeze %dma_start3A_86 : memref<1x128xi32, #tpu.memory_space<vmem>> -> memref<128xi32, #tpu.memory_space<vmem>>
      %dma_start3A_88 = arith.constant 0 : i32
      %dma_start3A_89 = arith.constant 0 : i32
      %dma_start3A_90 = tpu.memref_slice %arg2[%dma_start3A_88, %dma_start3A_89] : memref<20000x32xf32, #tpu.memory_space<hbm>> -> memref<20000x32xf32, #tpu.memory_space<hbm>>
      tpu.enqueue_indirect_dma source(%dma_start3A_90 : memref<20000x32xf32, #tpu.memory_space<hbm>>) target(%dma_start3A_84 : memref<128x32xf32, #tpu.memory_space<vmem>>) offsets(%dma_start3A_87 : memref<128xi32, #tpu.memory_space<vmem>>) semaphore(%arg11 : memref<!tpu.dma_semaphore, #tpu.memory_space<semaphore_mem>>)
      %dma_start3A_91 = arith.constant 7 : i32
      %dma_start3A_92 = arith.constant 896 : i32
      %dma_start3A_93 = arith.constant 0 : i32
      %dma_start3A_94 = tpu.memref_slice %arg9[%dma_start3A_92, %dma_start3A_93] : memref<2048x32xf32, #tpu.memory_space<vmem>> -> memref<128x32xf32, #tpu.memory_space<vmem>>
      %dma_start3A_95 = arith.constant 0 : i32
      %dma_start3A_96 = tpu.memref_slice %arg8[%dma_start3A_91, %dma_start3A_95] : memref<16x128xi32, #tpu.memory_space<vmem>> -> memref<1x128xi32, #tpu.memory_space<vmem>>
      %dma_start3A_97 = tpu.memref_squeeze %dma_start3A_96 : memref<1x128xi32, #tpu.memory_space<vmem>> -> memref<128xi32, #tpu.memory_space<vmem>>
      %dma_start3A_98 = arith.constant 0 : i32
      %dma_start3A_99 = arith.constant 0 : i32
      %dma_start3A_100 = tpu.memref_slice %arg2[%dma_start3A_98, %dma_start3A_99] : memref<20000x32xf32, #tpu.memory_space<hbm>> -> memref<20000x32xf32, #tpu.memory_space<hbm>>
      tpu.enqueue_indirect_dma source(%dma_start3A_100 : memref<20000x32xf32, #tpu.memory_space<hbm>>) target(%dma_start3A_94 : memref<128x32xf32, #tpu.memory_space<vmem>>) offsets(%dma_start3A_97 : memref<128xi32, #tpu.memory_space<vmem>>) semaphore(%arg11 : memref<!tpu.dma_semaphore, #tpu.memory_space<semaphore_mem>>)
      %dma_start3A_101 = arith.constant 8 : i32
      %dma_start3A_102 = arith.constant 1024 : i32
      %dma_start3A_103 = arith.constant 0 : i32
      %dma_start3A_104 = tpu.memref_slice %arg9[%dma_start3A_102, %dma_start3A_103] : memref<2048x32xf32, #tpu.memory_space<vmem>> -> memref<128x32xf32, #tpu.memory_space<vmem>>
      %dma_start3A_105 = arith.constant 0 : i32
      %dma_start3A_106 = tpu.memref_slice %arg8[%dma_start3A_101, %dma_start3A_105] : memref<16x128xi32, #tpu.memory_space<vmem>> -> memref<1x128xi32, #tpu.memory_space<vmem>>
      %dma_start3A_107 = tpu.memref_squeeze %dma_start3A_106 : memref<1x128xi32, #tpu.memory_space<vmem>> -> memref<128xi32, #tpu.memory_space<vmem>>
      %dma_start3A_108 = arith.constant 0 : i32
      %dma_start3A_109 = arith.constant 0 : i32
      %dma_start3A_110 = tpu.memref_slice %arg2[%dma_start3A_108, %dma_start3A_109] : memref<20000x32xf32, #tpu.memory_space<hbm>> -> memref<20000x32xf32, #tpu.memory_space<hbm>>
      tpu.enqueue_indirect_dma source(%dma_start3A_110 : memref<20000x32xf32, #tpu.memory_space<hbm>>) target(%dma_start3A_104 : memref<128x32xf32, #tpu.memory_space<vmem>>) offsets(%dma_start3A_107 : memref<128xi32, #tpu.memory_space<vmem>>) semaphore(%arg11 : memref<!tpu.dma_semaphore, #tpu.memory_space<semaphore_mem>>)
      %dma_start3A_111 = arith.constant 9 : i32
      %dma_start3A_112 = arith.constant 1152 : i32
      %dma_start3A_113 = arith.constant 0 : i32
      %dma_start3A_114 = tpu.memref_slice %arg9[%dma_start3A_112, %dma_start3A_113] : memref<2048x32xf32, #tpu.memory_space<vmem>> -> memref<128x32xf32, #tpu.memory_space<vmem>>
      %dma_start3A_115 = arith.constant 0 : i32
      %dma_start3A_116 = tpu.memref_slice %arg8[%dma_start3A_111, %dma_start3A_115] : memref<16x128xi32, #tpu.memory_space<vmem>> -> memref<1x128xi32, #tpu.memory_space<vmem>>
      %dma_start3A_117 = tpu.memref_squeeze %dma_start3A_116 : memref<1x128xi32, #tpu.memory_space<vmem>> -> memref<128xi32, #tpu.memory_space<vmem>>
      %dma_start3A_118 = arith.constant 0 : i32
      %dma_start3A_119 = arith.constant 0 : i32
      %dma_start3A_120 = tpu.memref_slice %arg2[%dma_start3A_118, %dma_start3A_119] : memref<20000x32xf32, #tpu.memory_space<hbm>> -> memref<20000x32xf32, #tpu.memory_space<hbm>>
      tpu.enqueue_indirect_dma source(%dma_start3A_120 : memref<20000x32xf32, #tpu.memory_space<hbm>>) target(%dma_start3A_114 : memref<128x32xf32, #tpu.memory_space<vmem>>) offsets(%dma_start3A_117 : memref<128xi32, #tpu.memory_space<vmem>>) semaphore(%arg11 : memref<!tpu.dma_semaphore, #tpu.memory_space<semaphore_mem>>)
      %dma_start3A_121 = arith.constant 10 : i32
      %dma_start3A_122 = arith.constant 1280 : i32
      %dma_start3A_123 = arith.constant 0 : i32
      %dma_start3A_124 = tpu.memref_slice %arg9[%dma_start3A_122, %dma_start3A_123] : memref<2048x32xf32, #tpu.memory_space<vmem>> -> memref<128x32xf32, #tpu.memory_space<vmem>>
      %dma_start3A_125 = arith.constant 0 : i32
      %dma_start3A_126 = tpu.memref_slice %arg8[%dma_start3A_121, %dma_start3A_125] : memref<16x128xi32, #tpu.memory_space<vmem>> -> memref<1x128xi32, #tpu.memory_space<vmem>>
      %dma_start3A_127 = tpu.memref_squeeze %dma_start3A_126 : memref<1x128xi32, #tpu.memory_space<vmem>> -> memref<128xi32, #tpu.memory_space<vmem>>
      %dma_start3A_128 = arith.constant 0 : i32
      %dma_start3A_129 = arith.constant 0 : i32
      %dma_start3A_130 = tpu.memref_slice %arg2[%dma_start3A_128, %dma_start3A_129] : memref<20000x32xf32, #tpu.memory_space<hbm>> -> memref<20000x32xf32, #tpu.memory_space<hbm>>
      tpu.enqueue_indirect_dma source(%dma_start3A_130 : memref<20000x32xf32, #tpu.memory_space<hbm>>) target(%dma_start3A_124 : memref<128x32xf32, #tpu.memory_space<vmem>>) offsets(%dma_start3A_127 : memref<128xi32, #tpu.memory_space<vmem>>) semaphore(%arg11 : memref<!tpu.dma_semaphore, #tpu.memory_space<semaphore_mem>>)
      %dma_start3A_131 = arith.constant 11 : i32
      %dma_start3A_132 = arith.constant 1408 : i32
      %dma_start3A_133 = arith.constant 0 : i32
      %dma_start3A_134 = tpu.memref_slice %arg9[%dma_start3A_132, %dma_start3A_133] : memref<2048x32xf32, #tpu.memory_space<vmem>> -> memref<128x32xf32, #tpu.memory_space<vmem>>
      %dma_start3A_135 = arith.constant 0 : i32
      %dma_start3A_136 = tpu.memref_slice %arg8[%dma_start3A_131, %dma_start3A_135] : memref<16x128xi32, #tpu.memory_space<vmem>> -> memref<1x128xi32, #tpu.memory_space<vmem>>
      %dma_start3A_137 = tpu.memref_squeeze %dma_start3A_136 : memref<1x128xi32, #tpu.memory_space<vmem>> -> memref<128xi32, #tpu.memory_space<vmem>>
      %dma_start3A_138 = arith.constant 0 : i32
      %dma_start3A_139 = arith.constant 0 : i32
      %dma_start3A_140 = tpu.memref_slice %arg2[%dma_start3A_138, %dma_start3A_139] : memref<20000x32xf32, #tpu.memory_space<hbm>> -> memref<20000x32xf32, #tpu.memory_space<hbm>>
      tpu.enqueue_indirect_dma source(%dma_start3A_140 : memref<20000x32xf32, #tpu.memory_space<hbm>>) target(%dma_start3A_134 : memref<128x32xf32, #tpu.memory_space<vmem>>) offsets(%dma_start3A_137 : memref<128xi32, #tpu.memory_space<vmem>>) semaphore(%arg11 : memref<!tpu.dma_semaphore, #tpu.memory_space<semaphore_mem>>)
      %dma_start3A_141 = arith.constant 12 : i32
      %dma_start3A_142 = arith.constant 1536 : i32
      %dma_start3A_143 = arith.constant 0 : i32
      %dma_start3A_144 = tpu.memref_slice %arg9[%dma_start3A_142, %dma_start3A_143] : memref<2048x32xf32, #tpu.memory_space<vmem>> -> memref<128x32xf32, #tpu.memory_space<vmem>>
      %dma_start3A_145 = arith.constant 0 : i32
      %dma_start3A_146 = tpu.memref_slice %arg8[%dma_start3A_141, %dma_start3A_145] : memref<16x128xi32, #tpu.memory_space<vmem>> -> memref<1x128xi32, #tpu.memory_space<vmem>>
      %dma_start3A_147 = tpu.memref_squeeze %dma_start3A_146 : memref<1x128xi32, #tpu.memory_space<vmem>> -> memref<128xi32, #tpu.memory_space<vmem>>
      %dma_start3A_148 = arith.constant 0 : i32
      %dma_start3A_149 = arith.constant 0 : i32
      %dma_start3A_150 = tpu.memref_slice %arg2[%dma_start3A_148, %dma_start3A_149] : memref<20000x32xf32, #tpu.memory_space<hbm>> -> memref<20000x32xf32, #tpu.memory_space<hbm>>
      tpu.enqueue_indirect_dma source(%dma_start3A_150 : memref<20000x32xf32, #tpu.memory_space<hbm>>) target(%dma_start3A_144 : memref<128x32xf32, #tpu.memory_space<vmem>>) offsets(%dma_start3A_147 : memref<128xi32, #tpu.memory_space<vmem>>) semaphore(%arg11 : memref<!tpu.dma_semaphore, #tpu.memory_space<semaphore_mem>>)
      %dma_start3A_151 = arith.constant 13 : i32
      %dma_start3A_152 = arith.constant 1664 : i32
      %dma_start3A_153 = arith.constant 0 : i32
      %dma_start3A_154 = tpu.memref_slice %arg9[%dma_start3A_152, %dma_start3A_153] : memref<2048x32xf32, #tpu.memory_space<vmem>> -> memref<128x32xf32, #tpu.memory_space<vmem>>
      %dma_start3A_155 = arith.constant 0 : i32
      %dma_start3A_156 = tpu.memref_slice %arg8[%dma_start3A_151, %dma_start3A_155] : memref<16x128xi32, #tpu.memory_space<vmem>> -> memref<1x128xi32, #tpu.memory_space<vmem>>
      %dma_start3A_157 = tpu.memref_squeeze %dma_start3A_156 : memref<1x128xi32, #tpu.memory_space<vmem>> -> memref<128xi32, #tpu.memory_space<vmem>>
      %dma_start3A_158 = arith.constant 0 : i32
      %dma_start3A_159 = arith.constant 0 : i32
      %dma_start3A_160 = tpu.memref_slice %arg2[%dma_start3A_158, %dma_start3A_159] : memref<20000x32xf32, #tpu.memory_space<hbm>> -> memref<20000x32xf32, #tpu.memory_space<hbm>>
      tpu.enqueue_indirect_dma source(%dma_start3A_160 : memref<20000x32xf32, #tpu.memory_space<hbm>>) target(%dma_start3A_154 : memref<128x32xf32, #tpu.memory_space<vmem>>) offsets(%dma_start3A_157 : memref<128xi32, #tpu.memory_space<vmem>>) semaphore(%arg11 : memref<!tpu.dma_semaphore, #tpu.memory_space<semaphore_mem>>)
      %dma_start3A_161 = arith.constant 14 : i32
      %dma_start3A_162 = arith.constant 1792 : i32
      %dma_start3A_163 = arith.constant 0 : i32
      %dma_start3A_164 = tpu.memref_slice %arg9[%dma_start3A_162, %dma_start3A_163] : memref<2048x32xf32, #tpu.memory_space<vmem>> -> memref<128x32xf32, #tpu.memory_space<vmem>>
      %dma_start3A_165 = arith.constant 0 : i32
      %dma_start3A_166 = tpu.memref_slice %arg8[%dma_start3A_161, %dma_start3A_165] : memref<16x128xi32, #tpu.memory_space<vmem>> -> memref<1x128xi32, #tpu.memory_space<vmem>>
      %dma_start3A_167 = tpu.memref_squeeze %dma_start3A_166 : memref<1x128xi32, #tpu.memory_space<vmem>> -> memref<128xi32, #tpu.memory_space<vmem>>
      %dma_start3A_168 = arith.constant 0 : i32
      %dma_start3A_169 = arith.constant 0 : i32
      %dma_start3A_170 = tpu.memref_slice %arg2[%dma_start3A_168, %dma_start3A_169] : memref<20000x32xf32, #tpu.memory_space<hbm>> -> memref<20000x32xf32, #tpu.memory_space<hbm>>
      tpu.enqueue_indirect_dma source(%dma_start3A_170 : memref<20000x32xf32, #tpu.memory_space<hbm>>) target(%dma_start3A_164 : memref<128x32xf32, #tpu.memory_space<vmem>>) offsets(%dma_start3A_167 : memref<128xi32, #tpu.memory_space<vmem>>) semaphore(%arg11 : memref<!tpu.dma_semaphore, #tpu.memory_space<semaphore_mem>>)
      %dma_start3A_171 = arith.constant 15 : i32
      %dma_start3A_172 = arith.constant 1920 : i32
      %dma_start3A_173 = arith.constant 0 : i32
      %dma_start3A_174 = tpu.memref_slice %arg9[%dma_start3A_172, %dma_start3A_173] : memref<2048x32xf32, #tpu.memory_space<vmem>> -> memref<128x32xf32, #tpu.memory_space<vmem>>
      %dma_start3A_175 = arith.constant 0 : i32
      %dma_start3A_176 = tpu.memref_slice %arg8[%dma_start3A_171, %dma_start3A_175] : memref<16x128xi32, #tpu.memory_space<vmem>> -> memref<1x128xi32, #tpu.memory_space<vmem>>
      %dma_start3A_177 = tpu.memref_squeeze %dma_start3A_176 : memref<1x128xi32, #tpu.memory_space<vmem>> -> memref<128xi32, #tpu.memory_space<vmem>>
      %dma_start3A_178 = arith.constant 0 : i32
      %dma_start3A_179 = arith.constant 0 : i32
      %dma_start3A_180 = tpu.memref_slice %arg2[%dma_start3A_178, %dma_start3A_179] : memref<20000x32xf32, #tpu.memory_space<hbm>> -> memref<20000x32xf32, #tpu.memory_space<hbm>>
      tpu.enqueue_indirect_dma source(%dma_start3A_180 : memref<20000x32xf32, #tpu.memory_space<hbm>>) target(%dma_start3A_174 : memref<128x32xf32, #tpu.memory_space<vmem>>) offsets(%dma_start3A_177 : memref<128xi32, #tpu.memory_space<vmem>>) semaphore(%arg11 : memref<!tpu.dma_semaphore, #tpu.memory_space<semaphore_mem>>)
      %dma_wait3A = arith.constant 0 : i32
      %dma_wait3A_181 = arith.constant 0 : i32
      %dma_wait3A_182 = arith.constant 0 : i32
      %dma_wait3A_183 = tpu.memref_slice %arg9[%dma_wait3A_181, %dma_wait3A_182] : memref<2048x32xf32, #tpu.memory_space<vmem>> -> memref<128x32xf32, #tpu.memory_space<vmem>>
      %dma_wait3A_184 = arith.constant 0 : i32
      %dma_wait3A_185 = tpu.memref_slice %arg8[%dma_wait3A, %dma_wait3A_184] : memref<16x128xi32, #tpu.memory_space<vmem>> -> memref<1x128xi32, #tpu.memory_space<vmem>>
      %dma_wait3A_186 = tpu.memref_squeeze %dma_wait3A_185 : memref<1x128xi32, #tpu.memory_space<vmem>> -> memref<128xi32, #tpu.memory_space<vmem>>
      %dma_wait3A_187 = arith.constant 0 : i32
      %dma_wait3A_188 = arith.constant 0 : i32
      %dma_wait3A_189 = tpu.memref_slice %arg2[%dma_wait3A_187, %dma_wait3A_188] : memref<20000x32xf32, #tpu.memory_space<hbm>> -> memref<20000x32xf32, #tpu.memory_space<hbm>>
      tpu.wait_indirect_dma semaphore(%arg11 : memref<!tpu.dma_semaphore, #tpu.memory_space<semaphore_mem>>) src(%dma_wait3A_189 : memref<20000x32xf32, #tpu.memory_space<hbm>>) dst(%dma_wait3A_183 : memref<128x32xf32, #tpu.memory_space<vmem>>)
      %dma_start3A_190 = arith.constant 0 : i32
      %dma_start3A_191 = arith.constant 0 : i32
      %dma_start3A_192 = arith.constant 0 : i32
      %dma_start3A_193 = tpu.memref_slice %arg9[%dma_start3A_191, %dma_start3A_192] : memref<2048x32xf32, #tpu.memory_space<vmem>> -> memref<128x32xf32, #tpu.memory_space<vmem>>
      %dma_start3A_194 = arith.constant 0 : i32
      %dma_start3A_195 = tpu.memref_slice %arg7[%dma_start3A_190, %dma_start3A_194] : memref<16x128xi32, #tpu.memory_space<vmem>> -> memref<1x128xi32, #tpu.memory_space<vmem>>
      %dma_start3A_196 = tpu.memref_squeeze %dma_start3A_195 : memref<1x128xi32, #tpu.memory_space<vmem>> -> memref<128xi32, #tpu.memory_space<vmem>>
      %dma_start3A_197 = arith.constant 0 : i32
      %dma_start3A_198 = arith.constant 0 : i32
      %dma_start3A_199 = tpu.memref_slice %arg10[%dma_start3A_197, %dma_start3A_198] : memref<30080x32xf32, #tpu.memory_space<vmem_shared>> -> memref<30080x32xf32, #tpu.memory_space<vmem_shared>>
      tpu.enqueue_indirect_dma source(%dma_start3A_193 : memref<128x32xf32, #tpu.memory_space<vmem>>) target(%dma_start3A_199 : memref<30080x32xf32, #tpu.memory_space<vmem_shared>>) offsets(%dma_start3A_196 : memref<128xi32, #tpu.memory_space<vmem>>) semaphore(%arg12 : memref<!tpu.dma_semaphore, #tpu.memory_space<semaphore_mem>>) {add = true}
      %dma_wait3A_200 = arith.constant 1 : i32
      %dma_wait3A_201 = arith.constant 128 : i32
      %dma_wait3A_202 = arith.constant 0 : i32
      %dma_wait3A_203 = tpu.memref_slice %arg9[%dma_wait3A_201, %dma_wait3A_202] : memref<2048x32xf32, #tpu.memory_space<vmem>> -> memref<128x32xf32, #tpu.memory_space<vmem>>
      %dma_wait3A_204 = arith.constant 0 : i32
      %dma_wait3A_205 = tpu.memref_slice %arg8[%dma_wait3A_200, %dma_wait3A_204] : memref<16x128xi32, #tpu.memory_space<vmem>> -> memref<1x128xi32, #tpu.memory_space<vmem>>
      %dma_wait3A_206 = tpu.memref_squeeze %dma_wait3A_205 : memref<1x128xi32, #tpu.memory_space<vmem>> -> memref<128xi32, #tpu.memory_space<vmem>>
      %dma_wait3A_207 = arith.constant 0 : i32
      %dma_wait3A_208 = arith.constant 0 : i32
      %dma_wait3A_209 = tpu.memref_slice %arg2[%dma_wait3A_207, %dma_wait3A_208] : memref<20000x32xf32, #tpu.memory_space<hbm>> -> memref<20000x32xf32, #tpu.memory_space<hbm>>
      tpu.wait_indirect_dma semaphore(%arg11 : memref<!tpu.dma_semaphore, #tpu.memory_space<semaphore_mem>>) src(%dma_wait3A_209 : memref<20000x32xf32, #tpu.memory_space<hbm>>) dst(%dma_wait3A_203 : memref<128x32xf32, #tpu.memory_space<vmem>>)
      %dma_start3A_210 = arith.constant 1 : i32
      %dma_start3A_211 = arith.constant 128 : i32
      %dma_start3A_212 = arith.constant 0 : i32
      %dma_start3A_213 = tpu.memref_slice %arg9[%dma_start3A_211, %dma_start3A_212] : memref<2048x32xf32, #tpu.memory_space<vmem>> -> memref<128x32xf32, #tpu.memory_space<vmem>>
      %dma_start3A_214 = arith.constant 0 : i32
      %dma_start3A_215 = tpu.memref_slice %arg7[%dma_start3A_210, %dma_start3A_214] : memref<16x128xi32, #tpu.memory_space<vmem>> -> memref<1x128xi32, #tpu.memory_space<vmem>>
      %dma_start3A_216 = tpu.memref_squeeze %dma_start3A_215 : memref<1x128xi32, #tpu.memory_space<vmem>> -> memref<128xi32, #tpu.memory_space<vmem>>
      %dma_start3A_217 = arith.constant 0 : i32
      %dma_start3A_218 = arith.constant 0 : i32
      %dma_start3A_219 = tpu.memref_slice %arg10[%dma_start3A_217, %dma_start3A_218] : memref<30080x32xf32, #tpu.memory_space<vmem_shared>> -> memref<30080x32xf32, #tpu.memory_space<vmem_shared>>
      tpu.enqueue_indirect_dma source(%dma_start3A_213 : memref<128x32xf32, #tpu.memory_space<vmem>>) target(%dma_start3A_219 : memref<30080x32xf32, #tpu.memory_space<vmem_shared>>) offsets(%dma_start3A_216 : memref<128xi32, #tpu.memory_space<vmem>>) semaphore(%arg12 : memref<!tpu.dma_semaphore, #tpu.memory_space<semaphore_mem>>) {add = true}
      %dma_wait3A_220 = arith.constant 2 : i32
      %dma_wait3A_221 = arith.constant 256 : i32
      %dma_wait3A_222 = arith.constant 0 : i32
      %dma_wait3A_223 = tpu.memref_slice %arg9[%dma_wait3A_221, %dma_wait3A_222] : memref<2048x32xf32, #tpu.memory_space<vmem>> -> memref<128x32xf32, #tpu.memory_space<vmem>>
      %dma_wait3A_224 = arith.constant 0 : i32
      %dma_wait3A_225 = tpu.memref_slice %arg8[%dma_wait3A_220, %dma_wait3A_224] : memref<16x128xi32, #tpu.memory_space<vmem>> -> memref<1x128xi32, #tpu.memory_space<vmem>>
      %dma_wait3A_226 = tpu.memref_squeeze %dma_wait3A_225 : memref<1x128xi32, #tpu.memory_space<vmem>> -> memref<128xi32, #tpu.memory_space<vmem>>
      %dma_wait3A_227 = arith.constant 0 : i32
      %dma_wait3A_228 = arith.constant 0 : i32
      %dma_wait3A_229 = tpu.memref_slice %arg2[%dma_wait3A_227, %dma_wait3A_228] : memref<20000x32xf32, #tpu.memory_space<hbm>> -> memref<20000x32xf32, #tpu.memory_space<hbm>>
      tpu.wait_indirect_dma semaphore(%arg11 : memref<!tpu.dma_semaphore, #tpu.memory_space<semaphore_mem>>) src(%dma_wait3A_229 : memref<20000x32xf32, #tpu.memory_space<hbm>>) dst(%dma_wait3A_223 : memref<128x32xf32, #tpu.memory_space<vmem>>)
      %dma_start3A_230 = arith.constant 2 : i32
      %dma_start3A_231 = arith.constant 256 : i32
      %dma_start3A_232 = arith.constant 0 : i32
      %dma_start3A_233 = tpu.memref_slice %arg9[%dma_start3A_231, %dma_start3A_232] : memref<2048x32xf32, #tpu.memory_space<vmem>> -> memref<128x32xf32, #tpu.memory_space<vmem>>
      %dma_start3A_234 = arith.constant 0 : i32
      %dma_start3A_235 = tpu.memref_slice %arg7[%dma_start3A_230, %dma_start3A_234] : memref<16x128xi32, #tpu.memory_space<vmem>> -> memref<1x128xi32, #tpu.memory_space<vmem>>
      %dma_start3A_236 = tpu.memref_squeeze %dma_start3A_235 : memref<1x128xi32, #tpu.memory_space<vmem>> -> memref<128xi32, #tpu.memory_space<vmem>>
      %dma_start3A_237 = arith.constant 0 : i32
      %dma_start3A_238 = arith.constant 0 : i32
      %dma_start3A_239 = tpu.memref_slice %arg10[%dma_start3A_237, %dma_start3A_238] : memref<30080x32xf32, #tpu.memory_space<vmem_shared>> -> memref<30080x32xf32, #tpu.memory_space<vmem_shared>>
      tpu.enqueue_indirect_dma source(%dma_start3A_233 : memref<128x32xf32, #tpu.memory_space<vmem>>) target(%dma_start3A_239 : memref<30080x32xf32, #tpu.memory_space<vmem_shared>>) offsets(%dma_start3A_236 : memref<128xi32, #tpu.memory_space<vmem>>) semaphore(%arg12 : memref<!tpu.dma_semaphore, #tpu.memory_space<semaphore_mem>>) {add = true}
      %dma_wait3A_240 = arith.constant 3 : i32
      %dma_wait3A_241 = arith.constant 384 : i32
      %dma_wait3A_242 = arith.constant 0 : i32
      %dma_wait3A_243 = tpu.memref_slice %arg9[%dma_wait3A_241, %dma_wait3A_242] : memref<2048x32xf32, #tpu.memory_space<vmem>> -> memref<128x32xf32, #tpu.memory_space<vmem>>
      %dma_wait3A_244 = arith.constant 0 : i32
      %dma_wait3A_245 = tpu.memref_slice %arg8[%dma_wait3A_240, %dma_wait3A_244] : memref<16x128xi32, #tpu.memory_space<vmem>> -> memref<1x128xi32, #tpu.memory_space<vmem>>
      %dma_wait3A_246 = tpu.memref_squeeze %dma_wait3A_245 : memref<1x128xi32, #tpu.memory_space<vmem>> -> memref<128xi32, #tpu.memory_space<vmem>>
      %dma_wait3A_247 = arith.constant 0 : i32
      %dma_wait3A_248 = arith.constant 0 : i32
      %dma_wait3A_249 = tpu.memref_slice %arg2[%dma_wait3A_247, %dma_wait3A_248] : memref<20000x32xf32, #tpu.memory_space<hbm>> -> memref<20000x32xf32, #tpu.memory_space<hbm>>
      tpu.wait_indirect_dma semaphore(%arg11 : memref<!tpu.dma_semaphore, #tpu.memory_space<semaphore_mem>>) src(%dma_wait3A_249 : memref<20000x32xf32, #tpu.memory_space<hbm>>) dst(%dma_wait3A_243 : memref<128x32xf32, #tpu.memory_space<vmem>>)
      %dma_start3A_250 = arith.constant 3 : i32
      %dma_start3A_251 = arith.constant 384 : i32
      %dma_start3A_252 = arith.constant 0 : i32
      %dma_start3A_253 = tpu.memref_slice %arg9[%dma_start3A_251, %dma_start3A_252] : memref<2048x32xf32, #tpu.memory_space<vmem>> -> memref<128x32xf32, #tpu.memory_space<vmem>>
      %dma_start3A_254 = arith.constant 0 : i32
      %dma_start3A_255 = tpu.memref_slice %arg7[%dma_start3A_250, %dma_start3A_254] : memref<16x128xi32, #tpu.memory_space<vmem>> -> memref<1x128xi32, #tpu.memory_space<vmem>>
      %dma_start3A_256 = tpu.memref_squeeze %dma_start3A_255 : memref<1x128xi32, #tpu.memory_space<vmem>> -> memref<128xi32, #tpu.memory_space<vmem>>
      %dma_start3A_257 = arith.constant 0 : i32
      %dma_start3A_258 = arith.constant 0 : i32
      %dma_start3A_259 = tpu.memref_slice %arg10[%dma_start3A_257, %dma_start3A_258] : memref<30080x32xf32, #tpu.memory_space<vmem_shared>> -> memref<30080x32xf32, #tpu.memory_space<vmem_shared>>
      tpu.enqueue_indirect_dma source(%dma_start3A_253 : memref<128x32xf32, #tpu.memory_space<vmem>>) target(%dma_start3A_259 : memref<30080x32xf32, #tpu.memory_space<vmem_shared>>) offsets(%dma_start3A_256 : memref<128xi32, #tpu.memory_space<vmem>>) semaphore(%arg12 : memref<!tpu.dma_semaphore, #tpu.memory_space<semaphore_mem>>) {add = true}
      %dma_wait3A_260 = arith.constant 4 : i32
      %dma_wait3A_261 = arith.constant 512 : i32
      %dma_wait3A_262 = arith.constant 0 : i32
      %dma_wait3A_263 = tpu.memref_slice %arg9[%dma_wait3A_261, %dma_wait3A_262] : memref<2048x32xf32, #tpu.memory_space<vmem>> -> memref<128x32xf32, #tpu.memory_space<vmem>>
      %dma_wait3A_264 = arith.constant 0 : i32
      %dma_wait3A_265 = tpu.memref_slice %arg8[%dma_wait3A_260, %dma_wait3A_264] : memref<16x128xi32, #tpu.memory_space<vmem>> -> memref<1x128xi32, #tpu.memory_space<vmem>>
      %dma_wait3A_266 = tpu.memref_squeeze %dma_wait3A_265 : memref<1x128xi32, #tpu.memory_space<vmem>> -> memref<128xi32, #tpu.memory_space<vmem>>
      %dma_wait3A_267 = arith.constant 0 : i32
      %dma_wait3A_268 = arith.constant 0 : i32
      %dma_wait3A_269 = tpu.memref_slice %arg2[%dma_wait3A_267, %dma_wait3A_268] : memref<20000x32xf32, #tpu.memory_space<hbm>> -> memref<20000x32xf32, #tpu.memory_space<hbm>>
      tpu.wait_indirect_dma semaphore(%arg11 : memref<!tpu.dma_semaphore, #tpu.memory_space<semaphore_mem>>) src(%dma_wait3A_269 : memref<20000x32xf32, #tpu.memory_space<hbm>>) dst(%dma_wait3A_263 : memref<128x32xf32, #tpu.memory_space<vmem>>)
      %dma_start3A_270 = arith.constant 4 : i32
      %dma_start3A_271 = arith.constant 512 : i32
      %dma_start3A_272 = arith.constant 0 : i32
      %dma_start3A_273 = tpu.memref_slice %arg9[%dma_start3A_271, %dma_start3A_272] : memref<2048x32xf32, #tpu.memory_space<vmem>> -> memref<128x32xf32, #tpu.memory_space<vmem>>
      %dma_start3A_274 = arith.constant 0 : i32
      %dma_start3A_275 = tpu.memref_slice %arg7[%dma_start3A_270, %dma_start3A_274] : memref<16x128xi32, #tpu.memory_space<vmem>> -> memref<1x128xi32, #tpu.memory_space<vmem>>
      %dma_start3A_276 = tpu.memref_squeeze %dma_start3A_275 : memref<1x128xi32, #tpu.memory_space<vmem>> -> memref<128xi32, #tpu.memory_space<vmem>>
      %dma_start3A_277 = arith.constant 0 : i32
      %dma_start3A_278 = arith.constant 0 : i32
      %dma_start3A_279 = tpu.memref_slice %arg10[%dma_start3A_277, %dma_start3A_278] : memref<30080x32xf32, #tpu.memory_space<vmem_shared>> -> memref<30080x32xf32, #tpu.memory_space<vmem_shared>>
      tpu.enqueue_indirect_dma source(%dma_start3A_273 : memref<128x32xf32, #tpu.memory_space<vmem>>) target(%dma_start3A_279 : memref<30080x32xf32, #tpu.memory_space<vmem_shared>>) offsets(%dma_start3A_276 : memref<128xi32, #tpu.memory_space<vmem>>) semaphore(%arg12 : memref<!tpu.dma_semaphore, #tpu.memory_space<semaphore_mem>>) {add = true}
      %dma_wait3A_280 = arith.constant 5 : i32
      %dma_wait3A_281 = arith.constant 640 : i32
      %dma_wait3A_282 = arith.constant 0 : i32
      %dma_wait3A_283 = tpu.memref_slice %arg9[%dma_wait3A_281, %dma_wait3A_282] : memref<2048x32xf32, #tpu.memory_space<vmem>> -> memref<128x32xf32, #tpu.memory_space<vmem>>
      %dma_wait3A_284 = arith.constant 0 : i32
      %dma_wait3A_285 = tpu.memref_slice %arg8[%dma_wait3A_280, %dma_wait3A_284] : memref<16x128xi32, #tpu.memory_space<vmem>> -> memref<1x128xi32, #tpu.memory_space<vmem>>
      %dma_wait3A_286 = tpu.memref_squeeze %dma_wait3A_285 : memref<1x128xi32, #tpu.memory_space<vmem>> -> memref<128xi32, #tpu.memory_space<vmem>>
      %dma_wait3A_287 = arith.constant 0 : i32
      %dma_wait3A_288 = arith.constant 0 : i32
      %dma_wait3A_289 = tpu.memref_slice %arg2[%dma_wait3A_287, %dma_wait3A_288] : memref<20000x32xf32, #tpu.memory_space<hbm>> -> memref<20000x32xf32, #tpu.memory_space<hbm>>
      tpu.wait_indirect_dma semaphore(%arg11 : memref<!tpu.dma_semaphore, #tpu.memory_space<semaphore_mem>>) src(%dma_wait3A_289 : memref<20000x32xf32, #tpu.memory_space<hbm>>) dst(%dma_wait3A_283 : memref<128x32xf32, #tpu.memory_space<vmem>>)
      %dma_start3A_290 = arith.constant 5 : i32
      %dma_start3A_291 = arith.constant 640 : i32
      %dma_start3A_292 = arith.constant 0 : i32
      %dma_start3A_293 = tpu.memref_slice %arg9[%dma_start3A_291, %dma_start3A_292] : memref<2048x32xf32, #tpu.memory_space<vmem>> -> memref<128x32xf32, #tpu.memory_space<vmem>>
      %dma_start3A_294 = arith.constant 0 : i32
      %dma_start3A_295 = tpu.memref_slice %arg7[%dma_start3A_290, %dma_start3A_294] : memref<16x128xi32, #tpu.memory_space<vmem>> -> memref<1x128xi32, #tpu.memory_space<vmem>>
      %dma_start3A_296 = tpu.memref_squeeze %dma_start3A_295 : memref<1x128xi32, #tpu.memory_space<vmem>> -> memref<128xi32, #tpu.memory_space<vmem>>
      %dma_start3A_297 = arith.constant 0 : i32
      %dma_start3A_298 = arith.constant 0 : i32
      %dma_start3A_299 = tpu.memref_slice %arg10[%dma_start3A_297, %dma_start3A_298] : memref<30080x32xf32, #tpu.memory_space<vmem_shared>> -> memref<30080x32xf32, #tpu.memory_space<vmem_shared>>
      tpu.enqueue_indirect_dma source(%dma_start3A_293 : memref<128x32xf32, #tpu.memory_space<vmem>>) target(%dma_start3A_299 : memref<30080x32xf32, #tpu.memory_space<vmem_shared>>) offsets(%dma_start3A_296 : memref<128xi32, #tpu.memory_space<vmem>>) semaphore(%arg12 : memref<!tpu.dma_semaphore, #tpu.memory_space<semaphore_mem>>) {add = true}
      %dma_wait3A_300 = arith.constant 6 : i32
      %dma_wait3A_301 = arith.constant 768 : i32
      %dma_wait3A_302 = arith.constant 0 : i32
      %dma_wait3A_303 = tpu.memref_slice %arg9[%dma_wait3A_301, %dma_wait3A_302] : memref<2048x32xf32, #tpu.memory_space<vmem>> -> memref<128x32xf32, #tpu.memory_space<vmem>>
      %dma_wait3A_304 = arith.constant 0 : i32
      %dma_wait3A_305 = tpu.memref_slice %arg8[%dma_wait3A_300, %dma_wait3A_304] : memref<16x128xi32, #tpu.memory_space<vmem>> -> memref<1x128xi32, #tpu.memory_space<vmem>>
      %dma_wait3A_306 = tpu.memref_squeeze %dma_wait3A_305 : memref<1x128xi32, #tpu.memory_space<vmem>> -> memref<128xi32, #tpu.memory_space<vmem>>
      %dma_wait3A_307 = arith.constant 0 : i32
      %dma_wait3A_308 = arith.constant 0 : i32
      %dma_wait3A_309 = tpu.memref_slice %arg2[%dma_wait3A_307, %dma_wait3A_308] : memref<20000x32xf32, #tpu.memory_space<hbm>> -> memref<20000x32xf32, #tpu.memory_space<hbm>>
      tpu.wait_indirect_dma semaphore(%arg11 : memref<!tpu.dma_semaphore, #tpu.memory_space<semaphore_mem>>) src(%dma_wait3A_309 : memref<20000x32xf32, #tpu.memory_space<hbm>>) dst(%dma_wait3A_303 : memref<128x32xf32, #tpu.memory_space<vmem>>)
      %dma_start3A_310 = arith.constant 6 : i32
      %dma_start3A_311 = arith.constant 768 : i32
      %dma_start3A_312 = arith.constant 0 : i32
      %dma_start3A_313 = tpu.memref_slice %arg9[%dma_start3A_311, %dma_start3A_312] : memref<2048x32xf32, #tpu.memory_space<vmem>> -> memref<128x32xf32, #tpu.memory_space<vmem>>
      %dma_start3A_314 = arith.constant 0 : i32
      %dma_start3A_315 = tpu.memref_slice %arg7[%dma_start3A_310, %dma_start3A_314] : memref<16x128xi32, #tpu.memory_space<vmem>> -> memref<1x128xi32, #tpu.memory_space<vmem>>
      %dma_start3A_316 = tpu.memref_squeeze %dma_start3A_315 : memref<1x128xi32, #tpu.memory_space<vmem>> -> memref<128xi32, #tpu.memory_space<vmem>>
      %dma_start3A_317 = arith.constant 0 : i32
      %dma_start3A_318 = arith.constant 0 : i32
      %dma_start3A_319 = tpu.memref_slice %arg10[%dma_start3A_317, %dma_start3A_318] : memref<30080x32xf32, #tpu.memory_space<vmem_shared>> -> memref<30080x32xf32, #tpu.memory_space<vmem_shared>>
      tpu.enqueue_indirect_dma source(%dma_start3A_313 : memref<128x32xf32, #tpu.memory_space<vmem>>) target(%dma_start3A_319 : memref<30080x32xf32, #tpu.memory_space<vmem_shared>>) offsets(%dma_start3A_316 : memref<128xi32, #tpu.memory_space<vmem>>) semaphore(%arg12 : memref<!tpu.dma_semaphore, #tpu.memory_space<semaphore_mem>>) {add = true}
      %dma_wait3A_320 = arith.constant 7 : i32
      %dma_wait3A_321 = arith.constant 896 : i32
      %dma_wait3A_322 = arith.constant 0 : i32
      %dma_wait3A_323 = tpu.memref_slice %arg9[%dma_wait3A_321, %dma_wait3A_322] : memref<2048x32xf32, #tpu.memory_space<vmem>> -> memref<128x32xf32, #tpu.memory_space<vmem>>
      %dma_wait3A_324 = arith.constant 0 : i32
      %dma_wait3A_325 = tpu.memref_slice %arg8[%dma_wait3A_320, %dma_wait3A_324] : memref<16x128xi32, #tpu.memory_space<vmem>> -> memref<1x128xi32, #tpu.memory_space<vmem>>
      %dma_wait3A_326 = tpu.memref_squeeze %dma_wait3A_325 : memref<1x128xi32, #tpu.memory_space<vmem>> -> memref<128xi32, #tpu.memory_space<vmem>>
      %dma_wait3A_327 = arith.constant 0 : i32
      %dma_wait3A_328 = arith.constant 0 : i32
      %dma_wait3A_329 = tpu.memref_slice %arg2[%dma_wait3A_327, %dma_wait3A_328] : memref<20000x32xf32, #tpu.memory_space<hbm>> -> memref<20000x32xf32, #tpu.memory_space<hbm>>
      tpu.wait_indirect_dma semaphore(%arg11 : memref<!tpu.dma_semaphore, #tpu.memory_space<semaphore_mem>>) src(%dma_wait3A_329 : memref<20000x32xf32, #tpu.memory_space<hbm>>) dst(%dma_wait3A_323 : memref<128x32xf32, #tpu.memory_space<vmem>>)
      %dma_start3A_330 = arith.constant 7 : i32
      %dma_start3A_331 = arith.constant 896 : i32
      %dma_start3A_332 = arith.constant 0 : i32
      %dma_start3A_333 = tpu.memref_slice %arg9[%dma_start3A_331, %dma_start3A_332] : memref<2048x32xf32, #tpu.memory_space<vmem>> -> memref<128x32xf32, #tpu.memory_space<vmem>>
      %dma_start3A_334 = arith.constant 0 : i32
      %dma_start3A_335 = tpu.memref_slice %arg7[%dma_start3A_330, %dma_start3A_334] : memref<16x128xi32, #tpu.memory_space<vmem>> -> memref<1x128xi32, #tpu.memory_space<vmem>>
      %dma_start3A_336 = tpu.memref_squeeze %dma_start3A_335 : memref<1x128xi32, #tpu.memory_space<vmem>> -> memref<128xi32, #tpu.memory_space<vmem>>
      %dma_start3A_337 = arith.constant 0 : i32
      %dma_start3A_338 = arith.constant 0 : i32
      %dma_start3A_339 = tpu.memref_slice %arg10[%dma_start3A_337, %dma_start3A_338] : memref<30080x32xf32, #tpu.memory_space<vmem_shared>> -> memref<30080x32xf32, #tpu.memory_space<vmem_shared>>
      tpu.enqueue_indirect_dma source(%dma_start3A_333 : memref<128x32xf32, #tpu.memory_space<vmem>>) target(%dma_start3A_339 : memref<30080x32xf32, #tpu.memory_space<vmem_shared>>) offsets(%dma_start3A_336 : memref<128xi32, #tpu.memory_space<vmem>>) semaphore(%arg12 : memref<!tpu.dma_semaphore, #tpu.memory_space<semaphore_mem>>) {add = true}
      %dma_wait3A_340 = arith.constant 8 : i32
      %dma_wait3A_341 = arith.constant 1024 : i32
      %dma_wait3A_342 = arith.constant 0 : i32
      %dma_wait3A_343 = tpu.memref_slice %arg9[%dma_wait3A_341, %dma_wait3A_342] : memref<2048x32xf32, #tpu.memory_space<vmem>> -> memref<128x32xf32, #tpu.memory_space<vmem>>
      %dma_wait3A_344 = arith.constant 0 : i32
      %dma_wait3A_345 = tpu.memref_slice %arg8[%dma_wait3A_340, %dma_wait3A_344] : memref<16x128xi32, #tpu.memory_space<vmem>> -> memref<1x128xi32, #tpu.memory_space<vmem>>
      %dma_wait3A_346 = tpu.memref_squeeze %dma_wait3A_345 : memref<1x128xi32, #tpu.memory_space<vmem>> -> memref<128xi32, #tpu.memory_space<vmem>>
      %dma_wait3A_347 = arith.constant 0 : i32
      %dma_wait3A_348 = arith.constant 0 : i32
      %dma_wait3A_349 = tpu.memref_slice %arg2[%dma_wait3A_347, %dma_wait3A_348] : memref<20000x32xf32, #tpu.memory_space<hbm>> -> memref<20000x32xf32, #tpu.memory_space<hbm>>
      tpu.wait_indirect_dma semaphore(%arg11 : memref<!tpu.dma_semaphore, #tpu.memory_space<semaphore_mem>>) src(%dma_wait3A_349 : memref<20000x32xf32, #tpu.memory_space<hbm>>) dst(%dma_wait3A_343 : memref<128x32xf32, #tpu.memory_space<vmem>>)
      %dma_start3A_350 = arith.constant 8 : i32
      %dma_start3A_351 = arith.constant 1024 : i32
      %dma_start3A_352 = arith.constant 0 : i32
      %dma_start3A_353 = tpu.memref_slice %arg9[%dma_start3A_351, %dma_start3A_352] : memref<2048x32xf32, #tpu.memory_space<vmem>> -> memref<128x32xf32, #tpu.memory_space<vmem>>
      %dma_start3A_354 = arith.constant 0 : i32
      %dma_start3A_355 = tpu.memref_slice %arg7[%dma_start3A_350, %dma_start3A_354] : memref<16x128xi32, #tpu.memory_space<vmem>> -> memref<1x128xi32, #tpu.memory_space<vmem>>
      %dma_start3A_356 = tpu.memref_squeeze %dma_start3A_355 : memref<1x128xi32, #tpu.memory_space<vmem>> -> memref<128xi32, #tpu.memory_space<vmem>>
      %dma_start3A_357 = arith.constant 0 : i32
      %dma_start3A_358 = arith.constant 0 : i32
      %dma_start3A_359 = tpu.memref_slice %arg10[%dma_start3A_357, %dma_start3A_358] : memref<30080x32xf32, #tpu.memory_space<vmem_shared>> -> memref<30080x32xf32, #tpu.memory_space<vmem_shared>>
      tpu.enqueue_indirect_dma source(%dma_start3A_353 : memref<128x32xf32, #tpu.memory_space<vmem>>) target(%dma_start3A_359 : memref<30080x32xf32, #tpu.memory_space<vmem_shared>>) offsets(%dma_start3A_356 : memref<128xi32, #tpu.memory_space<vmem>>) semaphore(%arg12 : memref<!tpu.dma_semaphore, #tpu.memory_space<semaphore_mem>>) {add = true}
      %dma_wait3A_360 = arith.constant 9 : i32
      %dma_wait3A_361 = arith.constant 1152 : i32
      %dma_wait3A_362 = arith.constant 0 : i32
      %dma_wait3A_363 = tpu.memref_slice %arg9[%dma_wait3A_361, %dma_wait3A_362] : memref<2048x32xf32, #tpu.memory_space<vmem>> -> memref<128x32xf32, #tpu.memory_space<vmem>>
      %dma_wait3A_364 = arith.constant 0 : i32
      %dma_wait3A_365 = tpu.memref_slice %arg8[%dma_wait3A_360, %dma_wait3A_364] : memref<16x128xi32, #tpu.memory_space<vmem>> -> memref<1x128xi32, #tpu.memory_space<vmem>>
      %dma_wait3A_366 = tpu.memref_squeeze %dma_wait3A_365 : memref<1x128xi32, #tpu.memory_space<vmem>> -> memref<128xi32, #tpu.memory_space<vmem>>
      %dma_wait3A_367 = arith.constant 0 : i32
      %dma_wait3A_368 = arith.constant 0 : i32
      %dma_wait3A_369 = tpu.memref_slice %arg2[%dma_wait3A_367, %dma_wait3A_368] : memref<20000x32xf32, #tpu.memory_space<hbm>> -> memref<20000x32xf32, #tpu.memory_space<hbm>>
      tpu.wait_indirect_dma semaphore(%arg11 : memref<!tpu.dma_semaphore, #tpu.memory_space<semaphore_mem>>) src(%dma_wait3A_369 : memref<20000x32xf32, #tpu.memory_space<hbm>>) dst(%dma_wait3A_363 : memref<128x32xf32, #tpu.memory_space<vmem>>)
      %dma_start3A_370 = arith.constant 9 : i32
      %dma_start3A_371 = arith.constant 1152 : i32
      %dma_start3A_372 = arith.constant 0 : i32
      %dma_start3A_373 = tpu.memref_slice %arg9[%dma_start3A_371, %dma_start3A_372] : memref<2048x32xf32, #tpu.memory_space<vmem>> -> memref<128x32xf32, #tpu.memory_space<vmem>>
      %dma_start3A_374 = arith.constant 0 : i32
      %dma_start3A_375 = tpu.memref_slice %arg7[%dma_start3A_370, %dma_start3A_374] : memref<16x128xi32, #tpu.memory_space<vmem>> -> memref<1x128xi32, #tpu.memory_space<vmem>>
      %dma_start3A_376 = tpu.memref_squeeze %dma_start3A_375 : memref<1x128xi32, #tpu.memory_space<vmem>> -> memref<128xi32, #tpu.memory_space<vmem>>
      %dma_start3A_377 = arith.constant 0 : i32
      %dma_start3A_378 = arith.constant 0 : i32
      %dma_start3A_379 = tpu.memref_slice %arg10[%dma_start3A_377, %dma_start3A_378] : memref<30080x32xf32, #tpu.memory_space<vmem_shared>> -> memref<30080x32xf32, #tpu.memory_space<vmem_shared>>
      tpu.enqueue_indirect_dma source(%dma_start3A_373 : memref<128x32xf32, #tpu.memory_space<vmem>>) target(%dma_start3A_379 : memref<30080x32xf32, #tpu.memory_space<vmem_shared>>) offsets(%dma_start3A_376 : memref<128xi32, #tpu.memory_space<vmem>>) semaphore(%arg12 : memref<!tpu.dma_semaphore, #tpu.memory_space<semaphore_mem>>) {add = true}
      %dma_wait3A_380 = arith.constant 10 : i32
      %dma_wait3A_381 = arith.constant 1280 : i32
      %dma_wait3A_382 = arith.constant 0 : i32
      %dma_wait3A_383 = tpu.memref_slice %arg9[%dma_wait3A_381, %dma_wait3A_382] : memref<2048x32xf32, #tpu.memory_space<vmem>> -> memref<128x32xf32, #tpu.memory_space<vmem>>
      %dma_wait3A_384 = arith.constant 0 : i32
      %dma_wait3A_385 = tpu.memref_slice %arg8[%dma_wait3A_380, %dma_wait3A_384] : memref<16x128xi32, #tpu.memory_space<vmem>> -> memref<1x128xi32, #tpu.memory_space<vmem>>
      %dma_wait3A_386 = tpu.memref_squeeze %dma_wait3A_385 : memref<1x128xi32, #tpu.memory_space<vmem>> -> memref<128xi32, #tpu.memory_space<vmem>>
      %dma_wait3A_387 = arith.constant 0 : i32
      %dma_wait3A_388 = arith.constant 0 : i32
      %dma_wait3A_389 = tpu.memref_slice %arg2[%dma_wait3A_387, %dma_wait3A_388] : memref<20000x32xf32, #tpu.memory_space<hbm>> -> memref<20000x32xf32, #tpu.memory_space<hbm>>
      tpu.wait_indirect_dma semaphore(%arg11 : memref<!tpu.dma_semaphore, #tpu.memory_space<semaphore_mem>>) src(%dma_wait3A_389 : memref<20000x32xf32, #tpu.memory_space<hbm>>) dst(%dma_wait3A_383 : memref<128x32xf32, #tpu.memory_space<vmem>>)
      %dma_start3A_390 = arith.constant 10 : i32
      %dma_start3A_391 = arith.constant 1280 : i32
      %dma_start3A_392 = arith.constant 0 : i32
      %dma_start3A_393 = tpu.memref_slice %arg9[%dma_start3A_391, %dma_start3A_392] : memref<2048x32xf32, #tpu.memory_space<vmem>> -> memref<128x32xf32, #tpu.memory_space<vmem>>
      %dma_start3A_394 = arith.constant 0 : i32
      %dma_start3A_395 = tpu.memref_slice %arg7[%dma_start3A_390, %dma_start3A_394] : memref<16x128xi32, #tpu.memory_space<vmem>> -> memref<1x128xi32, #tpu.memory_space<vmem>>
      %dma_start3A_396 = tpu.memref_squeeze %dma_start3A_395 : memref<1x128xi32, #tpu.memory_space<vmem>> -> memref<128xi32, #tpu.memory_space<vmem>>
      %dma_start3A_397 = arith.constant 0 : i32
      %dma_start3A_398 = arith.constant 0 : i32
      %dma_start3A_399 = tpu.memref_slice %arg10[%dma_start3A_397, %dma_start3A_398] : memref<30080x32xf32, #tpu.memory_space<vmem_shared>> -> memref<30080x32xf32, #tpu.memory_space<vmem_shared>>
      tpu.enqueue_indirect_dma source(%dma_start3A_393 : memref<128x32xf32, #tpu.memory_space<vmem>>) target(%dma_start3A_399 : memref<30080x32xf32, #tpu.memory_space<vmem_shared>>) offsets(%dma_start3A_396 : memref<128xi32, #tpu.memory_space<vmem>>) semaphore(%arg12 : memref<!tpu.dma_semaphore, #tpu.memory_space<semaphore_mem>>) {add = true}
      %dma_wait3A_400 = arith.constant 11 : i32
      %dma_wait3A_401 = arith.constant 1408 : i32
      %dma_wait3A_402 = arith.constant 0 : i32
      %dma_wait3A_403 = tpu.memref_slice %arg9[%dma_wait3A_401, %dma_wait3A_402] : memref<2048x32xf32, #tpu.memory_space<vmem>> -> memref<128x32xf32, #tpu.memory_space<vmem>>
      %dma_wait3A_404 = arith.constant 0 : i32
      %dma_wait3A_405 = tpu.memref_slice %arg8[%dma_wait3A_400, %dma_wait3A_404] : memref<16x128xi32, #tpu.memory_space<vmem>> -> memref<1x128xi32, #tpu.memory_space<vmem>>
      %dma_wait3A_406 = tpu.memref_squeeze %dma_wait3A_405 : memref<1x128xi32, #tpu.memory_space<vmem>> -> memref<128xi32, #tpu.memory_space<vmem>>
      %dma_wait3A_407 = arith.constant 0 : i32
      %dma_wait3A_408 = arith.constant 0 : i32
      %dma_wait3A_409 = tpu.memref_slice %arg2[%dma_wait3A_407, %dma_wait3A_408] : memref<20000x32xf32, #tpu.memory_space<hbm>> -> memref<20000x32xf32, #tpu.memory_space<hbm>>
      tpu.wait_indirect_dma semaphore(%arg11 : memref<!tpu.dma_semaphore, #tpu.memory_space<semaphore_mem>>) src(%dma_wait3A_409 : memref<20000x32xf32, #tpu.memory_space<hbm>>) dst(%dma_wait3A_403 : memref<128x32xf32, #tpu.memory_space<vmem>>)
      %dma_start3A_410 = arith.constant 11 : i32
      %dma_start3A_411 = arith.constant 1408 : i32
      %dma_start3A_412 = arith.constant 0 : i32
      %dma_start3A_413 = tpu.memref_slice %arg9[%dma_start3A_411, %dma_start3A_412] : memref<2048x32xf32, #tpu.memory_space<vmem>> -> memref<128x32xf32, #tpu.memory_space<vmem>>
      %dma_start3A_414 = arith.constant 0 : i32
      %dma_start3A_415 = tpu.memref_slice %arg7[%dma_start3A_410, %dma_start3A_414] : memref<16x128xi32, #tpu.memory_space<vmem>> -> memref<1x128xi32, #tpu.memory_space<vmem>>
      %dma_start3A_416 = tpu.memref_squeeze %dma_start3A_415 : memref<1x128xi32, #tpu.memory_space<vmem>> -> memref<128xi32, #tpu.memory_space<vmem>>
      %dma_start3A_417 = arith.constant 0 : i32
      %dma_start3A_418 = arith.constant 0 : i32
      %dma_start3A_419 = tpu.memref_slice %arg10[%dma_start3A_417, %dma_start3A_418] : memref<30080x32xf32, #tpu.memory_space<vmem_shared>> -> memref<30080x32xf32, #tpu.memory_space<vmem_shared>>
      tpu.enqueue_indirect_dma source(%dma_start3A_413 : memref<128x32xf32, #tpu.memory_space<vmem>>) target(%dma_start3A_419 : memref<30080x32xf32, #tpu.memory_space<vmem_shared>>) offsets(%dma_start3A_416 : memref<128xi32, #tpu.memory_space<vmem>>) semaphore(%arg12 : memref<!tpu.dma_semaphore, #tpu.memory_space<semaphore_mem>>) {add = true}
      %dma_wait3A_420 = arith.constant 12 : i32
      %dma_wait3A_421 = arith.constant 1536 : i32
      %dma_wait3A_422 = arith.constant 0 : i32
      %dma_wait3A_423 = tpu.memref_slice %arg9[%dma_wait3A_421, %dma_wait3A_422] : memref<2048x32xf32, #tpu.memory_space<vmem>> -> memref<128x32xf32, #tpu.memory_space<vmem>>
      %dma_wait3A_424 = arith.constant 0 : i32
      %dma_wait3A_425 = tpu.memref_slice %arg8[%dma_wait3A_420, %dma_wait3A_424] : memref<16x128xi32, #tpu.memory_space<vmem>> -> memref<1x128xi32, #tpu.memory_space<vmem>>
      %dma_wait3A_426 = tpu.memref_squeeze %dma_wait3A_425 : memref<1x128xi32, #tpu.memory_space<vmem>> -> memref<128xi32, #tpu.memory_space<vmem>>
      %dma_wait3A_427 = arith.constant 0 : i32
      %dma_wait3A_428 = arith.constant 0 : i32
      %dma_wait3A_429 = tpu.memref_slice %arg2[%dma_wait3A_427, %dma_wait3A_428] : memref<20000x32xf32, #tpu.memory_space<hbm>> -> memref<20000x32xf32, #tpu.memory_space<hbm>>
      tpu.wait_indirect_dma semaphore(%arg11 : memref<!tpu.dma_semaphore, #tpu.memory_space<semaphore_mem>>) src(%dma_wait3A_429 : memref<20000x32xf32, #tpu.memory_space<hbm>>) dst(%dma_wait3A_423 : memref<128x32xf32, #tpu.memory_space<vmem>>)
      %dma_start3A_430 = arith.constant 12 : i32
      %dma_start3A_431 = arith.constant 1536 : i32
      %dma_start3A_432 = arith.constant 0 : i32
      %dma_start3A_433 = tpu.memref_slice %arg9[%dma_start3A_431, %dma_start3A_432] : memref<2048x32xf32, #tpu.memory_space<vmem>> -> memref<128x32xf32, #tpu.memory_space<vmem>>
      %dma_start3A_434 = arith.constant 0 : i32
      %dma_start3A_435 = tpu.memref_slice %arg7[%dma_start3A_430, %dma_start3A_434] : memref<16x128xi32, #tpu.memory_space<vmem>> -> memref<1x128xi32, #tpu.memory_space<vmem>>
      %dma_start3A_436 = tpu.memref_squeeze %dma_start3A_435 : memref<1x128xi32, #tpu.memory_space<vmem>> -> memref<128xi32, #tpu.memory_space<vmem>>
      %dma_start3A_437 = arith.constant 0 : i32
      %dma_start3A_438 = arith.constant 0 : i32
      %dma_start3A_439 = tpu.memref_slice %arg10[%dma_start3A_437, %dma_start3A_438] : memref<30080x32xf32, #tpu.memory_space<vmem_shared>> -> memref<30080x32xf32, #tpu.memory_space<vmem_shared>>
      tpu.enqueue_indirect_dma source(%dma_start3A_433 : memref<128x32xf32, #tpu.memory_space<vmem>>) target(%dma_start3A_439 : memref<30080x32xf32, #tpu.memory_space<vmem_shared>>) offsets(%dma_start3A_436 : memref<128xi32, #tpu.memory_space<vmem>>) semaphore(%arg12 : memref<!tpu.dma_semaphore, #tpu.memory_space<semaphore_mem>>) {add = true}
      %dma_wait3A_440 = arith.constant 13 : i32
      %dma_wait3A_441 = arith.constant 1664 : i32
      %dma_wait3A_442 = arith.constant 0 : i32
      %dma_wait3A_443 = tpu.memref_slice %arg9[%dma_wait3A_441, %dma_wait3A_442] : memref<2048x32xf32, #tpu.memory_space<vmem>> -> memref<128x32xf32, #tpu.memory_space<vmem>>
      %dma_wait3A_444 = arith.constant 0 : i32
      %dma_wait3A_445 = tpu.memref_slice %arg8[%dma_wait3A_440, %dma_wait3A_444] : memref<16x128xi32, #tpu.memory_space<vmem>> -> memref<1x128xi32, #tpu.memory_space<vmem>>
      %dma_wait3A_446 = tpu.memref_squeeze %dma_wait3A_445 : memref<1x128xi32, #tpu.memory_space<vmem>> -> memref<128xi32, #tpu.memory_space<vmem>>
      %dma_wait3A_447 = arith.constant 0 : i32
      %dma_wait3A_448 = arith.constant 0 : i32
      %dma_wait3A_449 = tpu.memref_slice %arg2[%dma_wait3A_447, %dma_wait3A_448] : memref<20000x32xf32, #tpu.memory_space<hbm>> -> memref<20000x32xf32, #tpu.memory_space<hbm>>
      tpu.wait_indirect_dma semaphore(%arg11 : memref<!tpu.dma_semaphore, #tpu.memory_space<semaphore_mem>>) src(%dma_wait3A_449 : memref<20000x32xf32, #tpu.memory_space<hbm>>) dst(%dma_wait3A_443 : memref<128x32xf32, #tpu.memory_space<vmem>>)
      %dma_start3A_450 = arith.constant 13 : i32
      %dma_start3A_451 = arith.constant 1664 : i32
      %dma_start3A_452 = arith.constant 0 : i32
      %dma_start3A_453 = tpu.memref_slice %arg9[%dma_start3A_451, %dma_start3A_452] : memref<2048x32xf32, #tpu.memory_space<vmem>> -> memref<128x32xf32, #tpu.memory_space<vmem>>
      %dma_start3A_454 = arith.constant 0 : i32
      %dma_start3A_455 = tpu.memref_slice %arg7[%dma_start3A_450, %dma_start3A_454] : memref<16x128xi32, #tpu.memory_space<vmem>> -> memref<1x128xi32, #tpu.memory_space<vmem>>
      %dma_start3A_456 = tpu.memref_squeeze %dma_start3A_455 : memref<1x128xi32, #tpu.memory_space<vmem>> -> memref<128xi32, #tpu.memory_space<vmem>>
      %dma_start3A_457 = arith.constant 0 : i32
      %dma_start3A_458 = arith.constant 0 : i32
      %dma_start3A_459 = tpu.memref_slice %arg10[%dma_start3A_457, %dma_start3A_458] : memref<30080x32xf32, #tpu.memory_space<vmem_shared>> -> memref<30080x32xf32, #tpu.memory_space<vmem_shared>>
      tpu.enqueue_indirect_dma source(%dma_start3A_453 : memref<128x32xf32, #tpu.memory_space<vmem>>) target(%dma_start3A_459 : memref<30080x32xf32, #tpu.memory_space<vmem_shared>>) offsets(%dma_start3A_456 : memref<128xi32, #tpu.memory_space<vmem>>) semaphore(%arg12 : memref<!tpu.dma_semaphore, #tpu.memory_space<semaphore_mem>>) {add = true}
      %dma_wait3A_460 = arith.constant 14 : i32
      %dma_wait3A_461 = arith.constant 1792 : i32
      %dma_wait3A_462 = arith.constant 0 : i32
      %dma_wait3A_463 = tpu.memref_slice %arg9[%dma_wait3A_461, %dma_wait3A_462] : memref<2048x32xf32, #tpu.memory_space<vmem>> -> memref<128x32xf32, #tpu.memory_space<vmem>>
      %dma_wait3A_464 = arith.constant 0 : i32
      %dma_wait3A_465 = tpu.memref_slice %arg8[%dma_wait3A_460, %dma_wait3A_464] : memref<16x128xi32, #tpu.memory_space<vmem>> -> memref<1x128xi32, #tpu.memory_space<vmem>>
      %dma_wait3A_466 = tpu.memref_squeeze %dma_wait3A_465 : memref<1x128xi32, #tpu.memory_space<vmem>> -> memref<128xi32, #tpu.memory_space<vmem>>
      %dma_wait3A_467 = arith.constant 0 : i32
      %dma_wait3A_468 = arith.constant 0 : i32
      %dma_wait3A_469 = tpu.memref_slice %arg2[%dma_wait3A_467, %dma_wait3A_468] : memref<20000x32xf32, #tpu.memory_space<hbm>> -> memref<20000x32xf32, #tpu.memory_space<hbm>>
      tpu.wait_indirect_dma semaphore(%arg11 : memref<!tpu.dma_semaphore, #tpu.memory_space<semaphore_mem>>) src(%dma_wait3A_469 : memref<20000x32xf32, #tpu.memory_space<hbm>>) dst(%dma_wait3A_463 : memref<128x32xf32, #tpu.memory_space<vmem>>)
      %dma_start3A_470 = arith.constant 14 : i32
      %dma_start3A_471 = arith.constant 1792 : i32
      %dma_start3A_472 = arith.constant 0 : i32
      %dma_start3A_473 = tpu.memref_slice %arg9[%dma_start3A_471, %dma_start3A_472] : memref<2048x32xf32, #tpu.memory_space<vmem>> -> memref<128x32xf32, #tpu.memory_space<vmem>>
      %dma_start3A_474 = arith.constant 0 : i32
      %dma_start3A_475 = tpu.memref_slice %arg7[%dma_start3A_470, %dma_start3A_474] : memref<16x128xi32, #tpu.memory_space<vmem>> -> memref<1x128xi32, #tpu.memory_space<vmem>>
      %dma_start3A_476 = tpu.memref_squeeze %dma_start3A_475 : memref<1x128xi32, #tpu.memory_space<vmem>> -> memref<128xi32, #tpu.memory_space<vmem>>
      %dma_start3A_477 = arith.constant 0 : i32
      %dma_start3A_478 = arith.constant 0 : i32
      %dma_start3A_479 = tpu.memref_slice %arg10[%dma_start3A_477, %dma_start3A_478] : memref<30080x32xf32, #tpu.memory_space<vmem_shared>> -> memref<30080x32xf32, #tpu.memory_space<vmem_shared>>
      tpu.enqueue_indirect_dma source(%dma_start3A_473 : memref<128x32xf32, #tpu.memory_space<vmem>>) target(%dma_start3A_479 : memref<30080x32xf32, #tpu.memory_space<vmem_shared>>) offsets(%dma_start3A_476 : memref<128xi32, #tpu.memory_space<vmem>>) semaphore(%arg12 : memref<!tpu.dma_semaphore, #tpu.memory_space<semaphore_mem>>) {add = true}
      %dma_wait3A_480 = arith.constant 15 : i32
      %dma_wait3A_481 = arith.constant 1920 : i32
      %dma_wait3A_482 = arith.constant 0 : i32
      %dma_wait3A_483 = tpu.memref_slice %arg9[%dma_wait3A_481, %dma_wait3A_482] : memref<2048x32xf32, #tpu.memory_space<vmem>> -> memref<128x32xf32, #tpu.memory_space<vmem>>
      %dma_wait3A_484 = arith.constant 0 : i32
      %dma_wait3A_485 = tpu.memref_slice %arg8[%dma_wait3A_480, %dma_wait3A_484] : memref<16x128xi32, #tpu.memory_space<vmem>> -> memref<1x128xi32, #tpu.memory_space<vmem>>
      %dma_wait3A_486 = tpu.memref_squeeze %dma_wait3A_485 : memref<1x128xi32, #tpu.memory_space<vmem>> -> memref<128xi32, #tpu.memory_space<vmem>>
      %dma_wait3A_487 = arith.constant 0 : i32
      %dma_wait3A_488 = arith.constant 0 : i32
      %dma_wait3A_489 = tpu.memref_slice %arg2[%dma_wait3A_487, %dma_wait3A_488] : memref<20000x32xf32, #tpu.memory_space<hbm>> -> memref<20000x32xf32, #tpu.memory_space<hbm>>
      tpu.wait_indirect_dma semaphore(%arg11 : memref<!tpu.dma_semaphore, #tpu.memory_space<semaphore_mem>>) src(%dma_wait3A_489 : memref<20000x32xf32, #tpu.memory_space<hbm>>) dst(%dma_wait3A_483 : memref<128x32xf32, #tpu.memory_space<vmem>>)
      %dma_start3A_490 = arith.constant 15 : i32
      %dma_start3A_491 = arith.constant 1920 : i32
      %dma_start3A_492 = arith.constant 0 : i32
      %dma_start3A_493 = tpu.memref_slice %arg9[%dma_start3A_491, %dma_start3A_492] : memref<2048x32xf32, #tpu.memory_space<vmem>> -> memref<128x32xf32, #tpu.memory_space<vmem>>
      %dma_start3A_494 = arith.constant 0 : i32
      %dma_start3A_495 = tpu.memref_slice %arg7[%dma_start3A_490, %dma_start3A_494] : memref<16x128xi32, #tpu.memory_space<vmem>> -> memref<1x128xi32, #tpu.memory_space<vmem>>
      %dma_start3A_496 = tpu.memref_squeeze %dma_start3A_495 : memref<1x128xi32, #tpu.memory_space<vmem>> -> memref<128xi32, #tpu.memory_space<vmem>>
      %dma_start3A_497 = arith.constant 0 : i32
      %dma_start3A_498 = arith.constant 0 : i32
      %dma_start3A_499 = tpu.memref_slice %arg10[%dma_start3A_497, %dma_start3A_498] : memref<30080x32xf32, #tpu.memory_space<vmem_shared>> -> memref<30080x32xf32, #tpu.memory_space<vmem_shared>>
      tpu.enqueue_indirect_dma source(%dma_start3A_493 : memref<128x32xf32, #tpu.memory_space<vmem>>) target(%dma_start3A_499 : memref<30080x32xf32, #tpu.memory_space<vmem_shared>>) offsets(%dma_start3A_496 : memref<128xi32, #tpu.memory_space<vmem>>) semaphore(%arg12 : memref<!tpu.dma_semaphore, #tpu.memory_space<semaphore_mem>>) {add = true}
      %dma_wait3A_500 = arith.constant 0 : i32
      %dma_wait3A_501 = arith.constant 0 : i32
      %dma_wait3A_502 = arith.constant 0 : i32
      %dma_wait3A_503 = tpu.memref_slice %arg9[%dma_wait3A_501, %dma_wait3A_502] : memref<2048x32xf32, #tpu.memory_space<vmem>> -> memref<128x32xf32, #tpu.memory_space<vmem>>
      %dma_wait3A_504 = arith.constant 0 : i32
      %dma_wait3A_505 = tpu.memref_slice %arg7[%dma_wait3A_500, %dma_wait3A_504] : memref<16x128xi32, #tpu.memory_space<vmem>> -> memref<1x128xi32, #tpu.memory_space<vmem>>
      %dma_wait3A_506 = tpu.memref_squeeze %dma_wait3A_505 : memref<1x128xi32, #tpu.memory_space<vmem>> -> memref<128xi32, #tpu.memory_space<vmem>>
      %dma_wait3A_507 = arith.constant 0 : i32
      %dma_wait3A_508 = arith.constant 0 : i32
      %dma_wait3A_509 = tpu.memref_slice %arg10[%dma_wait3A_507, %dma_wait3A_508] : memref<30080x32xf32, #tpu.memory_space<vmem_shared>> -> memref<30080x32xf32, #tpu.memory_space<vmem_shared>>
      tpu.wait_indirect_dma semaphore(%arg12 : memref<!tpu.dma_semaphore, #tpu.memory_space<semaphore_mem>>) src(%dma_wait3A_503 : memref<128x32xf32, #tpu.memory_space<vmem>>) dst(%dma_wait3A_509 : memref<30080x32xf32, #tpu.memory_space<vmem_shared>>)
      %dma_wait3A_510 = arith.constant 1 : i32
      %dma_wait3A_511 = arith.constant 128 : i32
      %dma_wait3A_512 = arith.constant 0 : i32
      %dma_wait3A_513 = tpu.memref_slice %arg9[%dma_wait3A_511, %dma_wait3A_512] : memref<2048x32xf32, #tpu.memory_space<vmem>> -> memref<128x32xf32, #tpu.memory_space<vmem>>
      %dma_wait3A_514 = arith.constant 0 : i32
      %dma_wait3A_515 = tpu.memref_slice %arg7[%dma_wait3A_510, %dma_wait3A_514] : memref<16x128xi32, #tpu.memory_space<vmem>> -> memref<1x128xi32, #tpu.memory_space<vmem>>
      %dma_wait3A_516 = tpu.memref_squeeze %dma_wait3A_515 : memref<1x128xi32, #tpu.memory_space<vmem>> -> memref<128xi32, #tpu.memory_space<vmem>>
      %dma_wait3A_517 = arith.constant 0 : i32
      %dma_wait3A_518 = arith.constant 0 : i32
      %dma_wait3A_519 = tpu.memref_slice %arg10[%dma_wait3A_517, %dma_wait3A_518] : memref<30080x32xf32, #tpu.memory_space<vmem_shared>> -> memref<30080x32xf32, #tpu.memory_space<vmem_shared>>
      tpu.wait_indirect_dma semaphore(%arg12 : memref<!tpu.dma_semaphore, #tpu.memory_space<semaphore_mem>>) src(%dma_wait3A_513 : memref<128x32xf32, #tpu.memory_space<vmem>>) dst(%dma_wait3A_519 : memref<30080x32xf32, #tpu.memory_space<vmem_shared>>)
      %dma_wait3A_520 = arith.constant 2 : i32
      %dma_wait3A_521 = arith.constant 256 : i32
      %dma_wait3A_522 = arith.constant 0 : i32
      %dma_wait3A_523 = tpu.memref_slice %arg9[%dma_wait3A_521, %dma_wait3A_522] : memref<2048x32xf32, #tpu.memory_space<vmem>> -> memref<128x32xf32, #tpu.memory_space<vmem>>
      %dma_wait3A_524 = arith.constant 0 : i32
      %dma_wait3A_525 = tpu.memref_slice %arg7[%dma_wait3A_520, %dma_wait3A_524] : memref<16x128xi32, #tpu.memory_space<vmem>> -> memref<1x128xi32, #tpu.memory_space<vmem>>
      %dma_wait3A_526 = tpu.memref_squeeze %dma_wait3A_525 : memref<1x128xi32, #tpu.memory_space<vmem>> -> memref<128xi32, #tpu.memory_space<vmem>>
      %dma_wait3A_527 = arith.constant 0 : i32
      %dma_wait3A_528 = arith.constant 0 : i32
      %dma_wait3A_529 = tpu.memref_slice %arg10[%dma_wait3A_527, %dma_wait3A_528] : memref<30080x32xf32, #tpu.memory_space<vmem_shared>> -> memref<30080x32xf32, #tpu.memory_space<vmem_shared>>
      tpu.wait_indirect_dma semaphore(%arg12 : memref<!tpu.dma_semaphore, #tpu.memory_space<semaphore_mem>>) src(%dma_wait3A_523 : memref<128x32xf32, #tpu.memory_space<vmem>>) dst(%dma_wait3A_529 : memref<30080x32xf32, #tpu.memory_space<vmem_shared>>)
      %dma_wait3A_530 = arith.constant 3 : i32
      %dma_wait3A_531 = arith.constant 384 : i32
      %dma_wait3A_532 = arith.constant 0 : i32
      %dma_wait3A_533 = tpu.memref_slice %arg9[%dma_wait3A_531, %dma_wait3A_532] : memref<2048x32xf32, #tpu.memory_space<vmem>> -> memref<128x32xf32, #tpu.memory_space<vmem>>
      %dma_wait3A_534 = arith.constant 0 : i32
      %dma_wait3A_535 = tpu.memref_slice %arg7[%dma_wait3A_530, %dma_wait3A_534] : memref<16x128xi32, #tpu.memory_space<vmem>> -> memref<1x128xi32, #tpu.memory_space<vmem>>
      %dma_wait3A_536 = tpu.memref_squeeze %dma_wait3A_535 : memref<1x128xi32, #tpu.memory_space<vmem>> -> memref<128xi32, #tpu.memory_space<vmem>>
      %dma_wait3A_537 = arith.constant 0 : i32
      %dma_wait3A_538 = arith.constant 0 : i32
      %dma_wait3A_539 = tpu.memref_slice %arg10[%dma_wait3A_537, %dma_wait3A_538] : memref<30080x32xf32, #tpu.memory_space<vmem_shared>> -> memref<30080x32xf32, #tpu.memory_space<vmem_shared>>
      tpu.wait_indirect_dma semaphore(%arg12 : memref<!tpu.dma_semaphore, #tpu.memory_space<semaphore_mem>>) src(%dma_wait3A_533 : memref<128x32xf32, #tpu.memory_space<vmem>>) dst(%dma_wait3A_539 : memref<30080x32xf32, #tpu.memory_space<vmem_shared>>)
      %dma_wait3A_540 = arith.constant 4 : i32
      %dma_wait3A_541 = arith.constant 512 : i32
      %dma_wait3A_542 = arith.constant 0 : i32
      %dma_wait3A_543 = tpu.memref_slice %arg9[%dma_wait3A_541, %dma_wait3A_542] : memref<2048x32xf32, #tpu.memory_space<vmem>> -> memref<128x32xf32, #tpu.memory_space<vmem>>
      %dma_wait3A_544 = arith.constant 0 : i32
      %dma_wait3A_545 = tpu.memref_slice %arg7[%dma_wait3A_540, %dma_wait3A_544] : memref<16x128xi32, #tpu.memory_space<vmem>> -> memref<1x128xi32, #tpu.memory_space<vmem>>
      %dma_wait3A_546 = tpu.memref_squeeze %dma_wait3A_545 : memref<1x128xi32, #tpu.memory_space<vmem>> -> memref<128xi32, #tpu.memory_space<vmem>>
      %dma_wait3A_547 = arith.constant 0 : i32
      %dma_wait3A_548 = arith.constant 0 : i32
      %dma_wait3A_549 = tpu.memref_slice %arg10[%dma_wait3A_547, %dma_wait3A_548] : memref<30080x32xf32, #tpu.memory_space<vmem_shared>> -> memref<30080x32xf32, #tpu.memory_space<vmem_shared>>
      tpu.wait_indirect_dma semaphore(%arg12 : memref<!tpu.dma_semaphore, #tpu.memory_space<semaphore_mem>>) src(%dma_wait3A_543 : memref<128x32xf32, #tpu.memory_space<vmem>>) dst(%dma_wait3A_549 : memref<30080x32xf32, #tpu.memory_space<vmem_shared>>)
      %dma_wait3A_550 = arith.constant 5 : i32
      %dma_wait3A_551 = arith.constant 640 : i32
      %dma_wait3A_552 = arith.constant 0 : i32
      %dma_wait3A_553 = tpu.memref_slice %arg9[%dma_wait3A_551, %dma_wait3A_552] : memref<2048x32xf32, #tpu.memory_space<vmem>> -> memref<128x32xf32, #tpu.memory_space<vmem>>
      %dma_wait3A_554 = arith.constant 0 : i32
      %dma_wait3A_555 = tpu.memref_slice %arg7[%dma_wait3A_550, %dma_wait3A_554] : memref<16x128xi32, #tpu.memory_space<vmem>> -> memref<1x128xi32, #tpu.memory_space<vmem>>
      %dma_wait3A_556 = tpu.memref_squeeze %dma_wait3A_555 : memref<1x128xi32, #tpu.memory_space<vmem>> -> memref<128xi32, #tpu.memory_space<vmem>>
      %dma_wait3A_557 = arith.constant 0 : i32
      %dma_wait3A_558 = arith.constant 0 : i32
      %dma_wait3A_559 = tpu.memref_slice %arg10[%dma_wait3A_557, %dma_wait3A_558] : memref<30080x32xf32, #tpu.memory_space<vmem_shared>> -> memref<30080x32xf32, #tpu.memory_space<vmem_shared>>
      tpu.wait_indirect_dma semaphore(%arg12 : memref<!tpu.dma_semaphore, #tpu.memory_space<semaphore_mem>>) src(%dma_wait3A_553 : memref<128x32xf32, #tpu.memory_space<vmem>>) dst(%dma_wait3A_559 : memref<30080x32xf32, #tpu.memory_space<vmem_shared>>)
      %dma_wait3A_560 = arith.constant 6 : i32
      %dma_wait3A_561 = arith.constant 768 : i32
      %dma_wait3A_562 = arith.constant 0 : i32
      %dma_wait3A_563 = tpu.memref_slice %arg9[%dma_wait3A_561, %dma_wait3A_562] : memref<2048x32xf32, #tpu.memory_space<vmem>> -> memref<128x32xf32, #tpu.memory_space<vmem>>
      %dma_wait3A_564 = arith.constant 0 : i32
      %dma_wait3A_565 = tpu.memref_slice %arg7[%dma_wait3A_560, %dma_wait3A_564] : memref<16x128xi32, #tpu.memory_space<vmem>> -> memref<1x128xi32, #tpu.memory_space<vmem>>
      %dma_wait3A_566 = tpu.memref_squeeze %dma_wait3A_565 : memref<1x128xi32, #tpu.memory_space<vmem>> -> memref<128xi32, #tpu.memory_space<vmem>>
      %dma_wait3A_567 = arith.constant 0 : i32
      %dma_wait3A_568 = arith.constant 0 : i32
      %dma_wait3A_569 = tpu.memref_slice %arg10[%dma_wait3A_567, %dma_wait3A_568] : memref<30080x32xf32, #tpu.memory_space<vmem_shared>> -> memref<30080x32xf32, #tpu.memory_space<vmem_shared>>
      tpu.wait_indirect_dma semaphore(%arg12 : memref<!tpu.dma_semaphore, #tpu.memory_space<semaphore_mem>>) src(%dma_wait3A_563 : memref<128x32xf32, #tpu.memory_space<vmem>>) dst(%dma_wait3A_569 : memref<30080x32xf32, #tpu.memory_space<vmem_shared>>)
      %dma_wait3A_570 = arith.constant 7 : i32
      %dma_wait3A_571 = arith.constant 896 : i32
      %dma_wait3A_572 = arith.constant 0 : i32
      %dma_wait3A_573 = tpu.memref_slice %arg9[%dma_wait3A_571, %dma_wait3A_572] : memref<2048x32xf32, #tpu.memory_space<vmem>> -> memref<128x32xf32, #tpu.memory_space<vmem>>
      %dma_wait3A_574 = arith.constant 0 : i32
      %dma_wait3A_575 = tpu.memref_slice %arg7[%dma_wait3A_570, %dma_wait3A_574] : memref<16x128xi32, #tpu.memory_space<vmem>> -> memref<1x128xi32, #tpu.memory_space<vmem>>
      %dma_wait3A_576 = tpu.memref_squeeze %dma_wait3A_575 : memref<1x128xi32, #tpu.memory_space<vmem>> -> memref<128xi32, #tpu.memory_space<vmem>>
      %dma_wait3A_577 = arith.constant 0 : i32
      %dma_wait3A_578 = arith.constant 0 : i32
      %dma_wait3A_579 = tpu.memref_slice %arg10[%dma_wait3A_577, %dma_wait3A_578] : memref<30080x32xf32, #tpu.memory_space<vmem_shared>> -> memref<30080x32xf32, #tpu.memory_space<vmem_shared>>
      tpu.wait_indirect_dma semaphore(%arg12 : memref<!tpu.dma_semaphore, #tpu.memory_space<semaphore_mem>>) src(%dma_wait3A_573 : memref<128x32xf32, #tpu.memory_space<vmem>>) dst(%dma_wait3A_579 : memref<30080x32xf32, #tpu.memory_space<vmem_shared>>)
      %dma_wait3A_580 = arith.constant 8 : i32
      %dma_wait3A_581 = arith.constant 1024 : i32
      %dma_wait3A_582 = arith.constant 0 : i32
      %dma_wait3A_583 = tpu.memref_slice %arg9[%dma_wait3A_581, %dma_wait3A_582] : memref<2048x32xf32, #tpu.memory_space<vmem>> -> memref<128x32xf32, #tpu.memory_space<vmem>>
      %dma_wait3A_584 = arith.constant 0 : i32
      %dma_wait3A_585 = tpu.memref_slice %arg7[%dma_wait3A_580, %dma_wait3A_584] : memref<16x128xi32, #tpu.memory_space<vmem>> -> memref<1x128xi32, #tpu.memory_space<vmem>>
      %dma_wait3A_586 = tpu.memref_squeeze %dma_wait3A_585 : memref<1x128xi32, #tpu.memory_space<vmem>> -> memref<128xi32, #tpu.memory_space<vmem>>
      %dma_wait3A_587 = arith.constant 0 : i32
      %dma_wait3A_588 = arith.constant 0 : i32
      %dma_wait3A_589 = tpu.memref_slice %arg10[%dma_wait3A_587, %dma_wait3A_588] : memref<30080x32xf32, #tpu.memory_space<vmem_shared>> -> memref<30080x32xf32, #tpu.memory_space<vmem_shared>>
      tpu.wait_indirect_dma semaphore(%arg12 : memref<!tpu.dma_semaphore, #tpu.memory_space<semaphore_mem>>) src(%dma_wait3A_583 : memref<128x32xf32, #tpu.memory_space<vmem>>) dst(%dma_wait3A_589 : memref<30080x32xf32, #tpu.memory_space<vmem_shared>>)
      %dma_wait3A_590 = arith.constant 9 : i32
      %dma_wait3A_591 = arith.constant 1152 : i32
      %dma_wait3A_592 = arith.constant 0 : i32
      %dma_wait3A_593 = tpu.memref_slice %arg9[%dma_wait3A_591, %dma_wait3A_592] : memref<2048x32xf32, #tpu.memory_space<vmem>> -> memref<128x32xf32, #tpu.memory_space<vmem>>
      %dma_wait3A_594 = arith.constant 0 : i32
      %dma_wait3A_595 = tpu.memref_slice %arg7[%dma_wait3A_590, %dma_wait3A_594] : memref<16x128xi32, #tpu.memory_space<vmem>> -> memref<1x128xi32, #tpu.memory_space<vmem>>
      %dma_wait3A_596 = tpu.memref_squeeze %dma_wait3A_595 : memref<1x128xi32, #tpu.memory_space<vmem>> -> memref<128xi32, #tpu.memory_space<vmem>>
      %dma_wait3A_597 = arith.constant 0 : i32
      %dma_wait3A_598 = arith.constant 0 : i32
      %dma_wait3A_599 = tpu.memref_slice %arg10[%dma_wait3A_597, %dma_wait3A_598] : memref<30080x32xf32, #tpu.memory_space<vmem_shared>> -> memref<30080x32xf32, #tpu.memory_space<vmem_shared>>
      tpu.wait_indirect_dma semaphore(%arg12 : memref<!tpu.dma_semaphore, #tpu.memory_space<semaphore_mem>>) src(%dma_wait3A_593 : memref<128x32xf32, #tpu.memory_space<vmem>>) dst(%dma_wait3A_599 : memref<30080x32xf32, #tpu.memory_space<vmem_shared>>)
      %dma_wait3A_600 = arith.constant 10 : i32
      %dma_wait3A_601 = arith.constant 1280 : i32
      %dma_wait3A_602 = arith.constant 0 : i32
      %dma_wait3A_603 = tpu.memref_slice %arg9[%dma_wait3A_601, %dma_wait3A_602] : memref<2048x32xf32, #tpu.memory_space<vmem>> -> memref<128x32xf32, #tpu.memory_space<vmem>>
      %dma_wait3A_604 = arith.constant 0 : i32
      %dma_wait3A_605 = tpu.memref_slice %arg7[%dma_wait3A_600, %dma_wait3A_604] : memref<16x128xi32, #tpu.memory_space<vmem>> -> memref<1x128xi32, #tpu.memory_space<vmem>>
      %dma_wait3A_606 = tpu.memref_squeeze %dma_wait3A_605 : memref<1x128xi32, #tpu.memory_space<vmem>> -> memref<128xi32, #tpu.memory_space<vmem>>
      %dma_wait3A_607 = arith.constant 0 : i32
      %dma_wait3A_608 = arith.constant 0 : i32
      %dma_wait3A_609 = tpu.memref_slice %arg10[%dma_wait3A_607, %dma_wait3A_608] : memref<30080x32xf32, #tpu.memory_space<vmem_shared>> -> memref<30080x32xf32, #tpu.memory_space<vmem_shared>>
      tpu.wait_indirect_dma semaphore(%arg12 : memref<!tpu.dma_semaphore, #tpu.memory_space<semaphore_mem>>) src(%dma_wait3A_603 : memref<128x32xf32, #tpu.memory_space<vmem>>) dst(%dma_wait3A_609 : memref<30080x32xf32, #tpu.memory_space<vmem_shared>>)
      %dma_wait3A_610 = arith.constant 11 : i32
      %dma_wait3A_611 = arith.constant 1408 : i32
      %dma_wait3A_612 = arith.constant 0 : i32
      %dma_wait3A_613 = tpu.memref_slice %arg9[%dma_wait3A_611, %dma_wait3A_612] : memref<2048x32xf32, #tpu.memory_space<vmem>> -> memref<128x32xf32, #tpu.memory_space<vmem>>
      %dma_wait3A_614 = arith.constant 0 : i32
      %dma_wait3A_615 = tpu.memref_slice %arg7[%dma_wait3A_610, %dma_wait3A_614] : memref<16x128xi32, #tpu.memory_space<vmem>> -> memref<1x128xi32, #tpu.memory_space<vmem>>
      %dma_wait3A_616 = tpu.memref_squeeze %dma_wait3A_615 : memref<1x128xi32, #tpu.memory_space<vmem>> -> memref<128xi32, #tpu.memory_space<vmem>>
      %dma_wait3A_617 = arith.constant 0 : i32
      %dma_wait3A_618 = arith.constant 0 : i32
      %dma_wait3A_619 = tpu.memref_slice %arg10[%dma_wait3A_617, %dma_wait3A_618] : memref<30080x32xf32, #tpu.memory_space<vmem_shared>> -> memref<30080x32xf32, #tpu.memory_space<vmem_shared>>
      tpu.wait_indirect_dma semaphore(%arg12 : memref<!tpu.dma_semaphore, #tpu.memory_space<semaphore_mem>>) src(%dma_wait3A_613 : memref<128x32xf32, #tpu.memory_space<vmem>>) dst(%dma_wait3A_619 : memref<30080x32xf32, #tpu.memory_space<vmem_shared>>)
      %dma_wait3A_620 = arith.constant 12 : i32
      %dma_wait3A_621 = arith.constant 1536 : i32
      %dma_wait3A_622 = arith.constant 0 : i32
      %dma_wait3A_623 = tpu.memref_slice %arg9[%dma_wait3A_621, %dma_wait3A_622] : memref<2048x32xf32, #tpu.memory_space<vmem>> -> memref<128x32xf32, #tpu.memory_space<vmem>>
      %dma_wait3A_624 = arith.constant 0 : i32
      %dma_wait3A_625 = tpu.memref_slice %arg7[%dma_wait3A_620, %dma_wait3A_624] : memref<16x128xi32, #tpu.memory_space<vmem>> -> memref<1x128xi32, #tpu.memory_space<vmem>>
      %dma_wait3A_626 = tpu.memref_squeeze %dma_wait3A_625 : memref<1x128xi32, #tpu.memory_space<vmem>> -> memref<128xi32, #tpu.memory_space<vmem>>
      %dma_wait3A_627 = arith.constant 0 : i32
      %dma_wait3A_628 = arith.constant 0 : i32
      %dma_wait3A_629 = tpu.memref_slice %arg10[%dma_wait3A_627, %dma_wait3A_628] : memref<30080x32xf32, #tpu.memory_space<vmem_shared>> -> memref<30080x32xf32, #tpu.memory_space<vmem_shared>>
      tpu.wait_indirect_dma semaphore(%arg12 : memref<!tpu.dma_semaphore, #tpu.memory_space<semaphore_mem>>) src(%dma_wait3A_623 : memref<128x32xf32, #tpu.memory_space<vmem>>) dst(%dma_wait3A_629 : memref<30080x32xf32, #tpu.memory_space<vmem_shared>>)
      %dma_wait3A_630 = arith.constant 13 : i32
      %dma_wait3A_631 = arith.constant 1664 : i32
      %dma_wait3A_632 = arith.constant 0 : i32
      %dma_wait3A_633 = tpu.memref_slice %arg9[%dma_wait3A_631, %dma_wait3A_632] : memref<2048x32xf32, #tpu.memory_space<vmem>> -> memref<128x32xf32, #tpu.memory_space<vmem>>
      %dma_wait3A_634 = arith.constant 0 : i32
      %dma_wait3A_635 = tpu.memref_slice %arg7[%dma_wait3A_630, %dma_wait3A_634] : memref<16x128xi32, #tpu.memory_space<vmem>> -> memref<1x128xi32, #tpu.memory_space<vmem>>
      %dma_wait3A_636 = tpu.memref_squeeze %dma_wait3A_635 : memref<1x128xi32, #tpu.memory_space<vmem>> -> memref<128xi32, #tpu.memory_space<vmem>>
      %dma_wait3A_637 = arith.constant 0 : i32
      %dma_wait3A_638 = arith.constant 0 : i32
      %dma_wait3A_639 = tpu.memref_slice %arg10[%dma_wait3A_637, %dma_wait3A_638] : memref<30080x32xf32, #tpu.memory_space<vmem_shared>> -> memref<30080x32xf32, #tpu.memory_space<vmem_shared>>
      tpu.wait_indirect_dma semaphore(%arg12 : memref<!tpu.dma_semaphore, #tpu.memory_space<semaphore_mem>>) src(%dma_wait3A_633 : memref<128x32xf32, #tpu.memory_space<vmem>>) dst(%dma_wait3A_639 : memref<30080x32xf32, #tpu.memory_space<vmem_shared>>)
      %dma_wait3A_640 = arith.constant 14 : i32
      %dma_wait3A_641 = arith.constant 1792 : i32
      %dma_wait3A_642 = arith.constant 0 : i32
      %dma_wait3A_643 = tpu.memref_slice %arg9[%dma_wait3A_641, %dma_wait3A_642] : memref<2048x32xf32, #tpu.memory_space<vmem>> -> memref<128x32xf32, #tpu.memory_space<vmem>>
      %dma_wait3A_644 = arith.constant 0 : i32
      %dma_wait3A_645 = tpu.memref_slice %arg7[%dma_wait3A_640, %dma_wait3A_644] : memref<16x128xi32, #tpu.memory_space<vmem>> -> memref<1x128xi32, #tpu.memory_space<vmem>>
      %dma_wait3A_646 = tpu.memref_squeeze %dma_wait3A_645 : memref<1x128xi32, #tpu.memory_space<vmem>> -> memref<128xi32, #tpu.memory_space<vmem>>
      %dma_wait3A_647 = arith.constant 0 : i32
      %dma_wait3A_648 = arith.constant 0 : i32
      %dma_wait3A_649 = tpu.memref_slice %arg10[%dma_wait3A_647, %dma_wait3A_648] : memref<30080x32xf32, #tpu.memory_space<vmem_shared>> -> memref<30080x32xf32, #tpu.memory_space<vmem_shared>>
      tpu.wait_indirect_dma semaphore(%arg12 : memref<!tpu.dma_semaphore, #tpu.memory_space<semaphore_mem>>) src(%dma_wait3A_643 : memref<128x32xf32, #tpu.memory_space<vmem>>) dst(%dma_wait3A_649 : memref<30080x32xf32, #tpu.memory_space<vmem_shared>>)
      %dma_wait3A_650 = arith.constant 15 : i32
      %dma_wait3A_651 = arith.constant 1920 : i32
      %dma_wait3A_652 = arith.constant 0 : i32
      %dma_wait3A_653 = tpu.memref_slice %arg9[%dma_wait3A_651, %dma_wait3A_652] : memref<2048x32xf32, #tpu.memory_space<vmem>> -> memref<128x32xf32, #tpu.memory_space<vmem>>
      %dma_wait3A_654 = arith.constant 0 : i32
      %dma_wait3A_655 = tpu.memref_slice %arg7[%dma_wait3A_650, %dma_wait3A_654] : memref<16x128xi32, #tpu.memory_space<vmem>> -> memref<1x128xi32, #tpu.memory_space<vmem>>
      %dma_wait3A_656 = tpu.memref_squeeze %dma_wait3A_655 : memref<1x128xi32, #tpu.memory_space<vmem>> -> memref<128xi32, #tpu.memory_space<vmem>>
      %dma_wait3A_657 = arith.constant 0 : i32
      %dma_wait3A_658 = arith.constant 0 : i32
      %dma_wait3A_659 = tpu.memref_slice %arg10[%dma_wait3A_657, %dma_wait3A_658] : memref<30080x32xf32, #tpu.memory_space<vmem_shared>> -> memref<30080x32xf32, #tpu.memory_space<vmem_shared>>
      tpu.wait_indirect_dma semaphore(%arg12 : memref<!tpu.dma_semaphore, #tpu.memory_space<semaphore_mem>>) src(%dma_wait3A_653 : memref<128x32xf32, #tpu.memory_space<vmem>>) dst(%dma_wait3A_659 : memref<30080x32xf32, #tpu.memory_space<vmem_shared>>)
    }
    %scan3A_5 = arith.constant 10 : i32
    %barrier3A_6 = arith.constant 0 : index
    tpu.barrier barrier_id(%barrier3A_6)
    %mul3A_7 = arith.constant 1880 : i32
    %mul3A_8 = arith.muli %arg1, %mul3A_7 : i32
    %mul3A_9 = arith.constant 30080 : i32
    %mul3A_10 = arith.muli %arg0, %mul3A_9 : i32
    %mul3A_11 = arith.constant 1880 : i32
    %mul3A_12 = arith.muli %arg1, %mul3A_11 : i32
    %add3A = arith.addi %mul3A_10, %mul3A_12 : i32
    "tpu.region"() ({
      %run_scoped3A = tpu.sem_alloc : memref<!tpu.dma_semaphore, #tpu.memory_space<semaphore_mem>>
      %dma_start3A = arith.constant 0 : i32
      %dma_start3A_13 = tpu.memref_slice %arg6[%add3A, %dma_start3A] : memref<60160x32xf32, #tpu.memory_space<hbm>> -> memref<1880x32xf32, #tpu.memory_space<hbm>>
      %dma_start3A_14 = arith.constant 0 : i32
      %dma_start3A_15 = tpu.memref_slice %arg10[%mul3A_8, %dma_start3A_14] : memref<30080x32xf32, #tpu.memory_space<vmem_shared>> -> memref<1880x32xf32, #tpu.memory_space<vmem_shared>>
      tpu.enqueue_dma source(%dma_start3A_15 : memref<1880x32xf32, #tpu.memory_space<vmem_shared>>) target(%dma_start3A_13 : memref<1880x32xf32, #tpu.memory_space<hbm>>) target_semaphore(%run_scoped3A : memref<!tpu.dma_semaphore, #tpu.memory_space<semaphore_mem>>)
      %dma_wait3A = arith.constant 0 : i32
      %dma_wait3A_16 = tpu.memref_slice %arg6[%add3A, %dma_wait3A] : memref<60160x32xf32, #tpu.memory_space<hbm>> -> memref<1880x32xf32, #tpu.memory_space<hbm>>
      %dma_wait3A_17 = arith.constant 0 : i32
      %dma_wait3A_18 = tpu.memref_slice %arg10[%mul3A_8, %dma_wait3A_17] : memref<30080x32xf32, #tpu.memory_space<vmem_shared>> -> memref<1880x32xf32, #tpu.memory_space<vmem_shared>>
      tpu.wait_dma2 semaphore(%run_scoped3A : memref<!tpu.dma_semaphore, #tpu.memory_space<semaphore_mem>>) src(%dma_wait3A_18 : memref<1880x32xf32, #tpu.memory_space<vmem_shared>>) dst(%dma_wait3A_16 : memref<1880x32xf32, #tpu.memory_space<hbm>>)
      tpu.yield
    }) : () -> ()
    return
  }
}

module attributes {stable_mosaic.version = 14 : i64} {
  func.func @body(%arg0: i32, %arg1: memref<2000x96xf32, #tpu.memory_space<vmem>>, %arg2: memref<2000x96xf32, #tpu.memory_space<vmem>>, %arg3: memref<2000x96xf32, #tpu.memory_space<vmem>>, %arg4: memref<2000x96xf32, #tpu.memory_space<vmem>>, %arg5: memref<2000x8xf32, #tpu.memory_space<vmem>>, %arg6: memref<96x128xf32, #tpu.memory_space<vmem>>, %arg7: memref<3x96x128xf32, #tpu.memory_space<vmem>>, %arg8: memref<1x128xf32, #tpu.memory_space<vmem>>, %arg9: memref<2000x128xf32, #tpu.memory_space<vmem>>, %arg10: memref<4x2000x32xf32, #tpu.memory_space<vmem>>) attributes {dimension_semantics = [#tpu.dimension_semantics<arbitrary>], iteration_bounds = array<i64: 5>, scalar_prefetch = 0 : i64, scratch_operands = 0 : i64, tpu.core_type = #tpu.core_type<tc>, window_params = [{transform_indices = @transform_0, window_bounds = array<i64: 2000, 96>}, {transform_indices = @transform_1, window_bounds = array<i64: 2000, 96>}, {transform_indices = @transform_2, window_bounds = array<i64: 2000, 96>}, {transform_indices = @transform_3, window_bounds = array<i64: 2000, 96>}, {transform_indices = @transform_4, window_bounds = array<i64: 2000, 8>}, {pipeline_mode = #tpu.pipeline_mode<synchronous>, transform_indices = @transform_5, window_bounds = array<i64: 96, 128>}, {pipeline_mode = #tpu.pipeline_mode<synchronous>, transform_indices = @transform_6, window_bounds = array<i64: 3, 96, 128>}, {pipeline_mode = #tpu.pipeline_mode<synchronous>, transform_indices = @transform_7, window_bounds = array<i64: 1, 128>}, {transform_indices = @transform_8, window_bounds = array<i64: 2000, 128>}, {transform_indices = @transform_9, window_bounds = array<i64: 4, 2000, 32>}]} {
    %get3A = arith.constant 0 : index
    %get3A_0 = arith.constant 0 : index
    %get3A_1 = vector.load %arg1[%get3A, %get3A_0] : memref<2000x96xf32, #tpu.memory_space<vmem>>, vector<2000x96xf32>
    %get3A_2 = arith.constant 0 : index
    %get3A_3 = arith.constant 0 : index
    %get3A_4 = vector.load %arg6[%get3A_2, %get3A_3] : memref<96x128xf32, #tpu.memory_space<vmem>>, vector<96x128xf32>
    %dot_general3A = arith.constant dense<0.000000e+00> : vector<2000x128xf32>
    %dot_general3A_5 = tpu.matmul %get3A_1, %get3A_4, %dot_general3A {dimension_numbers = #tpu.dot_dimension_numbers<[1], [0], [0], [1], [0, 0, 1, 1], [], []>, precision = #tpu.contract_precision<fp32>, transpose_lhs_hint = false} : vector<2000x96xf32>, vector<96x128xf32>, vector<2000x128xf32> -> vector<2000x128xf32>
    %get3A_6 = arith.constant 0 : index
    %get3A_7 = arith.constant 0 : index
    %get3A_8 = vector.load %arg5[%get3A_6, %get3A_7] : memref<2000x8xf32, #tpu.memory_space<vmem>>, vector<2000x1xf32>
    %max3A = arith.constant 1.000000e+00 : f32
    %max3A_9 = vector.broadcast %max3A : f32 to vector<2000x1xf32>
    %max3A_10 = arith.maximumf %get3A_8, %max3A_9 : vector<2000x1xf32>
    %div3A = arith.constant 1.000000e+00 : f32
    %div3A_11 = vector.broadcast %div3A : f32 to vector<2000x1xf32>
    %div3A_12 = arith.divf %div3A_11, %max3A_10 : vector<2000x1xf32>
    %get3A_13 = arith.constant 0 : index
    %get3A_14 = arith.constant 0 : index
    %get3A_15 = vector.load %arg2[%get3A_13, %get3A_14] : memref<2000x96xf32, #tpu.memory_space<vmem>>, vector<2000x96xf32>
    %mul3A = vector.broadcast %div3A_12 : vector<2000x1xf32> to vector<2000x96xf32>
    %mul3A_16 = arith.mulf %get3A_15, %mul3A : vector<2000x96xf32>
    %get3A_17 = arith.constant 0 : index
    %get3A_18 = arith.constant 0 : index
    %get3A_19 = arith.constant 0 : index
    %get3A_20 = vector.load %arg7[%get3A_17, %get3A_18, %get3A_19] : memref<3x96x128xf32, #tpu.memory_space<vmem>>, vector<1x96x128xf32>
    %get3A_21 = vector.shape_cast %get3A_20 : vector<1x96x128xf32> to vector<96x128xf32>
    %dot_general3A_22 = arith.constant dense<0.000000e+00> : vector<2000x128xf32>
    %dot_general3A_23 = tpu.matmul %mul3A_16, %get3A_21, %dot_general3A_22 {dimension_numbers = #tpu.dot_dimension_numbers<[1], [0], [0], [1], [0, 0, 1, 1], [], []>, precision = #tpu.contract_precision<fp32>, transpose_lhs_hint = false} : vector<2000x96xf32>, vector<96x128xf32>, vector<2000x128xf32> -> vector<2000x128xf32>
    %add3A = arith.addf %dot_general3A_5, %dot_general3A_23 : vector<2000x128xf32>
    %get3A_24 = arith.constant 0 : index
    %get3A_25 = arith.constant 1 : index
    %get3A_26 = vector.load %arg5[%get3A_24, %get3A_25] : memref<2000x8xf32, #tpu.memory_space<vmem>>, vector<2000x1xf32>
    %max3A_27 = arith.constant 1.000000e+00 : f32
    %max3A_28 = vector.broadcast %max3A_27 : f32 to vector<2000x1xf32>
    %max3A_29 = arith.maximumf %get3A_26, %max3A_28 : vector<2000x1xf32>
    %div3A_30 = arith.constant 1.000000e+00 : f32
    %div3A_31 = vector.broadcast %div3A_30 : f32 to vector<2000x1xf32>
    %div3A_32 = arith.divf %div3A_31, %max3A_29 : vector<2000x1xf32>
    %get3A_33 = arith.constant 0 : index
    %get3A_34 = arith.constant 0 : index
    %get3A_35 = vector.load %arg3[%get3A_33, %get3A_34] : memref<2000x96xf32, #tpu.memory_space<vmem>>, vector<2000x96xf32>
    %mul3A_36 = vector.broadcast %div3A_32 : vector<2000x1xf32> to vector<2000x96xf32>
    %mul3A_37 = arith.mulf %get3A_35, %mul3A_36 : vector<2000x96xf32>
    %get3A_38 = arith.constant 1 : index
    %get3A_39 = arith.constant 0 : index
    %get3A_40 = arith.constant 0 : index
    %get3A_41 = vector.load %arg7[%get3A_38, %get3A_39, %get3A_40] : memref<3x96x128xf32, #tpu.memory_space<vmem>>, vector<1x96x128xf32>
    %get3A_42 = vector.shape_cast %get3A_41 : vector<1x96x128xf32> to vector<96x128xf32>
    %dot_general3A_43 = arith.constant dense<0.000000e+00> : vector<2000x128xf32>
    %dot_general3A_44 = tpu.matmul %mul3A_37, %get3A_42, %dot_general3A_43 {dimension_numbers = #tpu.dot_dimension_numbers<[1], [0], [0], [1], [0, 0, 1, 1], [], []>, precision = #tpu.contract_precision<fp32>, transpose_lhs_hint = false} : vector<2000x96xf32>, vector<96x128xf32>, vector<2000x128xf32> -> vector<2000x128xf32>
    %add3A_45 = arith.addf %add3A, %dot_general3A_44 : vector<2000x128xf32>
    %get3A_46 = arith.constant 0 : index
    %get3A_47 = arith.constant 2 : index
    %get3A_48 = vector.load %arg5[%get3A_46, %get3A_47] : memref<2000x8xf32, #tpu.memory_space<vmem>>, vector<2000x1xf32>
    %max3A_49 = arith.constant 1.000000e+00 : f32
    %max3A_50 = vector.broadcast %max3A_49 : f32 to vector<2000x1xf32>
    %max3A_51 = arith.maximumf %get3A_48, %max3A_50 : vector<2000x1xf32>
    %div3A_52 = arith.constant 1.000000e+00 : f32
    %div3A_53 = vector.broadcast %div3A_52 : f32 to vector<2000x1xf32>
    %div3A_54 = arith.divf %div3A_53, %max3A_51 : vector<2000x1xf32>
    %get3A_55 = arith.constant 0 : index
    %get3A_56 = arith.constant 0 : index
    %get3A_57 = vector.load %arg4[%get3A_55, %get3A_56] : memref<2000x96xf32, #tpu.memory_space<vmem>>, vector<2000x96xf32>
    %mul3A_58 = vector.broadcast %div3A_54 : vector<2000x1xf32> to vector<2000x96xf32>
    %mul3A_59 = arith.mulf %get3A_57, %mul3A_58 : vector<2000x96xf32>
    %get3A_60 = arith.constant 2 : index
    %get3A_61 = arith.constant 0 : index
    %get3A_62 = arith.constant 0 : index
    %get3A_63 = vector.load %arg7[%get3A_60, %get3A_61, %get3A_62] : memref<3x96x128xf32, #tpu.memory_space<vmem>>, vector<1x96x128xf32>
    %get3A_64 = vector.shape_cast %get3A_63 : vector<1x96x128xf32> to vector<96x128xf32>
    %dot_general3A_65 = arith.constant dense<0.000000e+00> : vector<2000x128xf32>
    %dot_general3A_66 = tpu.matmul %mul3A_59, %get3A_64, %dot_general3A_65 {dimension_numbers = #tpu.dot_dimension_numbers<[1], [0], [0], [1], [0, 0, 1, 1], [], []>, precision = #tpu.contract_precision<fp32>, transpose_lhs_hint = false} : vector<2000x96xf32>, vector<96x128xf32>, vector<2000x128xf32> -> vector<2000x128xf32>
    %add3A_67 = arith.addf %add3A_45, %dot_general3A_66 : vector<2000x128xf32>
    %get3A_68 = arith.constant 0 : index
    %get3A_69 = arith.constant 0 : index
    %get3A_70 = vector.load %arg8[%get3A_68, %get3A_69] : memref<1x128xf32, #tpu.memory_space<vmem>>, vector<1x128xf32>
    %add3A_71 = vector.broadcast %get3A_70 : vector<1x128xf32> to vector<2000x128xf32>
    %add3A_72 = arith.addf %add3A_67, %add3A_71 : vector<2000x128xf32>
    %max3A_73 = arith.constant 0.000000e+00 : f32
    %max3A_74 = vector.broadcast %max3A_73 : f32 to vector<2000x128xf32>
    %max3A_75 = arith.maximumf %add3A_72, %max3A_74 : vector<2000x128xf32>
    %swap3A = arith.constant 0 : index
    %swap3A_76 = arith.constant 0 : index
    %swap3A_77 = vector.load %arg9[%swap3A, %swap3A_76] : memref<2000x128xf32, #tpu.memory_space<vmem>>, vector<2000x128xf32>
    tpu.vector_store %arg9[%swap3A, %swap3A_76], %max3A_75 {strides = array<i32>} : memref<2000x128xf32, #tpu.memory_space<vmem>>, vector<2000x128xf32>,
    %slice3A = vector.extract_strided_slice %max3A_75 {offsets = [0, 0], sizes = [2000, 32], strides = [1, 1]} : vector<2000x128xf32> to vector<2000x32xf32>
    %swap3A_78 = arith.constant 0 : index
    %swap3A_79 = arith.constant 0 : index
    %swap3A_80 = arith.constant 0 : index
    %swap3A_81 = vector.load %arg10[%swap3A_78, %swap3A_79, %swap3A_80] : memref<4x2000x32xf32, #tpu.memory_space<vmem>>, vector<1x2000x32xf32>
    %swap3A_82 = vector.shape_cast %swap3A_81 : vector<1x2000x32xf32> to vector<2000x32xf32>
    %swap3A_83 = vector.shape_cast %slice3A : vector<2000x32xf32> to vector<1x2000x32xf32>
    tpu.vector_store %arg10[%swap3A_78, %swap3A_79, %swap3A_80], %swap3A_83 {strides = array<i32>} : memref<4x2000x32xf32, #tpu.memory_space<vmem>>, vector<1x2000x32xf32>,
    %slice3A_84 = vector.extract_strided_slice %max3A_75 {offsets = [0, 32], sizes = [2000, 32], strides = [1, 1]} : vector<2000x128xf32> to vector<2000x32xf32>
    %swap3A_85 = arith.constant 1 : index
    %swap3A_86 = arith.constant 0 : index
    %swap3A_87 = arith.constant 0 : index
    %swap3A_88 = vector.load %arg10[%swap3A_85, %swap3A_86, %swap3A_87] : memref<4x2000x32xf32, #tpu.memory_space<vmem>>, vector<1x2000x32xf32>
    %swap3A_89 = vector.shape_cast %swap3A_88 : vector<1x2000x32xf32> to vector<2000x32xf32>
    %swap3A_90 = vector.shape_cast %slice3A_84 : vector<2000x32xf32> to vector<1x2000x32xf32>
    tpu.vector_store %arg10[%swap3A_85, %swap3A_86, %swap3A_87], %swap3A_90 {strides = array<i32>} : memref<4x2000x32xf32, #tpu.memory_space<vmem>>, vector<1x2000x32xf32>,
    %slice3A_91 = vector.extract_strided_slice %max3A_75 {offsets = [0, 64], sizes = [2000, 32], strides = [1, 1]} : vector<2000x128xf32> to vector<2000x32xf32>
    %swap3A_92 = arith.constant 2 : index
    %swap3A_93 = arith.constant 0 : index
    %swap3A_94 = arith.constant 0 : index
    %swap3A_95 = vector.load %arg10[%swap3A_92, %swap3A_93, %swap3A_94] : memref<4x2000x32xf32, #tpu.memory_space<vmem>>, vector<1x2000x32xf32>
    %swap3A_96 = vector.shape_cast %swap3A_95 : vector<1x2000x32xf32> to vector<2000x32xf32>
    %swap3A_97 = vector.shape_cast %slice3A_91 : vector<2000x32xf32> to vector<1x2000x32xf32>
    tpu.vector_store %arg10[%swap3A_92, %swap3A_93, %swap3A_94], %swap3A_97 {strides = array<i32>} : memref<4x2000x32xf32, #tpu.memory_space<vmem>>, vector<1x2000x32xf32>,
    %slice3A_98 = vector.extract_strided_slice %max3A_75 {offsets = [0, 96], sizes = [2000, 32], strides = [1, 1]} : vector<2000x128xf32> to vector<2000x32xf32>
    %swap3A_99 = arith.constant 3 : index
    %swap3A_100 = arith.constant 0 : index
    %swap3A_101 = arith.constant 0 : index
    %swap3A_102 = vector.load %arg10[%swap3A_99, %swap3A_100, %swap3A_101] : memref<4x2000x32xf32, #tpu.memory_space<vmem>>, vector<1x2000x32xf32>
    %swap3A_103 = vector.shape_cast %swap3A_102 : vector<1x2000x32xf32> to vector<2000x32xf32>
    %swap3A_104 = vector.shape_cast %slice3A_98 : vector<2000x32xf32> to vector<1x2000x32xf32>
    tpu.vector_store %arg10[%swap3A_99, %swap3A_100, %swap3A_101], %swap3A_104 {strides = array<i32>} : memref<4x2000x32xf32, #tpu.memory_space<vmem>>, vector<1x2000x32xf32>,
    return
  }
  func.func @transform_0(%arg0: i32) -> (i32, i32) {
    %c0_i32 = arith.constant 0 : i32
    %c0_i32_0 = arith.constant 0 : i32
    return %arg0, %c0_i32 : i32, i32
  }
  func.func @transform_1(%arg0: i32) -> (i32, i32) {
    %c0_i32 = arith.constant 0 : i32
    %c0_i32_0 = arith.constant 0 : i32
    return %arg0, %c0_i32 : i32, i32
  }
  func.func @transform_2(%arg0: i32) -> (i32, i32) {
    %c0_i32 = arith.constant 0 : i32
    %c0_i32_0 = arith.constant 0 : i32
    return %arg0, %c0_i32 : i32, i32
  }
  func.func @transform_3(%arg0: i32) -> (i32, i32) {
    %c0_i32 = arith.constant 0 : i32
    %c0_i32_0 = arith.constant 0 : i32
    return %arg0, %c0_i32 : i32, i32
  }
  func.func @transform_4(%arg0: i32) -> (i32, i32) {
    %c0_i32 = arith.constant 0 : i32
    %c0_i32_0 = arith.constant 0 : i32
    return %arg0, %c0_i32 : i32, i32
  }
  func.func @transform_5(%arg0: i32) -> (i32, i32) {
    %c0_i32 = arith.constant 0 : i32
    %c0_i32_0 = arith.constant 0 : i32
    %c0_i32_1 = arith.constant 0 : i32
    return %c0_i32, %c0_i32_0 : i32, i32
  }
  func.func @transform_6(%arg0: i32) -> (i32, i32, i32) {
    %c0_i32 = arith.constant 0 : i32
    %c0_i32_0 = arith.constant 0 : i32
    %c0_i32_1 = arith.constant 0 : i32
    %c0_i32_2 = arith.constant 0 : i32
    return %c0_i32, %c0_i32_0, %c0_i32_1 : i32, i32, i32
  }
  func.func @transform_7(%arg0: i32) -> (i32, i32) {
    %c0_i32 = arith.constant 0 : i32
    %c0_i32_0 = arith.constant 0 : i32
    %c0_i32_1 = arith.constant 0 : i32
    return %c0_i32, %c0_i32_0 : i32, i32
  }
  func.func @transform_8(%arg0: i32) -> (i32, i32) {
    %c0_i32 = arith.constant 0 : i32
    %c0_i32_0 = arith.constant 0 : i32
    return %arg0, %c0_i32 : i32, i32
  }
  func.func @transform_9(%arg0: i32) -> (i32, i32, i32) {
    %c0_i32 = arith.constant 0 : i32
    %c0_i32_0 = arith.constant 0 : i32
    %c0_i32_1 = arith.constant 0 : i32
    return %c0_i32, %arg0, %c0_i32_0 : i32, i32, i32
  }
}

module attributes {stable_mosaic.version = 14 : i64} {
  func.func @body(%arg0: i32, %arg1: memref<2000x128xf32, #tpu.memory_space<vmem>>, %arg2: memref<2000x128xf32, #tpu.memory_space<vmem>>, %arg3: memref<2000x128xf32, #tpu.memory_space<vmem>>, %arg4: memref<2000x128xf32, #tpu.memory_space<vmem>>, %arg5: memref<2000x8xf32, #tpu.memory_space<vmem>>, %arg6: memref<128x128xf32, #tpu.memory_space<vmem>>, %arg7: memref<3x128x128xf32, #tpu.memory_space<vmem>>, %arg8: memref<1x128xf32, #tpu.memory_space<vmem>>, %arg9: memref<2000x128xf32, #tpu.memory_space<vmem>>) attributes {dimension_semantics = [#tpu.dimension_semantics<arbitrary>], iteration_bounds = array<i64: 5>, scalar_prefetch = 0 : i64, scratch_operands = 0 : i64, tpu.core_type = #tpu.core_type<tc>, window_params = [{transform_indices = @transform_0, window_bounds = array<i64: 2000, 128>}, {transform_indices = @transform_1, window_bounds = array<i64: 2000, 128>}, {transform_indices = @transform_2, window_bounds = array<i64: 2000, 128>}, {transform_indices = @transform_3, window_bounds = array<i64: 2000, 128>}, {transform_indices = @transform_4, window_bounds = array<i64: 2000, 8>}, {pipeline_mode = #tpu.pipeline_mode<synchronous>, transform_indices = @transform_5, window_bounds = array<i64: 128, 128>}, {pipeline_mode = #tpu.pipeline_mode<synchronous>, transform_indices = @transform_6, window_bounds = array<i64: 3, 128, 128>}, {pipeline_mode = #tpu.pipeline_mode<synchronous>, transform_indices = @transform_7, window_bounds = array<i64: 1, 128>}, {transform_indices = @transform_8, window_bounds = array<i64: 2000, 128>}]} {
    %get3A = arith.constant 0 : index
    %get3A_0 = arith.constant 0 : index
    %get3A_1 = vector.load %arg1[%get3A, %get3A_0] : memref<2000x128xf32, #tpu.memory_space<vmem>>, vector<2000x128xf32>
    %get3A_2 = arith.constant 0 : index
    %get3A_3 = arith.constant 0 : index
    %get3A_4 = vector.load %arg6[%get3A_2, %get3A_3] : memref<128x128xf32, #tpu.memory_space<vmem>>, vector<128x128xf32>
    %dot_general3A = arith.constant dense<0.000000e+00> : vector<2000x128xf32>
    %dot_general3A_5 = tpu.matmul %get3A_1, %get3A_4, %dot_general3A {dimension_numbers = #tpu.dot_dimension_numbers<[1], [0], [0], [1], [0, 0, 1, 1], [], []>, precision = #tpu.contract_precision<fp32>, transpose_lhs_hint = false} : vector<2000x128xf32>, vector<128x128xf32>, vector<2000x128xf32> -> vector<2000x128xf32>
    %get3A_6 = arith.constant 0 : index
    %get3A_7 = arith.constant 0 : index
    %get3A_8 = vector.load %arg5[%get3A_6, %get3A_7] : memref<2000x8xf32, #tpu.memory_space<vmem>>, vector<2000x1xf32>
    %max3A = arith.constant 1.000000e+00 : f32
    %max3A_9 = vector.broadcast %max3A : f32 to vector<2000x1xf32>
    %max3A_10 = arith.maximumf %get3A_8, %max3A_9 : vector<2000x1xf32>
    %div3A = arith.constant 1.000000e+00 : f32
    %div3A_11 = vector.broadcast %div3A : f32 to vector<2000x1xf32>
    %div3A_12 = arith.divf %div3A_11, %max3A_10 : vector<2000x1xf32>
    %get3A_13 = arith.constant 0 : index
    %get3A_14 = arith.constant 0 : index
    %get3A_15 = vector.load %arg2[%get3A_13, %get3A_14] : memref<2000x128xf32, #tpu.memory_space<vmem>>, vector<2000x128xf32>
    %mul3A = vector.broadcast %div3A_12 : vector<2000x1xf32> to vector<2000x128xf32>
    %mul3A_16 = arith.mulf %get3A_15, %mul3A : vector<2000x128xf32>
    %get3A_17 = arith.constant 0 : index
    %get3A_18 = arith.constant 0 : index
    %get3A_19 = arith.constant 0 : index
    %get3A_20 = vector.load %arg7[%get3A_17, %get3A_18, %get3A_19] : memref<3x128x128xf32, #tpu.memory_space<vmem>>, vector<1x128x128xf32>
    %get3A_21 = vector.shape_cast %get3A_20 : vector<1x128x128xf32> to vector<128x128xf32>
    %dot_general3A_22 = arith.constant dense<0.000000e+00> : vector<2000x128xf32>
    %dot_general3A_23 = tpu.matmul %mul3A_16, %get3A_21, %dot_general3A_22 {dimension_numbers = #tpu.dot_dimension_numbers<[1], [0], [0], [1], [0, 0, 1, 1], [], []>, precision = #tpu.contract_precision<fp32>, transpose_lhs_hint = false} : vector<2000x128xf32>, vector<128x128xf32>, vector<2000x128xf32> -> vector<2000x128xf32>
    %add3A = arith.addf %dot_general3A_5, %dot_general3A_23 : vector<2000x128xf32>
    %get3A_24 = arith.constant 0 : index
    %get3A_25 = arith.constant 1 : index
    %get3A_26 = vector.load %arg5[%get3A_24, %get3A_25] : memref<2000x8xf32, #tpu.memory_space<vmem>>, vector<2000x1xf32>
    %max3A_27 = arith.constant 1.000000e+00 : f32
    %max3A_28 = vector.broadcast %max3A_27 : f32 to vector<2000x1xf32>
    %max3A_29 = arith.maximumf %get3A_26, %max3A_28 : vector<2000x1xf32>
    %div3A_30 = arith.constant 1.000000e+00 : f32
    %div3A_31 = vector.broadcast %div3A_30 : f32 to vector<2000x1xf32>
    %div3A_32 = arith.divf %div3A_31, %max3A_29 : vector<2000x1xf32>
    %get3A_33 = arith.constant 0 : index
    %get3A_34 = arith.constant 0 : index
    %get3A_35 = vector.load %arg3[%get3A_33, %get3A_34] : memref<2000x128xf32, #tpu.memory_space<vmem>>, vector<2000x128xf32>
    %mul3A_36 = vector.broadcast %div3A_32 : vector<2000x1xf32> to vector<2000x128xf32>
    %mul3A_37 = arith.mulf %get3A_35, %mul3A_36 : vector<2000x128xf32>
    %get3A_38 = arith.constant 1 : index
    %get3A_39 = arith.constant 0 : index
    %get3A_40 = arith.constant 0 : index
    %get3A_41 = vector.load %arg7[%get3A_38, %get3A_39, %get3A_40] : memref<3x128x128xf32, #tpu.memory_space<vmem>>, vector<1x128x128xf32>
    %get3A_42 = vector.shape_cast %get3A_41 : vector<1x128x128xf32> to vector<128x128xf32>
    %dot_general3A_43 = arith.constant dense<0.000000e+00> : vector<2000x128xf32>
    %dot_general3A_44 = tpu.matmul %mul3A_37, %get3A_42, %dot_general3A_43 {dimension_numbers = #tpu.dot_dimension_numbers<[1], [0], [0], [1], [0, 0, 1, 1], [], []>, precision = #tpu.contract_precision<fp32>, transpose_lhs_hint = false} : vector<2000x128xf32>, vector<128x128xf32>, vector<2000x128xf32> -> vector<2000x128xf32>
    %add3A_45 = arith.addf %add3A, %dot_general3A_44 : vector<2000x128xf32>
    %get3A_46 = arith.constant 0 : index
    %get3A_47 = arith.constant 2 : index
    %get3A_48 = vector.load %arg5[%get3A_46, %get3A_47] : memref<2000x8xf32, #tpu.memory_space<vmem>>, vector<2000x1xf32>
    %max3A_49 = arith.constant 1.000000e+00 : f32
    %max3A_50 = vector.broadcast %max3A_49 : f32 to vector<2000x1xf32>
    %max3A_51 = arith.maximumf %get3A_48, %max3A_50 : vector<2000x1xf32>
    %div3A_52 = arith.constant 1.000000e+00 : f32
    %div3A_53 = vector.broadcast %div3A_52 : f32 to vector<2000x1xf32>
    %div3A_54 = arith.divf %div3A_53, %max3A_51 : vector<2000x1xf32>
    %get3A_55 = arith.constant 0 : index
    %get3A_56 = arith.constant 0 : index
    %get3A_57 = vector.load %arg4[%get3A_55, %get3A_56] : memref<2000x128xf32, #tpu.memory_space<vmem>>, vector<2000x128xf32>
    %mul3A_58 = vector.broadcast %div3A_54 : vector<2000x1xf32> to vector<2000x128xf32>
    %mul3A_59 = arith.mulf %get3A_57, %mul3A_58 : vector<2000x128xf32>
    %get3A_60 = arith.constant 2 : index
    %get3A_61 = arith.constant 0 : index
    %get3A_62 = arith.constant 0 : index
    %get3A_63 = vector.load %arg7[%get3A_60, %get3A_61, %get3A_62] : memref<3x128x128xf32, #tpu.memory_space<vmem>>, vector<1x128x128xf32>
    %get3A_64 = vector.shape_cast %get3A_63 : vector<1x128x128xf32> to vector<128x128xf32>
    %dot_general3A_65 = arith.constant dense<0.000000e+00> : vector<2000x128xf32>
    %dot_general3A_66 = tpu.matmul %mul3A_59, %get3A_64, %dot_general3A_65 {dimension_numbers = #tpu.dot_dimension_numbers<[1], [0], [0], [1], [0, 0, 1, 1], [], []>, precision = #tpu.contract_precision<fp32>, transpose_lhs_hint = false} : vector<2000x128xf32>, vector<128x128xf32>, vector<2000x128xf32> -> vector<2000x128xf32>
    %add3A_67 = arith.addf %add3A_45, %dot_general3A_66 : vector<2000x128xf32>
    %get3A_68 = arith.constant 0 : index
    %get3A_69 = arith.constant 0 : index
    %get3A_70 = vector.load %arg8[%get3A_68, %get3A_69] : memref<1x128xf32, #tpu.memory_space<vmem>>, vector<1x128xf32>
    %add3A_71 = vector.broadcast %get3A_70 : vector<1x128xf32> to vector<2000x128xf32>
    %add3A_72 = arith.addf %add3A_67, %add3A_71 : vector<2000x128xf32>
    %max3A_73 = arith.constant 0.000000e+00 : f32
    %max3A_74 = vector.broadcast %max3A_73 : f32 to vector<2000x128xf32>
    %max3A_75 = arith.maximumf %add3A_72, %max3A_74 : vector<2000x128xf32>
    %swap3A = arith.constant 0 : index
    %swap3A_76 = arith.constant 0 : index
    %swap3A_77 = vector.load %arg9[%swap3A, %swap3A_76] : memref<2000x128xf32, #tpu.memory_space<vmem>>, vector<2000x128xf32>
    tpu.vector_store %arg9[%swap3A, %swap3A_76], %max3A_75 {strides = array<i32>} : memref<2000x128xf32, #tpu.memory_space<vmem>>, vector<2000x128xf32>,
    return
  }
  func.func @transform_0(%arg0: i32) -> (i32, i32) {
    %c0_i32 = arith.constant 0 : i32
    %c0_i32_0 = arith.constant 0 : i32
    return %arg0, %c0_i32 : i32, i32
  }
  func.func @transform_1(%arg0: i32) -> (i32, i32) {
    %c0_i32 = arith.constant 0 : i32
    %c0_i32_0 = arith.constant 0 : i32
    return %arg0, %c0_i32 : i32, i32
  }
  func.func @transform_2(%arg0: i32) -> (i32, i32) {
    %c0_i32 = arith.constant 0 : i32
    %c0_i32_0 = arith.constant 0 : i32
    return %arg0, %c0_i32 : i32, i32
  }
  func.func @transform_3(%arg0: i32) -> (i32, i32) {
    %c0_i32 = arith.constant 0 : i32
    %c0_i32_0 = arith.constant 0 : i32
    return %arg0, %c0_i32 : i32, i32
  }
  func.func @transform_4(%arg0: i32) -> (i32, i32) {
    %c0_i32 = arith.constant 0 : i32
    %c0_i32_0 = arith.constant 0 : i32
    return %arg0, %c0_i32 : i32, i32
  }
  func.func @transform_5(%arg0: i32) -> (i32, i32) {
    %c0_i32 = arith.constant 0 : i32
    %c0_i32_0 = arith.constant 0 : i32
    %c0_i32_1 = arith.constant 0 : i32
    return %c0_i32, %c0_i32_0 : i32, i32
  }
  func.func @transform_6(%arg0: i32) -> (i32, i32, i32) {
    %c0_i32 = arith.constant 0 : i32
    %c0_i32_0 = arith.constant 0 : i32
    %c0_i32_1 = arith.constant 0 : i32
    %c0_i32_2 = arith.constant 0 : i32
    return %c0_i32, %c0_i32_0, %c0_i32_1 : i32, i32, i32
  }
  func.func @transform_7(%arg0: i32) -> (i32, i32) {
    %c0_i32 = arith.constant 0 : i32
    %c0_i32_0 = arith.constant 0 : i32
    %c0_i32_1 = arith.constant 0 : i32
    return %c0_i32, %c0_i32_0 : i32, i32
  }
  func.func @transform_8(%arg0: i32) -> (i32, i32) {
    %c0_i32 = arith.constant 0 : i32
    %c0_i32_0 = arith.constant 0 : i32
    return %arg0, %c0_i32 : i32, i32
  }
}

module attributes {stable_mosaic.version = 14 : i64} {
  func.func @body(%arg0: i32, %arg1: memref<2000x128xf32, #tpu.memory_space<vmem>>, %arg2: memref<1x1x2000xi32, #tpu.memory_space<vmem>>, %arg3: memref<128x16xf32, #tpu.memory_space<vmem>>, %arg4: memref<1x16xf32, #tpu.memory_space<vmem>>, %arg5: memref<256x16xf32, #tpu.memory_space<vmem>>, %arg6: memref<256x128xf32, #tpu.memory_space<vmem>>, %arg7: memref<256x8xf32, #tpu.memory_space<vmem>>) attributes {dimension_semantics = [#tpu.dimension_semantics<arbitrary>], iteration_bounds = array<i64: 5>, scalar_prefetch = 0 : i64, scratch_operands = 2 : i64, tpu.core_type = #tpu.core_type<tc>, window_params = [{transform_indices = @transform_0, window_bounds = array<i64: 2000, 128>}, {transform_indices = @transform_1, window_bounds = array<i64: 1, 1, 2000>}, {pipeline_mode = #tpu.pipeline_mode<synchronous>, transform_indices = @transform_2, window_bounds = array<i64: 128, 16>}, {pipeline_mode = #tpu.pipeline_mode<synchronous>, transform_indices = @transform_3, window_bounds = array<i64: 1, 16>}, {pipeline_mode = #tpu.pipeline_mode<synchronous>, transform_indices = @transform_4, window_bounds = array<i64: 256, 16>}]} {
    %eq3A = arith.constant 0 : i32
    %eq3A_0 = arith.cmpi eq, %arg0, %eq3A : i32
    %convert_element_type3A = arith.extui %eq3A_0 : i1 to i32
    %cond3A = arith.constant 0 : i32
    %cond3A_1 = arith.cmpi ne, %convert_element_type3A, %cond3A : i32
    scf.if %cond3A_1 {
      %broadcast_in_dim3A_35 = arith.constant 0.000000e+00 : f32
      %broadcast_in_dim3A_36 = vector.broadcast %broadcast_in_dim3A_35 : f32 to vector<256x128xf32>
      %swap3A_37 = arith.constant 0 : index
      %swap3A_38 = arith.constant 0 : index
      %swap3A_39 = vector.load %arg6[%swap3A_37, %swap3A_38] : memref<256x128xf32, #tpu.memory_space<vmem>>, vector<256x128xf32>
      tpu.vector_store %arg6[%swap3A_37, %swap3A_38], %broadcast_in_dim3A_36 {strides = array<i32>} : memref<256x128xf32, #tpu.memory_space<vmem>>, vector<256x128xf32>,
      %broadcast_in_dim3A_40 = arith.constant 0.000000e+00 : f32
      %broadcast_in_dim3A_41 = vector.broadcast %broadcast_in_dim3A_40 : f32 to vector<256x8xf32>
      %swap3A_42 = arith.constant 0 : index
      %swap3A_43 = arith.constant 0 : index
      %swap3A_44 = vector.load %arg7[%swap3A_42, %swap3A_43] : memref<256x8xf32, #tpu.memory_space<vmem>>, vector<256x8xf32>
      tpu.vector_store %arg7[%swap3A_42, %swap3A_43], %broadcast_in_dim3A_41 {strides = array<i32>} : memref<256x8xf32, #tpu.memory_space<vmem>>, vector<256x8xf32>,
    } else {
    }
    %get3A = arith.constant 0 : index
    %get3A_2 = arith.constant 0 : index
    %get3A_3 = arith.constant 0 : index
    %get3A_4 = vector.load %arg2[%get3A, %get3A_2, %get3A_3] : memref<1x1x2000xi32, #tpu.memory_space<vmem>>, vector<1x1x2000xi32>
    %get3A_5 = vector.shape_cast %get3A_4 : vector<1x1x2000xi32> to vector<2000xi32>
    %broadcast_in_dim3A = vector.shape_cast %get3A_5 : vector<2000xi32> to vector<2000x1xi32>
    %iota3A = tpu.iota {dimensions = array<i32: 1>} : vector<2000x256xi32>
    %eq3A_6 = vector.broadcast %broadcast_in_dim3A : vector<2000x1xi32> to vector<2000x256xi32>
    %eq3A_7 = arith.cmpi eq, %eq3A_6, %iota3A : vector<2000x256xi32>
    %convert_element_type3A_8 = arith.extui %eq3A_7 : vector<2000x256xi1> to vector<2000x256xi32>
    %convert_element_type3A_9 = arith.sitofp %convert_element_type3A_8 : vector<2000x256xi32> to vector<2000x256xf32>
    %get3A_10 = arith.constant 0 : index
    %get3A_11 = arith.constant 0 : index
    %get3A_12 = vector.load %arg6[%get3A_10, %get3A_11] : memref<256x128xf32, #tpu.memory_space<vmem>>, vector<256x128xf32>
    %get3A_13 = arith.constant 0 : index
    %get3A_14 = arith.constant 0 : index
    %get3A_15 = vector.load %arg1[%get3A_13, %get3A_14] : memref<2000x128xf32, #tpu.memory_space<vmem>>, vector<2000x128xf32>
    %dot_general3A = arith.constant dense<0.000000e+00> : vector<256x128xf32>
    %dot_general3A_16 = tpu.matmul %convert_element_type3A_9, %get3A_15, %dot_general3A {dimension_numbers = #tpu.dot_dimension_numbers<[0], [0], [1], [1], [0, 1, 1, 1], [], []>, precision = #tpu.contract_precision<fp32>, transpose_lhs_hint = false} : vector<2000x256xf32>, vector<2000x128xf32>, vector<256x128xf32> -> vector<256x128xf32>
    %add3A = arith.addf %get3A_12, %dot_general3A_16 : vector<256x128xf32>
    %swap3A = arith.constant 0 : index
    %swap3A_17 = arith.constant 0 : index
    %swap3A_18 = vector.load %arg6[%swap3A, %swap3A_17] : memref<256x128xf32, #tpu.memory_space<vmem>>, vector<256x128xf32>
    tpu.vector_store %arg6[%swap3A, %swap3A_17], %add3A {strides = array<i32>} : memref<256x128xf32, #tpu.memory_space<vmem>>, vector<256x128xf32>,
    %get3A_19 = arith.constant 0 : index
    %get3A_20 = arith.constant 0 : index
    %get3A_21 = vector.load %arg7[%get3A_19, %get3A_20] : memref<256x8xf32, #tpu.memory_space<vmem>>, vector<256x1xf32>
    %broadcast_in_dim3A_22 = arith.constant 1.000000e+00 : f32
    %broadcast_in_dim3A_23 = vector.broadcast %broadcast_in_dim3A_22 : f32 to vector<2000x1xf32>
    %dot_general3A_24 = arith.constant dense<0.000000e+00> : vector<256x1xf32>
    %dot_general3A_25 = tpu.matmul %convert_element_type3A_9, %broadcast_in_dim3A_23, %dot_general3A_24 {dimension_numbers = #tpu.dot_dimension_numbers<[0], [0], [1], [1], [0, 1, 1, 1], [], []>, precision = #tpu.contract_precision<fp32>, transpose_lhs_hint = false} : vector<2000x256xf32>, vector<2000x1xf32>, vector<256x1xf32> -> vector<256x1xf32>
    %add3A_26 = arith.addf %get3A_21, %dot_general3A_25 : vector<256x1xf32>
    %swap3A_27 = arith.constant 0 : index
    %swap3A_28 = arith.constant 0 : index
    %swap3A_29 = vector.load %arg7[%swap3A_27, %swap3A_28] : memref<256x8xf32, #tpu.memory_space<vmem>>, vector<256x1xf32>
    tpu.vector_store %arg7[%swap3A_27, %swap3A_28], %add3A_26 {strides = array<i32>} : memref<256x8xf32, #tpu.memory_space<vmem>>, vector<256x1xf32>,
    %eq3A_30 = arith.constant 4 : i32
    %eq3A_31 = arith.cmpi eq, %arg0, %eq3A_30 : i32
    %convert_element_type3A_32 = arith.extui %eq3A_31 : i1 to i32
    %cond3A_33 = arith.constant 0 : i32
    %cond3A_34 = arith.cmpi ne, %convert_element_type3A_32, %cond3A_33 : i32
    scf.if %cond3A_34 {
      %get3A_35 = arith.constant 0 : index
      %get3A_36 = arith.constant 0 : index
      %get3A_37 = vector.load %arg7[%get3A_35, %get3A_36] : memref<256x8xf32, #tpu.memory_space<vmem>>, vector<256x1xf32>
      %max3A = arith.constant 1.000000e+00 : f32
      %max3A_38 = vector.broadcast %max3A : f32 to vector<256x1xf32>
      %max3A_39 = arith.maximumf %get3A_37, %max3A_38 : vector<256x1xf32>
      %div3A = arith.constant 1.000000e+00 : f32
      %div3A_40 = vector.broadcast %div3A : f32 to vector<256x1xf32>
      %div3A_41 = arith.divf %div3A_40, %max3A_39 : vector<256x1xf32>
      %get3A_42 = arith.constant 0 : index
      %get3A_43 = arith.constant 0 : index
      %get3A_44 = vector.load %arg6[%get3A_42, %get3A_43] : memref<256x128xf32, #tpu.memory_space<vmem>>, vector<256x128xf32>
      %mul3A = vector.broadcast %div3A_41 : vector<256x1xf32> to vector<256x128xf32>
      %mul3A_45 = arith.mulf %get3A_44, %mul3A : vector<256x128xf32>
      %get3A_46 = arith.constant 0 : index
      %get3A_47 = arith.constant 0 : index
      %get3A_48 = vector.load %arg3[%get3A_46, %get3A_47] : memref<128x16xf32, #tpu.memory_space<vmem>>, vector<128x16xf32>
      %dot_general3A_49 = arith.constant dense<0.000000e+00> : vector<256x16xf32>
      %dot_general3A_50 = tpu.matmul %mul3A_45, %get3A_48, %dot_general3A_49 {dimension_numbers = #tpu.dot_dimension_numbers<[1], [0], [0], [1], [0, 0, 1, 1], [], []>, precision = #tpu.contract_precision<fp32>, transpose_lhs_hint = false} : vector<256x128xf32>, vector<128x16xf32>, vector<256x16xf32> -> vector<256x16xf32>
      %get3A_51 = arith.constant 0 : index
      %get3A_52 = arith.constant 0 : index
      %get3A_53 = vector.load %arg4[%get3A_51, %get3A_52] : memref<1x16xf32, #tpu.memory_space<vmem>>, vector<1x16xf32>
      %add3A_54 = vector.broadcast %get3A_53 : vector<1x16xf32> to vector<256x16xf32>
      %add3A_55 = arith.addf %dot_general3A_50, %add3A_54 : vector<256x16xf32>
      %swap3A_56 = arith.constant 0 : index
      %swap3A_57 = arith.constant 0 : index
      %swap3A_58 = vector.load %arg5[%swap3A_56, %swap3A_57] : memref<256x16xf32, #tpu.memory_space<vmem>>, vector<256x16xf32>
      tpu.vector_store %arg5[%swap3A_56, %swap3A_57], %add3A_55 {strides = array<i32>} : memref<256x16xf32, #tpu.memory_space<vmem>>, vector<256x16xf32>,
    } else {
    }
    return
  }
  func.func @transform_0(%arg0: i32) -> (i32, i32) {
    %c0_i32 = arith.constant 0 : i32
    %c0_i32_0 = arith.constant 0 : i32
    return %arg0, %c0_i32 : i32, i32
  }
  func.func @transform_1(%arg0: i32) -> (i32, i32, i32) {
    %c0_i32 = arith.constant 0 : i32
    %c0_i32_0 = arith.constant 0 : i32
    %c0_i32_1 = arith.constant 0 : i32
    return %arg0, %c0_i32, %c0_i32_0 : i32, i32, i32
  }
  func.func @transform_2(%arg0: i32) -> (i32, i32) {
    %c0_i32 = arith.constant 0 : i32
    %c0_i32_0 = arith.constant 0 : i32
    %c0_i32_1 = arith.constant 0 : i32
    return %c0_i32, %c0_i32_0 : i32, i32
  }
  func.func @transform_3(%arg0: i32) -> (i32, i32) {
    %c0_i32 = arith.constant 0 : i32
    %c0_i32_0 = arith.constant 0 : i32
    %c0_i32_1 = arith.constant 0 : i32
    return %c0_i32, %c0_i32_0 : i32, i32
  }
  func.func @transform_4(%arg0: i32) -> (i32, i32) {
    %c0_i32 = arith.constant 0 : i32
    %c0_i32_0 = arith.constant 0 : i32
    %c0_i32_1 = arith.constant 0 : i32
    return %c0_i32, %c0_i32_0 : i32, i32
  }
}

</mosaic_0001>

<sc_bundles>
// kernel: kernel.10.cloned.1.call-start
scs
__scs_entry_jumppad:
0x0: {  	(pc) =	sbr.rel $0x88, $3  }
0x1: {  	(tag) =	ssettag $0x0;
	lr =	simm.s32 $0x1  }
0x2: {  	[smem:$0x3F92] =	sst lr;
	_ =	strace $0xD0000000  }
0x3: {  	_ = 	snop  }
0x4: {  	_ = 	snop  }
0x5: {  	_ = 	snop  }
0x6: {  	_ = 	snop  }
0x7: {  	_ = 	snop  }
__scs_overlays_trampoline_lowered:
0x8: {  	[smem:$0x3FA1] =	sst s0  }
0x9: {  	[smem:$0x3FA2] =	sst s1  }
0xa: {  	[smem:$0x3FA3] =	sst s2  }
0xb: {  	[smem:$0x3FA4] =	sst s3  }
0xc: {  	[smem:$0x3FA5] =	sst s4  }
0xd: {  	[smem:$0x3FA6] =	sst s5  }
0xe: {  	[smem:$0x3FA7] =	sst s6  }
0xf: {  	[smem:$0x3FA8] =	sst s7  }
0x10: {  	[smem:$0x3FA9] =	sst s8  }
0x11: {  	[smem:$0x3FAA] =	sst s9;
	s0 =	simm.s32 @!p0 $0x0  }
0x12: {  	s1 =	sld [smem:$0x3F90];
	s0 =	simm.s32 @p0 $0x1  }
0x13: {  	[smem:$0x3FAB] =	sst s0;
	s0 =	simm.s32 @!p1 $0x0  }
0x14: {  	s2 =	sld [smem:$0x3F8F];
	s0 =	simm.s32 @p1 $0x1  }
0x15: {  	[smem:$0x3FAC] =	sst s0;
	s0 =	simm.s32 @!p2 $0x0  }
0x16: {  	s3 =	sld [smem:$0x3FDB];
	s0 =	simm.s32 @p2 $0x1  }
0x17: {  	s4 =	simm.s32 $0x1BF5;
	[smem:$0x3FAE] =	sst s0  }
0x18: {  	s0 =	sld [smem:$0x3F91];
	_ =	swait.ge [sflag:s4], $0x0  }
0x19: {  	s7 =	sld [smem:$0x3F92]  }
0x1a: {  	s8 =	sadd.s32 $0xFFFFE003, lr  }
0x1b: {  	s9 =	sadd.s32 $0xFFFFFEF7, lr;
	s5 =	simm.s32 $0xFFFFFFFF;
	p2 =	slt.u32 s8, $0xFFFFF086  }
0x1c: {  	p1 =	slt.u32 s9, $0xF7A;
	s5 =	simm.s32 @!p2 $0x0  }
0x1d: {  	s5 =	simm.s32 @p1 $0x1;
	p0 =	seq.s32 s7, s2  }
0x1e: {  	s7 =	smul.u32 @!p0 $0xF7A, s2;
	p2 =	seq.s32 @!p0 s5, $0x0  }
0x1f: {  	s9 =	smul.u32 $0xF7A, s1;
	s8 =	simm.s32 @!p0 $0x1BF5;
	p2 =	por !p2, p0  }
0x20: {  	[sflag:s8] =	ssyncset.s32 @!p0 $0xFFFFF086;
	s6 =	sadd.s32 @!p0 s3, s7;
	s7 =	simm.s32 @!p0 $0x108  }
0x21: {  	s3 =	sadd.s32 s3, s9;
	s6 =	sadd.s32 @!p0 $0x88, s6;
	s7 =	simm.s32 @p2 $0x1082  }
0x22: {  	[simem:s7], [sflag:s8] =	dma.local @!p0 [hbm:s6], $0xF7A  }
0x23: {  	s9 =	sor.u32 $0xD0000000, s2;
	s6 =	simm.s32 $0x108;
	_ =	swait.ge @!p0 [sflag:s8], $0x0  }
0x24: {  	s3 =	sadd.s32 $0x88, s3;
	s6 =	simm.s32 @!p1 $0x1082;
	[sflag:s4] =	ssyncset.s32 $0xFFFFF086  }
0x25: {  	[simem:s6], [sflag:s4] =	dma.local [hbm:s3], $0xF7A  }
0x26: {  	[smem:$0x3F92] =	sst s1;
	(tag) =	ssettag s2;
	_ =	strace s9  }
0x27: {  	s1 =	sld [smem:$0x3FA2]  }
0x28: {  	s2 =	sld [smem:$0x3FA3]  }
0x29: {  	s4 =	sld [smem:$0x3FA5]  }
0x2a: {  	p0 =	seq.s32 s5, $0x0;
	s5 =	sld [smem:$0x3FA6]  }
0x2b: {  	s6 =	sld [smem:$0x3FA7]  }
0x2c: {  	s7 =	sld [smem:$0x3FA8]  }
0x2d: {  	s3 =	simm.s32 $0x108;
	s8 =	sld [smem:$0x3FA9]  }
0x2e: {  	s3 =	simm.s32 @!p0 $0x1082;
	s9 =	sld [smem:$0x3FAA]  }
0x2f: {  	lr =	sadd.s32 s0, s3;
	s0 =	sld [smem:$0x3FA1]  }
0x30: {  	s3 =	sld [smem:$0x3FA4]  }
0x31: {  	[smem:$0x3FAD] =	sst s10  }
0x32: {  	s10 =	sld [smem:$0x3FAB];
	_ =	sdelay $0x3  }
0x33: {  	p0 =	seq.s32 s10, $0x1;
	s10 =	sld [smem:$0x3FAD];
	_ =	sdelay $0x3  }
0x34: {  	[smem:$0x3FAD] =	sst s10  }
0x35: {  	s10 =	sld [smem:$0x3FAC];
	_ =	sdelay $0x3  }
0x36: {  	p1 =	seq.s32 s10, $0x1;
	s10 =	sld [smem:$0x3FAD];
	_ =	sdelay $0x3  }
0x37: {  	[smem:$0x3FAD] =	sst s10  }
0x38: {  	s10 =	sld [smem:$0x3FAE]  }
0x39: {  	_ = 	snop;
	(pc) =	sbr.ind lr, $3  }
0x3a: {  	_ = 	snop  }
0x3b: {  	_ = 	snop  }
0x3c: {  	p2 =	seq.s32 s10, $0x1;
	s10 =	sld [smem:$0x3FAD]  }
0x3d: {  	_ =	shalt  }
0x3e: {  	_ =	shalt  }
0x3f: {  	_ =	shalt  }
0x40: {  	_ =	shalt  }
0x41: {  	_ =	shalt  }
0x42: {  	_ =	shalt  }
0x43: {  	_ =	shalt  }
0x44: {  	_ =	shalt  }
0x45: {  	_ =	shalt  }
0x46: {  	_ =	shalt  }
0x47: {  	_ =	shalt  }
0x48: {  	_ =	shalt  }
0x49: {  	_ =	shalt  }
0x4a: {  	_ =	shalt  }
0x4b: {  	_ =	shalt  }
0x4c: {  	_ =	shalt  }
0x4d: {  	_ =	shalt  }
0x4e: {  	_ =	shalt  }
0x4f: {  	_ =	shalt  }
0x50: {  	_ =	shalt  }
0x51: {  	_ =	shalt  }
0x52: {  	_ =	shalt  }
0x53: {  	_ =	shalt  }
0x54: {  	_ =	shalt  }
0x55: {  	_ =	shalt  }
0x56: {  	_ =	shalt  }
0x57: {  	_ =	shalt  }
0x58: {  	_ =	shalt  }
0x59: {  	_ =	shalt  }
0x5a: {  	_ =	shalt  }
0x5b: {  	_ =	shalt  }
0x5c: {  	_ =	shalt  }
0x5d: {  	_ =	shalt  }
0x5e: {  	_ =	shalt  }
0x5f: {  	_ =	shalt  }
0x60: {  	_ =	shalt  }
0x61: {  	_ =	shalt  }
0x62: {  	_ =	shalt  }
0x63: {  	_ =	shalt  }
0x64: {  	_ =	shalt  }
0x65: {  	_ =	shalt  }
0x66: {  	_ =	shalt  }
0x67: {  	_ =	shalt  }
0x68: {  	_ =	shalt  }
0x69: {  	_ =	shalt  }
0x6a: {  	_ =	shalt  }
0x6b: {  	_ =	shalt  }
0x6c: {  	_ =	shalt  }
0x6d: {  	_ =	shalt  }
0x6e: {  	_ =	shalt  }
0x6f: {  	_ =	shalt  }
0x70: {  	_ =	shalt  }
0x71: {  	_ =	shalt  }
0x72: {  	_ =	shalt  }
0x73: {  	_ =	shalt  }
0x74: {  	_ =	shalt  }
0x75: {  	_ =	shalt  }
0x76: {  	_ =	shalt  }
0x77: {  	_ =	shalt  }
0x78: {  	_ =	shalt  }
0x79: {  	_ =	shalt  }
0x7a: {  	_ =	shalt  }
0x7b: {  	_ =	shalt  }
0x7c: {  	_ =	shalt  }
0x7d: {  	_ =	shalt  }
0x7e: {  	_ =	shalt  }
0x7f: {  	_ =	shalt  }
0x80: {  	_ =	shalt  }
0x81: {  	_ =	shalt  }
0x82: {  	_ =	shalt  }
0x83: {  	_ =	shalt  }
0x84: {  	_ =	shalt  }
0x85: {  	_ =	shalt  }
0x86: {  	_ =	shalt  }
0x87: {  	_ =	shalt  }
.Lfunc_end0:
.L_simem_size_0:
called_computation_lowered:
.L_overlay_start_0:
0x88: {  	s2 =	sld [smem:$0x3FD9]  }
0x89: {  	s3 =	sld [smem:$0x3FFE];
	_ =	sdelay $0x1  }
0x8a: {  	s1 =	srdreg.scid  }
0x8b: {  	s0 =	sand.u32 $0x1, s1  }
0x8c: {  	s17 =	sshll.u32 s0, $0xA;
	s2 =	sadd.s32 s3, s2  }
0x8d: {  	s2 =	sadd.s32 s2, s17  }
0x8e: {  	[smem:$0x3FB9] =	sst s2  }
0x8f: {  	_ = 	snop  }
0x90: {  	s2 =	sld [smem:$0x3FD0];
	(tm) =	ssettm $0x1  }
0x91: {  	s18 =	sld [smem:$0x3FFB];
	_ =	sdelay $0x3  }
0x92: {  	_ =	strace s18  }
0x93: {  	s3 =	sld [smem:$0x3FFC];
	_ =	sdelay $0x3  }
0x94: {  	_ =	strace s3  }
0x95: {  	s3 =	sld [smem:$0x3FFD];
	_ =	sdelay $0x3  }
0x96: {  	_ =	strace s3  }
0x97: {  	_ =	strace $0x8FFFFFFF  }
0x98: {  	s19 =	sld [smem:$0x3FDB];
	_ =	sdelay $0x1  }
0x99: {  	s4 =	simm.s32 $_scs_section_size  }
0x9a: {  	s5 =	simm.s32 $_size__tile_overlayer_lowered;
	s6 =	simm.s32 $_tile_overlayer_lowered  }
0x9b: {  	s22 =	simm.s32 $0x1BFF;
	s21 =	sshll.u32 s6, $0x1;
	s3 =	sadd.s32 s4, s19  }
0x9c: {  	s7 =	simm.s32 $0x0;
	s20 =	sshll.u32 s5, $0x1;
	s5 =	sadd.s32 s21, s3  }
0x9d: {  	[timem:s7], [sflag:s22] =	dma.local [hbm:s5], s20  }
0x9e: {  	_ =	swait.ge [sflag:s22], s20  }
0x9f: {  	s4 =	ssub.s32 $0x0, s20;
	[sflag:s22] =	ssyncset.done $0x0  }
0xa0: {  	[sflag:s22] =	ssyncadd.s32 s4;
	_ =	sdelay $0x1  }
0xa1: {  	s23 =	simm.s32 $0x1B8B  }
0xa2: {  	_ =	swait.ge [sflag:s23], $0x1  }
0xa3: {  	[sflag:s23] =	ssyncset.done $0x0  }
0xa4: {  	s25 =	simm.s32 $0x1B8E;
	s24 =	sld [smem:$0x3FFE];
	[sflag:s23] =	ssyncadd.s32 $0xFFFFFFFF  }
0xa5: {  	s26 =	simm.s32 $execute0_lowered;
	[smem:$0x3FD2] =	sst s25  }
0xa6: {  	s5 =	sshll.u32 s26, $0x1;
	_ =	strace $0x80000046;
	[dreg:$0x1] =	wrdreg $0xFFFFFFFF  }
0xa7: {  	s28 =	simm.s32 $_size_execute0_lowered;
	s3 =	sadd.s32 s3, s5;
	[dreg:$0x0] =	wrdreg $0x0  }
0xa8: {  	s5 =	sshll.u32 s28, $0x1;
	[dreg:$0x2] =	wrdreg s3  }
0xa9: {  	[dreg:$0x3] =	wrdreg s5  }
0xaa: {  	[dreg:$0x4] =	wrdreg $0xC0  }
0xab: {  	_ =	task [dreg:s7], $0x5FFFF  }
0xac: {  	[dreg:$0x1] =	wrdreg $0xFFFFFFFF  }
0xad: {  	[dreg:$0x0] =	wrdreg $0x60  }
0xae: {  	[dreg:$0x2] =	wrdreg s2  }
0xaf: {  	[dreg:$0x3] =	wrdreg s24  }
0xb0: {  	[dreg:$0x4] =	wrdreg $0xA  }
0xb1: {  	_ =	task.clear_ibuf [dreg:s7], $0x5FFFF;
	_ =	strace $0x90000046  }
0xb2: {  	s29 =	simm.s32 $0xA;
	_ =	strace $0x80000048  }
0xb3: {  	_ =	swait.ge [sflag:s29], $0x1  }
0xb4: {  	[sflag:s29] =	ssyncadd.s32 $0xFFFFFFFF  }
0xb5: {  	_ =	strace $0x90000048  }
0xb6: {  	_ =	sfence  }
0xb7: {  	s30 =	sld [smem:$0x0];
	_ =	sdelay $0x2  }
0xb8: {  	s31 =	sshll.u32 s1, $0xD;
	s1 =	sshrl.u32 s1, $0x2  }
0xb9: {  	s3 =	sand.u32 $0x4000, s31;
	s1 =	sadd.s32 s1, s30  }
0xba: {  	s0 =	sor.u32 s3, s0;
	s1 =	sshll.u32 s1, $0x11  }
0xbb: {  	s0 =	sor.u32 s1, s0  }
0xbc: {  	s0 =	sadd.s32 $0x8F2B, s0  }
0xbd: {  	[sflag:s0] =	ssyncadd.remote.s32 $0x1  }
0xbe: {  	_ =	sfence.sel $0xFFFF  }
0xbf: {  	[dreg:$0x0] =	wrdreg $0xFFFFFFFF;
	(pc) =	sbr.abs _section_cstart, $3  }
0xc0: {  	[dreg:$0x1] =	wrdreg $0xFFFFFFFF  }
0xc1: {  	_ =	task.clear_ibuf [dreg:s7], $0x2FFFF;
	_ =	strace $0x9FFFFFFF  }
0xc2: {  	(tm) =	ssettm $0x7FFFFFFF  }
0xc3: {  	_ =	shalt  }
tec
execute0_lowered:
.L_overlay_start_1:
0x0: {  	(tag) =	ssettag $0x1  }
0x1: {  	s1 =	srdreg.scid;
	s0 =	stileid.u32  }
0x2: {  	s2 =	rddreg [dreg:$0x0];
	s23 =	sand.u32 $0x1, s1;
	s31 =	sshll.u32 s0, $0x1  }
0x3: {  	s22 =	rddreg [dreg:$0x1];
	s24 =	sor.u32 s23, s31  }
0x4: {  	s3 =	simm.s32 $0x0;
	s1 =	rddreg [dreg:$0x2];
	s4 =	sshll.u32 s24, $0x7  }
0x5: {  	[smem:$0x7FF] =	sst s3;
	s4 =	sadd.s32 s4, s22  }
0x6: {  	_ =	strace $0x80000047;
	s5 =	sadd.s32 $0x5400, s4;
	s4 =	simm.s32 $0x2  }
0x7: {  	[tilespmem:s3], [sflag:$0x2] =	stream.linear.gather [hbm4b:s5+s3], $0x400, $0x38;
	[tilespmem:$0x8400] =	vst v63  }
0x8: {  	_ =	swait.ge [sflag:s4], $0x400  }
0x9: {  	[sflag:s4] =	ssyncset.done $0x0  }
0xa: {  	s6 =	simm.s32 $0x80;
	s7 =	simm.s32 $0x400;
	[sflag:s4] =	ssyncadd.s32 $0xFFFFFC00  }
0xb: {  	[tilespmem:s7], [sflag:$0x1] =	stream.indirect.gather [hbm4b:s2+s6], $0x20, s3, s6, $0xb8;
	[tilespmem:$0x8400] =	vst v63  }
0xc: {  	s8 =	simm.s32 $0x1400  }
0xd: {  	[tilespmem:s8], [sflag:$0x1] =	stream.indirect.gather [hbm4b:s2+s6], $0x20, s6, s6, $0xb8;
	[tilespmem:$0x8400] =	vst v63  }
0xe: {  	s9 =	simm.s32 $0x100;
	s10 =	simm.s32 $0x2400  }
0xf: {  	[tilespmem:s10], [sflag:$0x1] =	stream.indirect.gather [hbm4b:s2+s6], $0x20, s9, s6, $0xb8;
	[tilespmem:$0x8400] =	vst v63  }
0x10: {  	s11 =	simm.s32 $0x180;
	s12 =	simm.s32 $0x3400  }
0x11: {  	[tilespmem:s12], [sflag:$0x1] =	stream.indirect.gather [hbm4b:s2+s6], $0x20, s11, s6, $0xb8;
	[tilespmem:$0x8400] =	vst v63  }
0x12: {  	s13 =	simm.s32 $0x200;
	s14 =	simm.s32 $0x4400  }
0x13: {  	[tilespmem:s14], [sflag:$0x1] =	stream.indirect.gather [hbm4b:s2+s6], $0x20, s13, s6, $0xb8;
	[tilespmem:$0x8400] =	vst v63  }
0x14: {  	s15 =	simm.s32 $0x280;
	s16 =	simm.s32 $0x5400  }
0x15: {  	[tilespmem:s16], [sflag:$0x1] =	stream.indirect.gather [hbm4b:s2+s6], $0x20, s15, s6, $0xb8;
	[tilespmem:$0x8400] =	vst v63  }
0x16: {  	s17 =	simm.s32 $0x300;
	s18 =	simm.s32 $0x6400  }
0x17: {  	[tilespmem:s18], [sflag:$0x1] =	stream.indirect.gather [hbm4b:s2+s6], $0x20, s17, s6, $0xb8;
	[tilespmem:$0x8400] =	vst v63  }
0x18: {  	s19 =	simm.s32 $0x380;
	s20 =	simm.s32 $0x7400;
	s21 =	simm.s32 $0x1  }
0x19: {  	[tilespmem:s20], [sflag:$0x1] =	stream.indirect.gather [hbm4b:s2+s6], $0x20, s19, s6, $0xb8;
	[tilespmem:$0x8400] =	vst v63  }
0x1a: {  	_ =	swait.ge [sflag:s21], $0x1000  }
0x1b: {  	[sflag:s21] =	ssyncset.done $0x0  }
0x1c: {  	[sflag:s21] =	ssyncadd.s32 $0xFFFFF000  }
0x1d: {  	_ =	swait.ge [sflag:s21], $0x1000  }
0x1e: {  	[sflag:s21] =	ssyncset.done $0x0  }
0x1f: {  	[sflag:s21] =	ssyncadd.s32 $0xFFFFF000  }
0x20: {  	_ =	swait.ge [sflag:s21], $0x1000  }
0x21: {  	[sflag:s21] =	ssyncset.done $0x0  }
0x22: {  	[sflag:s21] =	ssyncadd.s32 $0xFFFFF000  }
0x23: {  	_ =	swait.ge [sflag:s21], $0x1000  }
0x24: {  	[sflag:s21] =	ssyncset.done $0x0  }
0x25: {  	[sflag:s21] =	ssyncadd.s32 $0xFFFFF000  }
0x26: {  	_ =	swait.ge [sflag:s21], $0x1000  }
0x27: {  	[sflag:s21] =	ssyncset.done $0x0  }
0x28: {  	[sflag:s21] =	ssyncadd.s32 $0xFFFFF000  }
0x29: {  	_ =	swait.ge [sflag:s21], $0x1000  }
0x2a: {  	[sflag:s21] =	ssyncset.done $0x0  }
0x2b: {  	s23 =	ssub.s32 $0x2, s23;
	[sflag:s21] =	ssyncadd.s32 $0xFFFFF000  }
0x2c: {  	s25 =	sshrl.u32 s23, $0x1;
	_ =	swait.ge [sflag:s21], $0x1000  }
0x2d: {  	s23 =	ssub.s32 s23, s25;
	[sflag:s21] =	ssyncset.done $0x0  }
0x2e: {  	s23 =	smax.u32 s23, $0x1;
	[sflag:s21] =	ssyncadd.s32 $0xFFFFF000  }
0x2f: {  	s24 =	sshll.u32 s24, $0xC;
	p0 =	sne.s32 s23, $0x1;
	_ =	swait.ge [sflag:s21], $0x1000  }
.Ltmp0:
0x30: {  	s22 =	sadd.s32 s24, s22;
	[sflag:s21] =	ssyncset.done $0x0;
	(pc) =	sbr.rel @!p0 .LBB2_2-.Ltmp0, $4  }
0x31: {  	s22 =	sadd.s32 $0x6400, s22;
	[sflag:s21] =	ssyncadd.s32 $0xFFFFF000  }
0x32: {  	[hbm4b:s22+s3] =	stream.linear.scatter [tilespmem:s7], [sflag:$0x2], $0x8000, $0x38;
	[tilespmem:$0x8400] =	vst v63  }
0x33: {  	_ =	swait.ge [sflag:s4], $0x8000  }
0x34: {  	s23 =	sadd.s32 $0xFFFFFFFF, s23;
	[sflag:s4] =	ssyncset.done $0x0  }
.LBB2_1:
0x35: {  	p0 =	sne.s32 s23, $0x1;
	s23 =	sadd.s32 $0xFFFFFFFF, s23;
	[sflag:s4] =	ssyncadd.s32 $0xFFFF8000  }
0x36: {  	[tilespmem:s3], [sflag:$0x2] =	stream.linear.gather [hbm4b:s5+s3], $0x400, $0x38;
	[tilespmem:$0x8400] =	vst v63  }
0x37: {  	_ =	swait.ge [sflag:s4], $0x400  }
0x38: {  	[sflag:s4] =	ssyncset.done $0x0  }
0x39: {  	[sflag:s4] =	ssyncadd.s32 $0xFFFFFC00  }
0x3a: {  	[tilespmem:s7], [sflag:$0x1] =	stream.indirect.gather [hbm4b:s2+s6], $0x20, s3, s6, $0xb8;
	[tilespmem:$0x8400] =	vst v63  }
0x3b: {  	_ = 	snop  }
0x3c: {  	[tilespmem:s8], [sflag:$0x1] =	stream.indirect.gather [hbm4b:s2+s6], $0x20, s6, s6, $0xb8;
	[tilespmem:$0x8400] =	vst v63  }
0x3d: {  	_ = 	snop  }
0x3e: {  	[tilespmem:s10], [sflag:$0x1] =	stream.indirect.gather [hbm4b:s2+s6], $0x20, s9, s6, $0xb8;
	[tilespmem:$0x8400] =	vst v63  }
0x3f: {  	_ = 	snop  }
0x40: {  	[tilespmem:s12], [sflag:$0x1] =	stream.indirect.gather [hbm4b:s2+s6], $0x20, s11, s6, $0xb8;
	[tilespmem:$0x8400] =	vst v63  }
0x41: {  	_ = 	snop  }
0x42: {  	[tilespmem:s14], [sflag:$0x1] =	stream.indirect.gather [hbm4b:s2+s6], $0x20, s13, s6, $0xb8;
	[tilespmem:$0x8400] =	vst v63  }
0x43: {  	_ = 	snop  }
0x44: {  	[tilespmem:s16], [sflag:$0x1] =	stream.indirect.gather [hbm4b:s2+s6], $0x20, s15, s6, $0xb8;
	[tilespmem:$0x8400] =	vst v63  }
0x45: {  	_ = 	snop  }
0x46: {  	[tilespmem:s18], [sflag:$0x1] =	stream.indirect.gather [hbm4b:s2+s6], $0x20, s17, s6, $0xb8;
	[tilespmem:$0x8400] =	vst v63  }
0x47: {  	_ = 	snop  }
0x48: {  	[tilespmem:s20], [sflag:$0x1] =	stream.indirect.gather [hbm4b:s2+s6], $0x20, s19, s6, $0xb8;
	[tilespmem:$0x8400] =	vst v63  }
0x49: {  	_ =	swait.ge [sflag:s21], $0x1000  }
0x4a: {  	[sflag:s21] =	ssyncset.done $0x0  }
0x4b: {  	[sflag:s21] =	ssyncadd.s32 $0xFFFFF000  }
0x4c: {  	_ =	swait.ge [sflag:s21], $0x1000  }
0x4d: {  	[sflag:s21] =	ssyncset.done $0x0  }
0x4e: {  	[sflag:s21] =	ssyncadd.s32 $0xFFFFF000  }
0x4f: {  	_ =	swait.ge [sflag:s21], $0x1000  }
0x50: {  	[sflag:s21] =	ssyncset.done $0x0  }
0x51: {  	[sflag:s21] =	ssyncadd.s32 $0xFFFFF000  }
0x52: {  	_ =	swait.ge [sflag:s21], $0x1000  }
0x53: {  	[sflag:s21] =	ssyncset.done $0x0  }
0x54: {  	[sflag:s21] =	ssyncadd.s32 $0xFFFFF000  }
0x55: {  	_ =	swait.ge [sflag:s21], $0x1000  }
0x56: {  	[sflag:s21] =	ssyncset.done $0x0  }
0x57: {  	[sflag:s21] =	ssyncadd.s32 $0xFFFFF000  }
0x58: {  	_ =	swait.ge [sflag:s21], $0x1000  }
0x59: {  	[sflag:s21] =	ssyncset.done $0x0  }
0x5a: {  	[sflag:s21] =	ssyncadd.s32 $0xFFFFF000  }
0x5b: {  	_ =	swait.ge [sflag:s21], $0x1000  }
0x5c: {  	[sflag:s21] =	ssyncset.done $0x0  }
0x5d: {  	[sflag:s21] =	ssyncadd.s32 $0xFFFFF000  }
0x5e: {  	_ =	swait.ge [sflag:s21], $0x1000  }
.Ltmp1:
0x5f: {  	[sflag:s21] =	ssyncset.done $0x0;
	(pc) =	sbr.rel @p0 .LBB2_1-.Ltmp1, $4  }
0x60: {  	[sflag:s21] =	ssyncadd.s32 $0xFFFFF000  }
0x61: {  	[hbm4b:s22+s3] =	stream.linear.scatter [tilespmem:s7], [sflag:$0x2], $0x8000, $0x38;
	[tilespmem:$0x8400] =	vst v63  }
0x62: {  	_ =	swait.ge [sflag:s4], $0x8000  }
0x63: {  	[sflag:s4] =	ssyncset.done $0x0  }
.LBB2_2:
0x64: {  	[sflag:s4] =	ssyncadd.s32 $0xFFFF8000  }
0x65: {  	_ =	sfence.sel $0x180000  }
0x66: {  	[bflag:$0x0] =	sbarrier.arrive $0xFFFF  }
0x67: {  	p0 =	sne.s32 s0, $0x0;
	_ =	strace $0x90000047  }
0x68: {  	s0 =	sadd.s32 @!p0 $0x100000, s1;
	[bflag:$0x2] =	sbarrier.arrive $0xFFFF  }
0x69: {  	[sflag:s0] =	ssyncadd.tile.s32 @!p0 $0x1;
	_ =	shalt  }
.Lfunc_end2:
_tile_overlayer_lowered:
.L_overlay_start_2:
0x6a: {  	(tag) =	ssettag $0x2  }
0x6b: {  	s0 =	rddreg [dreg:$0x0];
	s2 =	stileid.u32  }
0x6c: {  	s1 =	rddreg [dreg:$0x1];
	p0 =	sne.s32 s2, $0x0  }
0x6d: {  	s3 =	rddreg [dreg:$0x2];
	[bflag:$0x3] =	sbarrier.arrive $0xFFFF;
	s2 =	simm.s32 @!p0 $0x1C02  }
0x6e: {  	[timem:s3], [sflag:s2] =	dma.local @!p0 [hbm:s0], s1  }
0x6f: {  	s0 =	simm.s32 @!p0 $0x2  }
0x70: {  	_ =	swait.ge @!p0 [sflag:s0], s1  }
0x71: {  	s1 =	ssub.s32 @!p0 $0x0, s1;
	[sflag:s0] =	ssyncset.done @!p0 $0x0  }
0x72: {  	[sflag:s0] =	ssyncadd.s32 @!p0 s1  }
0x73: {  	[bflag:$0x3] =	sbarrier.arrive $0xFFFF  }
0x74: {  	_ =	shalt  }

// kernel: kernel.13.cloned.1.call-start
scs
__scs_entry_jumppad:
0x0: {  	(pc) =	sbr.rel $0x88, $3  }
0x1: {  	(tag) =	ssettag $0x0;
	lr =	simm.s32 $0x1  }
0x2: {  	[smem:$0x3F92] =	sst lr;
	_ =	strace $0xD0000000  }
0x3: {  	_ = 	snop  }
0x4: {  	_ = 	snop  }
0x5: {  	_ = 	snop  }
0x6: {  	_ = 	snop  }
0x7: {  	_ = 	snop  }
__scs_overlays_trampoline_lowered:
0x8: {  	[smem:$0x3FA1] =	sst s0  }
0x9: {  	[smem:$0x3FA2] =	sst s1  }
0xa: {  	[smem:$0x3FA3] =	sst s2  }
0xb: {  	[smem:$0x3FA4] =	sst s3  }
0xc: {  	[smem:$0x3FA5] =	sst s4  }
0xd: {  	[smem:$0x3FA6] =	sst s5  }
0xe: {  	[smem:$0x3FA7] =	sst s6  }
0xf: {  	[smem:$0x3FA8] =	sst s7  }
0x10: {  	[smem:$0x3FA9] =	sst s8  }
0x11: {  	[smem:$0x3FAA] =	sst s9;
	s0 =	simm.s32 @!p0 $0x0  }
0x12: {  	s1 =	sld [smem:$0x3F90];
	s0 =	simm.s32 @p0 $0x1  }
0x13: {  	[smem:$0x3FAB] =	sst s0;
	s0 =	simm.s32 @!p1 $0x0  }
0x14: {  	s2 =	sld [smem:$0x3F8F];
	s0 =	simm.s32 @p1 $0x1  }
0x15: {  	[smem:$0x3FAC] =	sst s0;
	s0 =	simm.s32 @!p2 $0x0  }
0x16: {  	s3 =	sld [smem:$0x3FDB];
	s0 =	simm.s32 @p2 $0x1  }
0x17: {  	s4 =	simm.s32 $0x1BF5;
	[smem:$0x3FAE] =	sst s0  }
0x18: {  	s0 =	sld [smem:$0x3F91];
	_ =	swait.ge [sflag:s4], $0x0  }
0x19: {  	s7 =	sld [smem:$0x3F92]  }
0x1a: {  	s8 =	sadd.s32 $0xFFFFE003, lr  }
0x1b: {  	s9 =	sadd.s32 $0xFFFFFEF7, lr;
	s5 =	simm.s32 $0xFFFFFFFF;
	p2 =	slt.u32 s8, $0xFFFFF086  }
0x1c: {  	p1 =	slt.u32 s9, $0xF7A;
	s5 =	simm.s32 @!p2 $0x0  }
0x1d: {  	s5 =	simm.s32 @p1 $0x1;
	p0 =	seq.s32 s7, s2  }
0x1e: {  	s7 =	smul.u32 @!p0 $0xF7A, s2;
	p2 =	seq.s32 @!p0 s5, $0x0  }
0x1f: {  	s9 =	smul.u32 $0xF7A, s1;
	s8 =	simm.s32 @!p0 $0x1BF5;
	p2 =	por !p2, p0  }
0x20: {  	[sflag:s8] =	ssyncset.s32 @!p0 $0xFFFFF086;
	s6 =	sadd.s32 @!p0 s3, s7;
	s7 =	simm.s32 @!p0 $0x108  }
0x21: {  	s3 =	sadd.s32 s3, s9;
	s6 =	sadd.s32 @!p0 $0x88, s6;
	s7 =	simm.s32 @p2 $0x1082  }
0x22: {  	[simem:s7], [sflag:s8] =	dma.local @!p0 [hbm:s6], $0xF7A  }
0x23: {  	s9 =	sor.u32 $0xD0000000, s2;
	s6 =	simm.s32 $0x108;
	_ =	swait.ge @!p0 [sflag:s8], $0x0  }
0x24: {  	s3 =	sadd.s32 $0x88, s3;
	s6 =	simm.s32 @!p1 $0x1082;
	[sflag:s4] =	ssyncset.s32 $0xFFFFF086  }
0x25: {  	[simem:s6], [sflag:s4] =	dma.local [hbm:s3], $0xF7A  }
0x26: {  	[smem:$0x3F92] =	sst s1;
	(tag) =	ssettag s2;
	_ =	strace s9  }
0x27: {  	s1 =	sld [smem:$0x3FA2]  }
0x28: {  	s2 =	sld [smem:$0x3FA3]  }
0x29: {  	s4 =	sld [smem:$0x3FA5]  }
0x2a: {  	p0 =	seq.s32 s5, $0x0;
	s5 =	sld [smem:$0x3FA6]  }
0x2b: {  	s6 =	sld [smem:$0x3FA7]  }
0x2c: {  	s7 =	sld [smem:$0x3FA8]  }
0x2d: {  	s3 =	simm.s32 $0x108;
	s8 =	sld [smem:$0x3FA9]  }
0x2e: {  	s3 =	simm.s32 @!p0 $0x1082;
	s9 =	sld [smem:$0x3FAA]  }
0x2f: {  	lr =	sadd.s32 s0, s3;
	s0 =	sld [smem:$0x3FA1]  }
0x30: {  	s3 =	sld [smem:$0x3FA4]  }
0x31: {  	[smem:$0x3FAD] =	sst s10  }
0x32: {  	s10 =	sld [smem:$0x3FAB];
	_ =	sdelay $0x3  }
0x33: {  	p0 =	seq.s32 s10, $0x1;
	s10 =	sld [smem:$0x3FAD];
	_ =	sdelay $0x3  }
0x34: {  	[smem:$0x3FAD] =	sst s10  }
0x35: {  	s10 =	sld [smem:$0x3FAC];
	_ =	sdelay $0x3  }
0x36: {  	p1 =	seq.s32 s10, $0x1;
	s10 =	sld [smem:$0x3FAD];
	_ =	sdelay $0x3  }
0x37: {  	[smem:$0x3FAD] =	sst s10  }
0x38: {  	s10 =	sld [smem:$0x3FAE]  }
0x39: {  	_ = 	snop;
	(pc) =	sbr.ind lr, $3  }
0x3a: {  	_ = 	snop  }
0x3b: {  	_ = 	snop  }
0x3c: {  	p2 =	seq.s32 s10, $0x1;
	s10 =	sld [smem:$0x3FAD]  }
0x3d: {  	_ =	shalt  }
0x3e: {  	_ =	shalt  }
0x3f: {  	_ =	shalt  }
0x40: {  	_ =	shalt  }
0x41: {  	_ =	shalt  }
0x42: {  	_ =	shalt  }
0x43: {  	_ =	shalt  }
0x44: {  	_ =	shalt  }
0x45: {  	_ =	shalt  }
0x46: {  	_ =	shalt  }
0x47: {  	_ =	shalt  }
0x48: {  	_ =	shalt  }
0x49: {  	_ =	shalt  }
0x4a: {  	_ =	shalt  }
0x4b: {  	_ =	shalt  }
0x4c: {  	_ =	shalt  }
0x4d: {  	_ =	shalt  }
0x4e: {  	_ =	shalt  }
0x4f: {  	_ =	shalt  }
0x50: {  	_ =	shalt  }
0x51: {  	_ =	shalt  }
0x52: {  	_ =	shalt  }
0x53: {  	_ =	shalt  }
0x54: {  	_ =	shalt  }
0x55: {  	_ =	shalt  }
0x56: {  	_ =	shalt  }
0x57: {  	_ =	shalt  }
0x58: {  	_ =	shalt  }
0x59: {  	_ =	shalt  }
0x5a: {  	_ =	shalt  }
0x5b: {  	_ =	shalt  }
0x5c: {  	_ =	shalt  }
0x5d: {  	_ =	shalt  }
0x5e: {  	_ =	shalt  }
0x5f: {  	_ =	shalt  }
0x60: {  	_ =	shalt  }
0x61: {  	_ =	shalt  }
0x62: {  	_ =	shalt  }
0x63: {  	_ =	shalt  }
0x64: {  	_ =	shalt  }
0x65: {  	_ =	shalt  }
0x66: {  	_ =	shalt  }
0x67: {  	_ =	shalt  }
0x68: {  	_ =	shalt  }
0x69: {  	_ =	shalt  }
0x6a: {  	_ =	shalt  }
0x6b: {  	_ =	shalt  }
0x6c: {  	_ =	shalt  }
0x6d: {  	_ =	shalt  }
0x6e: {  	_ =	shalt  }
0x6f: {  	_ =	shalt  }
0x70: {  	_ =	shalt  }
0x71: {  	_ =	shalt  }
0x72: {  	_ =	shalt  }
0x73: {  	_ =	shalt  }
0x74: {  	_ =	shalt  }
0x75: {  	_ =	shalt  }
0x76: {  	_ =	shalt  }
0x77: {  	_ =	shalt  }
0x78: {  	_ =	shalt  }
0x79: {  	_ =	shalt  }
0x7a: {  	_ =	shalt  }
0x7b: {  	_ =	shalt  }
0x7c: {  	_ =	shalt  }
0x7d: {  	_ =	shalt  }
0x7e: {  	_ =	shalt  }
0x7f: {  	_ =	shalt  }
0x80: {  	_ =	shalt  }
0x81: {  	_ =	shalt  }
0x82: {  	_ =	shalt  }
0x83: {  	_ =	shalt  }
0x84: {  	_ =	shalt  }
0x85: {  	_ =	shalt  }
0x86: {  	_ =	shalt  }
0x87: {  	_ =	shalt  }
.Lfunc_end0:
.L_simem_size_0:
called_computation.1_lowered:
.L_overlay_start_0:
0x88: {  	s2 =	sld [smem:$0x3FD9]  }
0x89: {  	s3 =	sld [smem:$0x3FFE];
	_ =	sdelay $0x1  }
0x8a: {  	s1 =	srdreg.scid  }
0x8b: {  	s0 =	sand.u32 $0x1, s1  }
0x8c: {  	s17 =	sshll.u32 s0, $0xA;
	s2 =	sadd.s32 s3, s2  }
0x8d: {  	s2 =	sadd.s32 s2, s17  }
0x8e: {  	[smem:$0x3FB9] =	sst s2  }
0x8f: {  	_ = 	snop  }
0x90: {  	(tm) =	ssettm $0x1  }
0x91: {  	s18 =	sld [smem:$0x3FFB];
	_ =	sdelay $0x3  }
0x92: {  	_ =	strace s18  }
0x93: {  	s2 =	sld [smem:$0x3FFC];
	_ =	sdelay $0x3  }
0x94: {  	_ =	strace s2  }
0x95: {  	s2 =	sld [smem:$0x3FFD];
	_ =	sdelay $0x3  }
0x96: {  	_ =	strace s2  }
0x97: {  	_ =	strace $0x8FFFFFFF  }
0x98: {  	s19 =	sld [smem:$0x3FDB];
	_ =	sdelay $0x1  }
0x99: {  	s20 =	simm.s32 $_scs_section_size  }
0x9a: {  	s4 =	simm.s32 $_size__tile_overlayer_lowered;
	s5 =	simm.s32 $_tile_overlayer_lowered  }
0x9b: {  	s6 =	simm.s32 $0x1BFF;
	s21 =	sshll.u32 s5, $0x1;
	s3 =	sadd.s32 s20, s19  }
0x9c: {  	s22 =	simm.s32 $0x0;
	s4 =	sshll.u32 s4, $0x1;
	s5 =	sadd.s32 s21, s3  }
0x9d: {  	[timem:s22], [sflag:s6] =	dma.local [hbm:s5], s4  }
0x9e: {  	_ =	swait.ge [sflag:s6], s4  }
0x9f: {  	s4 =	ssub.s32 $0x0, s4;
	[sflag:s6] =	ssyncset.done $0x0  }
0xa0: {  	[sflag:s6] =	ssyncadd.s32 s4;
	_ =	sdelay $0x1  }
0xa1: {  	s23 =	simm.s32 $0x1B8B  }
0xa2: {  	_ =	swait.ge [sflag:s23], $0x1  }
0xa3: {  	[sflag:s23] =	ssyncset.done $0x0  }
0xa4: {  	[sflag:s23] =	ssyncadd.s32 $0xFFFFFFFF  }
0xa5: {  	s4 =	sld [smem:$0x0]  }
0xa6: {  	s5 =	sand.u32 $0xFFFFFFFE, s1  }
0xa7: {  	p0 =	sne.s32 s1, s5  }
0xa8: {  	s5 =	sshll.u32 @p0 s5, $0xE  }
0xa9: {  	s5 =	sadd.s32 @p0 $0x11B8D, s5;
	s6 =	sshll.u32 @p0 s4, $0x11  }
0xaa: {  	s5 =	sor.u32 @p0 s6, s5  }
0xab: {  	[sflag:s5] =	ssyncadd.remote.s32 @p0 $0x1;
	_ =	sdelay $0x1  }
0xac: {  	s5 =	simm.s32 @p0 $0x1B8D  }
0xad: {  	_ =	swait.eq @p0 [sflag:s5], $0x1  }
0xae: {  	[sflag:s5] =	ssyncadd.s32 @p0 $0xFFFFFFFF  }
0xaf: {  	s6 =	sshll.u32 @!p0 s1, $0xE  }
0xb0: {  	s6 =	sor.u32 @!p0 $0x4000, s6;
	s5 =	simm.s32 @!p0 $0x1B8D  }
0xb1: {  	s4 =	sshll.u32 @!p0 s4, $0x11;
	s6 =	sadd.s32 @!p0 $0x11B8D, s6;
	_ =	swait.eq @!p0 [sflag:s5], $0x1  }
0xb2: {  	s4 =	sor.u32 @!p0 s4, s6;
	[sflag:s5] =	ssyncadd.s32 @!p0 $0xFFFFFFFF  }
0xb3: {  	s25 =	simm.s32 $0x1B8E;
	s24 =	sld [smem:$0x3FFE];
	[sflag:s4] =	ssyncadd.remote.s32 @!p0 $0x1  }
0xb4: {  	s26 =	simm.s32 $execute0_lowered;
	[smem:$0x3FD2] =	sst s25  }
0xb5: {  	s5 =	sshll.u32 s26, $0x1;
	_ =	strace $0x80000049;
	[dreg:$0x1] =	wrdreg $0xFFFFFFFF  }
0xb6: {  	s28 =	simm.s32 $_size_execute0_lowered;
	s3 =	sadd.s32 s3, s5;
	[dreg:$0x0] =	wrdreg $0x0  }
0xb7: {  	s5 =	sshll.u32 s28, $0x1;
	[dreg:$0x2] =	wrdreg s3  }
0xb8: {  	[dreg:$0x3] =	wrdreg s5  }
0xb9: {  	[dreg:$0x4] =	wrdreg $0xC0  }
0xba: {  	_ =	task [dreg:s22], $0x5FFFF  }
0xbb: {  	[dreg:$0x1] =	wrdreg $0xFFFFFFFF  }
0xbc: {  	[dreg:$0x0] =	wrdreg $0x60  }
0xbd: {  	[dreg:$0x2] =	wrdreg s24  }
0xbe: {  	[dreg:$0x3] =	wrdreg $0xC000  }
0xbf: {  	[dreg:$0x4] =	wrdreg $0x9  }
0xc0: {  	_ =	task.clear_ibuf [dreg:s22], $0x5FFFF;
	_ =	strace $0x90000049  }
0xc1: {  	s29 =	simm.s32 $0x9;
	_ =	strace $0x8000004B  }
0xc2: {  	_ =	swait.ge [sflag:s29], $0x1  }
0xc3: {  	[sflag:s29] =	ssyncadd.s32 $0xFFFFFFFF  }
0xc4: {  	_ =	strace $0x9000004B  }
0xc5: {  	_ =	sfence  }
0xc6: {  	s30 =	sld [smem:$0x0];
	_ =	sdelay $0x2  }
0xc7: {  	s31 =	sshll.u32 s1, $0xD;
	s1 =	sshrl.u32 s1, $0x2  }
0xc8: {  	s4 =	sand.u32 $0x4000, s31;
	s1 =	sadd.s32 s1, s30  }
0xc9: {  	s0 =	sor.u32 s4, s0;
	s1 =	sshll.u32 s1, $0x11  }
0xca: {  	s0 =	sor.u32 s1, s0  }
0xcb: {  	s0 =	sadd.s32 $0x8F2B, s0  }
0xcc: {  	[sflag:s0] =	ssyncadd.remote.s32 $0x1  }
0xcd: {  	_ =	sfence.sel $0xFFFF  }
0xce: {  	[dreg:$0x0] =	wrdreg $0xFFFFFFFF;
	(pc) =	sbr.abs _section_cstart, $3  }
0xcf: {  	[dreg:$0x1] =	wrdreg $0xFFFFFFFF  }
0xd0: {  	_ =	task.clear_ibuf [dreg:s22], $0x2FFFF;
	_ =	strace $0x9FFFFFFF  }
0xd1: {  	(tm) =	ssettm $0x7FFFFFFF  }
tec
execute0_lowered:
.L_overlay_start_1:
0x0: {  	(tag) =	ssettag $0x1  }
0x1: {  	s6 =	rddreg [dreg:$0x0];
	s0 =	srdreg.scid  }
0x2: {  	s2 =	rddreg [dreg:$0x1];
	s1 =	stileid.u32;
	s3 =	simm.s32 $0x0  }
0x3: {  	s13 =	simm.s32 $0x80;
	s14 =	simm.s32 $0x100;
	s15 =	simm.s32 $0x180  }
0x4: {  	s16 =	simm.s32 $0x200;
	s17 =	simm.s32 $0x280;
	s7 =	smul.u32 $0xEB0, s1  }
0x5: {  	s18 =	simm.s32 $0x300;
	s19 =	simm.s32 $0x380;
	s10 =	smul.u32 $0x1D600, s1  }
0x6: {  	s5 =	sand.u32 $0x1, s0;
	s0 =	rddreg [dreg:$0x2];
	s12 =	smul.u32 $0x500, s1  }
0x7: {  	s20 =	simm.s32 $0x0;
	[smem:$0x7FF] =	sst s3;
	s4 =	smul.u32 $0x5000, s5  }
0x8: {  	s11 =	sshll.u32 s1, $0x6;
	s8 =	smul.u32 $0xEB00, s5;
	s30 =	ssub.s32 $0x2, s5  }
0x9: {  	_ =	strace $0x8000004A;
	s5 =	sadd.s32 $0x30400, s6;
	s31 =	sshrl.u32 s30, $0x1  }
0xa: {  	s10 =	sshrl.u32 s10, $0x2;
	s9 =	sadd.s32 s4, s6;
	s4 =	sadd.s32 $0x30600, s6  }
0xb: {  	s7 =	sadd.s32 s7, s8;
	s8 =	ssub.s32 s30, s31;
	s10 =	sadd.s32 s10, s2  }
0xc: {  	s7 =	sadd.s32 s7, s6;
	s6 =	sor.u32 $0x1C01, s11;
	s8 =	smax.u32 s8, $0x1  }
0xd: {  	s9 =	sadd.s32 s12, s9;
	s10 =	sshrl.u32 s10, $0x3;
	s11 =	simm.s32 $0x1  }
0xe: {  	s12 =	simm.s32 $0x400;
	s7 =	sadd.s32 $0x31600, s7;
	s9 =	sadd.s32 $0x26400, s9  }
.LBB2_1:
0xf: {  	[spmem:s10], [sflag:s6] =	dma.local [hbm:s4], $0xEB0  }
0x10: {  	_ =	swait.ge [sflag:s11], $0xEB0  }
0x11: {  	[sflag:s11] =	ssyncset.done $0x0  }
0x12: {  	[sflag:s11] =	ssyncadd.s32 $0xFFFFF150  }
0x13: {  	[tilespmem:s12], [sflag:$0x1] =	stream.linear.gather [hbm4b:s5+s3], $0x800, $0x38;
	[tilespmem:$0x8180] =	vst v63  }
0x14: {  	_ =	swait.ge [sflag:s11], $0x800  }
0x15: {  	[sflag:s11] =	ssyncset.done $0x0  }
0x16: {  	[sflag:s11] =	ssyncadd.s32 $0xFFFFF800  }
0x17: {  	s21 =	sadd.s32 $0x0, s9;
	[bflag:$0x0] =	sbarrier.arrive $0xFFFF  }
0x18: {  	[tilespmem:s3], [sflag:$0x1] =	stream.linear.gather [hbm4b:s21+s3], $0x400, $0x38;
	[tilespmem:$0x8180] =	vst v63  }
0x19: {  	_ =	swait.ge [sflag:s11], $0x400  }
0x1a: {  	[sflag:s11] =	ssyncset.done $0x0  }
0x1b: {  	[sflag:s11] =	ssyncadd.s32 $0xFFFFFC00  }
0x1c: {  	[spmem:s2] =	stream.indirect.scatter.add.f32 [tilespmem:s12], [sflag:$0x1], $0x10, s3, s13, $0xb8;
	[tilespmem:$0x8180] =	vst v63  }
0x1d: {  	_ =	swait.ge [sflag:s11], $0x800  }
0x1e: {  	[sflag:s11] =	ssyncset.done $0x0  }
0x1f: {  	[sflag:s11] =	ssyncadd.s32 $0xFFFFF800  }
0x20: {  	[spmem:s2] =	stream.indirect.scatter.add.f32 [tilespmem:s12], [sflag:$0x1], $0x10, s13, s13, $0xb8;
	[tilespmem:$0x8180] =	vst v63  }
0x21: {  	_ =	swait.ge [sflag:s11], $0x800  }
0x22: {  	[sflag:s11] =	ssyncset.done $0x0  }
0x23: {  	[sflag:s11] =	ssyncadd.s32 $0xFFFFF800  }
0x24: {  	[spmem:s2] =	stream.indirect.scatter.add.f32 [tilespmem:s12], [sflag:$0x1], $0x10, s14, s13, $0xb8;
	[tilespmem:$0x8180] =	vst v63  }
0x25: {  	_ =	swait.ge [sflag:s11], $0x800  }
0x26: {  	[sflag:s11] =	ssyncset.done $0x0  }
0x27: {  	[sflag:s11] =	ssyncadd.s32 $0xFFFFF800  }
0x28: {  	[spmem:s2] =	stream.indirect.scatter.add.f32 [tilespmem:s12], [sflag:$0x1], $0x10, s15, s13, $0xb8;
	[tilespmem:$0x8180] =	vst v63  }
0x29: {  	_ =	swait.ge [sflag:s11], $0x800  }
0x2a: {  	[sflag:s11] =	ssyncset.done $0x0  }
0x2b: {  	[sflag:s11] =	ssyncadd.s32 $0xFFFFF800  }
0x2c: {  	[spmem:s2] =	stream.indirect.scatter.add.f32 [tilespmem:s12], [sflag:$0x1], $0x10, s16, s13, $0xb8;
	[tilespmem:$0x8180] =	vst v63  }
0x2d: {  	_ =	swait.ge [sflag:s11], $0x800  }
0x2e: {  	[sflag:s11] =	ssyncset.done $0x0  }
0x2f: {  	[sflag:s11] =	ssyncadd.s32 $0xFFFFF800  }
0x30: {  	[spmem:s2] =	stream.indirect.scatter.add.f32 [tilespmem:s12], [sflag:$0x1], $0x10, s17, s13, $0xb8;
	[tilespmem:$0x8180] =	vst v63  }
0x31: {  	_ =	swait.ge [sflag:s11], $0x800  }
0x32: {  	[sflag:s11] =	ssyncset.done $0x0  }
0x33: {  	[sflag:s11] =	ssyncadd.s32 $0xFFFFF800  }
0x34: {  	[spmem:s2] =	stream.indirect.scatter.add.f32 [tilespmem:s12], [sflag:$0x1], $0x10, s18, s13, $0xb8;
	[tilespmem:$0x8180] =	vst v63  }
0x35: {  	_ =	swait.ge [sflag:s11], $0x800  }
0x36: {  	[sflag:s11] =	ssyncset.done $0x0  }
0x37: {  	[sflag:s11] =	ssyncadd.s32 $0xFFFFF800  }
0x38: {  	[spmem:s2] =	stream.indirect.scatter.add.f32 [tilespmem:s12], [sflag:$0x1], $0x10, s19, s13, $0xb8;
	[tilespmem:$0x8180] =	vst v63  }
0x39: {  	_ =	swait.ge [sflag:s11], $0x800  }
0x3a: {  	s23 =	simm.s32 $0x100;
	s21 =	simm.s32 $0x80;
	[sflag:s11] =	ssyncset.done $0x0  }
.LBB2_2:
0x3b: {  	s24 =	sadd.s32 s21, s9  }
0x3c: {  	[sflag:s11] =	ssyncadd.s32 $0xFFFFF800;
	s21 =	smov.u32 s23;
	s22 =	sadd.s32 $0x80, s23  }
0x3d: {  	[tilespmem:s3], [sflag:$0x1] =	stream.linear.gather [hbm4b:s24+s3], $0x400, $0x38;
	[tilespmem:$0x8180] =	vst v63  }
0x3e: {  	p0 =	sne.s32 s23, $0x480;
	_ =	swait.ge [sflag:s11], $0x400  }
0x3f: {  	[sflag:s11] =	ssyncset.done $0x0  }
0x40: {  	[sflag:s11] =	ssyncadd.s32 $0xFFFFFC00  }
0x41: {  	[spmem:s2] =	stream.indirect.scatter.add.f32 [tilespmem:s12], [sflag:$0x1], $0x10, s3, s13, $0xb8;
	[tilespmem:$0x8180] =	vst v63  }
0x42: {  	_ =	swait.ge [sflag:s11], $0x800  }
0x43: {  	[sflag:s11] =	ssyncset.done $0x0  }
0x44: {  	[sflag:s11] =	ssyncadd.s32 $0xFFFFF800  }
0x45: {  	[spmem:s2] =	stream.indirect.scatter.add.f32 [tilespmem:s12], [sflag:$0x1], $0x10, s13, s13, $0xb8;
	[tilespmem:$0x8180] =	vst v63  }
0x46: {  	_ =	swait.ge [sflag:s11], $0x800  }
0x47: {  	[sflag:s11] =	ssyncset.done $0x0  }
0x48: {  	[sflag:s11] =	ssyncadd.s32 $0xFFFFF800  }
0x49: {  	[spmem:s2] =	stream.indirect.scatter.add.f32 [tilespmem:s12], [sflag:$0x1], $0x10, s14, s13, $0xb8;
	[tilespmem:$0x8180] =	vst v63  }
0x4a: {  	_ =	swait.ge [sflag:s11], $0x800  }
0x4b: {  	[sflag:s11] =	ssyncset.done $0x0  }
0x4c: {  	[sflag:s11] =	ssyncadd.s32 $0xFFFFF800  }
0x4d: {  	[spmem:s2] =	stream.indirect.scatter.add.f32 [tilespmem:s12], [sflag:$0x1], $0x10, s15, s13, $0xb8;
	[tilespmem:$0x8180] =	vst v63  }
0x4e: {  	_ =	swait.ge [sflag:s11], $0x800  }
0x4f: {  	[sflag:s11] =	ssyncset.done $0x0  }
0x50: {  	[sflag:s11] =	ssyncadd.s32 $0xFFFFF800  }
0x51: {  	[spmem:s2] =	stream.indirect.scatter.add.f32 [tilespmem:s12], [sflag:$0x1], $0x10, s16, s13, $0xb8;
	[tilespmem:$0x8180] =	vst v63  }
0x52: {  	_ =	swait.ge [sflag:s11], $0x800  }
0x53: {  	[sflag:s11] =	ssyncset.done $0x0  }
0x54: {  	[sflag:s11] =	ssyncadd.s32 $0xFFFFF800  }
0x55: {  	[spmem:s2] =	stream.indirect.scatter.add.f32 [tilespmem:s12], [sflag:$0x1], $0x10, s17, s13, $0xb8;
	[tilespmem:$0x8180] =	vst v63  }
0x56: {  	_ =	swait.ge [sflag:s11], $0x800  }
0x57: {  	[sflag:s11] =	ssyncset.done $0x0  }
0x58: {  	[sflag:s11] =	ssyncadd.s32 $0xFFFFF800  }
0x59: {  	[spmem:s2] =	stream.indirect.scatter.add.f32 [tilespmem:s12], [sflag:$0x1], $0x10, s18, s13, $0xb8;
	[tilespmem:$0x8180] =	vst v63  }
0x5a: {  	_ =	swait.ge [sflag:s11], $0x800  }
.Ltmp0:
0x5b: {  	[sflag:s11] =	ssyncset.done $0x0;
	(pc) =	sbr.rel @p0 .LBB2_2-.Ltmp0, $4  }
0x5c: {  	[sflag:s11] =	ssyncadd.s32 $0xFFFFF800  }
0x5d: {  	[spmem:s2] =	stream.indirect.scatter.add.f32 [tilespmem:s12], [sflag:$0x1], $0x10, s19, s13, $0xb8;
	[tilespmem:$0x8180] =	vst v63  }
0x5e: {  	_ =	swait.ge [sflag:s11], $0x800  }
0x5f: {  	s23 =	smov.u32 s22;
	[sflag:s11] =	ssyncset.done $0x0  }
0x60: {  	s21 =	sadd.s32 s21, s9;
	[sflag:s11] =	ssyncadd.s32 $0xFFFFF800  }
0x61: {  	[tilespmem:s3], [sflag:$0x1] =	stream.linear.gather [hbm4b:s21+s3], $0x400, $0x38;
	[tilespmem:$0x8180] =	vst v63  }
0x62: {  	_ =	swait.ge [sflag:s11], $0x400  }
0x63: {  	[sflag:s11] =	ssyncset.done $0x0  }
0x64: {  	[sflag:s11] =	ssyncadd.s32 $0xFFFFFC00  }
0x65: {  	[spmem:s2] =	stream.indirect.scatter.add.f32 [tilespmem:s12], [sflag:$0x1], $0x10, s3, s13, $0xb8;
	[tilespmem:$0x8180] =	vst v63  }
0x66: {  	_ =	swait.ge [sflag:s11], $0x800  }
0x67: {  	[sflag:s11] =	ssyncset.done $0x0  }
0x68: {  	[sflag:s11] =	ssyncadd.s32 $0xFFFFF800  }
0x69: {  	[spmem:s2] =	stream.indirect.scatter.add.f32 [tilespmem:s12], [sflag:$0x1], $0x10, s13, s13, $0xb8;
	[tilespmem:$0x8180] =	vst v63  }
0x6a: {  	_ =	swait.ge [sflag:s11], $0x800  }
0x6b: {  	[sflag:s11] =	ssyncset.done $0x0  }
0x6c: {  	[sflag:s11] =	ssyncadd.s32 $0xFFFFF800  }
0x6d: {  	[spmem:s2] =	stream.indirect.scatter.add.f32 [tilespmem:s12], [sflag:$0x1], $0x10, s14, s13, $0xb8;
	[tilespmem:$0x8180] =	vst v63  }
0x6e: {  	_ =	swait.ge [sflag:s11], $0x800  }
0x6f: {  	[sflag:s11] =	ssyncset.done $0x0  }
0x70: {  	[sflag:s11] =	ssyncadd.s32 $0xFFFFF800  }
0x71: {  	[spmem:s2] =	stream.indirect.scatter.add.f32 [tilespmem:s12], [sflag:$0x1], $0x10, s15, s13, $0xb8;
	[tilespmem:$0x8180] =	vst v63  }
0x72: {  	_ =	swait.ge [sflag:s11], $0x800  }
0x73: {  	[sflag:s11] =	ssyncset.done $0x0  }
0x74: {  	[sflag:s11] =	ssyncadd.s32 $0xFFFFF800  }
0x75: {  	[spmem:s2] =	stream.indirect.scatter.add.f32 [tilespmem:s12], [sflag:$0x1], $0x10, s16, s13, $0xb8;
	[tilespmem:$0x8180] =	vst v63  }
0x76: {  	_ =	swait.ge [sflag:s11], $0x800  }
0x77: {  	[sflag:s11] =	ssyncset.done $0x0  }
0x78: {  	[sflag:s11] =	ssyncadd.s32 $0xFFFFF800  }
0x79: {  	[spmem:s2] =	stream.indirect.scatter.add.f32 [tilespmem:s12], [sflag:$0x1], $0x10, s17, s13, $0xb8;
	[tilespmem:$0x8180] =	vst v63  }
0x7a: {  	_ =	swait.ge [sflag:s11], $0x800  }
0x7b: {  	[sflag:s11] =	ssyncset.done $0x0  }
0x7c: {  	[sflag:s11] =	ssyncadd.s32 $0xFFFFF800  }
0x7d: {  	[spmem:s2] =	stream.indirect.scatter.add.f32 [tilespmem:s12], [sflag:$0x1], $0x10, s18, s13, $0xb8;
	[tilespmem:$0x8180] =	vst v63  }
0x7e: {  	_ =	swait.ge [sflag:s11], $0x800  }
0x7f: {  	[sflag:s11] =	ssyncset.done $0x0  }
0x80: {  	[sflag:s11] =	ssyncadd.s32 $0xFFFFF800  }
0x81: {  	[spmem:s2] =	stream.indirect.scatter.add.f32 [tilespmem:s12], [sflag:$0x1], $0x10, s19, s13, $0xb8;
	[tilespmem:$0x8180] =	vst v63  }
0x82: {  	_ =	swait.ge [sflag:s11], $0x800  }
0x83: {  	s20 =	sadd.s32 $0x1, s20;
	[sflag:s11] =	ssyncset.done $0x0  }
0x84: {  	p0 =	sne.s32 s20, s8;
	[sflag:s11] =	ssyncadd.s32 $0xFFFFF800  }
.Ltmp1:
0x85: {  	[bflag:$0x0] =	sbarrier.arrive $0xFFFF;
	(pc) =	sbr.rel @p0 .LBB2_1-.Ltmp1, $4  }
0x86: {  	[hbm:s7], [sflag:s6] =	dma.local [spmem:s10], $0xEB0  }
0x87: {  	_ =	swait.ge [sflag:s11], $0xEB0  }
0x88: {  	[sflag:s11] =	ssyncset.done $0x0  }
0x89: {  	[sflag:s11] =	ssyncadd.s32 $0xFFFFF150  }
0x8a: {  	_ =	sfence.sel $0x180000  }
0x8b: {  	[bflag:$0x0] =	sbarrier.arrive $0xFFFF  }
0x8c: {  	p0 =	sne.s32 s1, $0x0;
	_ =	strace $0x9000004A  }
0x8d: {  	s0 =	sadd.s32 @!p0 $0x100000, s0;
	[bflag:$0x2] =	sbarrier.arrive $0xFFFF  }
0x8e: {  	[sflag:s0] =	ssyncadd.tile.s32 @!p0 $0x1;
	_ =	shalt  }
.Lfunc_end2:
_tile_overlayer_lowered:
.L_overlay_start_2:
0x8f: {  	(tag) =	ssettag $0x2  }
0x90: {  	s0 =	rddreg [dreg:$0x0];
	s2 =	stileid.u32  }
0x91: {  	s1 =	rddreg [dreg:$0x1];
	p0 =	sne.s32 s2, $0x0  }
0x92: {  	s3 =	rddreg [dreg:$0x2];
	[bflag:$0x3] =	sbarrier.arrive $0xFFFF;
	s2 =	simm.s32 @!p0 $0x1C01  }
0x93: {  	[timem:s3], [sflag:s2] =	dma.local @!p0 [hbm:s0], s1  }
0x94: {  	s0 =	simm.s32 @!p0 $0x1  }
0x95: {  	_ =	swait.ge @!p0 [sflag:s0], s1  }
0x96: {  	s1 =	ssub.s32 @!p0 $0x0, s1;
	[sflag:s0] =	ssyncset.done @!p0 $0x0  }
0x97: {  	[sflag:s0] =	ssyncadd.s32 @!p0 s1  }
0x98: {  	[bflag:$0x3] =	sbarrier.arrive $0xFFFF  }
0x99: {  	_ =	shalt  }

// kernel: kernel.16.cloned.1.call-start
scs
__scs_entry_jumppad:
0x0: {  	(pc) =	sbr.rel $0x88, $3  }
0x1: {  	(tag) =	ssettag $0x0;
	lr =	simm.s32 $0x1  }
0x2: {  	[smem:$0x3F92] =	sst lr;
	_ =	strace $0xD0000000  }
0x3: {  	_ = 	snop  }
0x4: {  	_ = 	snop  }
0x5: {  	_ = 	snop  }
0x6: {  	_ = 	snop  }
0x7: {  	_ = 	snop  }
__scs_overlays_trampoline_lowered:
0x8: {  	[smem:$0x3FA1] =	sst s0  }
0x9: {  	[smem:$0x3FA2] =	sst s1  }
0xa: {  	[smem:$0x3FA3] =	sst s2  }
0xb: {  	[smem:$0x3FA4] =	sst s3  }
0xc: {  	[smem:$0x3FA5] =	sst s4  }
0xd: {  	[smem:$0x3FA6] =	sst s5  }
0xe: {  	[smem:$0x3FA7] =	sst s6  }
0xf: {  	[smem:$0x3FA8] =	sst s7  }
0x10: {  	[smem:$0x3FA9] =	sst s8  }
0x11: {  	[smem:$0x3FAA] =	sst s9;
	s0 =	simm.s32 @!p0 $0x0  }
0x12: {  	s1 =	sld [smem:$0x3F90];
	s0 =	simm.s32 @p0 $0x1  }
0x13: {  	[smem:$0x3FAB] =	sst s0;
	s0 =	simm.s32 @!p1 $0x0  }
0x14: {  	s2 =	sld [smem:$0x3F8F];
	s0 =	simm.s32 @p1 $0x1  }
0x15: {  	[smem:$0x3FAC] =	sst s0;
	s0 =	simm.s32 @!p2 $0x0  }
0x16: {  	s3 =	sld [smem:$0x3FDB];
	s0 =	simm.s32 @p2 $0x1  }
0x17: {  	s4 =	simm.s32 $0x1BF5;
	[smem:$0x3FAE] =	sst s0  }
0x18: {  	s0 =	sld [smem:$0x3F91];
	_ =	swait.ge [sflag:s4], $0x0  }
0x19: {  	s7 =	sld [smem:$0x3F92]  }
0x1a: {  	s8 =	sadd.s32 $0xFFFFE003, lr  }
0x1b: {  	s9 =	sadd.s32 $0xFFFFFEF7, lr;
	s5 =	simm.s32 $0xFFFFFFFF;
	p2 =	slt.u32 s8, $0xFFFFF086  }
0x1c: {  	p1 =	slt.u32 s9, $0xF7A;
	s5 =	simm.s32 @!p2 $0x0  }
0x1d: {  	s5 =	simm.s32 @p1 $0x1;
	p0 =	seq.s32 s7, s2  }
0x1e: {  	s7 =	smul.u32 @!p0 $0xF7A, s2;
	p2 =	seq.s32 @!p0 s5, $0x0  }
0x1f: {  	s9 =	smul.u32 $0xF7A, s1;
	s8 =	simm.s32 @!p0 $0x1BF5;
	p2 =	por !p2, p0  }
0x20: {  	[sflag:s8] =	ssyncset.s32 @!p0 $0xFFFFF086;
	s6 =	sadd.s32 @!p0 s3, s7;
	s7 =	simm.s32 @!p0 $0x108  }
0x21: {  	s3 =	sadd.s32 s3, s9;
	s6 =	sadd.s32 @!p0 $0x88, s6;
	s7 =	simm.s32 @p2 $0x1082  }
0x22: {  	[simem:s7], [sflag:s8] =	dma.local @!p0 [hbm:s6], $0xF7A  }
0x23: {  	s9 =	sor.u32 $0xD0000000, s2;
	s6 =	simm.s32 $0x108;
	_ =	swait.ge @!p0 [sflag:s8], $0x0  }
0x24: {  	s3 =	sadd.s32 $0x88, s3;
	s6 =	simm.s32 @!p1 $0x1082;
	[sflag:s4] =	ssyncset.s32 $0xFFFFF086  }
0x25: {  	[simem:s6], [sflag:s4] =	dma.local [hbm:s3], $0xF7A  }
0x26: {  	[smem:$0x3F92] =	sst s1;
	(tag) =	ssettag s2;
	_ =	strace s9  }
0x27: {  	s1 =	sld [smem:$0x3FA2]  }
0x28: {  	s2 =	sld [smem:$0x3FA3]  }
0x29: {  	s4 =	sld [smem:$0x3FA5]  }
0x2a: {  	p0 =	seq.s32 s5, $0x0;
	s5 =	sld [smem:$0x3FA6]  }
0x2b: {  	s6 =	sld [smem:$0x3FA7]  }
0x2c: {  	s7 =	sld [smem:$0x3FA8]  }
0x2d: {  	s3 =	simm.s32 $0x108;
	s8 =	sld [smem:$0x3FA9]  }
0x2e: {  	s3 =	simm.s32 @!p0 $0x1082;
	s9 =	sld [smem:$0x3FAA]  }
0x2f: {  	lr =	sadd.s32 s0, s3;
	s0 =	sld [smem:$0x3FA1]  }
0x30: {  	s3 =	sld [smem:$0x3FA4]  }
0x31: {  	[smem:$0x3FAD] =	sst s10  }
0x32: {  	s10 =	sld [smem:$0x3FAB];
	_ =	sdelay $0x3  }
0x33: {  	p0 =	seq.s32 s10, $0x1;
	s10 =	sld [smem:$0x3FAD];
	_ =	sdelay $0x3  }
0x34: {  	[smem:$0x3FAD] =	sst s10  }
0x35: {  	s10 =	sld [smem:$0x3FAC];
	_ =	sdelay $0x3  }
0x36: {  	p1 =	seq.s32 s10, $0x1;
	s10 =	sld [smem:$0x3FAD];
	_ =	sdelay $0x3  }
0x37: {  	[smem:$0x3FAD] =	sst s10  }
0x38: {  	s10 =	sld [smem:$0x3FAE]  }
0x39: {  	_ = 	snop;
	(pc) =	sbr.ind lr, $3  }
0x3a: {  	_ = 	snop  }
0x3b: {  	_ = 	snop  }
0x3c: {  	p2 =	seq.s32 s10, $0x1;
	s10 =	sld [smem:$0x3FAD]  }
0x3d: {  	_ =	shalt  }
0x3e: {  	_ =	shalt  }
0x3f: {  	_ =	shalt  }
0x40: {  	_ =	shalt  }
0x41: {  	_ =	shalt  }
0x42: {  	_ =	shalt  }
0x43: {  	_ =	shalt  }
0x44: {  	_ =	shalt  }
0x45: {  	_ =	shalt  }
0x46: {  	_ =	shalt  }
0x47: {  	_ =	shalt  }
0x48: {  	_ =	shalt  }
0x49: {  	_ =	shalt  }
0x4a: {  	_ =	shalt  }
0x4b: {  	_ =	shalt  }
0x4c: {  	_ =	shalt  }
0x4d: {  	_ =	shalt  }
0x4e: {  	_ =	shalt  }
0x4f: {  	_ =	shalt  }
0x50: {  	_ =	shalt  }
0x51: {  	_ =	shalt  }
0x52: {  	_ =	shalt  }
0x53: {  	_ =	shalt  }
0x54: {  	_ =	shalt  }
0x55: {  	_ =	shalt  }
0x56: {  	_ =	shalt  }
0x57: {  	_ =	shalt  }
0x58: {  	_ =	shalt  }
0x59: {  	_ =	shalt  }
0x5a: {  	_ =	shalt  }
0x5b: {  	_ =	shalt  }
0x5c: {  	_ =	shalt  }
0x5d: {  	_ =	shalt  }
0x5e: {  	_ =	shalt  }
0x5f: {  	_ =	shalt  }
0x60: {  	_ =	shalt  }
0x61: {  	_ =	shalt  }
0x62: {  	_ =	shalt  }
0x63: {  	_ =	shalt  }
0x64: {  	_ =	shalt  }
0x65: {  	_ =	shalt  }
0x66: {  	_ =	shalt  }
0x67: {  	_ =	shalt  }
0x68: {  	_ =	shalt  }
0x69: {  	_ =	shalt  }
0x6a: {  	_ =	shalt  }
0x6b: {  	_ =	shalt  }
0x6c: {  	_ =	shalt  }
0x6d: {  	_ =	shalt  }
0x6e: {  	_ =	shalt  }
0x6f: {  	_ =	shalt  }
0x70: {  	_ =	shalt  }
0x71: {  	_ =	shalt  }
0x72: {  	_ =	shalt  }
0x73: {  	_ =	shalt  }
0x74: {  	_ =	shalt  }
0x75: {  	_ =	shalt  }
0x76: {  	_ =	shalt  }
0x77: {  	_ =	shalt  }
0x78: {  	_ =	shalt  }
0x79: {  	_ =	shalt  }
0x7a: {  	_ =	shalt  }
0x7b: {  	_ =	shalt  }
0x7c: {  	_ =	shalt  }
0x7d: {  	_ =	shalt  }
0x7e: {  	_ =	shalt  }
0x7f: {  	_ =	shalt  }
0x80: {  	_ =	shalt  }
0x81: {  	_ =	shalt  }
0x82: {  	_ =	shalt  }
0x83: {  	_ =	shalt  }
0x84: {  	_ =	shalt  }
0x85: {  	_ =	shalt  }
0x86: {  	_ =	shalt  }
0x87: {  	_ =	shalt  }
.Lfunc_end0:
.L_simem_size_0:
called_computation.2_lowered:
.L_overlay_start_0:
0x88: {  	s2 =	sld [smem:$0x3FD9]  }
0x89: {  	s3 =	sld [smem:$0x3FFE];
	_ =	sdelay $0x1  }
0x8a: {  	s1 =	srdreg.scid  }
0x8b: {  	s0 =	sand.u32 $0x1, s1  }
0x8c: {  	s17 =	sshll.u32 s0, $0xA;
	s2 =	sadd.s32 s3, s2  }
0x8d: {  	s2 =	sadd.s32 s2, s17  }
0x8e: {  	[smem:$0x3FB9] =	sst s2  }
0x8f: {  	_ = 	snop  }
0x90: {  	(tm) =	ssettm $0x1  }
0x91: {  	s18 =	sld [smem:$0x3FFB];
	_ =	sdelay $0x3  }
0x92: {  	_ =	strace s18  }
0x93: {  	s2 =	sld [smem:$0x3FFC];
	_ =	sdelay $0x3  }
0x94: {  	_ =	strace s2  }
0x95: {  	s2 =	sld [smem:$0x3FFD];
	_ =	sdelay $0x3  }
0x96: {  	_ =	strace s2  }
0x97: {  	_ =	strace $0x8FFFFFFF  }
0x98: {  	s19 =	sld [smem:$0x3FDB];
	_ =	sdelay $0x1  }
0x99: {  	s20 =	simm.s32 $_scs_section_size  }
0x9a: {  	s4 =	simm.s32 $_size__tile_overlayer_lowered;
	s5 =	simm.s32 $_tile_overlayer_lowered  }
0x9b: {  	s6 =	simm.s32 $0x1BFF;
	s21 =	sshll.u32 s5, $0x1;
	s3 =	sadd.s32 s20, s19  }
0x9c: {  	s22 =	simm.s32 $0x0;
	s4 =	sshll.u32 s4, $0x1;
	s5 =	sadd.s32 s21, s3  }
0x9d: {  	[timem:s22], [sflag:s6] =	dma.local [hbm:s5], s4  }
0x9e: {  	_ =	swait.ge [sflag:s6], s4  }
0x9f: {  	s4 =	ssub.s32 $0x0, s4;
	[sflag:s6] =	ssyncset.done $0x0  }
0xa0: {  	[sflag:s6] =	ssyncadd.s32 s4;
	_ =	sdelay $0x1  }
0xa1: {  	s23 =	simm.s32 $0x1B8B  }
0xa2: {  	_ =	swait.ge [sflag:s23], $0x1  }
0xa3: {  	[sflag:s23] =	ssyncset.done $0x0  }
0xa4: {  	[sflag:s23] =	ssyncadd.s32 $0xFFFFFFFF  }
0xa5: {  	s4 =	sld [smem:$0x0]  }
0xa6: {  	s5 =	sand.u32 $0xFFFFFFFE, s1  }
0xa7: {  	p0 =	sne.s32 s1, s5  }
0xa8: {  	s5 =	sshll.u32 @p0 s5, $0xE  }
0xa9: {  	s5 =	sadd.s32 @p0 $0x11B8D, s5;
	s6 =	sshll.u32 @p0 s4, $0x11  }
0xaa: {  	s5 =	sor.u32 @p0 s6, s5  }
0xab: {  	[sflag:s5] =	ssyncadd.remote.s32 @p0 $0x1;
	_ =	sdelay $0x1  }
0xac: {  	s5 =	simm.s32 @p0 $0x1B8D  }
0xad: {  	_ =	swait.eq @p0 [sflag:s5], $0x1  }
0xae: {  	[sflag:s5] =	ssyncadd.s32 @p0 $0xFFFFFFFF  }
0xaf: {  	s6 =	sshll.u32 @!p0 s1, $0xE  }
0xb0: {  	s6 =	sor.u32 @!p0 $0x4000, s6;
	s5 =	simm.s32 @!p0 $0x1B8D  }
0xb1: {  	s4 =	sshll.u32 @!p0 s4, $0x11;
	s6 =	sadd.s32 @!p0 $0x11B8D, s6;
	_ =	swait.eq @!p0 [sflag:s5], $0x1  }
0xb2: {  	s4 =	sor.u32 @!p0 s4, s6;
	[sflag:s5] =	ssyncadd.s32 @!p0 $0xFFFFFFFF  }
0xb3: {  	s25 =	simm.s32 $0x1B8E;
	s24 =	sld [smem:$0x3FFE];
	[sflag:s4] =	ssyncadd.remote.s32 @!p0 $0x1  }
0xb4: {  	s26 =	simm.s32 $execute0_lowered;
	[smem:$0x3FD2] =	sst s25  }
0xb5: {  	s5 =	sshll.u32 s26, $0x1;
	_ =	strace $0x8000004C;
	[dreg:$0x1] =	wrdreg $0xFFFFFFFF  }
0xb6: {  	s28 =	simm.s32 $_size_execute0_lowered;
	s3 =	sadd.s32 s3, s5;
	[dreg:$0x0] =	wrdreg $0x0  }
0xb7: {  	s5 =	sshll.u32 s28, $0x1;
	[dreg:$0x2] =	wrdreg s3  }
0xb8: {  	[dreg:$0x3] =	wrdreg s5  }
0xb9: {  	[dreg:$0x4] =	wrdreg $0xC0  }
0xba: {  	_ =	task [dreg:s22], $0x5FFFF  }
0xbb: {  	[dreg:$0x1] =	wrdreg $0xFFFFFFFF  }
0xbc: {  	[dreg:$0x0] =	wrdreg $0x60  }
0xbd: {  	[dreg:$0x2] =	wrdreg s24  }
0xbe: {  	[dreg:$0x3] =	wrdreg $0x7D000  }
0xbf: {  	[dreg:$0x4] =	wrdreg $0xA  }
0xc0: {  	_ =	task.clear_ibuf [dreg:s22], $0x5FFFF;
	_ =	strace $0x9000004C  }
0xc1: {  	s29 =	simm.s32 $0xA;
	_ =	strace $0x8000004E  }
0xc2: {  	_ =	swait.ge [sflag:s29], $0x1  }
0xc3: {  	[sflag:s29] =	ssyncadd.s32 $0xFFFFFFFF  }
0xc4: {  	_ =	strace $0x9000004E  }
0xc5: {  	_ =	sfence  }
0xc6: {  	s30 =	sld [smem:$0x0];
	_ =	sdelay $0x2  }
0xc7: {  	s31 =	sshll.u32 s1, $0xD;
	s1 =	sshrl.u32 s1, $0x2  }
0xc8: {  	s4 =	sand.u32 $0x4000, s31;
	s1 =	sadd.s32 s1, s30  }
0xc9: {  	s0 =	sor.u32 s4, s0;
	s1 =	sshll.u32 s1, $0x11  }
0xca: {  	s0 =	sor.u32 s1, s0  }
0xcb: {  	s0 =	sadd.s32 $0x8F2B, s0  }
0xcc: {  	[sflag:s0] =	ssyncadd.remote.s32 $0x1  }
0xcd: {  	_ =	sfence.sel $0xFFFF  }
0xce: {  	[dreg:$0x0] =	wrdreg $0xFFFFFFFF;
	(pc) =	sbr.abs _section_cstart, $3  }
0xcf: {  	[dreg:$0x1] =	wrdreg $0xFFFFFFFF  }
0xd0: {  	_ =	task.clear_ibuf [dreg:s22], $0x2FFFF;
	_ =	strace $0x9FFFFFFF  }
0xd1: {  	(tm) =	ssettm $0x7FFFFFFF  }
tec
execute0_lowered:
.L_overlay_start_1:
0x0: {  	(tag) =	ssettag $0x1  }
0x1: {  	s0 =	rddreg [dreg:$0x0]  }
0x2: {  	s2 =	rddreg [dreg:$0x1];
	s10 =	stileid.u32  }
0x3: {  	s4 =	srdreg.scid;
	s3 =	simm.s32 $0x0;
	s13 =	simm.s32 $0x280  }
0x4: {  	s14 =	simm.s32 $0x80;
	s15 =	simm.s32 $0x500;
	s16 =	simm.s32 $0x300  }
0x5: {  	s17 =	simm.s32 $0x1D00;
	s18 =	simm.s32 $0x380;
	s19 =	simm.s32 $0x3500  }
0x6: {  	s20 =	simm.s32 $0x400;
	s21 =	simm.s32 $0x4D00;
	s22 =	simm.s32 $0x480  }
0x7: {  	s23 =	simm.s32 $0x6500;
	s24 =	simm.s32 $0x1;
	s28 =	simm.s32 $0x200  }
0x8: {  	s29 =	simm.s32 $0x2;
	s30 =	simm.s32 $0x0;
	s1 =	smul.u32 $0xA00, s10  }
0x9: {  	s6 =	sand.u32 $0x1, s4;
	s5 =	smul.u32 $0x2C10, s10;
	[smem:$0x7FF] =	sst s3  }
0xa: {  	s4 =	sadd.s32 $0x5400, s0;
	s9 =	smul.u32 $0x58200, s10;
	s25 =	sadd.s32 $0x22A00, s0  }
0xb: {  	s10 =	sshll.u32 s10, $0x6;
	s7 =	smul.u32 $0x2C100, s6;
	_ =	strace $0x8000004D  }
0xc: {  	s8 =	ssub.s32 $0x2, s6;
	[dreg:$0x3] =	wrdreg s25;
	s11 =	smul.u32 $0xA000, s6  }
0xd: {  	s6 =	sor.u32 $0x1C03, s10;
	s25 =	simm.s32 $0x100;
	s1 =	sadd.s32 s1, s0  }
0xe: {  	s26 =	sshrl.u32 s8, $0x1;
	s9 =	sshrl.u32 s9, $0x2;
	s7 =	sadd.s32 s5, s7  }
0xf: {  	s8 =	ssub.s32 s8, s26;
	s12 =	sadd.s32 s9, s2;
	s31 =	sadd.s32 s11, s1  }
0x10: {  	s9 =	sadd.s32 $0x26400, s1;
	s26 =	simm.s32 $0x180;
	s0 =	sadd.s32 s7, s0  }
0x11: {  	s8 =	smax.u32 s8, $0x1;
	s10 =	sadd.s32 $0x4EC00, s31;
	s0 =	sadd.s32 $0x62C00, s0  }
0x12: {  	s11 =	sshrl.u32 s12, $0x3;
	s12 =	simm.s32 $0x3;
	[dreg:$0x4] =	wrdreg s0  }
.LBB2_1:
0x13: {  	s0 =	rddreg [dreg:$0x3]  }
0x14: {  	[spmem:s11], [sflag:s6] =	dma.local [hbm:s0], $0x2C10  }
0x15: {  	_ =	swait.ge [sflag:s12], $0x2C10  }
0x16: {  	[sflag:s12] =	ssyncset.done $0x0  }
0x17: {  	[sflag:s12] =	ssyncadd.s32 $0xFFFFD3F0  }
0x18: {  	s5 =	sadd.s32 $0x0, s9;
	[bflag:$0x0] =	sbarrier.arrive $0xFFFF  }
0x19: {  	[tilespmem:s3], [sflag:$0x3] =	stream.linear.gather [hbm4b:s5+s3], $0x280, $0x38;
	[tilespmem:$0x1DD80] =	vst v63  }
0x1a: {  	_ =	swait.ge [sflag:s12], $0x280  }
0x1b: {  	[sflag:s12] =	ssyncset.done $0x0  }
0x1c: {  	s7 =	sadd.s32 $0x0, s10;
	[sflag:s12] =	ssyncadd.s32 $0xFFFFFD80  }
0x1d: {  	[tilespmem:s13], [sflag:$0x3] =	stream.linear.gather [hbm4b:s7+s3], $0x280, $0x38;
	[tilespmem:$0x1DD80] =	vst v63  }
0x1e: {  	_ =	swait.ge [sflag:s12], $0x280  }
0x1f: {  	[sflag:s12] =	ssyncset.done $0x0  }
0x20: {  	[sflag:s12] =	ssyncadd.s32 $0xFFFFFD80  }
0x21: {  	[tilespmem:s15], [sflag:$0x1] =	stream.indirect.gather [hbm4b:s4+s14], $0x30, s13, s14, $0xb8;
	[tilespmem:$0x1DD80] =	vst v63  }
0x22: {  	_ = 	snop  }
0x23: {  	[tilespmem:s17], [sflag:$0x1] =	stream.indirect.gather [hbm4b:s4+s14], $0x30, s16, s14, $0xb8;
	[tilespmem:$0x1DD80] =	vst v63  }
0x24: {  	_ = 	snop  }
0x25: {  	[tilespmem:s19], [sflag:$0x1] =	stream.indirect.gather [hbm4b:s4+s14], $0x30, s18, s14, $0xb8;
	[tilespmem:$0x1DD80] =	vst v63  }
0x26: {  	_ = 	snop  }
0x27: {  	[tilespmem:s21], [sflag:$0x1] =	stream.indirect.gather [hbm4b:s4+s14], $0x30, s20, s14, $0xb8;
	[tilespmem:$0x1DD80] =	vst v63  }
0x28: {  	_ = 	snop  }
0x29: {  	[tilespmem:s23], [sflag:$0x1] =	stream.indirect.gather [hbm4b:s4+s14], $0x30, s22, s14, $0xb8;
	[tilespmem:$0x1DD80] =	vst v63  }
0x2a: {  	_ =	swait.ge [sflag:s24], $0x1800  }
0x2b: {  	[sflag:s24] =	ssyncset.done $0x0  }
0x2c: {  	[sflag:s24] =	ssyncadd.s32 $0xFFFFE800  }
0x2d: {  	[spmem:s2] =	stream.indirect.scatter.add.f32 [tilespmem:s15], [sflag:$0x2], $0x30, s3, s14, $0xb8;
	[tilespmem:$0x1DD80] =	vst v63  }
0x2e: {  	_ =	swait.ge [sflag:s24], $0x1800  }
0x2f: {  	[sflag:s24] =	ssyncset.done $0x0  }
0x30: {  	[sflag:s24] =	ssyncadd.s32 $0xFFFFE800  }
0x31: {  	[spmem:s2] =	stream.indirect.scatter.add.f32 [tilespmem:s17], [sflag:$0x2], $0x30, s14, s14, $0xb8;
	[tilespmem:$0x1DD80] =	vst v63  }
0x32: {  	_ =	swait.ge [sflag:s24], $0x1800  }
0x33: {  	[sflag:s24] =	ssyncset.done $0x0  }
0x34: {  	[sflag:s24] =	ssyncadd.s32 $0xFFFFE800  }
0x35: {  	[spmem:s2] =	stream.indirect.scatter.add.f32 [tilespmem:s19], [sflag:$0x2], $0x30, s25, s14, $0xb8;
	[tilespmem:$0x1DD80] =	vst v63  }
0x36: {  	_ =	swait.ge [sflag:s24], $0x1800  }
0x37: {  	[sflag:s24] =	ssyncset.done $0x0  }
0x38: {  	[sflag:s24] =	ssyncadd.s32 $0xFFFFE800  }
0x39: {  	[spmem:s2] =	stream.indirect.scatter.add.f32 [tilespmem:s21], [sflag:$0x2], $0x30, s26, s14, $0xb8;
	[tilespmem:$0x1DD80] =	vst v63  }
0x3a: {  	_ =	swait.ge [sflag:s24], $0x1800  }
0x3b: {  	[sflag:s24] =	ssyncset.done $0x0  }
0x3c: {  	[sflag:s24] =	ssyncadd.s32 $0xFFFFE800  }
0x3d: {  	[spmem:s2] =	stream.indirect.scatter.add.f32 [tilespmem:s23], [sflag:$0x2], $0x30, s28, s14, $0xb8;
	[tilespmem:$0x1DD80] =	vst v63  }
0x3e: {  	_ =	swait.ge [sflag:s29], $0x1800  }
0x3f: {  	[sflag:s29] =	ssyncset.done $0x0  }
0x40: {  	[sflag:s29] =	ssyncadd.s32 $0xFFFFE800  }
0x41: {  	_ =	swait.ge [sflag:s29], $0x1800  }
0x42: {  	[sflag:s29] =	ssyncset.done $0x0  }
0x43: {  	[sflag:s29] =	ssyncadd.s32 $0xFFFFE800  }
0x44: {  	_ =	swait.ge [sflag:s29], $0x1800  }
0x45: {  	[sflag:s29] =	ssyncset.done $0x0  }
0x46: {  	[sflag:s29] =	ssyncadd.s32 $0xFFFFE800  }
0x47: {  	_ =	swait.ge [sflag:s29], $0x1800  }
0x48: {  	[sflag:s29] =	ssyncset.done $0x0  }
0x49: {  	[sflag:s29] =	ssyncadd.s32 $0xFFFFE800  }
0x4a: {  	_ =	swait.ge [sflag:s29], $0x1800  }
0x4b: {  	s31 =	simm.s32 $0x50;
	s0 =	simm.s32 $0xA0;
	[sflag:s29] =	ssyncset.done $0x0  }
.LBB2_2:
0x4c: {  	s5 =	sadd.s32 s31, s9  }
0x4d: {  	[sflag:s29] =	ssyncadd.s32 $0xFFFFE800;
	s7 =	smov.u32 s0;
	s1 =	sadd.s32 $0x50, s0  }
0x4e: {  	[tilespmem:s3], [sflag:$0x3] =	stream.linear.gather [hbm4b:s5+s3], $0x280, $0x38;
	[tilespmem:$0x1DD80] =	vst v63  }
0x4f: {  	p0 =	sne.s32 s0, $0x9B0;
	_ =	swait.ge [sflag:s12], $0x280  }
0x50: {  	[sflag:s12] =	ssyncset.done $0x0  }
0x51: {  	s0 =	sadd.s32 s31, s10;
	s31 =	smov.u32 s7;
	[sflag:s12] =	ssyncadd.s32 $0xFFFFFD80  }
0x52: {  	[tilespmem:s13], [sflag:$0x3] =	stream.linear.gather [hbm4b:s0+s3], $0x280, $0x38;
	[tilespmem:$0x1DD80] =	vst v63  }
0x53: {  	_ =	swait.ge [sflag:s12], $0x280  }
0x54: {  	[sflag:s12] =	ssyncset.done $0x0  }
0x55: {  	[sflag:s12] =	ssyncadd.s32 $0xFFFFFD80  }
0x56: {  	[tilespmem:s15], [sflag:$0x1] =	stream.indirect.gather [hbm4b:s4+s14], $0x30, s13, s14, $0xb8;
	[tilespmem:$0x1DD80] =	vst v63  }
0x57: {  	_ = 	snop  }
0x58: {  	[tilespmem:s17], [sflag:$0x1] =	stream.indirect.gather [hbm4b:s4+s14], $0x30, s16, s14, $0xb8;
	[tilespmem:$0x1DD80] =	vst v63  }
0x59: {  	_ = 	snop  }
0x5a: {  	[tilespmem:s19], [sflag:$0x1] =	stream.indirect.gather [hbm4b:s4+s14], $0x30, s18, s14, $0xb8;
	[tilespmem:$0x1DD80] =	vst v63  }
0x5b: {  	_ = 	snop  }
0x5c: {  	[tilespmem:s21], [sflag:$0x1] =	stream.indirect.gather [hbm4b:s4+s14], $0x30, s20, s14, $0xb8;
	[tilespmem:$0x1DD80] =	vst v63  }
0x5d: {  	_ = 	snop  }
0x5e: {  	[tilespmem:s23], [sflag:$0x1] =	stream.indirect.gather [hbm4b:s4+s14], $0x30, s22, s14, $0xb8;
	[tilespmem:$0x1DD80] =	vst v63  }
0x5f: {  	_ =	swait.ge [sflag:s24], $0x1800  }
0x60: {  	[sflag:s24] =	ssyncset.done $0x0  }
0x61: {  	[sflag:s24] =	ssyncadd.s32 $0xFFFFE800  }
0x62: {  	[spmem:s2] =	stream.indirect.scatter.add.f32 [tilespmem:s15], [sflag:$0x2], $0x30, s3, s14, $0xb8;
	[tilespmem:$0x1DD80] =	vst v63  }
0x63: {  	_ =	swait.ge [sflag:s24], $0x1800  }
0x64: {  	[sflag:s24] =	ssyncset.done $0x0  }
0x65: {  	[sflag:s24] =	ssyncadd.s32 $0xFFFFE800  }
0x66: {  	[spmem:s2] =	stream.indirect.scatter.add.f32 [tilespmem:s17], [sflag:$0x2], $0x30, s14, s14, $0xb8;
	[tilespmem:$0x1DD80] =	vst v63  }
0x67: {  	_ =	swait.ge [sflag:s24], $0x1800  }
0x68: {  	[sflag:s24] =	ssyncset.done $0x0  }
0x69: {  	[sflag:s24] =	ssyncadd.s32 $0xFFFFE800  }
0x6a: {  	[spmem:s2] =	stream.indirect.scatter.add.f32 [tilespmem:s19], [sflag:$0x2], $0x30, s25, s14, $0xb8;
	[tilespmem:$0x1DD80] =	vst v63  }
0x6b: {  	_ =	swait.ge [sflag:s24], $0x1800  }
0x6c: {  	[sflag:s24] =	ssyncset.done $0x0  }
0x6d: {  	[sflag:s24] =	ssyncadd.s32 $0xFFFFE800  }
0x6e: {  	[spmem:s2] =	stream.indirect.scatter.add.f32 [tilespmem:s21], [sflag:$0x2], $0x30, s26, s14, $0xb8;
	[tilespmem:$0x1DD80] =	vst v63  }
0x6f: {  	_ =	swait.ge [sflag:s24], $0x1800  }
0x70: {  	[sflag:s24] =	ssyncset.done $0x0  }
0x71: {  	[sflag:s24] =	ssyncadd.s32 $0xFFFFE800  }
0x72: {  	[spmem:s2] =	stream.indirect.scatter.add.f32 [tilespmem:s23], [sflag:$0x2], $0x30, s28, s14, $0xb8;
	[tilespmem:$0x1DD80] =	vst v63  }
0x73: {  	_ =	swait.ge [sflag:s29], $0x1800  }
0x74: {  	[sflag:s29] =	ssyncset.done $0x0  }
0x75: {  	[sflag:s29] =	ssyncadd.s32 $0xFFFFE800  }
0x76: {  	_ =	swait.ge [sflag:s29], $0x1800  }
0x77: {  	[sflag:s29] =	ssyncset.done $0x0  }
0x78: {  	[sflag:s29] =	ssyncadd.s32 $0xFFFFE800  }
0x79: {  	_ =	swait.ge [sflag:s29], $0x1800  }
0x7a: {  	[sflag:s29] =	ssyncset.done $0x0  }
0x7b: {  	[sflag:s29] =	ssyncadd.s32 $0xFFFFE800  }
.Ltmp0:
0x7c: {  	_ =	swait.ge [sflag:s29], $0x1800;
	(pc) =	sbr.rel @p0 .LBB2_2-.Ltmp0, $4  }
0x7d: {  	[sflag:s29] =	ssyncset.done $0x0  }
0x7e: {  	[sflag:s29] =	ssyncadd.s32 $0xFFFFE800  }
0x7f: {  	_ =	swait.ge [sflag:s29], $0x1800  }
0x80: {  	s0 =	smov.u32 s1;
	[sflag:s29] =	ssyncset.done $0x0  }
0x81: {  	s0 =	sadd.s32 s31, s9;
	[sflag:s29] =	ssyncadd.s32 $0xFFFFE800  }
0x82: {  	[tilespmem:s3], [sflag:$0x3] =	stream.linear.gather [hbm4b:s0+s3], $0x280, $0x38;
	[tilespmem:$0x1DD80] =	vst v63  }
0x83: {  	_ =	swait.ge [sflag:s12], $0x280  }
0x84: {  	[sflag:s12] =	ssyncset.done $0x0  }
0x85: {  	s7 =	sadd.s32 s31, s10;
	[sflag:s12] =	ssyncadd.s32 $0xFFFFFD80  }
0x86: {  	[tilespmem:s13], [sflag:$0x3] =	stream.linear.gather [hbm4b:s7+s3], $0x280, $0x38;
	[tilespmem:$0x1DD80] =	vst v63  }
0x87: {  	_ =	swait.ge [sflag:s12], $0x280  }
0x88: {  	[sflag:s12] =	ssyncset.done $0x0  }
0x89: {  	[sflag:s12] =	ssyncadd.s32 $0xFFFFFD80  }
0x8a: {  	[tilespmem:s15], [sflag:$0x1] =	stream.indirect.gather [hbm4b:s4+s14], $0x30, s13, s14, $0xb8;
	[tilespmem:$0x1DD80] =	vst v63  }
0x8b: {  	_ = 	snop  }
0x8c: {  	[tilespmem:s17], [sflag:$0x1] =	stream.indirect.gather [hbm4b:s4+s14], $0x30, s16, s14, $0xb8;
	[tilespmem:$0x1DD80] =	vst v63  }
0x8d: {  	_ = 	snop  }
0x8e: {  	[tilespmem:s19], [sflag:$0x1] =	stream.indirect.gather [hbm4b:s4+s14], $0x30, s18, s14, $0xb8;
	[tilespmem:$0x1DD80] =	vst v63  }
0x8f: {  	_ = 	snop  }
0x90: {  	[tilespmem:s21], [sflag:$0x1] =	stream.indirect.gather [hbm4b:s4+s14], $0x30, s20, s14, $0xb8;
	[tilespmem:$0x1DD80] =	vst v63  }
0x91: {  	_ = 	snop  }
0x92: {  	[tilespmem:s23], [sflag:$0x1] =	stream.indirect.gather [hbm4b:s4+s14], $0x30, s22, s14, $0xb8;
	[tilespmem:$0x1DD80] =	vst v63  }
0x93: {  	_ =	swait.ge [sflag:s24], $0x1800  }
0x94: {  	[sflag:s24] =	ssyncset.done $0x0  }
0x95: {  	[sflag:s24] =	ssyncadd.s32 $0xFFFFE800  }
0x96: {  	[spmem:s2] =	stream.indirect.scatter.add.f32 [tilespmem:s15], [sflag:$0x2], $0x30, s3, s14, $0xb8;
	[tilespmem:$0x1DD80] =	vst v63  }
0x97: {  	_ =	swait.ge [sflag:s24], $0x1800  }
0x98: {  	[sflag:s24] =	ssyncset.done $0x0  }
0x99: {  	[sflag:s24] =	ssyncadd.s32 $0xFFFFE800  }
0x9a: {  	[spmem:s2] =	stream.indirect.scatter.add.f32 [tilespmem:s17], [sflag:$0x2], $0x30, s14, s14, $0xb8;
	[tilespmem:$0x1DD80] =	vst v63  }
0x9b: {  	_ =	swait.ge [sflag:s24], $0x1800  }
0x9c: {  	[sflag:s24] =	ssyncset.done $0x0  }
0x9d: {  	[sflag:s24] =	ssyncadd.s32 $0xFFFFE800  }
0x9e: {  	[spmem:s2] =	stream.indirect.scatter.add.f32 [tilespmem:s19], [sflag:$0x2], $0x30, s25, s14, $0xb8;
	[tilespmem:$0x1DD80] =	vst v63  }
0x9f: {  	_ =	swait.ge [sflag:s24], $0x1800  }
0xa0: {  	[sflag:s24] =	ssyncset.done $0x0  }
0xa1: {  	[sflag:s24] =	ssyncadd.s32 $0xFFFFE800  }
0xa2: {  	[spmem:s2] =	stream.indirect.scatter.add.f32 [tilespmem:s21], [sflag:$0x2], $0x30, s26, s14, $0xb8;
	[tilespmem:$0x1DD80] =	vst v63  }
0xa3: {  	_ =	swait.ge [sflag:s24], $0x1800  }
0xa4: {  	[sflag:s24] =	ssyncset.done $0x0  }
0xa5: {  	[sflag:s24] =	ssyncadd.s32 $0xFFFFE800  }
0xa6: {  	[spmem:s2] =	stream.indirect.scatter.add.f32 [tilespmem:s23], [sflag:$0x2], $0x30, s28, s14, $0xb8;
	[tilespmem:$0x1DD80] =	vst v63  }
0xa7: {  	_ =	swait.ge [sflag:s29], $0x1800  }
0xa8: {  	[sflag:s29] =	ssyncset.done $0x0  }
0xa9: {  	[sflag:s29] =	ssyncadd.s32 $0xFFFFE800  }
0xaa: {  	_ =	swait.ge [sflag:s29], $0x1800  }
0xab: {  	[sflag:s29] =	ssyncset.done $0x0  }
0xac: {  	[sflag:s29] =	ssyncadd.s32 $0xFFFFE800  }
0xad: {  	_ =	swait.ge [sflag:s29], $0x1800  }
0xae: {  	[sflag:s29] =	ssyncset.done $0x0  }
0xaf: {  	[sflag:s29] =	ssyncadd.s32 $0xFFFFE800  }
0xb0: {  	_ =	swait.ge [sflag:s29], $0x1800  }
0xb1: {  	[sflag:s29] =	ssyncset.done $0x0  }
0xb2: {  	[sflag:s29] =	ssyncadd.s32 $0xFFFFE800  }
0xb3: {  	_ =	swait.ge [sflag:s29], $0x1800  }
0xb4: {  	[sflag:s29] =	ssyncset.done $0x0  }
0xb5: {  	s30 =	sadd.s32 $0x1, s30;
	[sflag:s29] =	ssyncadd.s32 $0xFFFFE800  }
0xb6: {  	p0 =	sne.s32 s30, s8;
	[bflag:$0x0] =	sbarrier.arrive $0xFFFF  }
.Ltmp1:
0xb7: {  	s31 =	rddreg [dreg:$0x4];
	(pc) =	sbr.rel @p0 .LBB2_1-.Ltmp1, $4  }
0xb8: {  	[hbm:s31], [sflag:s6] =	dma.local [spmem:s11], $0x2C10  }
0xb9: {  	_ =	swait.ge [sflag:s12], $0x2C10  }
0xba: {  	[sflag:s12] =	ssyncset.done $0x0  }
0xbb: {  	[sflag:s12] =	ssyncadd.s32 $0xFFFFD3F0  }
0xbc: {  	_ =	sfence.sel $0x180000  }
0xbd: {  	[bflag:$0x0] =	sbarrier.arrive $0xFFFF  }
0xbe: {  	_ =	strace $0x9000004D  }
0xbf: {  	s0 =	stileid.u32;
	[bflag:$0x2] =	sbarrier.arrive $0xFFFF  }
0xc0: {  	p0 =	sne.s32 s0, $0x0;
	s0 =	rddreg [dreg:$0x2]  }
0xc1: {  	s0 =	sadd.s32 @!p0 $0x100000, s0  }
0xc2: {  	[sflag:s0] =	ssyncadd.tile.s32 @!p0 $0x1;
	_ =	shalt  }
.Lfunc_end2:
_tile_overlayer_lowered:
.L_overlay_start_2:
0xc3: {  	(tag) =	ssettag $0x2  }
0xc4: {  	s0 =	rddreg [dreg:$0x0];
	s2 =	stileid.u32  }
0xc5: {  	s1 =	rddreg [dreg:$0x1];
	p0 =	sne.s32 s2, $0x0  }
0xc6: {  	s3 =	rddreg [dreg:$0x2];
	[bflag:$0x3] =	sbarrier.arrive $0xFFFF;
	s2 =	simm.s32 @!p0 $0x1C03  }
0xc7: {  	[timem:s3], [sflag:s2] =	dma.local @!p0 [hbm:s0], s1  }
0xc8: {  	s0 =	simm.s32 @!p0 $0x3  }
0xc9: {  	_ =	swait.ge @!p0 [sflag:s0], s1  }
0xca: {  	s1 =	ssub.s32 @!p0 $0x0, s1;
	[sflag:s0] =	ssyncset.done @!p0 $0x0  }
0xcb: {  	[sflag:s0] =	ssyncadd.s32 @!p0 s1  }
0xcc: {  	[bflag:$0x3] =	sbarrier.arrive $0xFFFF  }
0xcd: {  	_ =	shalt  }

// kernel: kernel.19.cloned.1.call-start
scs
__scs_entry_jumppad:
0x0: {  	(pc) =	sbr.rel $0x88, $3  }
0x1: {  	(tag) =	ssettag $0x0;
	lr =	simm.s32 $0x1  }
0x2: {  	[smem:$0x3F92] =	sst lr;
	_ =	strace $0xD0000000  }
0x3: {  	_ = 	snop  }
0x4: {  	_ = 	snop  }
0x5: {  	_ = 	snop  }
0x6: {  	_ = 	snop  }
0x7: {  	_ = 	snop  }
__scs_overlays_trampoline_lowered:
0x8: {  	[smem:$0x3FA1] =	sst s0  }
0x9: {  	[smem:$0x3FA2] =	sst s1  }
0xa: {  	[smem:$0x3FA3] =	sst s2  }
0xb: {  	[smem:$0x3FA4] =	sst s3  }
0xc: {  	[smem:$0x3FA5] =	sst s4  }
0xd: {  	[smem:$0x3FA6] =	sst s5  }
0xe: {  	[smem:$0x3FA7] =	sst s6  }
0xf: {  	[smem:$0x3FA8] =	sst s7  }
0x10: {  	[smem:$0x3FA9] =	sst s8  }
0x11: {  	[smem:$0x3FAA] =	sst s9;
	s0 =	simm.s32 @!p0 $0x0  }
0x12: {  	s1 =	sld [smem:$0x3F90];
	s0 =	simm.s32 @p0 $0x1  }
0x13: {  	[smem:$0x3FAB] =	sst s0;
	s0 =	simm.s32 @!p1 $0x0  }
0x14: {  	s2 =	sld [smem:$0x3F8F];
	s0 =	simm.s32 @p1 $0x1  }
0x15: {  	[smem:$0x3FAC] =	sst s0;
	s0 =	simm.s32 @!p2 $0x0  }
0x16: {  	s3 =	sld [smem:$0x3FDB];
	s0 =	simm.s32 @p2 $0x1  }
0x17: {  	s4 =	simm.s32 $0x1BF5;
	[smem:$0x3FAE] =	sst s0  }
0x18: {  	s0 =	sld [smem:$0x3F91];
	_ =	swait.ge [sflag:s4], $0x0  }
0x19: {  	s7 =	sld [smem:$0x3F92]  }
0x1a: {  	s8 =	sadd.s32 $0xFFFFE003, lr  }
0x1b: {  	s9 =	sadd.s32 $0xFFFFFEF7, lr;
	s5 =	simm.s32 $0xFFFFFFFF;
	p2 =	slt.u32 s8, $0xFFFFF086  }
0x1c: {  	p1 =	slt.u32 s9, $0xF7A;
	s5 =	simm.s32 @!p2 $0x0  }
0x1d: {  	s5 =	simm.s32 @p1 $0x1;
	p0 =	seq.s32 s7, s2  }
0x1e: {  	s7 =	smul.u32 @!p0 $0xF7A, s2;
	p2 =	seq.s32 @!p0 s5, $0x0  }
0x1f: {  	s9 =	smul.u32 $0xF7A, s1;
	s8 =	simm.s32 @!p0 $0x1BF5;
	p2 =	por !p2, p0  }
0x20: {  	[sflag:s8] =	ssyncset.s32 @!p0 $0xFFFFF086;
	s6 =	sadd.s32 @!p0 s3, s7;
	s7 =	simm.s32 @!p0 $0x108  }
0x21: {  	s3 =	sadd.s32 s3, s9;
	s6 =	sadd.s32 @!p0 $0x88, s6;
	s7 =	simm.s32 @p2 $0x1082  }
0x22: {  	[simem:s7], [sflag:s8] =	dma.local @!p0 [hbm:s6], $0xF7A  }
0x23: {  	s9 =	sor.u32 $0xD0000000, s2;
	s6 =	simm.s32 $0x108;
	_ =	swait.ge @!p0 [sflag:s8], $0x0  }
0x24: {  	s3 =	sadd.s32 $0x88, s3;
	s6 =	simm.s32 @!p1 $0x1082;
	[sflag:s4] =	ssyncset.s32 $0xFFFFF086  }
0x25: {  	[simem:s6], [sflag:s4] =	dma.local [hbm:s3], $0xF7A  }
0x26: {  	[smem:$0x3F92] =	sst s1;
	(tag) =	ssettag s2;
	_ =	strace s9  }
0x27: {  	s1 =	sld [smem:$0x3FA2]  }
0x28: {  	s2 =	sld [smem:$0x3FA3]  }
0x29: {  	s4 =	sld [smem:$0x3FA5]  }
0x2a: {  	p0 =	seq.s32 s5, $0x0;
	s5 =	sld [smem:$0x3FA6]  }
0x2b: {  	s6 =	sld [smem:$0x3FA7]  }
0x2c: {  	s7 =	sld [smem:$0x3FA8]  }
0x2d: {  	s3 =	simm.s32 $0x108;
	s8 =	sld [smem:$0x3FA9]  }
0x2e: {  	s3 =	simm.s32 @!p0 $0x1082;
	s9 =	sld [smem:$0x3FAA]  }
0x2f: {  	lr =	sadd.s32 s0, s3;
	s0 =	sld [smem:$0x3FA1]  }
0x30: {  	s3 =	sld [smem:$0x3FA4]  }
0x31: {  	[smem:$0x3FAD] =	sst s10  }
0x32: {  	s10 =	sld [smem:$0x3FAB];
	_ =	sdelay $0x3  }
0x33: {  	p0 =	seq.s32 s10, $0x1;
	s10 =	sld [smem:$0x3FAD];
	_ =	sdelay $0x3  }
0x34: {  	[smem:$0x3FAD] =	sst s10  }
0x35: {  	s10 =	sld [smem:$0x3FAC];
	_ =	sdelay $0x3  }
0x36: {  	p1 =	seq.s32 s10, $0x1;
	s10 =	sld [smem:$0x3FAD];
	_ =	sdelay $0x3  }
0x37: {  	[smem:$0x3FAD] =	sst s10  }
0x38: {  	s10 =	sld [smem:$0x3FAE]  }
0x39: {  	_ = 	snop;
	(pc) =	sbr.ind lr, $3  }
0x3a: {  	_ = 	snop  }
0x3b: {  	_ = 	snop  }
0x3c: {  	p2 =	seq.s32 s10, $0x1;
	s10 =	sld [smem:$0x3FAD]  }
0x3d: {  	_ =	shalt  }
0x3e: {  	_ =	shalt  }
0x3f: {  	_ =	shalt  }
0x40: {  	_ =	shalt  }
0x41: {  	_ =	shalt  }
0x42: {  	_ =	shalt  }
0x43: {  	_ =	shalt  }
0x44: {  	_ =	shalt  }
0x45: {  	_ =	shalt  }
0x46: {  	_ =	shalt  }
0x47: {  	_ =	shalt  }
0x48: {  	_ =	shalt  }
0x49: {  	_ =	shalt  }
0x4a: {  	_ =	shalt  }
0x4b: {  	_ =	shalt  }
0x4c: {  	_ =	shalt  }
0x4d: {  	_ =	shalt  }
0x4e: {  	_ =	shalt  }
0x4f: {  	_ =	shalt  }
0x50: {  	_ =	shalt  }
0x51: {  	_ =	shalt  }
0x52: {  	_ =	shalt  }
0x53: {  	_ =	shalt  }
0x54: {  	_ =	shalt  }
0x55: {  	_ =	shalt  }
0x56: {  	_ =	shalt  }
0x57: {  	_ =	shalt  }
0x58: {  	_ =	shalt  }
0x59: {  	_ =	shalt  }
0x5a: {  	_ =	shalt  }
0x5b: {  	_ =	shalt  }
0x5c: {  	_ =	shalt  }
0x5d: {  	_ =	shalt  }
0x5e: {  	_ =	shalt  }
0x5f: {  	_ =	shalt  }
0x60: {  	_ =	shalt  }
0x61: {  	_ =	shalt  }
0x62: {  	_ =	shalt  }
0x63: {  	_ =	shalt  }
0x64: {  	_ =	shalt  }
0x65: {  	_ =	shalt  }
0x66: {  	_ =	shalt  }
0x67: {  	_ =	shalt  }
0x68: {  	_ =	shalt  }
0x69: {  	_ =	shalt  }
0x6a: {  	_ =	shalt  }
0x6b: {  	_ =	shalt  }
0x6c: {  	_ =	shalt  }
0x6d: {  	_ =	shalt  }
0x6e: {  	_ =	shalt  }
0x6f: {  	_ =	shalt  }
0x70: {  	_ =	shalt  }
0x71: {  	_ =	shalt  }
0x72: {  	_ =	shalt  }
0x73: {  	_ =	shalt  }
0x74: {  	_ =	shalt  }
0x75: {  	_ =	shalt  }
0x76: {  	_ =	shalt  }
0x77: {  	_ =	shalt  }
0x78: {  	_ =	shalt  }
0x79: {  	_ =	shalt  }
0x7a: {  	_ =	shalt  }
0x7b: {  	_ =	shalt  }
0x7c: {  	_ =	shalt  }
0x7d: {  	_ =	shalt  }
0x7e: {  	_ =	shalt  }
0x7f: {  	_ =	shalt  }
0x80: {  	_ =	shalt  }
0x81: {  	_ =	shalt  }
0x82: {  	_ =	shalt  }
0x83: {  	_ =	shalt  }
0x84: {  	_ =	shalt  }
0x85: {  	_ =	shalt  }
0x86: {  	_ =	shalt  }
0x87: {  	_ =	shalt  }
.Lfunc_end0:
.L_simem_size_0:
called_computation.3_lowered:
.L_overlay_start_0:
0x88: {  	s2 =	sld [smem:$0x3FD9]  }
0x89: {  	s3 =	sld [smem:$0x3FFE];
	_ =	sdelay $0x1  }
0x8a: {  	s1 =	srdreg.scid  }
0x8b: {  	s0 =	sand.u32 $0x1, s1  }
0x8c: {  	s16 =	sshll.u32 s0, $0xA;
	s2 =	sadd.s32 s3, s2  }
0x8d: {  	s2 =	sadd.s32 s2, s16  }
0x8e: {  	[smem:$0x3FB9] =	sst s2  }
0x8f: {  	_ = 	snop  }
0x90: {  	(tm) =	ssettm $0x1  }
0x91: {  	s17 =	sld [smem:$0x3FFB];
	_ =	sdelay $0x3  }
0x92: {  	_ =	strace s17  }
0x93: {  	s2 =	sld [smem:$0x3FFC];
	_ =	sdelay $0x3  }
0x94: {  	_ =	strace s2  }
0x95: {  	s2 =	sld [smem:$0x3FFD];
	_ =	sdelay $0x3  }
0x96: {  	_ =	strace s2  }
0x97: {  	_ =	strace $0x8FFFFFFF  }
0x98: {  	s18 =	sld [smem:$0x3FDB];
	_ =	sdelay $0x1  }
0x99: {  	s19 =	simm.s32 $_scs_section_size  }
0x9a: {  	s4 =	simm.s32 $_size__tile_overlayer_lowered;
	s5 =	simm.s32 $_tile_overlayer_lowered  }
0x9b: {  	s22 =	simm.s32 $0x1BFF;
	s21 =	sshll.u32 s5, $0x1;
	s2 =	sadd.s32 s19, s18  }
0x9c: {  	s6 =	simm.s32 $0x0;
	s20 =	sshll.u32 s4, $0x1;
	s4 =	sadd.s32 s21, s2  }
0x9d: {  	[timem:s6], [sflag:s22] =	dma.local [hbm:s4], s20  }
0x9e: {  	_ =	swait.ge [sflag:s22], s20  }
0x9f: {  	s3 =	ssub.s32 $0x0, s20;
	[sflag:s22] =	ssyncset.done $0x0  }
0xa0: {  	[sflag:s22] =	ssyncadd.s32 s3;
	_ =	sdelay $0x1  }
0xa1: {  	s23 =	simm.s32 $0x1B8B  }
0xa2: {  	_ =	swait.ge [sflag:s23], $0x1  }
0xa3: {  	[sflag:s23] =	ssyncset.done $0x0  }
0xa4: {  	s25 =	simm.s32 $0x1B8E;
	s24 =	sld [smem:$0x3FFE];
	[sflag:s23] =	ssyncadd.s32 $0xFFFFFFFF  }
0xa5: {  	s26 =	simm.s32 $execute0_lowered;
	[smem:$0x3FD2] =	sst s25  }
0xa6: {  	s4 =	sshll.u32 s26, $0x1;
	_ =	strace $0x8000004F;
	[dreg:$0x1] =	wrdreg $0xFFFFFFFF  }
0xa7: {  	s28 =	simm.s32 $_size_execute0_lowered;
	s2 =	sadd.s32 s2, s4;
	[dreg:$0x0] =	wrdreg $0x0  }
0xa8: {  	s4 =	sshll.u32 s28, $0x1;
	[dreg:$0x2] =	wrdreg s2  }
0xa9: {  	[dreg:$0x3] =	wrdreg s4  }
0xaa: {  	[dreg:$0x4] =	wrdreg $0xC0  }
0xab: {  	_ =	task [dreg:s6], $0x5FFFF  }
0xac: {  	[dreg:$0x1] =	wrdreg $0xFFFFFFFF  }
0xad: {  	[dreg:$0x0] =	wrdreg $0x60  }
0xae: {  	[dreg:$0x2] =	wrdreg s24  }
0xaf: {  	[dreg:$0x3] =	wrdreg $0x110000  }
0xb0: {  	[dreg:$0x4] =	wrdreg $0x9  }
0xb1: {  	_ =	task.clear_ibuf [dreg:s6], $0x5FFFF;
	_ =	strace $0x9000004F  }
0xb2: {  	s29 =	simm.s32 $0x9;
	_ =	strace $0x80000051  }
0xb3: {  	_ =	swait.ge [sflag:s29], $0x1  }
0xb4: {  	[sflag:s29] =	ssyncadd.s32 $0xFFFFFFFF  }
0xb5: {  	_ =	strace $0x90000051  }
0xb6: {  	_ =	sfence  }
0xb7: {  	s30 =	sld [smem:$0x0];
	_ =	sdelay $0x2  }
0xb8: {  	s31 =	sshll.u32 s1, $0xD;
	s1 =	sshrl.u32 s1, $0x2  }
0xb9: {  	s3 =	sand.u32 $0x4000, s31;
	s1 =	sadd.s32 s1, s30  }
0xba: {  	s0 =	sor.u32 s3, s0;
	s1 =	sshll.u32 s1, $0x11  }
0xbb: {  	s0 =	sor.u32 s1, s0  }
0xbc: {  	s0 =	sadd.s32 $0x8F2B, s0  }
0xbd: {  	[sflag:s0] =	ssyncadd.remote.s32 $0x1  }
0xbe: {  	_ =	sfence.sel $0xFFFF  }
0xbf: {  	[dreg:$0x0] =	wrdreg $0xFFFFFFFF;
	(pc) =	sbr.abs _section_cstart, $3  }
0xc0: {  	[dreg:$0x1] =	wrdreg $0xFFFFFFFF  }
0xc1: {  	_ =	task.clear_ibuf [dreg:s6], $0x2FFFF;
	_ =	strace $0x9FFFFFFF  }
0xc2: {  	(tm) =	ssettm $0x7FFFFFFF  }
0xc3: {  	_ =	shalt  }
tec
execute0_lowered:
.L_overlay_start_1:
0x0: {  	(tag) =	ssettag $0x1  }
0x1: {  	s0 =	rddreg [dreg:$0x0]  }
0x2: {  	s2 =	rddreg [dreg:$0x1];
	s10 =	stileid.u32;
	s3 =	simm.s32 $0x0  }
0x3: {  	s4 =	srdreg.scid;
	s15 =	simm.s32 $0x880;
	s16 =	simm.s32 $0x900  }
0x4: {  	s18 =	simm.s32 $0x980;
	[smem:$0x7FF] =	sst s3;
	s9 =	sadd.s32 $0x43E00, s0  }
0x5: {  	s20 =	simm.s32 $0xA00;
	_ =	strace $0x80000050;
	[dreg:$0x1f] =	wrdreg s9  }
0x6: {  	s21 =	simm.s32 $0xA80;
	s23 =	simm.s32 $0xB00;
	[dreg:$0x5] =	wrdreg s15  }
0x7: {  	s24 =	simm.s32 $0xB80;
	s26 =	simm.s32 $0xC00;
	[dreg:$0x6] =	wrdreg s16  }
0x8: {  	s11 =	simm.s32 $0xD80;
	s12 =	simm.s32 $0xE00;
	[dreg:$0x7] =	wrdreg s18  }
0x9: {  	s13 =	simm.s32 $0xE80;
	s28 =	simm.s32 $0xF000;
	[dreg:$0x8] =	wrdreg s20  }
0xa: {  	s29 =	simm.s32 $0x10000;
	s30 =	simm.s32 $0x1;
	[dreg:$0x9] =	wrdreg s21  }
0xb: {  	s31 =	simm.s32 $0x680;
	s1 =	smul.u32 $0xA00, s10;
	[dreg:$0xa] =	wrdreg s23  }
0xc: {  	s5 =	sand.u32 $0x1, s4;
	s6 =	smul.u32 $0x1D60, s10;
	[dreg:$0xb] =	wrdreg s24  }
0xd: {  	s4 =	sadd.s32 $0x30400, s0;
	s19 =	smul.u32 $0x3AC00, s10;
	[dreg:$0xc] =	wrdreg s26  }
0xe: {  	s25 =	sshll.u32 s10, $0x6;
	s7 =	smul.u32 $0xA000, s5;
	[dreg:$0xf] =	wrdreg s11  }
0xf: {  	s8 =	smul.u32 $0x1D600, s5;
	s5 =	ssub.s32 $0x2, s5;
	[dreg:$0x10] =	wrdreg s12  }
0x10: {  	s9 =	simm.s32 $0xD00;
	s11 =	simm.s32 $0x800;
	[dreg:$0x11] =	wrdreg s13  }
0x11: {  	s12 =	simm.s32 $0x80;
	s15 =	simm.s32 $0xF80;
	s13 =	simm.s32 $0x1000  }
0x12: {  	s16 =	simm.s32 $0x100;
	s18 =	simm.s32 $0x200;
	[dreg:$0xe] =	wrdreg s9  }
0x13: {  	s20 =	simm.s32 $0x300;
	s21 =	simm.s32 $0x380;
	[dreg:$0x13] =	wrdreg s15  }
0x14: {  	s23 =	simm.s32 $0x480;
	s24 =	simm.s32 $0x500;
	[dreg:$0x14] =	wrdreg s16  }
0x15: {  	s26 =	simm.s32 $0x600;
	s1 =	sadd.s32 s1, s0;
	[dreg:$0x16] =	wrdreg s18  }
0x16: {  	s17 =	sshrl.u32 s5, $0x1;
	s22 =	sshrl.u32 s19, $0x2;
	[dreg:$0x18] =	wrdreg s20  }
0x17: {  	s15 =	simm.s32 $0x3000;
	s16 =	simm.s32 $0x4000;
	[dreg:$0x19] =	wrdreg s21  }
0x18: {  	s19 =	simm.s32 $0x280;
	s18 =	simm.s32 $0x6000;
	[dreg:$0x1b] =	wrdreg s23  }
0x19: {  	s20 =	simm.s32 $0x8000;
	s21 =	simm.s32 $0x9000;
	[dreg:$0x1c] =	wrdreg s24  }
0x1a: {  	s23 =	simm.s32 $0xB000;
	s24 =	simm.s32 $0xC000;
	[dreg:$0x1e] =	wrdreg s26  }
0x1b: {  	s26 =	simm.s32 $0xE000;
	s9 =	simm.s32 $0x0;
	s14 =	sadd.s32 $0x26400, s1  }
0x1c: {  	s1 =	sadd.s32 s7, s1;
	s6 =	sadd.s32 s6, s8;
	[dreg:$0x17] =	wrdreg s19  }
0x1d: {  	s5 =	ssub.s32 s5, s17;
	s8 =	simm.s32 $0xC80;
	[dreg:$0x3] =	wrdreg s14  }
0x1e: {  	s7 =	sor.u32 $0x1C03, s25;
	s17 =	simm.s32 $0x180;
	[dreg:$0xd] =	wrdreg s8  }
0x1f: {  	s19 =	simm.s32 $0x7000;
	s25 =	simm.s32 $0x580;
	[dreg:$0x15] =	wrdreg s17  }
0x20: {  	s1 =	sadd.s32 $0x4EC00, s1;
	s0 =	sadd.s32 s6, s0;
	[dreg:$0x1d] =	wrdreg s25  }
0x21: {  	s6 =	sadd.s32 s22, s2;
	s10 =	smax.u32 s5, $0x1;
	[smem:$0x7FC] =	sst s7  }
0x22: {  	s14 =	simm.s32 $0xF00;
	s17 =	simm.s32 $0x5000;
	[dreg:$0x4] =	wrdreg s1  }
0x23: {  	s22 =	simm.s32 $0x400;
	s25 =	simm.s32 $0xD000;
	[smem:$0x7FB] =	sst s10  }
0x24: {  	s5 =	simm.s32 $0x2;
	s0 =	sadd.s32 $0x17E400, s0;
	[dreg:$0x12] =	wrdreg s14  }
0x25: {  	s8 =	sshrl.u32 s6, $0x3;
	s10 =	simm.s32 $0x3;
	[dreg:$0x1a] =	wrdreg s22  }
0x26: {  	s14 =	simm.s32 $0x2000;
	s22 =	simm.s32 $0xA000;
	[smem:$0x7FA] =	sst s0  }
0x27: {  	s1 =	simm.s32 $0x780;
	s0 =	simm.s32 $0x700;
	[smem:$0x7FD] =	sst s8  }
.LBB2_1:
0x28: {  	[smem:$0x7F9] =	sst s9  }
0x29: {  	s6 =	rddreg [dreg:$0x1f]  }
0x2a: {  	[spmem:s8], [sflag:s7] =	dma.local [hbm:s6], $0x1D60  }
0x2b: {  	_ =	swait.ge [sflag:s10], $0x1D60  }
0x2c: {  	[sflag:s10] =	ssyncset.done $0x0  }
0x2d: {  	[sflag:s10] =	ssyncadd.s32 $0xFFFFE2A0  }
0x2e: {  	[bflag:$0x0] =	sbarrier.arrive $0xFFFF  }
0x2f: {  	s9 =	rddreg [dreg:$0x3]  }
0x30: {  	s6 =	sadd.s32 $0x0, s9  }
0x31: {  	[tilespmem:s3], [sflag:$0x3] =	stream.linear.gather [hbm4b:s6+s3], $0x800, $0x38;
	[tilespmem:$0x1FB00] =	vst v63  }
0x32: {  	_ =	swait.ge [sflag:s10], $0x800  }
0x33: {  	s7 =	rddreg [dreg:$0x4];
	[sflag:s10] =	ssyncset.done $0x0  }
0x34: {  	[sflag:s10] =	ssyncadd.s32 $0xFFFFF800;
	s6 =	sadd.s32 $0x0, s7  }
0x35: {  	[tilespmem:s11], [sflag:$0x3] =	stream.linear.gather [hbm4b:s6+s3], $0x800, $0x38;
	[tilespmem:$0x1FB00] =	vst v63  }
0x36: {  	_ =	swait.ge [sflag:s10], $0x800  }
0x37: {  	[sflag:s10] =	ssyncset.done $0x0  }
0x38: {  	[sflag:s10] =	ssyncadd.s32 $0xFFFFF800  }
0x39: {  	[tilespmem:s13], [sflag:$0x1] =	stream.indirect.gather [hbm4b:s4+s12], $0x20, s11, s12, $0xb8;
	[tilespmem:$0x1FB00] =	vst v63  }
0x3a: {  	s8 =	rddreg [dreg:$0x5]  }
0x3b: {  	[tilespmem:s14], [sflag:$0x1] =	stream.indirect.gather [hbm4b:s4+s12], $0x20, s8, s12, $0xb8;
	[tilespmem:$0x1FB00] =	vst v63  }
0x3c: {  	s9 =	rddreg [dreg:$0x6]  }
0x3d: {  	[tilespmem:s15], [sflag:$0x1] =	stream.indirect.gather [hbm4b:s4+s12], $0x20, s9, s12, $0xb8;
	[tilespmem:$0x1FB00] =	vst v63  }
0x3e: {  	s7 =	rddreg [dreg:$0x7]  }
0x3f: {  	[tilespmem:s16], [sflag:$0x1] =	stream.indirect.gather [hbm4b:s4+s12], $0x20, s7, s12, $0xb8;
	[tilespmem:$0x1FB00] =	vst v63  }
0x40: {  	s9 =	rddreg [dreg:$0x8]  }
0x41: {  	[tilespmem:s17], [sflag:$0x1] =	stream.indirect.gather [hbm4b:s4+s12], $0x20, s9, s12, $0xb8;
	[tilespmem:$0x1FB00] =	vst v63  }
0x42: {  	s7 =	rddreg [dreg:$0x9]  }
0x43: {  	[tilespmem:s18], [sflag:$0x1] =	stream.indirect.gather [hbm4b:s4+s12], $0x20, s7, s12, $0xb8;
	[tilespmem:$0x1FB00] =	vst v63  }
0x44: {  	s9 =	rddreg [dreg:$0xa]  }
0x45: {  	[tilespmem:s19], [sflag:$0x1] =	stream.indirect.gather [hbm4b:s4+s12], $0x20, s9, s12, $0xb8;
	[tilespmem:$0x1FB00] =	vst v63  }
0x46: {  	s7 =	rddreg [dreg:$0xb]  }
0x47: {  	[tilespmem:s20], [sflag:$0x1] =	stream.indirect.gather [hbm4b:s4+s12], $0x20, s7, s12, $0xb8;
	[tilespmem:$0x1FB00] =	vst v63  }
0x48: {  	s9 =	rddreg [dreg:$0xc]  }
0x49: {  	[tilespmem:s21], [sflag:$0x1] =	stream.indirect.gather [hbm4b:s4+s12], $0x20, s9, s12, $0xb8;
	[tilespmem:$0x1FB00] =	vst v63  }
0x4a: {  	s7 =	rddreg [dreg:$0xd]  }
0x4b: {  	[tilespmem:s22], [sflag:$0x1] =	stream.indirect.gather [hbm4b:s4+s12], $0x20, s7, s12, $0xb8;
	[tilespmem:$0x1FB00] =	vst v63  }
0x4c: {  	s9 =	rddreg [dreg:$0xe]  }
0x4d: {  	[tilespmem:s23], [sflag:$0x1] =	stream.indirect.gather [hbm4b:s4+s12], $0x20, s9, s12, $0xb8;
	[tilespmem:$0x1FB00] =	vst v63  }
0x4e: {  	s7 =	rddreg [dreg:$0xf]  }
0x4f: {  	[tilespmem:s24], [sflag:$0x1] =	stream.indirect.gather [hbm4b:s4+s12], $0x20, s7, s12, $0xb8;
	[tilespmem:$0x1FB00] =	vst v63  }
0x50: {  	s9 =	rddreg [dreg:$0x10]  }
0x51: {  	[tilespmem:s25], [sflag:$0x1] =	stream.indirect.gather [hbm4b:s4+s12], $0x20, s9, s12, $0xb8;
	[tilespmem:$0x1FB00] =	vst v63  }
0x52: {  	s7 =	rddreg [dreg:$0x11]  }
0x53: {  	[tilespmem:s26], [sflag:$0x1] =	stream.indirect.gather [hbm4b:s4+s12], $0x20, s7, s12, $0xb8;
	[tilespmem:$0x1FB00] =	vst v63  }
0x54: {  	s9 =	rddreg [dreg:$0x12]  }
0x55: {  	[tilespmem:s28], [sflag:$0x1] =	stream.indirect.gather [hbm4b:s4+s12], $0x20, s9, s12, $0xb8;
	[tilespmem:$0x1FB00] =	vst v63  }
0x56: {  	s7 =	rddreg [dreg:$0x13]  }
0x57: {  	[tilespmem:s29], [sflag:$0x1] =	stream.indirect.gather [hbm4b:s4+s12], $0x20, s7, s12, $0xb8;
	[tilespmem:$0x1FB00] =	vst v63  }
0x58: {  	_ =	swait.ge [sflag:s30], $0x1000  }
0x59: {  	[sflag:s30] =	ssyncset.done $0x0  }
0x5a: {  	[sflag:s30] =	ssyncadd.s32 $0xFFFFF000  }
0x5b: {  	[spmem:s2] =	stream.indirect.scatter.add.f32 [tilespmem:s13], [sflag:$0x2], $0x20, s3, s12, $0xb8;
	[tilespmem:$0x1FB00] =	vst v63  }
0x5c: {  	_ =	swait.ge [sflag:s30], $0x1000  }
0x5d: {  	[sflag:s30] =	ssyncset.done $0x0  }
0x5e: {  	[sflag:s30] =	ssyncadd.s32 $0xFFFFF000  }
0x5f: {  	[spmem:s2] =	stream.indirect.scatter.add.f32 [tilespmem:s14], [sflag:$0x2], $0x20, s12, s12, $0xb8;
	[tilespmem:$0x1FB00] =	vst v63  }
0x60: {  	_ =	swait.ge [sflag:s30], $0x1000  }
0x61: {  	[sflag:s30] =	ssyncset.done $0x0  }
0x62: {  	s8 =	rddreg [dreg:$0x14];
	[sflag:s30] =	ssyncadd.s32 $0xFFFFF000  }
0x63: {  	[spmem:s2] =	stream.indirect.scatter.add.f32 [tilespmem:s15], [sflag:$0x2], $0x20, s8, s12, $0xb8;
	[tilespmem:$0x1FB00] =	vst v63  }
0x64: {  	_ =	swait.ge [sflag:s30], $0x1000  }
0x65: {  	[sflag:s30] =	ssyncset.done $0x0  }
0x66: {  	s9 =	rddreg [dreg:$0x15];
	[sflag:s30] =	ssyncadd.s32 $0xFFFFF000  }
0x67: {  	[spmem:s2] =	stream.indirect.scatter.add.f32 [tilespmem:s16], [sflag:$0x2], $0x20, s9, s12, $0xb8;
	[tilespmem:$0x1FB00] =	vst v63  }
0x68: {  	_ =	swait.ge [sflag:s30], $0x1000  }
0x69: {  	[sflag:s30] =	ssyncset.done $0x0  }
0x6a: {  	s7 =	rddreg [dreg:$0x16];
	[sflag:s30] =	ssyncadd.s32 $0xFFFFF000  }
0x6b: {  	[spmem:s2] =	stream.indirect.scatter.add.f32 [tilespmem:s17], [sflag:$0x2], $0x20, s7, s12, $0xb8;
	[tilespmem:$0x1FB00] =	vst v63  }
0x6c: {  	_ =	swait.ge [sflag:s30], $0x1000  }
0x6d: {  	[sflag:s30] =	ssyncset.done $0x0  }
0x6e: {  	s8 =	rddreg [dreg:$0x17];
	[sflag:s30] =	ssyncadd.s32 $0xFFFFF000  }
0x6f: {  	[spmem:s2] =	stream.indirect.scatter.add.f32 [tilespmem:s18], [sflag:$0x2], $0x20, s8, s12, $0xb8;
	[tilespmem:$0x1FB00] =	vst v63  }
0x70: {  	_ =	swait.ge [sflag:s30], $0x1000  }
0x71: {  	[sflag:s30] =	ssyncset.done $0x0  }
0x72: {  	s9 =	rddreg [dreg:$0x18];
	[sflag:s30] =	ssyncadd.s32 $0xFFFFF000  }
0x73: {  	[spmem:s2] =	stream.indirect.scatter.add.f32 [tilespmem:s19], [sflag:$0x2], $0x20, s9, s12, $0xb8;
	[tilespmem:$0x1FB00] =	vst v63  }
0x74: {  	_ =	swait.ge [sflag:s30], $0x1000  }
0x75: {  	[sflag:s30] =	ssyncset.done $0x0  }
0x76: {  	s7 =	rddreg [dreg:$0x19];
	[sflag:s30] =	ssyncadd.s32 $0xFFFFF000  }
0x77: {  	[spmem:s2] =	stream.indirect.scatter.add.f32 [tilespmem:s20], [sflag:$0x2], $0x20, s7, s12, $0xb8;
	[tilespmem:$0x1FB00] =	vst v63  }
0x78: {  	_ =	swait.ge [sflag:s30], $0x1000  }
0x79: {  	[sflag:s30] =	ssyncset.done $0x0  }
0x7a: {  	s8 =	rddreg [dreg:$0x1a];
	[sflag:s30] =	ssyncadd.s32 $0xFFFFF000  }
0x7b: {  	[spmem:s2] =	stream.indirect.scatter.add.f32 [tilespmem:s21], [sflag:$0x2], $0x20, s8, s12, $0xb8;
	[tilespmem:$0x1FB00] =	vst v63  }
0x7c: {  	_ =	swait.ge [sflag:s30], $0x1000  }
0x7d: {  	[sflag:s30] =	ssyncset.done $0x0  }
0x7e: {  	s9 =	rddreg [dreg:$0x1b];
	[sflag:s30] =	ssyncadd.s32 $0xFFFFF000  }
0x7f: {  	[spmem:s2] =	stream.indirect.scatter.add.f32 [tilespmem:s22], [sflag:$0x2], $0x20, s9, s12, $0xb8;
	[tilespmem:$0x1FB00] =	vst v63  }
0x80: {  	_ =	swait.ge [sflag:s30], $0x1000  }
0x81: {  	[sflag:s30] =	ssyncset.done $0x0  }
0x82: {  	s7 =	rddreg [dreg:$0x1c];
	[sflag:s30] =	ssyncadd.s32 $0xFFFFF000  }
0x83: {  	[spmem:s2] =	stream.indirect.scatter.add.f32 [tilespmem:s23], [sflag:$0x2], $0x20, s7, s12, $0xb8;
	[tilespmem:$0x1FB00] =	vst v63  }
0x84: {  	_ =	swait.ge [sflag:s30], $0x1000  }
0x85: {  	[sflag:s30] =	ssyncset.done $0x0  }
0x86: {  	s8 =	rddreg [dreg:$0x1d];
	[sflag:s30] =	ssyncadd.s32 $0xFFFFF000  }
0x87: {  	[spmem:s2] =	stream.indirect.scatter.add.f32 [tilespmem:s24], [sflag:$0x2], $0x20, s8, s12, $0xb8;
	[tilespmem:$0x1FB00] =	vst v63  }
0x88: {  	_ =	swait.ge [sflag:s30], $0x1000  }
0x89: {  	[sflag:s30] =	ssyncset.done $0x0  }
0x8a: {  	s9 =	rddreg [dreg:$0x1e];
	[sflag:s30] =	ssyncadd.s32 $0xFFFFF000  }
0x8b: {  	[spmem:s2] =	stream.indirect.scatter.add.f32 [tilespmem:s25], [sflag:$0x2], $0x20, s9, s12, $0xb8;
	[tilespmem:$0x1FB00] =	vst v63  }
0x8c: {  	_ =	swait.ge [sflag:s30], $0x1000  }
0x8d: {  	[sflag:s30] =	ssyncset.done $0x0  }
0x8e: {  	[sflag:s30] =	ssyncadd.s32 $0xFFFFF000  }
0x8f: {  	[spmem:s2] =	stream.indirect.scatter.add.f32 [tilespmem:s26], [sflag:$0x2], $0x20, s31, s12, $0xb8;
	[tilespmem:$0x1FB00] =	vst v63  }
0x90: {  	_ =	swait.ge [sflag:s30], $0x1000  }
0x91: {  	[sflag:s30] =	ssyncset.done $0x0  }
0x92: {  	[sflag:s30] =	ssyncadd.s32 $0xFFFFF000  }
0x93: {  	[spmem:s2] =	stream.indirect.scatter.add.f32 [tilespmem:s28], [sflag:$0x2], $0x20, s0, s12, $0xb8;
	[tilespmem:$0x1FB00] =	vst v63  }
0x94: {  	_ =	swait.ge [sflag:s30], $0x1000  }
0x95: {  	[sflag:s30] =	ssyncset.done $0x0  }
0x96: {  	[sflag:s30] =	ssyncadd.s32 $0xFFFFF000  }
0x97: {  	[spmem:s2] =	stream.indirect.scatter.add.f32 [tilespmem:s29], [sflag:$0x2], $0x20, s1, s12, $0xb8;
	[tilespmem:$0x1FB00] =	vst v63  }
0x98: {  	_ =	swait.ge [sflag:s5], $0x1000  }
0x99: {  	[sflag:s5] =	ssyncset.done $0x0  }
0x9a: {  	[sflag:s5] =	ssyncadd.s32 $0xFFFFF000  }
0x9b: {  	_ =	swait.ge [sflag:s5], $0x1000  }
0x9c: {  	[sflag:s5] =	ssyncset.done $0x0  }
0x9d: {  	[sflag:s5] =	ssyncadd.s32 $0xFFFFF000  }
0x9e: {  	_ =	swait.ge [sflag:s5], $0x1000  }
0x9f: {  	[sflag:s5] =	ssyncset.done $0x0  }
0xa0: {  	[sflag:s5] =	ssyncadd.s32 $0xFFFFF000  }
0xa1: {  	_ =	swait.ge [sflag:s5], $0x1000  }
0xa2: {  	[sflag:s5] =	ssyncset.done $0x0  }
0xa3: {  	[sflag:s5] =	ssyncadd.s32 $0xFFFFF000  }
0xa4: {  	_ =	swait.ge [sflag:s5], $0x1000  }
0xa5: {  	[sflag:s5] =	ssyncset.done $0x0  }
0xa6: {  	[sflag:s5] =	ssyncadd.s32 $0xFFFFF000  }
0xa7: {  	_ =	swait.ge [sflag:s5], $0x1000  }
0xa8: {  	[sflag:s5] =	ssyncset.done $0x0  }
0xa9: {  	[sflag:s5] =	ssyncadd.s32 $0xFFFFF000  }
0xaa: {  	_ =	swait.ge [sflag:s5], $0x1000  }
0xab: {  	[sflag:s5] =	ssyncset.done $0x0  }
0xac: {  	[sflag:s5] =	ssyncadd.s32 $0xFFFFF000  }
0xad: {  	_ =	swait.ge [sflag:s5], $0x1000  }
0xae: {  	[sflag:s5] =	ssyncset.done $0x0  }
0xaf: {  	[sflag:s5] =	ssyncadd.s32 $0xFFFFF000  }
0xb0: {  	_ =	swait.ge [sflag:s5], $0x1000  }
0xb1: {  	[sflag:s5] =	ssyncset.done $0x0  }
0xb2: {  	[sflag:s5] =	ssyncadd.s32 $0xFFFFF000  }
0xb3: {  	_ =	swait.ge [sflag:s5], $0x1000  }
0xb4: {  	[sflag:s5] =	ssyncset.done $0x0  }
0xb5: {  	[sflag:s5] =	ssyncadd.s32 $0xFFFFF000  }
0xb6: {  	_ =	swait.ge [sflag:s5], $0x1000  }
0xb7: {  	[sflag:s5] =	ssyncset.done $0x0  }
0xb8: {  	[sflag:s5] =	ssyncadd.s32 $0xFFFFF000  }
0xb9: {  	_ =	swait.ge [sflag:s5], $0x1000  }
0xba: {  	[sflag:s5] =	ssyncset.done $0x0  }
0xbb: {  	[sflag:s5] =	ssyncadd.s32 $0xFFFFF000  }
0xbc: {  	_ =	swait.ge [sflag:s5], $0x1000  }
0xbd: {  	[sflag:s5] =	ssyncset.done $0x0  }
0xbe: {  	[sflag:s5] =	ssyncadd.s32 $0xFFFFF000  }
0xbf: {  	_ =	swait.ge [sflag:s5], $0x1000  }
0xc0: {  	[sflag:s5] =	ssyncset.done $0x0  }
0xc1: {  	[sflag:s5] =	ssyncadd.s32 $0xFFFFF000  }
0xc2: {  	_ =	swait.ge [sflag:s5], $0x1000  }
0xc3: {  	[sflag:s5] =	ssyncset.done $0x0  }
0xc4: {  	[sflag:s5] =	ssyncadd.s32 $0xFFFFF000  }
0xc5: {  	s6 =	simm.s32 $0x200;
	_ =	swait.ge [sflag:s5], $0x1000  }
0xc6: {  	s8 =	simm.s32 $0x100;
	s9 =	rddreg [dreg:$0x3];
	[sflag:s5] =	ssyncset.done $0x0  }
.LBB2_2:
0xc7: {  	[sflag:s5] =	ssyncadd.s32 $0xFFFFF000;
	s9 =	sadd.s32 s8, s9  }
0xc8: {  	[tilespmem:s3], [sflag:$0x3] =	stream.linear.gather [hbm4b:s9+s3], $0x800, $0x38;
	[tilespmem:$0x1FB00] =	vst v63  }
0xc9: {  	_ =	swait.ge [sflag:s10], $0x800  }
0xca: {  	s9 =	rddreg [dreg:$0x4];
	[sflag:s10] =	ssyncset.done $0x0  }
0xcb: {  	[sflag:s10] =	ssyncadd.s32 $0xFFFFF800;
	s9 =	sadd.s32 s8, s9  }
0xcc: {  	[tilespmem:s11], [sflag:$0x3] =	stream.linear.gather [hbm4b:s9+s3], $0x800, $0x38;
	[tilespmem:$0x1FB00] =	vst v63  }
0xcd: {  	_ =	swait.ge [sflag:s10], $0x800  }
0xce: {  	[sflag:s10] =	ssyncset.done $0x0  }
0xcf: {  	s7 =	smov.u32 s6;
	[sflag:s10] =	ssyncadd.s32 $0xFFFFF800  }
0xd0: {  	[tilespmem:s13], [sflag:$0x1] =	stream.indirect.gather [hbm4b:s4+s12], $0x20, s11, s12, $0xb8;
	[tilespmem:$0x1FB00] =	vst v63  }
0xd1: {  	s8 =	smov.u32 s7;
	s7 =	rddreg [dreg:$0x5]  }
0xd2: {  	[tilespmem:s14], [sflag:$0x1] =	stream.indirect.gather [hbm4b:s4+s12], $0x20, s7, s12, $0xb8;
	[tilespmem:$0x1FB00] =	vst v63  }
0xd3: {  	s9 =	rddreg [dreg:$0x6]  }
0xd4: {  	[tilespmem:s15], [sflag:$0x1] =	stream.indirect.gather [hbm4b:s4+s12], $0x20, s9, s12, $0xb8;
	[tilespmem:$0x1FB00] =	vst v63  }
0xd5: {  	s7 =	rddreg [dreg:$0x7]  }
0xd6: {  	[tilespmem:s16], [sflag:$0x1] =	stream.indirect.gather [hbm4b:s4+s12], $0x20, s7, s12, $0xb8;
	[tilespmem:$0x1FB00] =	vst v63  }
0xd7: {  	s9 =	rddreg [dreg:$0x8]  }
0xd8: {  	[tilespmem:s17], [sflag:$0x1] =	stream.indirect.gather [hbm4b:s4+s12], $0x20, s9, s12, $0xb8;
	[tilespmem:$0x1FB00] =	vst v63  }
0xd9: {  	s7 =	rddreg [dreg:$0x9]  }
0xda: {  	[tilespmem:s18], [sflag:$0x1] =	stream.indirect.gather [hbm4b:s4+s12], $0x20, s7, s12, $0xb8;
	[tilespmem:$0x1FB00] =	vst v63  }
0xdb: {  	s9 =	rddreg [dreg:$0xa]  }
0xdc: {  	[tilespmem:s19], [sflag:$0x1] =	stream.indirect.gather [hbm4b:s4+s12], $0x20, s9, s12, $0xb8;
	[tilespmem:$0x1FB00] =	vst v63  }
0xdd: {  	s7 =	rddreg [dreg:$0xb]  }
0xde: {  	[tilespmem:s20], [sflag:$0x1] =	stream.indirect.gather [hbm4b:s4+s12], $0x20, s7, s12, $0xb8;
	[tilespmem:$0x1FB00] =	vst v63  }
0xdf: {  	s9 =	rddreg [dreg:$0xc]  }
0xe0: {  	[tilespmem:s21], [sflag:$0x1] =	stream.indirect.gather [hbm4b:s4+s12], $0x20, s9, s12, $0xb8;
	[tilespmem:$0x1FB00] =	vst v63  }
0xe1: {  	s7 =	rddreg [dreg:$0xd]  }
0xe2: {  	[tilespmem:s22], [sflag:$0x1] =	stream.indirect.gather [hbm4b:s4+s12], $0x20, s7, s12, $0xb8;
	[tilespmem:$0x1FB00] =	vst v63  }
0xe3: {  	s9 =	rddreg [dreg:$0xe]  }
0xe4: {  	[tilespmem:s23], [sflag:$0x1] =	stream.indirect.gather [hbm4b:s4+s12], $0x20, s9, s12, $0xb8;
	[tilespmem:$0x1FB00] =	vst v63  }
0xe5: {  	s7 =	rddreg [dreg:$0xf]  }
0xe6: {  	[tilespmem:s24], [sflag:$0x1] =	stream.indirect.gather [hbm4b:s4+s12], $0x20, s7, s12, $0xb8;
	[tilespmem:$0x1FB00] =	vst v63  }
0xe7: {  	s9 =	rddreg [dreg:$0x10]  }
0xe8: {  	[tilespmem:s25], [sflag:$0x1] =	stream.indirect.gather [hbm4b:s4+s12], $0x20, s9, s12, $0xb8;
	[tilespmem:$0x1FB00] =	vst v63  }
0xe9: {  	s7 =	rddreg [dreg:$0x11]  }
0xea: {  	[tilespmem:s26], [sflag:$0x1] =	stream.indirect.gather [hbm4b:s4+s12], $0x20, s7, s12, $0xb8;
	[tilespmem:$0x1FB00] =	vst v63  }
0xeb: {  	s9 =	rddreg [dreg:$0x12]  }
0xec: {  	[tilespmem:s28], [sflag:$0x1] =	stream.indirect.gather [hbm4b:s4+s12], $0x20, s9, s12, $0xb8;
	[tilespmem:$0x1FB00] =	vst v63  }
0xed: {  	s7 =	rddreg [dreg:$0x13]  }
0xee: {  	[tilespmem:s29], [sflag:$0x1] =	stream.indirect.gather [hbm4b:s4+s12], $0x20, s7, s12, $0xb8;
	[tilespmem:$0x1FB00] =	vst v63  }
0xef: {  	_ =	swait.ge [sflag:s30], $0x1000  }
0xf0: {  	[sflag:s30] =	ssyncset.done $0x0  }
0xf1: {  	[sflag:s30] =	ssyncadd.s32 $0xFFFFF000  }
0xf2: {  	[spmem:s2] =	stream.indirect.scatter.add.f32 [tilespmem:s13], [sflag:$0x2], $0x20, s3, s12, $0xb8;
	[tilespmem:$0x1FB00] =	vst v63  }
0xf3: {  	_ =	swait.ge [sflag:s30], $0x1000  }
0xf4: {  	[sflag:s30] =	ssyncset.done $0x0  }
0xf5: {  	[sflag:s30] =	ssyncadd.s32 $0xFFFFF000  }
0xf6: {  	[spmem:s2] =	stream.indirect.scatter.add.f32 [tilespmem:s14], [sflag:$0x2], $0x20, s12, s12, $0xb8;
	[tilespmem:$0x1FB00] =	vst v63  }
0xf7: {  	_ =	swait.ge [sflag:s30], $0x1000  }
0xf8: {  	[sflag:s30] =	ssyncset.done $0x0  }
0xf9: {  	s9 =	rddreg [dreg:$0x14];
	[sflag:s30] =	ssyncadd.s32 $0xFFFFF000  }
0xfa: {  	[spmem:s2] =	stream.indirect.scatter.add.f32 [tilespmem:s15], [sflag:$0x2], $0x20, s9, s12, $0xb8;
	[tilespmem:$0x1FB00] =	vst v63  }
0xfb: {  	_ =	swait.ge [sflag:s30], $0x1000  }
0xfc: {  	[sflag:s30] =	ssyncset.done $0x0  }
0xfd: {  	s9 =	rddreg [dreg:$0x15];
	[sflag:s30] =	ssyncadd.s32 $0xFFFFF000  }
0xfe: {  	[spmem:s2] =	stream.indirect.scatter.add.f32 [tilespmem:s16], [sflag:$0x2], $0x20, s9, s12, $0xb8;
	[tilespmem:$0x1FB00] =	vst v63  }
0xff: {  	_ =	swait.ge [sflag:s30], $0x1000  }
0x100: {  	[sflag:s30] =	ssyncset.done $0x0  }
0x101: {  	s9 =	rddreg [dreg:$0x16];
	[sflag:s30] =	ssyncadd.s32 $0xFFFFF000  }
0x102: {  	[spmem:s2] =	stream.indirect.scatter.add.f32 [tilespmem:s17], [sflag:$0x2], $0x20, s9, s12, $0xb8;
	[tilespmem:$0x1FB00] =	vst v63  }
0x103: {  	_ =	swait.ge [sflag:s30], $0x1000  }
0x104: {  	[sflag:s30] =	ssyncset.done $0x0  }
0x105: {  	s9 =	rddreg [dreg:$0x17];
	[sflag:s30] =	ssyncadd.s32 $0xFFFFF000  }
0x106: {  	[spmem:s2] =	stream.indirect.scatter.add.f32 [tilespmem:s18], [sflag:$0x2], $0x20, s9, s12, $0xb8;
	[tilespmem:$0x1FB00] =	vst v63  }
0x107: {  	_ =	swait.ge [sflag:s30], $0x1000  }
0x108: {  	[sflag:s30] =	ssyncset.done $0x0  }
0x109: {  	s9 =	rddreg [dreg:$0x18];
	[sflag:s30] =	ssyncadd.s32 $0xFFFFF000  }
0x10a: {  	[spmem:s2] =	stream.indirect.scatter.add.f32 [tilespmem:s19], [sflag:$0x2], $0x20, s9, s12, $0xb8;
	[tilespmem:$0x1FB00] =	vst v63  }
0x10b: {  	_ =	swait.ge [sflag:s30], $0x1000  }
0x10c: {  	[sflag:s30] =	ssyncset.done $0x0  }
0x10d: {  	s9 =	rddreg [dreg:$0x19];
	[sflag:s30] =	ssyncadd.s32 $0xFFFFF000  }
0x10e: {  	[spmem:s2] =	stream.indirect.scatter.add.f32 [tilespmem:s20], [sflag:$0x2], $0x20, s9, s12, $0xb8;
	[tilespmem:$0x1FB00] =	vst v63  }
0x10f: {  	_ =	swait.ge [sflag:s30], $0x1000  }
0x110: {  	[sflag:s30] =	ssyncset.done $0x0  }
0x111: {  	s9 =	rddreg [dreg:$0x1a];
	[sflag:s30] =	ssyncadd.s32 $0xFFFFF000  }
0x112: {  	[spmem:s2] =	stream.indirect.scatter.add.f32 [tilespmem:s21], [sflag:$0x2], $0x20, s9, s12, $0xb8;
	[tilespmem:$0x1FB00] =	vst v63  }
0x113: {  	_ =	swait.ge [sflag:s30], $0x1000  }
0x114: {  	[sflag:s30] =	ssyncset.done $0x0  }
0x115: {  	s9 =	rddreg [dreg:$0x1b];
	[sflag:s30] =	ssyncadd.s32 $0xFFFFF000  }
0x116: {  	[spmem:s2] =	stream.indirect.scatter.add.f32 [tilespmem:s22], [sflag:$0x2], $0x20, s9, s12, $0xb8;
	[tilespmem:$0x1FB00] =	vst v63  }
0x117: {  	_ =	swait.ge [sflag:s30], $0x1000  }
0x118: {  	[sflag:s30] =	ssyncset.done $0x0  }
0x119: {  	s9 =	rddreg [dreg:$0x1c];
	[sflag:s30] =	ssyncadd.s32 $0xFFFFF000  }
0x11a: {  	[spmem:s2] =	stream.indirect.scatter.add.f32 [tilespmem:s23], [sflag:$0x2], $0x20, s9, s12, $0xb8;
	[tilespmem:$0x1FB00] =	vst v63  }
0x11b: {  	_ =	swait.ge [sflag:s30], $0x1000  }
0x11c: {  	[sflag:s30] =	ssyncset.done $0x0  }
0x11d: {  	s9 =	rddreg [dreg:$0x1d];
	[sflag:s30] =	ssyncadd.s32 $0xFFFFF000  }
0x11e: {  	[spmem:s2] =	stream.indirect.scatter.add.f32 [tilespmem:s24], [sflag:$0x2], $0x20, s9, s12, $0xb8;
	[tilespmem:$0x1FB00] =	vst v63  }
0x11f: {  	_ =	swait.ge [sflag:s30], $0x1000  }
0x120: {  	[sflag:s30] =	ssyncset.done $0x0  }
0x121: {  	s9 =	rddreg [dreg:$0x1e];
	[sflag:s30] =	ssyncadd.s32 $0xFFFFF000  }
0x122: {  	[spmem:s2] =	stream.indirect.scatter.add.f32 [tilespmem:s25], [sflag:$0x2], $0x20, s9, s12, $0xb8;
	[tilespmem:$0x1FB00] =	vst v63  }
0x123: {  	_ =	swait.ge [sflag:s30], $0x1000  }
0x124: {  	[sflag:s30] =	ssyncset.done $0x0  }
0x125: {  	[sflag:s30] =	ssyncadd.s32 $0xFFFFF000  }
0x126: {  	[spmem:s2] =	stream.indirect.scatter.add.f32 [tilespmem:s26], [sflag:$0x2], $0x20, s31, s12, $0xb8;
	[tilespmem:$0x1FB00] =	vst v63  }
0x127: {  	_ =	swait.ge [sflag:s30], $0x1000  }
0x128: {  	[sflag:s30] =	ssyncset.done $0x0  }
0x129: {  	[sflag:s30] =	ssyncadd.s32 $0xFFFFF000  }
0x12a: {  	[spmem:s2] =	stream.indirect.scatter.add.f32 [tilespmem:s28], [sflag:$0x2], $0x20, s0, s12, $0xb8;
	[tilespmem:$0x1FB00] =	vst v63  }
0x12b: {  	_ =	swait.ge [sflag:s30], $0x1000  }
0x12c: {  	[sflag:s30] =	ssyncset.done $0x0  }
0x12d: {  	[sflag:s30] =	ssyncadd.s32 $0xFFFFF000  }
0x12e: {  	[spmem:s2] =	stream.indirect.scatter.add.f32 [tilespmem:s29], [sflag:$0x2], $0x20, s1, s12, $0xb8;
	[tilespmem:$0x1FB00] =	vst v63  }
0x12f: {  	_ =	swait.ge [sflag:s5], $0x1000  }
0x130: {  	[sflag:s5] =	ssyncset.done $0x0  }
0x131: {  	[sflag:s5] =	ssyncadd.s32 $0xFFFFF000  }
0x132: {  	_ =	swait.ge [sflag:s5], $0x1000  }
0x133: {  	[sflag:s5] =	ssyncset.done $0x0  }
0x134: {  	[sflag:s5] =	ssyncadd.s32 $0xFFFFF000  }
0x135: {  	_ =	swait.ge [sflag:s5], $0x1000  }
0x136: {  	[sflag:s5] =	ssyncset.done $0x0  }
0x137: {  	[sflag:s5] =	ssyncadd.s32 $0xFFFFF000  }
0x138: {  	_ =	swait.ge [sflag:s5], $0x1000  }
0x139: {  	[sflag:s5] =	ssyncset.done $0x0  }
0x13a: {  	[sflag:s5] =	ssyncadd.s32 $0xFFFFF000  }
0x13b: {  	_ =	swait.ge [sflag:s5], $0x1000  }
0x13c: {  	[sflag:s5] =	ssyncset.done $0x0  }
0x13d: {  	[sflag:s5] =	ssyncadd.s32 $0xFFFFF000  }
0x13e: {  	_ =	swait.ge [sflag:s5], $0x1000  }
0x13f: {  	[sflag:s5] =	ssyncset.done $0x0  }
0x140: {  	[sflag:s5] =	ssyncadd.s32 $0xFFFFF000  }
0x141: {  	_ =	swait.ge [sflag:s5], $0x1000  }
0x142: {  	[sflag:s5] =	ssyncset.done $0x0  }
0x143: {  	[sflag:s5] =	ssyncadd.s32 $0xFFFFF000  }
0x144: {  	_ =	swait.ge [sflag:s5], $0x1000  }
0x145: {  	[sflag:s5] =	ssyncset.done $0x0  }
0x146: {  	[sflag:s5] =	ssyncadd.s32 $0xFFFFF000  }
0x147: {  	_ =	swait.ge [sflag:s5], $0x1000  }
0x148: {  	[sflag:s5] =	ssyncset.done $0x0  }
0x149: {  	[sflag:s5] =	ssyncadd.s32 $0xFFFFF000  }
0x14a: {  	_ =	swait.ge [sflag:s5], $0x1000  }
0x14b: {  	[sflag:s5] =	ssyncset.done $0x0  }
0x14c: {  	[sflag:s5] =	ssyncadd.s32 $0xFFFFF000  }
0x14d: {  	_ =	swait.ge [sflag:s5], $0x1000  }
0x14e: {  	[sflag:s5] =	ssyncset.done $0x0  }
0x14f: {  	[sflag:s5] =	ssyncadd.s32 $0xFFFFF000  }
0x150: {  	_ =	swait.ge [sflag:s5], $0x1000  }
0x151: {  	[sflag:s5] =	ssyncset.done $0x0  }
0x152: {  	[sflag:s5] =	ssyncadd.s32 $0xFFFFF000  }
0x153: {  	_ =	swait.ge [sflag:s5], $0x1000  }
0x154: {  	[sflag:s5] =	ssyncset.done $0x0  }
0x155: {  	[sflag:s5] =	ssyncadd.s32 $0xFFFFF000  }
0x156: {  	_ =	swait.ge [sflag:s5], $0x1000  }
0x157: {  	[sflag:s5] =	ssyncset.done $0x0  }
0x158: {  	p0 =	sne.s32 s6, $0x900;
	[sflag:s5] =	ssyncadd.s32 $0xFFFFF000  }
.Ltmp0:
0x159: {  	_ =	swait.ge [sflag:s5], $0x1000;
	(pc) =	sbr.rel @p0 .LBB2_2-.Ltmp0, $4  }
0x15a: {  	[sflag:s5] =	ssyncset.done $0x0  }
0x15b: {  	[sflag:s5] =	ssyncadd.s32 $0xFFFFF000  }
0x15c: {  	_ =	swait.ge [sflag:s5], $0x1000  }
0x15d: {  	s6 =	sadd.s32 $0x100, s6;
	s9 =	rddreg [dreg:$0x3];
	[sflag:s5] =	ssyncset.done $0x0  }
0x15e: {  	[sflag:s5] =	ssyncadd.s32 $0xFFFFF000;
	s6 =	sadd.s32 s8, s9  }
0x15f: {  	[tilespmem:s3], [sflag:$0x3] =	stream.linear.gather [hbm4b:s6+s3], $0x800, $0x38;
	[tilespmem:$0x1FB00] =	vst v63  }
0x160: {  	_ =	swait.ge [sflag:s10], $0x800  }
0x161: {  	s7 =	rddreg [dreg:$0x4];
	[sflag:s10] =	ssyncset.done $0x0  }
0x162: {  	[sflag:s10] =	ssyncadd.s32 $0xFFFFF800;
	s6 =	sadd.s32 s8, s7  }
0x163: {  	[tilespmem:s11], [sflag:$0x3] =	stream.linear.gather [hbm4b:s6+s3], $0x800, $0x38;
	[tilespmem:$0x1FB00] =	vst v63  }
0x164: {  	_ =	swait.ge [sflag:s10], $0x800  }
0x165: {  	[sflag:s10] =	ssyncset.done $0x0  }
0x166: {  	[sflag:s10] =	ssyncadd.s32 $0xFFFFF800  }
0x167: {  	[tilespmem:s13], [sflag:$0x1] =	stream.indirect.gather [hbm4b:s4+s12], $0x20, s11, s12, $0xb8;
	[tilespmem:$0x1FB00] =	vst v63  }
0x168: {  	s8 =	rddreg [dreg:$0x5]  }
0x169: {  	[tilespmem:s14], [sflag:$0x1] =	stream.indirect.gather [hbm4b:s4+s12], $0x20, s8, s12, $0xb8;
	[tilespmem:$0x1FB00] =	vst v63  }
0x16a: {  	s7 =	rddreg [dreg:$0x6]  }
0x16b: {  	[tilespmem:s15], [sflag:$0x1] =	stream.indirect.gather [hbm4b:s4+s12], $0x20, s7, s12, $0xb8;
	[tilespmem:$0x1FB00] =	vst v63  }
0x16c: {  	s9 =	rddreg [dreg:$0x7]  }
0x16d: {  	[tilespmem:s16], [sflag:$0x1] =	stream.indirect.gather [hbm4b:s4+s12], $0x20, s9, s12, $0xb8;
	[tilespmem:$0x1FB00] =	vst v63  }
0x16e: {  	s8 =	rddreg [dreg:$0x8]  }
0x16f: {  	[tilespmem:s17], [sflag:$0x1] =	stream.indirect.gather [hbm4b:s4+s12], $0x20, s8, s12, $0xb8;
	[tilespmem:$0x1FB00] =	vst v63  }
0x170: {  	s9 =	rddreg [dreg:$0x9]  }
0x171: {  	[tilespmem:s18], [sflag:$0x1] =	stream.indirect.gather [hbm4b:s4+s12], $0x20, s9, s12, $0xb8;
	[tilespmem:$0x1FB00] =	vst v63  }
0x172: {  	s8 =	rddreg [dreg:$0xa]  }
0x173: {  	[tilespmem:s19], [sflag:$0x1] =	stream.indirect.gather [hbm4b:s4+s12], $0x20, s8, s12, $0xb8;
	[tilespmem:$0x1FB00] =	vst v63  }
0x174: {  	s9 =	rddreg [dreg:$0xb]  }
0x175: {  	[tilespmem:s20], [sflag:$0x1] =	stream.indirect.gather [hbm4b:s4+s12], $0x20, s9, s12, $0xb8;
	[tilespmem:$0x1FB00] =	vst v63  }
0x176: {  	s8 =	rddreg [dreg:$0xc]  }
0x177: {  	[tilespmem:s21], [sflag:$0x1] =	stream.indirect.gather [hbm4b:s4+s12], $0x20, s8, s12, $0xb8;
	[tilespmem:$0x1FB00] =	vst v63  }
0x178: {  	s9 =	rddreg [dreg:$0xd]  }
0x179: {  	[tilespmem:s22], [sflag:$0x1] =	stream.indirect.gather [hbm4b:s4+s12], $0x20, s9, s12, $0xb8;
	[tilespmem:$0x1FB00] =	vst v63  }
0x17a: {  	s8 =	rddreg [dreg:$0xe]  }
0x17b: {  	[tilespmem:s23], [sflag:$0x1] =	stream.indirect.gather [hbm4b:s4+s12], $0x20, s8, s12, $0xb8;
	[tilespmem:$0x1FB00] =	vst v63  }
0x17c: {  	s9 =	rddreg [dreg:$0xf]  }
0x17d: {  	[tilespmem:s24], [sflag:$0x1] =	stream.indirect.gather [hbm4b:s4+s12], $0x20, s9, s12, $0xb8;
	[tilespmem:$0x1FB00] =	vst v63  }
0x17e: {  	s8 =	rddreg [dreg:$0x10]  }
0x17f: {  	[tilespmem:s25], [sflag:$0x1] =	stream.indirect.gather [hbm4b:s4+s12], $0x20, s8, s12, $0xb8;
	[tilespmem:$0x1FB00] =	vst v63  }
0x180: {  	s9 =	rddreg [dreg:$0x11]  }
0x181: {  	[tilespmem:s26], [sflag:$0x1] =	stream.indirect.gather [hbm4b:s4+s12], $0x20, s9, s12, $0xb8;
	[tilespmem:$0x1FB00] =	vst v63  }
0x182: {  	s8 =	rddreg [dreg:$0x12]  }
0x183: {  	[tilespmem:s28], [sflag:$0x1] =	stream.indirect.gather [hbm4b:s4+s12], $0x20, s8, s12, $0xb8;
	[tilespmem:$0x1FB00] =	vst v63  }
0x184: {  	s9 =	rddreg [dreg:$0x13]  }
0x185: {  	[tilespmem:s29], [sflag:$0x1] =	stream.indirect.gather [hbm4b:s4+s12], $0x20, s9, s12, $0xb8;
	[tilespmem:$0x1FB00] =	vst v63  }
0x186: {  	_ =	swait.ge [sflag:s30], $0x1000  }
0x187: {  	[sflag:s30] =	ssyncset.done $0x0  }
0x188: {  	[sflag:s30] =	ssyncadd.s32 $0xFFFFF000  }
0x189: {  	[spmem:s2] =	stream.indirect.scatter.add.f32 [tilespmem:s13], [sflag:$0x2], $0x20, s3, s12, $0xb8;
	[tilespmem:$0x1FB00] =	vst v63  }
0x18a: {  	_ =	swait.ge [sflag:s30], $0x1000  }
0x18b: {  	[sflag:s30] =	ssyncset.done $0x0  }
0x18c: {  	[sflag:s30] =	ssyncadd.s32 $0xFFFFF000  }
0x18d: {  	[spmem:s2] =	stream.indirect.scatter.add.f32 [tilespmem:s14], [sflag:$0x2], $0x20, s12, s12, $0xb8;
	[tilespmem:$0x1FB00] =	vst v63  }
0x18e: {  	_ =	swait.ge [sflag:s30], $0x1000  }
0x18f: {  	[sflag:s30] =	ssyncset.done $0x0  }
0x190: {  	s7 =	rddreg [dreg:$0x14];
	[sflag:s30] =	ssyncadd.s32 $0xFFFFF000  }
0x191: {  	[spmem:s2] =	stream.indirect.scatter.add.f32 [tilespmem:s15], [sflag:$0x2], $0x20, s7, s12, $0xb8;
	[tilespmem:$0x1FB00] =	vst v63  }
0x192: {  	_ =	swait.ge [sflag:s30], $0x1000  }
0x193: {  	[sflag:s30] =	ssyncset.done $0x0  }
0x194: {  	s8 =	rddreg [dreg:$0x15];
	[sflag:s30] =	ssyncadd.s32 $0xFFFFF000  }
0x195: {  	[spmem:s2] =	stream.indirect.scatter.add.f32 [tilespmem:s16], [sflag:$0x2], $0x20, s8, s12, $0xb8;
	[tilespmem:$0x1FB00] =	vst v63  }
0x196: {  	_ =	swait.ge [sflag:s30], $0x1000  }
0x197: {  	[sflag:s30] =	ssyncset.done $0x0  }
0x198: {  	s9 =	rddreg [dreg:$0x16];
	[sflag:s30] =	ssyncadd.s32 $0xFFFFF000  }
0x199: {  	[spmem:s2] =	stream.indirect.scatter.add.f32 [tilespmem:s17], [sflag:$0x2], $0x20, s9, s12, $0xb8;
	[tilespmem:$0x1FB00] =	vst v63  }
0x19a: {  	_ =	swait.ge [sflag:s30], $0x1000  }
0x19b: {  	[sflag:s30] =	ssyncset.done $0x0  }
0x19c: {  	s7 =	rddreg [dreg:$0x17];
	[sflag:s30] =	ssyncadd.s32 $0xFFFFF000  }
0x19d: {  	[spmem:s2] =	stream.indirect.scatter.add.f32 [tilespmem:s18], [sflag:$0x2], $0x20, s7, s12, $0xb8;
	[tilespmem:$0x1FB00] =	vst v63  }
0x19e: {  	_ =	swait.ge [sflag:s30], $0x1000  }
0x19f: {  	[sflag:s30] =	ssyncset.done $0x0  }
0x1a0: {  	s8 =	rddreg [dreg:$0x18];
	[sflag:s30] =	ssyncadd.s32 $0xFFFFF000  }
0x1a1: {  	[spmem:s2] =	stream.indirect.scatter.add.f32 [tilespmem:s19], [sflag:$0x2], $0x20, s8, s12, $0xb8;
	[tilespmem:$0x1FB00] =	vst v63  }
0x1a2: {  	_ =	swait.ge [sflag:s30], $0x1000  }
0x1a3: {  	[sflag:s30] =	ssyncset.done $0x0  }
0x1a4: {  	s9 =	rddreg [dreg:$0x19];
	[sflag:s30] =	ssyncadd.s32 $0xFFFFF000  }
0x1a5: {  	[spmem:s2] =	stream.indirect.scatter.add.f32 [tilespmem:s20], [sflag:$0x2], $0x20, s9, s12, $0xb8;
	[tilespmem:$0x1FB00] =	vst v63  }
0x1a6: {  	_ =	swait.ge [sflag:s30], $0x1000  }
0x1a7: {  	[sflag:s30] =	ssyncset.done $0x0  }
0x1a8: {  	s7 =	rddreg [dreg:$0x1a];
	[sflag:s30] =	ssyncadd.s32 $0xFFFFF000  }
0x1a9: {  	[spmem:s2] =	stream.indirect.scatter.add.f32 [tilespmem:s21], [sflag:$0x2], $0x20, s7, s12, $0xb8;
	[tilespmem:$0x1FB00] =	vst v63  }
0x1aa: {  	_ =	swait.ge [sflag:s30], $0x1000  }
0x1ab: {  	[sflag:s30] =	ssyncset.done $0x0  }
0x1ac: {  	s8 =	rddreg [dreg:$0x1b];
	[sflag:s30] =	ssyncadd.s32 $0xFFFFF000  }
0x1ad: {  	[spmem:s2] =	stream.indirect.scatter.add.f32 [tilespmem:s22], [sflag:$0x2], $0x20, s8, s12, $0xb8;
	[tilespmem:$0x1FB00] =	vst v63  }
0x1ae: {  	_ =	swait.ge [sflag:s30], $0x1000  }
0x1af: {  	[sflag:s30] =	ssyncset.done $0x0  }
0x1b0: {  	s9 =	rddreg [dreg:$0x1c];
	[sflag:s30] =	ssyncadd.s32 $0xFFFFF000  }
0x1b1: {  	[spmem:s2] =	stream.indirect.scatter.add.f32 [tilespmem:s23], [sflag:$0x2], $0x20, s9, s12, $0xb8;
	[tilespmem:$0x1FB00] =	vst v63  }
0x1b2: {  	_ =	swait.ge [sflag:s30], $0x1000  }
0x1b3: {  	[sflag:s30] =	ssyncset.done $0x0  }
0x1b4: {  	s7 =	rddreg [dreg:$0x1d];
	[sflag:s30] =	ssyncadd.s32 $0xFFFFF000  }
0x1b5: {  	[spmem:s2] =	stream.indirect.scatter.add.f32 [tilespmem:s24], [sflag:$0x2], $0x20, s7, s12, $0xb8;
	[tilespmem:$0x1FB00] =	vst v63  }
0x1b6: {  	_ =	swait.ge [sflag:s30], $0x1000  }
0x1b7: {  	[sflag:s30] =	ssyncset.done $0x0  }
0x1b8: {  	s8 =	rddreg [dreg:$0x1e];
	[sflag:s30] =	ssyncadd.s32 $0xFFFFF000  }
0x1b9: {  	[spmem:s2] =	stream.indirect.scatter.add.f32 [tilespmem:s25], [sflag:$0x2], $0x20, s8, s12, $0xb8;
	[tilespmem:$0x1FB00] =	vst v63  }
0x1ba: {  	_ =	swait.ge [sflag:s30], $0x1000  }
0x1bb: {  	[sflag:s30] =	ssyncset.done $0x0  }
0x1bc: {  	[sflag:s30] =	ssyncadd.s32 $0xFFFFF000  }
0x1bd: {  	[spmem:s2] =	stream.indirect.scatter.add.f32 [tilespmem:s26], [sflag:$0x2], $0x20, s31, s12, $0xb8;
	[tilespmem:$0x1FB00] =	vst v63  }
0x1be: {  	_ =	swait.ge [sflag:s30], $0x1000  }
0x1bf: {  	[sflag:s30] =	ssyncset.done $0x0  }
0x1c0: {  	[sflag:s30] =	ssyncadd.s32 $0xFFFFF000  }
0x1c1: {  	[spmem:s2] =	stream.indirect.scatter.add.f32 [tilespmem:s28], [sflag:$0x2], $0x20, s0, s12, $0xb8;
	[tilespmem:$0x1FB00] =	vst v63  }
0x1c2: {  	_ =	swait.ge [sflag:s30], $0x1000  }
0x1c3: {  	[sflag:s30] =	ssyncset.done $0x0  }
0x1c4: {  	[sflag:s30] =	ssyncadd.s32 $0xFFFFF000  }
0x1c5: {  	[spmem:s2] =	stream.indirect.scatter.add.f32 [tilespmem:s29], [sflag:$0x2], $0x20, s1, s12, $0xb8;
	[tilespmem:$0x1FB00] =	vst v63  }
0x1c6: {  	_ =	swait.ge [sflag:s5], $0x1000  }
0x1c7: {  	[sflag:s5] =	ssyncset.done $0x0  }
0x1c8: {  	[sflag:s5] =	ssyncadd.s32 $0xFFFFF000  }
0x1c9: {  	_ =	swait.ge [sflag:s5], $0x1000  }
0x1ca: {  	[sflag:s5] =	ssyncset.done $0x0  }
0x1cb: {  	[sflag:s5] =	ssyncadd.s32 $0xFFFFF000  }
0x1cc: {  	_ =	swait.ge [sflag:s5], $0x1000  }
0x1cd: {  	[sflag:s5] =	ssyncset.done $0x0  }
0x1ce: {  	[sflag:s5] =	ssyncadd.s32 $0xFFFFF000  }
0x1cf: {  	_ =	swait.ge [sflag:s5], $0x1000  }
0x1d0: {  	[sflag:s5] =	ssyncset.done $0x0  }
0x1d1: {  	[sflag:s5] =	ssyncadd.s32 $0xFFFFF000  }
0x1d2: {  	_ =	swait.ge [sflag:s5], $0x1000  }
0x1d3: {  	[sflag:s5] =	ssyncset.done $0x0  }
0x1d4: {  	[sflag:s5] =	ssyncadd.s32 $0xFFFFF000  }
0x1d5: {  	_ =	swait.ge [sflag:s5], $0x1000  }
0x1d6: {  	[sflag:s5] =	ssyncset.done $0x0  }
0x1d7: {  	[sflag:s5] =	ssyncadd.s32 $0xFFFFF000  }
0x1d8: {  	_ =	swait.ge [sflag:s5], $0x1000  }
0x1d9: {  	[sflag:s5] =	ssyncset.done $0x0  }
0x1da: {  	[sflag:s5] =	ssyncadd.s32 $0xFFFFF000  }
0x1db: {  	_ =	swait.ge [sflag:s5], $0x1000  }
0x1dc: {  	[sflag:s5] =	ssyncset.done $0x0  }
0x1dd: {  	[sflag:s5] =	ssyncadd.s32 $0xFFFFF000  }
0x1de: {  	_ =	swait.ge [sflag:s5], $0x1000  }
0x1df: {  	[sflag:s5] =	ssyncset.done $0x0  }
0x1e0: {  	[sflag:s5] =	ssyncadd.s32 $0xFFFFF000  }
0x1e1: {  	_ =	swait.ge [sflag:s5], $0x1000  }
0x1e2: {  	[sflag:s5] =	ssyncset.done $0x0  }
0x1e3: {  	[sflag:s5] =	ssyncadd.s32 $0xFFFFF000  }
0x1e4: {  	_ =	swait.ge [sflag:s5], $0x1000  }
0x1e5: {  	[sflag:s5] =	ssyncset.done $0x0  }
0x1e6: {  	[sflag:s5] =	ssyncadd.s32 $0xFFFFF000  }
0x1e7: {  	_ =	swait.ge [sflag:s5], $0x1000  }
0x1e8: {  	[sflag:s5] =	ssyncset.done $0x0  }
0x1e9: {  	[sflag:s5] =	ssyncadd.s32 $0xFFFFF000  }
0x1ea: {  	_ =	swait.ge [sflag:s5], $0x1000  }
0x1eb: {  	[sflag:s5] =	ssyncset.done $0x0  }
0x1ec: {  	[sflag:s5] =	ssyncadd.s32 $0xFFFFF000  }
0x1ed: {  	_ =	swait.ge [sflag:s5], $0x1000  }
0x1ee: {  	[sflag:s5] =	ssyncset.done $0x0  }
0x1ef: {  	[sflag:s5] =	ssyncadd.s32 $0xFFFFF000  }
0x1f0: {  	_ =	swait.ge [sflag:s5], $0x1000  }
0x1f1: {  	[sflag:s5] =	ssyncset.done $0x0  }
0x1f2: {  	[sflag:s5] =	ssyncadd.s32 $0xFFFFF000  }
0x1f3: {  	_ =	swait.ge [sflag:s5], $0x1000  }
0x1f4: {  	[sflag:s5] =	ssyncset.done $0x0  }
0x1f5: {  	[sflag:s5] =	ssyncadd.s32 $0xFFFFF000  }
0x1f6: {  	[bflag:$0x0] =	sbarrier.arrive $0xFFFF  }
0x1f7: {  	s7 =	sld [smem:$0x7FC]  }
0x1f8: {  	s9 =	sld [smem:$0x7FA]  }
0x1f9: {  	s8 =	sld [smem:$0x7FD];
	_ =	sdelay $0x2  }
0x1fa: {  	[hbm:s9], [sflag:s7] =	dma.local [spmem:s8], $0x1D60  }
0x1fb: {  	_ =	swait.ge [sflag:s10], $0x1D60  }
0x1fc: {  	s6 =	sld [smem:$0x7F9];
	_ =	sdelay $0x2  }
0x1fd: {  	s9 =	sadd.s32 $0x1, s6;
	s6 =	sld [smem:$0x7FB];
	_ =	sdelay $0x2  }
0x1fe: {  	p0 =	sne.s32 s9, s6  }
.Ltmp1:
0x1ff: {  	_ = 	snop;
	(pc) =	sbr.rel @p0 .LBB2_1-.Ltmp1, $3  }
0x200: {  	_ =	sdelay $0x1  }
0x201: {  	[sflag:s10] =	ssyncset.done $0x0  }
0x202: {  	[sflag:s10] =	ssyncadd.s32 $0xFFFFE2A0  }
0x203: {  	_ =	sfence.sel $0x180000  }
0x204: {  	[bflag:$0x0] =	sbarrier.arrive $0xFFFF  }
0x205: {  	_ =	strace $0x90000050  }
0x206: {  	s0 =	stileid.u32;
	[bflag:$0x2] =	sbarrier.arrive $0xFFFF  }
0x207: {  	p0 =	sne.s32 s0, $0x0;
	s0 =	rddreg [dreg:$0x2]  }
0x208: {  	s0 =	sadd.s32 @!p0 $0x100000, s0  }
0x209: {  	[sflag:s0] =	ssyncadd.tile.s32 @!p0 $0x1;
	_ =	shalt  }
.Lfunc_end2:
_tile_overlayer_lowered:
.L_overlay_start_2:
0x20a: {  	(tag) =	ssettag $0x2  }
0x20b: {  	s0 =	rddreg [dreg:$0x0];
	s2 =	stileid.u32  }
0x20c: {  	s1 =	rddreg [dreg:$0x1];
	p0 =	sne.s32 s2, $0x0  }
0x20d: {  	s3 =	rddreg [dreg:$0x2];
	[bflag:$0x3] =	sbarrier.arrive $0xFFFF;
	s2 =	simm.s32 @!p0 $0x1C03  }
0x20e: {  	[timem:s3], [sflag:s2] =	dma.local @!p0 [hbm:s0], s1  }
0x20f: {  	s0 =	simm.s32 @!p0 $0x3  }
0x210: {  	_ =	swait.ge @!p0 [sflag:s0], s1  }
0x211: {  	s1 =	ssub.s32 @!p0 $0x0, s1;
	[sflag:s0] =	ssyncset.done @!p0 $0x0  }
0x212: {  	[sflag:s0] =	ssyncadd.s32 @!p0 s1  }
0x213: {  	[bflag:$0x3] =	sbarrier.arrive $0xFFFF  }
0x214: {  	_ =	shalt  }

// kernel: kernel.22.cloned.1.call-start
scs
__scs_entry_jumppad:
0x0: {  	(pc) =	sbr.rel $0x88, $3  }
0x1: {  	(tag) =	ssettag $0x0;
	lr =	simm.s32 $0x1  }
0x2: {  	[smem:$0x3F92] =	sst lr;
	_ =	strace $0xD0000000  }
0x3: {  	_ = 	snop  }
0x4: {  	_ = 	snop  }
0x5: {  	_ = 	snop  }
0x6: {  	_ = 	snop  }
0x7: {  	_ = 	snop  }
__scs_overlays_trampoline_lowered:
0x8: {  	[smem:$0x3FA1] =	sst s0  }
0x9: {  	[smem:$0x3FA2] =	sst s1  }
0xa: {  	[smem:$0x3FA3] =	sst s2  }
0xb: {  	[smem:$0x3FA4] =	sst s3  }
0xc: {  	[smem:$0x3FA5] =	sst s4  }
0xd: {  	[smem:$0x3FA6] =	sst s5  }
0xe: {  	[smem:$0x3FA7] =	sst s6  }
0xf: {  	[smem:$0x3FA8] =	sst s7  }
0x10: {  	[smem:$0x3FA9] =	sst s8  }
0x11: {  	[smem:$0x3FAA] =	sst s9;
	s0 =	simm.s32 @!p0 $0x0  }
0x12: {  	s1 =	sld [smem:$0x3F90];
	s0 =	simm.s32 @p0 $0x1  }
0x13: {  	[smem:$0x3FAB] =	sst s0;
	s0 =	simm.s32 @!p1 $0x0  }
0x14: {  	s2 =	sld [smem:$0x3F8F];
	s0 =	simm.s32 @p1 $0x1  }
0x15: {  	[smem:$0x3FAC] =	sst s0;
	s0 =	simm.s32 @!p2 $0x0  }
0x16: {  	s3 =	sld [smem:$0x3FDB];
	s0 =	simm.s32 @p2 $0x1  }
0x17: {  	s4 =	simm.s32 $0x1BF5;
	[smem:$0x3FAE] =	sst s0  }
0x18: {  	s0 =	sld [smem:$0x3F91];
	_ =	swait.ge [sflag:s4], $0x0  }
0x19: {  	s7 =	sld [smem:$0x3F92]  }
0x1a: {  	s8 =	sadd.s32 $0xFFFFE003, lr  }
0x1b: {  	s9 =	sadd.s32 $0xFFFFFEF7, lr;
	s5 =	simm.s32 $0xFFFFFFFF;
	p2 =	slt.u32 s8, $0xFFFFF086  }
0x1c: {  	p1 =	slt.u32 s9, $0xF7A;
	s5 =	simm.s32 @!p2 $0x0  }
0x1d: {  	s5 =	simm.s32 @p1 $0x1;
	p0 =	seq.s32 s7, s2  }
0x1e: {  	s7 =	smul.u32 @!p0 $0xF7A, s2;
	p2 =	seq.s32 @!p0 s5, $0x0  }
0x1f: {  	s9 =	smul.u32 $0xF7A, s1;
	s8 =	simm.s32 @!p0 $0x1BF5;
	p2 =	por !p2, p0  }
0x20: {  	[sflag:s8] =	ssyncset.s32 @!p0 $0xFFFFF086;
	s6 =	sadd.s32 @!p0 s3, s7;
	s7 =	simm.s32 @!p0 $0x108  }
0x21: {  	s3 =	sadd.s32 s3, s9;
	s6 =	sadd.s32 @!p0 $0x88, s6;
	s7 =	simm.s32 @p2 $0x1082  }
0x22: {  	[simem:s7], [sflag:s8] =	dma.local @!p0 [hbm:s6], $0xF7A  }
0x23: {  	s9 =	sor.u32 $0xD0000000, s2;
	s6 =	simm.s32 $0x108;
	_ =	swait.ge @!p0 [sflag:s8], $0x0  }
0x24: {  	s3 =	sadd.s32 $0x88, s3;
	s6 =	simm.s32 @!p1 $0x1082;
	[sflag:s4] =	ssyncset.s32 $0xFFFFF086  }
0x25: {  	[simem:s6], [sflag:s4] =	dma.local [hbm:s3], $0xF7A  }
0x26: {  	[smem:$0x3F92] =	sst s1;
	(tag) =	ssettag s2;
	_ =	strace s9  }
0x27: {  	s1 =	sld [smem:$0x3FA2]  }
0x28: {  	s2 =	sld [smem:$0x3FA3]  }
0x29: {  	s4 =	sld [smem:$0x3FA5]  }
0x2a: {  	p0 =	seq.s32 s5, $0x0;
	s5 =	sld [smem:$0x3FA6]  }
0x2b: {  	s6 =	sld [smem:$0x3FA7]  }
0x2c: {  	s7 =	sld [smem:$0x3FA8]  }
0x2d: {  	s3 =	simm.s32 $0x108;
	s8 =	sld [smem:$0x3FA9]  }
0x2e: {  	s3 =	simm.s32 @!p0 $0x1082;
	s9 =	sld [smem:$0x3FAA]  }
0x2f: {  	lr =	sadd.s32 s0, s3;
	s0 =	sld [smem:$0x3FA1]  }
0x30: {  	s3 =	sld [smem:$0x3FA4]  }
0x31: {  	[smem:$0x3FAD] =	sst s10  }
0x32: {  	s10 =	sld [smem:$0x3FAB];
	_ =	sdelay $0x3  }
0x33: {  	p0 =	seq.s32 s10, $0x1;
	s10 =	sld [smem:$0x3FAD];
	_ =	sdelay $0x3  }
0x34: {  	[smem:$0x3FAD] =	sst s10  }
0x35: {  	s10 =	sld [smem:$0x3FAC];
	_ =	sdelay $0x3  }
0x36: {  	p1 =	seq.s32 s10, $0x1;
	s10 =	sld [smem:$0x3FAD];
	_ =	sdelay $0x3  }
0x37: {  	[smem:$0x3FAD] =	sst s10  }
0x38: {  	s10 =	sld [smem:$0x3FAE]  }
0x39: {  	_ = 	snop;
	(pc) =	sbr.ind lr, $3  }
0x3a: {  	_ = 	snop  }
0x3b: {  	_ = 	snop  }
0x3c: {  	p2 =	seq.s32 s10, $0x1;
	s10 =	sld [smem:$0x3FAD]  }
0x3d: {  	_ =	shalt  }
0x3e: {  	_ =	shalt  }
0x3f: {  	_ =	shalt  }
0x40: {  	_ =	shalt  }
0x41: {  	_ =	shalt  }
0x42: {  	_ =	shalt  }
0x43: {  	_ =	shalt  }
0x44: {  	_ =	shalt  }
0x45: {  	_ =	shalt  }
0x46: {  	_ =	shalt  }
0x47: {  	_ =	shalt  }
0x48: {  	_ =	shalt  }
0x49: {  	_ =	shalt  }
0x4a: {  	_ =	shalt  }
0x4b: {  	_ =	shalt  }
0x4c: {  	_ =	shalt  }
0x4d: {  	_ =	shalt  }
0x4e: {  	_ =	shalt  }
0x4f: {  	_ =	shalt  }
0x50: {  	_ =	shalt  }
0x51: {  	_ =	shalt  }
0x52: {  	_ =	shalt  }
0x53: {  	_ =	shalt  }
0x54: {  	_ =	shalt  }
0x55: {  	_ =	shalt  }
0x56: {  	_ =	shalt  }
0x57: {  	_ =	shalt  }
0x58: {  	_ =	shalt  }
0x59: {  	_ =	shalt  }
0x5a: {  	_ =	shalt  }
0x5b: {  	_ =	shalt  }
0x5c: {  	_ =	shalt  }
0x5d: {  	_ =	shalt  }
0x5e: {  	_ =	shalt  }
0x5f: {  	_ =	shalt  }
0x60: {  	_ =	shalt  }
0x61: {  	_ =	shalt  }
0x62: {  	_ =	shalt  }
0x63: {  	_ =	shalt  }
0x64: {  	_ =	shalt  }
0x65: {  	_ =	shalt  }
0x66: {  	_ =	shalt  }
0x67: {  	_ =	shalt  }
0x68: {  	_ =	shalt  }
0x69: {  	_ =	shalt  }
0x6a: {  	_ =	shalt  }
0x6b: {  	_ =	shalt  }
0x6c: {  	_ =	shalt  }
0x6d: {  	_ =	shalt  }
0x6e: {  	_ =	shalt  }
0x6f: {  	_ =	shalt  }
0x70: {  	_ =	shalt  }
0x71: {  	_ =	shalt  }
0x72: {  	_ =	shalt  }
0x73: {  	_ =	shalt  }
0x74: {  	_ =	shalt  }
0x75: {  	_ =	shalt  }
0x76: {  	_ =	shalt  }
0x77: {  	_ =	shalt  }
0x78: {  	_ =	shalt  }
0x79: {  	_ =	shalt  }
0x7a: {  	_ =	shalt  }
0x7b: {  	_ =	shalt  }
0x7c: {  	_ =	shalt  }
0x7d: {  	_ =	shalt  }
0x7e: {  	_ =	shalt  }
0x7f: {  	_ =	shalt  }
0x80: {  	_ =	shalt  }
0x81: {  	_ =	shalt  }
0x82: {  	_ =	shalt  }
0x83: {  	_ =	shalt  }
0x84: {  	_ =	shalt  }
0x85: {  	_ =	shalt  }
0x86: {  	_ =	shalt  }
0x87: {  	_ =	shalt  }
.Lfunc_end0:
.L_simem_size_0:
called_computation.4_lowered:
.L_overlay_start_0:
0x88: {  	s2 =	sld [smem:$0x3FD9]  }
0x89: {  	s3 =	sld [smem:$0x3FFE];
	_ =	sdelay $0x1  }
0x8a: {  	s1 =	srdreg.scid  }
0x8b: {  	s0 =	sand.u32 $0x1, s1  }
0x8c: {  	s17 =	sshll.u32 s0, $0xA;
	s2 =	sadd.s32 s3, s2  }
0x8d: {  	s2 =	sadd.s32 s2, s17  }
0x8e: {  	[smem:$0x3FB9] =	sst s2  }
0x8f: {  	_ = 	snop  }
0x90: {  	(tm) =	ssettm $0x1  }
0x91: {  	s18 =	sld [smem:$0x3FFB];
	_ =	sdelay $0x3  }
0x92: {  	_ =	strace s18  }
0x93: {  	s2 =	sld [smem:$0x3FFC];
	_ =	sdelay $0x3  }
0x94: {  	_ =	strace s2  }
0x95: {  	s2 =	sld [smem:$0x3FFD];
	_ =	sdelay $0x3  }
0x96: {  	_ =	strace s2  }
0x97: {  	_ =	strace $0x8FFFFFFF  }
0x98: {  	s19 =	sld [smem:$0x3FDB];
	_ =	sdelay $0x1  }
0x99: {  	s20 =	simm.s32 $_scs_section_size  }
0x9a: {  	s4 =	simm.s32 $_size__tile_overlayer_lowered;
	s5 =	simm.s32 $_tile_overlayer_lowered  }
0x9b: {  	s6 =	simm.s32 $0x1BFF;
	s21 =	sshll.u32 s5, $0x1;
	s3 =	sadd.s32 s20, s19  }
0x9c: {  	s22 =	simm.s32 $0x0;
	s4 =	sshll.u32 s4, $0x1;
	s5 =	sadd.s32 s21, s3  }
0x9d: {  	[timem:s22], [sflag:s6] =	dma.local [hbm:s5], s4  }
0x9e: {  	_ =	swait.ge [sflag:s6], s4  }
0x9f: {  	s4 =	ssub.s32 $0x0, s4;
	[sflag:s6] =	ssyncset.done $0x0  }
0xa0: {  	[sflag:s6] =	ssyncadd.s32 s4;
	_ =	sdelay $0x1  }
0xa1: {  	s23 =	simm.s32 $0x1B8B  }
0xa2: {  	_ =	swait.ge [sflag:s23], $0x1  }
0xa3: {  	[sflag:s23] =	ssyncset.done $0x0  }
0xa4: {  	[sflag:s23] =	ssyncadd.s32 $0xFFFFFFFF  }
0xa5: {  	s4 =	sld [smem:$0x0]  }
0xa6: {  	s5 =	sand.u32 $0xFFFFFFFE, s1  }
0xa7: {  	p0 =	sne.s32 s1, s5  }
0xa8: {  	s5 =	sshll.u32 @p0 s5, $0xE  }
0xa9: {  	s5 =	sadd.s32 @p0 $0x11B8D, s5;
	s6 =	sshll.u32 @p0 s4, $0x11  }
0xaa: {  	s5 =	sor.u32 @p0 s6, s5  }
0xab: {  	[sflag:s5] =	ssyncadd.remote.s32 @p0 $0x1;
	_ =	sdelay $0x1  }
0xac: {  	s5 =	simm.s32 @p0 $0x1B8D  }
0xad: {  	_ =	swait.eq @p0 [sflag:s5], $0x1  }
0xae: {  	[sflag:s5] =	ssyncadd.s32 @p0 $0xFFFFFFFF  }
0xaf: {  	s6 =	sshll.u32 @!p0 s1, $0xE  }
0xb0: {  	s6 =	sor.u32 @!p0 $0x4000, s6;
	s5 =	simm.s32 @!p0 $0x1B8D  }
0xb1: {  	s4 =	sshll.u32 @!p0 s4, $0x11;
	s6 =	sadd.s32 @!p0 $0x11B8D, s6;
	_ =	swait.eq @!p0 [sflag:s5], $0x1  }
0xb2: {  	s4 =	sor.u32 @!p0 s4, s6;
	[sflag:s5] =	ssyncadd.s32 @!p0 $0xFFFFFFFF  }
0xb3: {  	s25 =	simm.s32 $0x1B8E;
	s24 =	sld [smem:$0x3FFE];
	[sflag:s4] =	ssyncadd.remote.s32 @!p0 $0x1  }
0xb4: {  	s26 =	simm.s32 $execute0_lowered;
	[smem:$0x3FD2] =	sst s25  }
0xb5: {  	s5 =	sshll.u32 s26, $0x1;
	_ =	strace $0x80000052;
	[dreg:$0x1] =	wrdreg $0xFFFFFFFF  }
0xb6: {  	s28 =	simm.s32 $_size_execute0_lowered;
	s3 =	sadd.s32 s3, s5;
	[dreg:$0x0] =	wrdreg $0x0  }
0xb7: {  	s5 =	sshll.u32 s28, $0x1;
	[dreg:$0x2] =	wrdreg s3  }
0xb8: {  	[dreg:$0x3] =	wrdreg s5  }
0xb9: {  	[dreg:$0x4] =	wrdreg $0xC0  }
0xba: {  	_ =	task [dreg:s22], $0x5FFFF  }
0xbb: {  	[dreg:$0x1] =	wrdreg $0xFFFFFFFF  }
0xbc: {  	[dreg:$0x0] =	wrdreg $0x60  }
0xbd: {  	[dreg:$0x2] =	wrdreg s24  }
0xbe: {  	[dreg:$0x3] =	wrdreg $0x110000  }
0xbf: {  	[dreg:$0x4] =	wrdreg $0xA  }
0xc0: {  	_ =	task.clear_ibuf [dreg:s22], $0x5FFFF;
	_ =	strace $0x90000052  }
0xc1: {  	s29 =	simm.s32 $0xA;
	_ =	strace $0x80000054  }
0xc2: {  	_ =	swait.ge [sflag:s29], $0x1  }
0xc3: {  	[sflag:s29] =	ssyncadd.s32 $0xFFFFFFFF  }
0xc4: {  	_ =	strace $0x90000054  }
0xc5: {  	_ =	sfence  }
0xc6: {  	s30 =	sld [smem:$0x0];
	_ =	sdelay $0x2  }
0xc7: {  	s31 =	sshll.u32 s1, $0xD;
	s1 =	sshrl.u32 s1, $0x2  }
0xc8: {  	s4 =	sand.u32 $0x4000, s31;
	s1 =	sadd.s32 s1, s30  }
0xc9: {  	s0 =	sor.u32 s4, s0;
	s1 =	sshll.u32 s1, $0x11  }
0xca: {  	s0 =	sor.u32 s1, s0  }
0xcb: {  	s0 =	sadd.s32 $0x8F2B, s0  }
0xcc: {  	[sflag:s0] =	ssyncadd.remote.s32 $0x1  }
0xcd: {  	_ =	sfence.sel $0xFFFF  }
0xce: {  	[dreg:$0x0] =	wrdreg $0xFFFFFFFF;
	(pc) =	sbr.abs _section_cstart, $3  }
0xcf: {  	[dreg:$0x1] =	wrdreg $0xFFFFFFFF  }
0xd0: {  	_ =	task.clear_ibuf [dreg:s22], $0x2FFFF;
	_ =	strace $0x9FFFFFFF  }
0xd1: {  	(tm) =	ssettm $0x7FFFFFFF  }
tec
execute0_lowered:
.L_overlay_start_1:
0x0: {  	(tag) =	ssettag $0x1  }
0x1: {  	s0 =	rddreg [dreg:$0x0]  }
0x2: {  	s2 =	rddreg [dreg:$0x1];
	s10 =	stileid.u32;
	s3 =	simm.s32 $0x0  }
0x3: {  	s4 =	srdreg.scid;
	s15 =	simm.s32 $0x880;
	s16 =	simm.s32 $0x900  }
0x4: {  	s18 =	simm.s32 $0x980;
	[smem:$0x7FF] =	sst s3;
	s9 =	sadd.s32 $0x43E00, s0  }
0x5: {  	s20 =	simm.s32 $0xA00;
	_ =	strace $0x80000053;
	[dreg:$0x1f] =	wrdreg s9  }
0x6: {  	s21 =	simm.s32 $0xA80;
	s23 =	simm.s32 $0xB00;
	[dreg:$0x5] =	wrdreg s15  }
0x7: {  	s24 =	simm.s32 $0xB80;
	s26 =	simm.s32 $0xC00;
	[dreg:$0x6] =	wrdreg s16  }
0x8: {  	s11 =	simm.s32 $0xD80;
	s12 =	simm.s32 $0xE00;
	[dreg:$0x7] =	wrdreg s18  }
0x9: {  	s13 =	simm.s32 $0xE80;
	s28 =	simm.s32 $0xF000;
	[dreg:$0x8] =	wrdreg s20  }
0xa: {  	s29 =	simm.s32 $0x10000;
	s30 =	simm.s32 $0x1;
	[dreg:$0x9] =	wrdreg s21  }
0xb: {  	s31 =	simm.s32 $0x680;
	s1 =	smul.u32 $0xA00, s10;
	[dreg:$0xa] =	wrdreg s23  }
0xc: {  	s5 =	sand.u32 $0x1, s4;
	s6 =	smul.u32 $0x1D60, s10;
	[dreg:$0xb] =	wrdreg s24  }
0xd: {  	s4 =	sadd.s32 $0x5400, s0;
	s19 =	smul.u32 $0x3AC00, s10;
	[dreg:$0xc] =	wrdreg s26  }
0xe: {  	s25 =	sshll.u32 s10, $0x6;
	s7 =	smul.u32 $0xA000, s5;
	[dreg:$0xf] =	wrdreg s11  }
0xf: {  	s8 =	smul.u32 $0x1D600, s5;
	s5 =	ssub.s32 $0x2, s5;
	[dreg:$0x10] =	wrdreg s12  }
0x10: {  	s9 =	simm.s32 $0xD00;
	s11 =	simm.s32 $0x800;
	[dreg:$0x11] =	wrdreg s13  }
0x11: {  	s12 =	simm.s32 $0x80;
	s15 =	simm.s32 $0xF80;
	s13 =	simm.s32 $0x1000  }
0x12: {  	s16 =	simm.s32 $0x100;
	s18 =	simm.s32 $0x200;
	[dreg:$0xe] =	wrdreg s9  }
0x13: {  	s20 =	simm.s32 $0x300;
	s21 =	simm.s32 $0x380;
	[dreg:$0x13] =	wrdreg s15  }
0x14: {  	s23 =	simm.s32 $0x480;
	s24 =	simm.s32 $0x500;
	[dreg:$0x14] =	wrdreg s16  }
0x15: {  	s26 =	simm.s32 $0x600;
	s1 =	sadd.s32 s1, s0;
	[dreg:$0x16] =	wrdreg s18  }
0x16: {  	s17 =	sshrl.u32 s5, $0x1;
	s22 =	sshrl.u32 s19, $0x2;
	[dreg:$0x18] =	wrdreg s20  }
0x17: {  	s15 =	simm.s32 $0x3000;
	s16 =	simm.s32 $0x4000;
	[dreg:$0x19] =	wrdreg s21  }
0x18: {  	s19 =	simm.s32 $0x280;
	s18 =	simm.s32 $0x6000;
	[dreg:$0x1b] =	wrdreg s23  }
0x19: {  	s20 =	simm.s32 $0x8000;
	s21 =	simm.s32 $0x9000;
	[dreg:$0x1c] =	wrdreg s24  }
0x1a: {  	s23 =	simm.s32 $0xB000;
	s24 =	simm.s32 $0xC000;
	[dreg:$0x1e] =	wrdreg s26  }
0x1b: {  	s26 =	simm.s32 $0xE000;
	s9 =	simm.s32 $0x0;
	s14 =	sadd.s32 $0x26400, s1  }
0x1c: {  	s1 =	sadd.s32 s7, s1;
	s6 =	sadd.s32 s6, s8;
	[dreg:$0x17] =	wrdreg s19  }
0x1d: {  	s5 =	ssub.s32 s5, s17;
	s8 =	simm.s32 $0xC80;
	[dreg:$0x3] =	wrdreg s14  }
0x1e: {  	s7 =	sor.u32 $0x1C03, s25;
	s17 =	simm.s32 $0x180;
	[dreg:$0xd] =	wrdreg s8  }
0x1f: {  	s19 =	simm.s32 $0x7000;
	s25 =	simm.s32 $0x580;
	[dreg:$0x15] =	wrdreg s17  }
0x20: {  	s1 =	sadd.s32 $0x4EC00, s1;
	s0 =	sadd.s32 s6, s0;
	[dreg:$0x1d] =	wrdreg s25  }
0x21: {  	s6 =	sadd.s32 s22, s2;
	s10 =	smax.u32 s5, $0x1;
	[smem:$0x7FC] =	sst s7  }
0x22: {  	s14 =	simm.s32 $0xF00;
	s17 =	simm.s32 $0x5000;
	[dreg:$0x4] =	wrdreg s1  }
0x23: {  	s22 =	simm.s32 $0x400;
	s25 =	simm.s32 $0xD000;
	[smem:$0x7FB] =	sst s10  }
0x24: {  	s5 =	simm.s32 $0x2;
	s0 =	sadd.s32 $0xE2000, s0;
	[dreg:$0x12] =	wrdreg s14  }
0x25: {  	s8 =	sshrl.u32 s6, $0x3;
	s10 =	simm.s32 $0x3;
	[dreg:$0x1a] =	wrdreg s22  }
0x26: {  	s14 =	simm.s32 $0x2000;
	s22 =	simm.s32 $0xA000;
	[smem:$0x7FA] =	sst s0  }
0x27: {  	s1 =	simm.s32 $0x780;
	s0 =	simm.s32 $0x700;
	[smem:$0x7FD] =	sst s8  }
.LBB2_1:
0x28: {  	[smem:$0x7F9] =	sst s9  }
0x29: {  	s6 =	rddreg [dreg:$0x1f]  }
0x2a: {  	[spmem:s8], [sflag:s7] =	dma.local [hbm:s6], $0x1D60  }
0x2b: {  	_ =	swait.ge [sflag:s10], $0x1D60  }
0x2c: {  	[sflag:s10] =	ssyncset.done $0x0  }
0x2d: {  	[sflag:s10] =	ssyncadd.s32 $0xFFFFE2A0  }
0x2e: {  	[bflag:$0x0] =	sbarrier.arrive $0xFFFF  }
0x2f: {  	s9 =	rddreg [dreg:$0x3]  }
0x30: {  	s6 =	sadd.s32 $0x0, s9  }
0x31: {  	[tilespmem:s3], [sflag:$0x3] =	stream.linear.gather [hbm4b:s6+s3], $0x800, $0x38;
	[tilespmem:$0x1FB00] =	vst v63  }
0x32: {  	_ =	swait.ge [sflag:s10], $0x800  }
0x33: {  	s7 =	rddreg [dreg:$0x4];
	[sflag:s10] =	ssyncset.done $0x0  }
0x34: {  	[sflag:s10] =	ssyncadd.s32 $0xFFFFF800;
	s6 =	sadd.s32 $0x0, s7  }
0x35: {  	[tilespmem:s11], [sflag:$0x3] =	stream.linear.gather [hbm4b:s6+s3], $0x800, $0x38;
	[tilespmem:$0x1FB00] =	vst v63  }
0x36: {  	_ =	swait.ge [sflag:s10], $0x800  }
0x37: {  	[sflag:s10] =	ssyncset.done $0x0  }
0x38: {  	[sflag:s10] =	ssyncadd.s32 $0xFFFFF800  }
0x39: {  	[tilespmem:s13], [sflag:$0x1] =	stream.indirect.gather [hbm4b:s4+s12], $0x20, s11, s12, $0xb8;
	[tilespmem:$0x1FB00] =	vst v63  }
0x3a: {  	s8 =	rddreg [dreg:$0x5]  }
0x3b: {  	[tilespmem:s14], [sflag:$0x1] =	stream.indirect.gather [hbm4b:s4+s12], $0x20, s8, s12, $0xb8;
	[tilespmem:$0x1FB00] =	vst v63  }
0x3c: {  	s9 =	rddreg [dreg:$0x6]  }
0x3d: {  	[tilespmem:s15], [sflag:$0x1] =	stream.indirect.gather [hbm4b:s4+s12], $0x20, s9, s12, $0xb8;
	[tilespmem:$0x1FB00] =	vst v63  }
0x3e: {  	s7 =	rddreg [dreg:$0x7]  }
0x3f: {  	[tilespmem:s16], [sflag:$0x1] =	stream.indirect.gather [hbm4b:s4+s12], $0x20, s7, s12, $0xb8;
	[tilespmem:$0x1FB00] =	vst v63  }
0x40: {  	s9 =	rddreg [dreg:$0x8]  }
0x41: {  	[tilespmem:s17], [sflag:$0x1] =	stream.indirect.gather [hbm4b:s4+s12], $0x20, s9, s12, $0xb8;
	[tilespmem:$0x1FB00] =	vst v63  }
0x42: {  	s7 =	rddreg [dreg:$0x9]  }
0x43: {  	[tilespmem:s18], [sflag:$0x1] =	stream.indirect.gather [hbm4b:s4+s12], $0x20, s7, s12, $0xb8;
	[tilespmem:$0x1FB00] =	vst v63  }
0x44: {  	s9 =	rddreg [dreg:$0xa]  }
0x45: {  	[tilespmem:s19], [sflag:$0x1] =	stream.indirect.gather [hbm4b:s4+s12], $0x20, s9, s12, $0xb8;
	[tilespmem:$0x1FB00] =	vst v63  }
0x46: {  	s7 =	rddreg [dreg:$0xb]  }
0x47: {  	[tilespmem:s20], [sflag:$0x1] =	stream.indirect.gather [hbm4b:s4+s12], $0x20, s7, s12, $0xb8;
	[tilespmem:$0x1FB00] =	vst v63  }
0x48: {  	s9 =	rddreg [dreg:$0xc]  }
0x49: {  	[tilespmem:s21], [sflag:$0x1] =	stream.indirect.gather [hbm4b:s4+s12], $0x20, s9, s12, $0xb8;
	[tilespmem:$0x1FB00] =	vst v63  }
0x4a: {  	s7 =	rddreg [dreg:$0xd]  }
0x4b: {  	[tilespmem:s22], [sflag:$0x1] =	stream.indirect.gather [hbm4b:s4+s12], $0x20, s7, s12, $0xb8;
	[tilespmem:$0x1FB00] =	vst v63  }
0x4c: {  	s9 =	rddreg [dreg:$0xe]  }
0x4d: {  	[tilespmem:s23], [sflag:$0x1] =	stream.indirect.gather [hbm4b:s4+s12], $0x20, s9, s12, $0xb8;
	[tilespmem:$0x1FB00] =	vst v63  }
0x4e: {  	s7 =	rddreg [dreg:$0xf]  }
0x4f: {  	[tilespmem:s24], [sflag:$0x1] =	stream.indirect.gather [hbm4b:s4+s12], $0x20, s7, s12, $0xb8;
	[tilespmem:$0x1FB00] =	vst v63  }
0x50: {  	s9 =	rddreg [dreg:$0x10]  }
0x51: {  	[tilespmem:s25], [sflag:$0x1] =	stream.indirect.gather [hbm4b:s4+s12], $0x20, s9, s12, $0xb8;
	[tilespmem:$0x1FB00] =	vst v63  }
0x52: {  	s7 =	rddreg [dreg:$0x11]  }
0x53: {  	[tilespmem:s26], [sflag:$0x1] =	stream.indirect.gather [hbm4b:s4+s12], $0x20, s7, s12, $0xb8;
	[tilespmem:$0x1FB00] =	vst v63  }
0x54: {  	s9 =	rddreg [dreg:$0x12]  }
0x55: {  	[tilespmem:s28], [sflag:$0x1] =	stream.indirect.gather [hbm4b:s4+s12], $0x20, s9, s12, $0xb8;
	[tilespmem:$0x1FB00] =	vst v63  }
0x56: {  	s7 =	rddreg [dreg:$0x13]  }
0x57: {  	[tilespmem:s29], [sflag:$0x1] =	stream.indirect.gather [hbm4b:s4+s12], $0x20, s7, s12, $0xb8;
	[tilespmem:$0x1FB00] =	vst v63  }
0x58: {  	_ =	swait.ge [sflag:s30], $0x1000  }
0x59: {  	[sflag:s30] =	ssyncset.done $0x0  }
0x5a: {  	[sflag:s30] =	ssyncadd.s32 $0xFFFFF000  }
0x5b: {  	[spmem:s2] =	stream.indirect.scatter.add.f32 [tilespmem:s13], [sflag:$0x2], $0x20, s3, s12, $0xb8;
	[tilespmem:$0x1FB00] =	vst v63  }
0x5c: {  	_ =	swait.ge [sflag:s30], $0x1000  }
0x5d: {  	[sflag:s30] =	ssyncset.done $0x0  }
0x5e: {  	[sflag:s30] =	ssyncadd.s32 $0xFFFFF000  }
0x5f: {  	[spmem:s2] =	stream.indirect.scatter.add.f32 [tilespmem:s14], [sflag:$0x2], $0x20, s12, s12, $0xb8;
	[tilespmem:$0x1FB00] =	vst v63  }
0x60: {  	_ =	swait.ge [sflag:s30], $0x1000  }
0x61: {  	[sflag:s30] =	ssyncset.done $0x0  }
0x62: {  	s8 =	rddreg [dreg:$0x14];
	[sflag:s30] =	ssyncadd.s32 $0xFFFFF000  }
0x63: {  	[spmem:s2] =	stream.indirect.scatter.add.f32 [tilespmem:s15], [sflag:$0x2], $0x20, s8, s12, $0xb8;
	[tilespmem:$0x1FB00] =	vst v63  }
0x64: {  	_ =	swait.ge [sflag:s30], $0x1000  }
0x65: {  	[sflag:s30] =	ssyncset.done $0x0  }
0x66: {  	s9 =	rddreg [dreg:$0x15];
	[sflag:s30] =	ssyncadd.s32 $0xFFFFF000  }
0x67: {  	[spmem:s2] =	stream.indirect.scatter.add.f32 [tilespmem:s16], [sflag:$0x2], $0x20, s9, s12, $0xb8;
	[tilespmem:$0x1FB00] =	vst v63  }
0x68: {  	_ =	swait.ge [sflag:s30], $0x1000  }
0x69: {  	[sflag:s30] =	ssyncset.done $0x0  }
0x6a: {  	s7 =	rddreg [dreg:$0x16];
	[sflag:s30] =	ssyncadd.s32 $0xFFFFF000  }
0x6b: {  	[spmem:s2] =	stream.indirect.scatter.add.f32 [tilespmem:s17], [sflag:$0x2], $0x20, s7, s12, $0xb8;
	[tilespmem:$0x1FB00] =	vst v63  }
0x6c: {  	_ =	swait.ge [sflag:s30], $0x1000  }
0x6d: {  	[sflag:s30] =	ssyncset.done $0x0  }
0x6e: {  	s8 =	rddreg [dreg:$0x17];
	[sflag:s30] =	ssyncadd.s32 $0xFFFFF000  }
0x6f: {  	[spmem:s2] =	stream.indirect.scatter.add.f32 [tilespmem:s18], [sflag:$0x2], $0x20, s8, s12, $0xb8;
	[tilespmem:$0x1FB00] =	vst v63  }
0x70: {  	_ =	swait.ge [sflag:s30], $0x1000  }
0x71: {  	[sflag:s30] =	ssyncset.done $0x0  }
0x72: {  	s9 =	rddreg [dreg:$0x18];
	[sflag:s30] =	ssyncadd.s32 $0xFFFFF000  }
0x73: {  	[spmem:s2] =	stream.indirect.scatter.add.f32 [tilespmem:s19], [sflag:$0x2], $0x20, s9, s12, $0xb8;
	[tilespmem:$0x1FB00] =	vst v63  }
0x74: {  	_ =	swait.ge [sflag:s30], $0x1000  }
0x75: {  	[sflag:s30] =	ssyncset.done $0x0  }
0x76: {  	s7 =	rddreg [dreg:$0x19];
	[sflag:s30] =	ssyncadd.s32 $0xFFFFF000  }
0x77: {  	[spmem:s2] =	stream.indirect.scatter.add.f32 [tilespmem:s20], [sflag:$0x2], $0x20, s7, s12, $0xb8;
	[tilespmem:$0x1FB00] =	vst v63  }
0x78: {  	_ =	swait.ge [sflag:s30], $0x1000  }
0x79: {  	[sflag:s30] =	ssyncset.done $0x0  }
0x7a: {  	s8 =	rddreg [dreg:$0x1a];
	[sflag:s30] =	ssyncadd.s32 $0xFFFFF000  }
0x7b: {  	[spmem:s2] =	stream.indirect.scatter.add.f32 [tilespmem:s21], [sflag:$0x2], $0x20, s8, s12, $0xb8;
	[tilespmem:$0x1FB00] =	vst v63  }
0x7c: {  	_ =	swait.ge [sflag:s30], $0x1000  }
0x7d: {  	[sflag:s30] =	ssyncset.done $0x0  }
0x7e: {  	s9 =	rddreg [dreg:$0x1b];
	[sflag:s30] =	ssyncadd.s32 $0xFFFFF000  }
0x7f: {  	[spmem:s2] =	stream.indirect.scatter.add.f32 [tilespmem:s22], [sflag:$0x2], $0x20, s9, s12, $0xb8;
	[tilespmem:$0x1FB00] =	vst v63  }
0x80: {  	_ =	swait.ge [sflag:s30], $0x1000  }
0x81: {  	[sflag:s30] =	ssyncset.done $0x0  }
0x82: {  	s7 =	rddreg [dreg:$0x1c];
	[sflag:s30] =	ssyncadd.s32 $0xFFFFF000  }
0x83: {  	[spmem:s2] =	stream.indirect.scatter.add.f32 [tilespmem:s23], [sflag:$0x2], $0x20, s7, s12, $0xb8;
	[tilespmem:$0x1FB00] =	vst v63  }
0x84: {  	_ =	swait.ge [sflag:s30], $0x1000  }
0x85: {  	[sflag:s30] =	ssyncset.done $0x0  }
0x86: {  	s8 =	rddreg [dreg:$0x1d];
	[sflag:s30] =	ssyncadd.s32 $0xFFFFF000  }
0x87: {  	[spmem:s2] =	stream.indirect.scatter.add.f32 [tilespmem:s24], [sflag:$0x2], $0x20, s8, s12, $0xb8;
	[tilespmem:$0x1FB00] =	vst v63  }
0x88: {  	_ =	swait.ge [sflag:s30], $0x1000  }
0x89: {  	[sflag:s30] =	ssyncset.done $0x0  }
0x8a: {  	s9 =	rddreg [dreg:$0x1e];
	[sflag:s30] =	ssyncadd.s32 $0xFFFFF000  }
0x8b: {  	[spmem:s2] =	stream.indirect.scatter.add.f32 [tilespmem:s25], [sflag:$0x2], $0x20, s9, s12, $0xb8;
	[tilespmem:$0x1FB00] =	vst v63  }
0x8c: {  	_ =	swait.ge [sflag:s30], $0x1000  }
0x8d: {  	[sflag:s30] =	ssyncset.done $0x0  }
0x8e: {  	[sflag:s30] =	ssyncadd.s32 $0xFFFFF000  }
0x8f: {  	[spmem:s2] =	stream.indirect.scatter.add.f32 [tilespmem:s26], [sflag:$0x2], $0x20, s31, s12, $0xb8;
	[tilespmem:$0x1FB00] =	vst v63  }
0x90: {  	_ =	swait.ge [sflag:s30], $0x1000  }
0x91: {  	[sflag:s30] =	ssyncset.done $0x0  }
0x92: {  	[sflag:s30] =	ssyncadd.s32 $0xFFFFF000  }
0x93: {  	[spmem:s2] =	stream.indirect.scatter.add.f32 [tilespmem:s28], [sflag:$0x2], $0x20, s0, s12, $0xb8;
	[tilespmem:$0x1FB00] =	vst v63  }
0x94: {  	_ =	swait.ge [sflag:s30], $0x1000  }
0x95: {  	[sflag:s30] =	ssyncset.done $0x0  }
0x96: {  	[sflag:s30] =	ssyncadd.s32 $0xFFFFF000  }
0x97: {  	[spmem:s2] =	stream.indirect.scatter.add.f32 [tilespmem:s29], [sflag:$0x2], $0x20, s1, s12, $0xb8;
	[tilespmem:$0x1FB00] =	vst v63  }
0x98: {  	_ =	swait.ge [sflag:s5], $0x1000  }
0x99: {  	[sflag:s5] =	ssyncset.done $0x0  }
0x9a: {  	[sflag:s5] =	ssyncadd.s32 $0xFFFFF000  }
0x9b: {  	_ =	swait.ge [sflag:s5], $0x1000  }
0x9c: {  	[sflag:s5] =	ssyncset.done $0x0  }
0x9d: {  	[sflag:s5] =	ssyncadd.s32 $0xFFFFF000  }
0x9e: {  	_ =	swait.ge [sflag:s5], $0x1000  }
0x9f: {  	[sflag:s5] =	ssyncset.done $0x0  }
0xa0: {  	[sflag:s5] =	ssyncadd.s32 $0xFFFFF000  }
0xa1: {  	_ =	swait.ge [sflag:s5], $0x1000  }
0xa2: {  	[sflag:s5] =	ssyncset.done $0x0  }
0xa3: {  	[sflag:s5] =	ssyncadd.s32 $0xFFFFF000  }
0xa4: {  	_ =	swait.ge [sflag:s5], $0x1000  }
0xa5: {  	[sflag:s5] =	ssyncset.done $0x0  }
0xa6: {  	[sflag:s5] =	ssyncadd.s32 $0xFFFFF000  }
0xa7: {  	_ =	swait.ge [sflag:s5], $0x1000  }
0xa8: {  	[sflag:s5] =	ssyncset.done $0x0  }
0xa9: {  	[sflag:s5] =	ssyncadd.s32 $0xFFFFF000  }
0xaa: {  	_ =	swait.ge [sflag:s5], $0x1000  }
0xab: {  	[sflag:s5] =	ssyncset.done $0x0  }
0xac: {  	[sflag:s5] =	ssyncadd.s32 $0xFFFFF000  }
0xad: {  	_ =	swait.ge [sflag:s5], $0x1000  }
0xae: {  	[sflag:s5] =	ssyncset.done $0x0  }
0xaf: {  	[sflag:s5] =	ssyncadd.s32 $0xFFFFF000  }
0xb0: {  	_ =	swait.ge [sflag:s5], $0x1000  }
0xb1: {  	[sflag:s5] =	ssyncset.done $0x0  }
0xb2: {  	[sflag:s5] =	ssyncadd.s32 $0xFFFFF000  }
0xb3: {  	_ =	swait.ge [sflag:s5], $0x1000  }
0xb4: {  	[sflag:s5] =	ssyncset.done $0x0  }
0xb5: {  	[sflag:s5] =	ssyncadd.s32 $0xFFFFF000  }
0xb6: {  	_ =	swait.ge [sflag:s5], $0x1000  }
0xb7: {  	[sflag:s5] =	ssyncset.done $0x0  }
0xb8: {  	[sflag:s5] =	ssyncadd.s32 $0xFFFFF000  }
0xb9: {  	_ =	swait.ge [sflag:s5], $0x1000  }
0xba: {  	[sflag:s5] =	ssyncset.done $0x0  }
0xbb: {  	[sflag:s5] =	ssyncadd.s32 $0xFFFFF000  }
0xbc: {  	_ =	swait.ge [sflag:s5], $0x1000  }
0xbd: {  	[sflag:s5] =	ssyncset.done $0x0  }
0xbe: {  	[sflag:s5] =	ssyncadd.s32 $0xFFFFF000  }
0xbf: {  	_ =	swait.ge [sflag:s5], $0x1000  }
0xc0: {  	[sflag:s5] =	ssyncset.done $0x0  }
0xc1: {  	[sflag:s5] =	ssyncadd.s32 $0xFFFFF000  }
0xc2: {  	_ =	swait.ge [sflag:s5], $0x1000  }
0xc3: {  	[sflag:s5] =	ssyncset.done $0x0  }
0xc4: {  	[sflag:s5] =	ssyncadd.s32 $0xFFFFF000  }
0xc5: {  	s6 =	simm.s32 $0x200;
	_ =	swait.ge [sflag:s5], $0x1000  }
0xc6: {  	s8 =	simm.s32 $0x100;
	s9 =	rddreg [dreg:$0x3];
	[sflag:s5] =	ssyncset.done $0x0  }
.LBB2_2:
0xc7: {  	[sflag:s5] =	ssyncadd.s32 $0xFFFFF000;
	s9 =	sadd.s32 s8, s9  }
0xc8: {  	[tilespmem:s3], [sflag:$0x3] =	stream.linear.gather [hbm4b:s9+s3], $0x800, $0x38;
	[tilespmem:$0x1FB00] =	vst v63  }
0xc9: {  	_ =	swait.ge [sflag:s10], $0x800  }
0xca: {  	s9 =	rddreg [dreg:$0x4];
	[sflag:s10] =	ssyncset.done $0x0  }
0xcb: {  	[sflag:s10] =	ssyncadd.s32 $0xFFFFF800;
	s9 =	sadd.s32 s8, s9  }
0xcc: {  	[tilespmem:s11], [sflag:$0x3] =	stream.linear.gather [hbm4b:s9+s3], $0x800, $0x38;
	[tilespmem:$0x1FB00] =	vst v63  }
0xcd: {  	_ =	swait.ge [sflag:s10], $0x800  }
0xce: {  	[sflag:s10] =	ssyncset.done $0x0  }
0xcf: {  	s7 =	smov.u32 s6;
	[sflag:s10] =	ssyncadd.s32 $0xFFFFF800  }
0xd0: {  	[tilespmem:s13], [sflag:$0x1] =	stream.indirect.gather [hbm4b:s4+s12], $0x20, s11, s12, $0xb8;
	[tilespmem:$0x1FB00] =	vst v63  }
0xd1: {  	s8 =	smov.u32 s7;
	s7 =	rddreg [dreg:$0x5]  }
0xd2: {  	[tilespmem:s14], [sflag:$0x1] =	stream.indirect.gather [hbm4b:s4+s12], $0x20, s7, s12, $0xb8;
	[tilespmem:$0x1FB00] =	vst v63  }
0xd3: {  	s9 =	rddreg [dreg:$0x6]  }
0xd4: {  	[tilespmem:s15], [sflag:$0x1] =	stream.indirect.gather [hbm4b:s4+s12], $0x20, s9, s12, $0xb8;
	[tilespmem:$0x1FB00] =	vst v63  }
0xd5: {  	s7 =	rddreg [dreg:$0x7]  }
0xd6: {  	[tilespmem:s16], [sflag:$0x1] =	stream.indirect.gather [hbm4b:s4+s12], $0x20, s7, s12, $0xb8;
	[tilespmem:$0x1FB00] =	vst v63  }
0xd7: {  	s9 =	rddreg [dreg:$0x8]  }
0xd8: {  	[tilespmem:s17], [sflag:$0x1] =	stream.indirect.gather [hbm4b:s4+s12], $0x20, s9, s12, $0xb8;
	[tilespmem:$0x1FB00] =	vst v63  }
0xd9: {  	s7 =	rddreg [dreg:$0x9]  }
0xda: {  	[tilespmem:s18], [sflag:$0x1] =	stream.indirect.gather [hbm4b:s4+s12], $0x20, s7, s12, $0xb8;
	[tilespmem:$0x1FB00] =	vst v63  }
0xdb: {  	s9 =	rddreg [dreg:$0xa]  }
0xdc: {  	[tilespmem:s19], [sflag:$0x1] =	stream.indirect.gather [hbm4b:s4+s12], $0x20, s9, s12, $0xb8;
	[tilespmem:$0x1FB00] =	vst v63  }
0xdd: {  	s7 =	rddreg [dreg:$0xb]  }
0xde: {  	[tilespmem:s20], [sflag:$0x1] =	stream.indirect.gather [hbm4b:s4+s12], $0x20, s7, s12, $0xb8;
	[tilespmem:$0x1FB00] =	vst v63  }
0xdf: {  	s9 =	rddreg [dreg:$0xc]  }
0xe0: {  	[tilespmem:s21], [sflag:$0x1] =	stream.indirect.gather [hbm4b:s4+s12], $0x20, s9, s12, $0xb8;
	[tilespmem:$0x1FB00] =	vst v63  }
0xe1: {  	s7 =	rddreg [dreg:$0xd]  }
0xe2: {  	[tilespmem:s22], [sflag:$0x1] =	stream.indirect.gather [hbm4b:s4+s12], $0x20, s7, s12, $0xb8;
	[tilespmem:$0x1FB00] =	vst v63  }
0xe3: {  	s9 =	rddreg [dreg:$0xe]  }
0xe4: {  	[tilespmem:s23], [sflag:$0x1] =	stream.indirect.gather [hbm4b:s4+s12], $0x20, s9, s12, $0xb8;
	[tilespmem:$0x1FB00] =	vst v63  }
0xe5: {  	s7 =	rddreg [dreg:$0xf]  }
0xe6: {  	[tilespmem:s24], [sflag:$0x1] =	stream.indirect.gather [hbm4b:s4+s12], $0x20, s7, s12, $0xb8;
	[tilespmem:$0x1FB00] =	vst v63  }
0xe7: {  	s9 =	rddreg [dreg:$0x10]  }
0xe8: {  	[tilespmem:s25], [sflag:$0x1] =	stream.indirect.gather [hbm4b:s4+s12], $0x20, s9, s12, $0xb8;
	[tilespmem:$0x1FB00] =	vst v63  }
0xe9: {  	s7 =	rddreg [dreg:$0x11]  }
0xea: {  	[tilespmem:s26], [sflag:$0x1] =	stream.indirect.gather [hbm4b:s4+s12], $0x20, s7, s12, $0xb8;
	[tilespmem:$0x1FB00] =	vst v63  }
0xeb: {  	s9 =	rddreg [dreg:$0x12]  }
0xec: {  	[tilespmem:s28], [sflag:$0x1] =	stream.indirect.gather [hbm4b:s4+s12], $0x20, s9, s12, $0xb8;
	[tilespmem:$0x1FB00] =	vst v63  }
0xed: {  	s7 =	rddreg [dreg:$0x13]  }
0xee: {  	[tilespmem:s29], [sflag:$0x1] =	stream.indirect.gather [hbm4b:s4+s12], $0x20, s7, s12, $0xb8;
	[tilespmem:$0x1FB00] =	vst v63  }
0xef: {  	_ =	swait.ge [sflag:s30], $0x1000  }
0xf0: {  	[sflag:s30] =	ssyncset.done $0x0  }
0xf1: {  	[sflag:s30] =	ssyncadd.s32 $0xFFFFF000  }
0xf2: {  	[spmem:s2] =	stream.indirect.scatter.add.f32 [tilespmem:s13], [sflag:$0x2], $0x20, s3, s12, $0xb8;
	[tilespmem:$0x1FB00] =	vst v63  }
0xf3: {  	_ =	swait.ge [sflag:s30], $0x1000  }
0xf4: {  	[sflag:s30] =	ssyncset.done $0x0  }
0xf5: {  	[sflag:s30] =	ssyncadd.s32 $0xFFFFF000  }
0xf6: {  	[spmem:s2] =	stream.indirect.scatter.add.f32 [tilespmem:s14], [sflag:$0x2], $0x20, s12, s12, $0xb8;
	[tilespmem:$0x1FB00] =	vst v63  }
0xf7: {  	_ =	swait.ge [sflag:s30], $0x1000  }
0xf8: {  	[sflag:s30] =	ssyncset.done $0x0  }
0xf9: {  	s9 =	rddreg [dreg:$0x14];
	[sflag:s30] =	ssyncadd.s32 $0xFFFFF000  }
0xfa: {  	[spmem:s2] =	stream.indirect.scatter.add.f32 [tilespmem:s15], [sflag:$0x2], $0x20, s9, s12, $0xb8;
	[tilespmem:$0x1FB00] =	vst v63  }
0xfb: {  	_ =	swait.ge [sflag:s30], $0x1000  }
0xfc: {  	[sflag:s30] =	ssyncset.done $0x0  }
0xfd: {  	s9 =	rddreg [dreg:$0x15];
	[sflag:s30] =	ssyncadd.s32 $0xFFFFF000  }
0xfe: {  	[spmem:s2] =	stream.indirect.scatter.add.f32 [tilespmem:s16], [sflag:$0x2], $0x20, s9, s12, $0xb8;
	[tilespmem:$0x1FB00] =	vst v63  }
0xff: {  	_ =	swait.ge [sflag:s30], $0x1000  }
0x100: {  	[sflag:s30] =	ssyncset.done $0x0  }
0x101: {  	s9 =	rddreg [dreg:$0x16];
	[sflag:s30] =	ssyncadd.s32 $0xFFFFF000  }
0x102: {  	[spmem:s2] =	stream.indirect.scatter.add.f32 [tilespmem:s17], [sflag:$0x2], $0x20, s9, s12, $0xb8;
	[tilespmem:$0x1FB00] =	vst v63  }
0x103: {  	_ =	swait.ge [sflag:s30], $0x1000  }
0x104: {  	[sflag:s30] =	ssyncset.done $0x0  }
0x105: {  	s9 =	rddreg [dreg:$0x17];
	[sflag:s30] =	ssyncadd.s32 $0xFFFFF000  }
0x106: {  	[spmem:s2] =	stream.indirect.scatter.add.f32 [tilespmem:s18], [sflag:$0x2], $0x20, s9, s12, $0xb8;
	[tilespmem:$0x1FB00] =	vst v63  }
0x107: {  	_ =	swait.ge [sflag:s30], $0x1000  }
0x108: {  	[sflag:s30] =	ssyncset.done $0x0  }
0x109: {  	s9 =	rddreg [dreg:$0x18];
	[sflag:s30] =	ssyncadd.s32 $0xFFFFF000  }
0x10a: {  	[spmem:s2] =	stream.indirect.scatter.add.f32 [tilespmem:s19], [sflag:$0x2], $0x20, s9, s12, $0xb8;
	[tilespmem:$0x1FB00] =	vst v63  }
0x10b: {  	_ =	swait.ge [sflag:s30], $0x1000  }
0x10c: {  	[sflag:s30] =	ssyncset.done $0x0  }
0x10d: {  	s9 =	rddreg [dreg:$0x19];
	[sflag:s30] =	ssyncadd.s32 $0xFFFFF000  }
0x10e: {  	[spmem:s2] =	stream.indirect.scatter.add.f32 [tilespmem:s20], [sflag:$0x2], $0x20, s9, s12, $0xb8;
	[tilespmem:$0x1FB00] =	vst v63  }
0x10f: {  	_ =	swait.ge [sflag:s30], $0x1000  }
0x110: {  	[sflag:s30] =	ssyncset.done $0x0  }
0x111: {  	s9 =	rddreg [dreg:$0x1a];
	[sflag:s30] =	ssyncadd.s32 $0xFFFFF000  }
0x112: {  	[spmem:s2] =	stream.indirect.scatter.add.f32 [tilespmem:s21], [sflag:$0x2], $0x20, s9, s12, $0xb8;
	[tilespmem:$0x1FB00] =	vst v63  }
0x113: {  	_ =	swait.ge [sflag:s30], $0x1000  }
0x114: {  	[sflag:s30] =	ssyncset.done $0x0  }
0x115: {  	s9 =	rddreg [dreg:$0x1b];
	[sflag:s30] =	ssyncadd.s32 $0xFFFFF000  }
0x116: {  	[spmem:s2] =	stream.indirect.scatter.add.f32 [tilespmem:s22], [sflag:$0x2], $0x20, s9, s12, $0xb8;
	[tilespmem:$0x1FB00] =	vst v63  }
0x117: {  	_ =	swait.ge [sflag:s30], $0x1000  }
0x118: {  	[sflag:s30] =	ssyncset.done $0x0  }
0x119: {  	s9 =	rddreg [dreg:$0x1c];
	[sflag:s30] =	ssyncadd.s32 $0xFFFFF000  }
0x11a: {  	[spmem:s2] =	stream.indirect.scatter.add.f32 [tilespmem:s23], [sflag:$0x2], $0x20, s9, s12, $0xb8;
	[tilespmem:$0x1FB00] =	vst v63  }
0x11b: {  	_ =	swait.ge [sflag:s30], $0x1000  }
0x11c: {  	[sflag:s30] =	ssyncset.done $0x0  }
0x11d: {  	s9 =	rddreg [dreg:$0x1d];
	[sflag:s30] =	ssyncadd.s32 $0xFFFFF000  }
0x11e: {  	[spmem:s2] =	stream.indirect.scatter.add.f32 [tilespmem:s24], [sflag:$0x2], $0x20, s9, s12, $0xb8;
	[tilespmem:$0x1FB00] =	vst v63  }
0x11f: {  	_ =	swait.ge [sflag:s30], $0x1000  }
0x120: {  	[sflag:s30] =	ssyncset.done $0x0  }
0x121: {  	s9 =	rddreg [dreg:$0x1e];
	[sflag:s30] =	ssyncadd.s32 $0xFFFFF000  }
0x122: {  	[spmem:s2] =	stream.indirect.scatter.add.f32 [tilespmem:s25], [sflag:$0x2], $0x20, s9, s12, $0xb8;
	[tilespmem:$0x1FB00] =	vst v63  }
0x123: {  	_ =	swait.ge [sflag:s30], $0x1000  }
0x124: {  	[sflag:s30] =	ssyncset.done $0x0  }
0x125: {  	[sflag:s30] =	ssyncadd.s32 $0xFFFFF000  }
0x126: {  	[spmem:s2] =	stream.indirect.scatter.add.f32 [tilespmem:s26], [sflag:$0x2], $0x20, s31, s12, $0xb8;
	[tilespmem:$0x1FB00] =	vst v63  }
0x127: {  	_ =	swait.ge [sflag:s30], $0x1000  }
0x128: {  	[sflag:s30] =	ssyncset.done $0x0  }
0x129: {  	[sflag:s30] =	ssyncadd.s32 $0xFFFFF000  }
0x12a: {  	[spmem:s2] =	stream.indirect.scatter.add.f32 [tilespmem:s28], [sflag:$0x2], $0x20, s0, s12, $0xb8;
	[tilespmem:$0x1FB00] =	vst v63  }
0x12b: {  	_ =	swait.ge [sflag:s30], $0x1000  }
0x12c: {  	[sflag:s30] =	ssyncset.done $0x0  }
0x12d: {  	[sflag:s30] =	ssyncadd.s32 $0xFFFFF000  }
0x12e: {  	[spmem:s2] =	stream.indirect.scatter.add.f32 [tilespmem:s29], [sflag:$0x2], $0x20, s1, s12, $0xb8;
	[tilespmem:$0x1FB00] =	vst v63  }
0x12f: {  	_ =	swait.ge [sflag:s5], $0x1000  }
0x130: {  	[sflag:s5] =	ssyncset.done $0x0  }
0x131: {  	[sflag:s5] =	ssyncadd.s32 $0xFFFFF000  }
0x132: {  	_ =	swait.ge [sflag:s5], $0x1000  }
0x133: {  	[sflag:s5] =	ssyncset.done $0x0  }
0x134: {  	[sflag:s5] =	ssyncadd.s32 $0xFFFFF000  }
0x135: {  	_ =	swait.ge [sflag:s5], $0x1000  }
0x136: {  	[sflag:s5] =	ssyncset.done $0x0  }
0x137: {  	[sflag:s5] =	ssyncadd.s32 $0xFFFFF000  }
0x138: {  	_ =	swait.ge [sflag:s5], $0x1000  }
0x139: {  	[sflag:s5] =	ssyncset.done $0x0  }
0x13a: {  	[sflag:s5] =	ssyncadd.s32 $0xFFFFF000  }
0x13b: {  	_ =	swait.ge [sflag:s5], $0x1000  }
0x13c: {  	[sflag:s5] =	ssyncset.done $0x0  }
0x13d: {  	[sflag:s5] =	ssyncadd.s32 $0xFFFFF000  }
0x13e: {  	_ =	swait.ge [sflag:s5], $0x1000  }
0x13f: {  	[sflag:s5] =	ssyncset.done $0x0  }
0x140: {  	[sflag:s5] =	ssyncadd.s32 $0xFFFFF000  }
0x141: {  	_ =	swait.ge [sflag:s5], $0x1000  }
0x142: {  	[sflag:s5] =	ssyncset.done $0x0  }
0x143: {  	[sflag:s5] =	ssyncadd.s32 $0xFFFFF000  }
0x144: {  	_ =	swait.ge [sflag:s5], $0x1000  }
0x145: {  	[sflag:s5] =	ssyncset.done $0x0  }
0x146: {  	[sflag:s5] =	ssyncadd.s32 $0xFFFFF000  }
0x147: {  	_ =	swait.ge [sflag:s5], $0x1000  }
0x148: {  	[sflag:s5] =	ssyncset.done $0x0  }
0x149: {  	[sflag:s5] =	ssyncadd.s32 $0xFFFFF000  }
0x14a: {  	_ =	swait.ge [sflag:s5], $0x1000  }
0x14b: {  	[sflag:s5] =	ssyncset.done $0x0  }
0x14c: {  	[sflag:s5] =	ssyncadd.s32 $0xFFFFF000  }
0x14d: {  	_ =	swait.ge [sflag:s5], $0x1000  }
0x14e: {  	[sflag:s5] =	ssyncset.done $0x0  }
0x14f: {  	[sflag:s5] =	ssyncadd.s32 $0xFFFFF000  }
0x150: {  	_ =	swait.ge [sflag:s5], $0x1000  }
0x151: {  	[sflag:s5] =	ssyncset.done $0x0  }
0x152: {  	[sflag:s5] =	ssyncadd.s32 $0xFFFFF000  }
0x153: {  	_ =	swait.ge [sflag:s5], $0x1000  }
0x154: {  	[sflag:s5] =	ssyncset.done $0x0  }
0x155: {  	[sflag:s5] =	ssyncadd.s32 $0xFFFFF000  }
0x156: {  	_ =	swait.ge [sflag:s5], $0x1000  }
0x157: {  	[sflag:s5] =	ssyncset.done $0x0  }
0x158: {  	p0 =	sne.s32 s6, $0x900;
	[sflag:s5] =	ssyncadd.s32 $0xFFFFF000  }
.Ltmp0:
0x159: {  	_ =	swait.ge [sflag:s5], $0x1000;
	(pc) =	sbr.rel @p0 .LBB2_2-.Ltmp0, $4  }
0x15a: {  	[sflag:s5] =	ssyncset.done $0x0  }
0x15b: {  	[sflag:s5] =	ssyncadd.s32 $0xFFFFF000  }
0x15c: {  	_ =	swait.ge [sflag:s5], $0x1000  }
0x15d: {  	s6 =	sadd.s32 $0x100, s6;
	s9 =	rddreg [dreg:$0x3];
	[sflag:s5] =	ssyncset.done $0x0  }
0x15e: {  	[sflag:s5] =	ssyncadd.s32 $0xFFFFF000;
	s6 =	sadd.s32 s8, s9  }
0x15f: {  	[tilespmem:s3], [sflag:$0x3] =	stream.linear.gather [hbm4b:s6+s3], $0x800, $0x38;
	[tilespmem:$0x1FB00] =	vst v63  }
0x160: {  	_ =	swait.ge [sflag:s10], $0x800  }
0x161: {  	s7 =	rddreg [dreg:$0x4];
	[sflag:s10] =	ssyncset.done $0x0  }
0x162: {  	[sflag:s10] =	ssyncadd.s32 $0xFFFFF800;
	s6 =	sadd.s32 s8, s7  }
0x163: {  	[tilespmem:s11], [sflag:$0x3] =	stream.linear.gather [hbm4b:s6+s3], $0x800, $0x38;
	[tilespmem:$0x1FB00] =	vst v63  }
0x164: {  	_ =	swait.ge [sflag:s10], $0x800  }
0x165: {  	[sflag:s10] =	ssyncset.done $0x0  }
0x166: {  	[sflag:s10] =	ssyncadd.s32 $0xFFFFF800  }
0x167: {  	[tilespmem:s13], [sflag:$0x1] =	stream.indirect.gather [hbm4b:s4+s12], $0x20, s11, s12, $0xb8;
	[tilespmem:$0x1FB00] =	vst v63  }
0x168: {  	s8 =	rddreg [dreg:$0x5]  }
0x169: {  	[tilespmem:s14], [sflag:$0x1] =	stream.indirect.gather [hbm4b:s4+s12], $0x20, s8, s12, $0xb8;
	[tilespmem:$0x1FB00] =	vst v63  }
0x16a: {  	s7 =	rddreg [dreg:$0x6]  }
0x16b: {  	[tilespmem:s15], [sflag:$0x1] =	stream.indirect.gather [hbm4b:s4+s12], $0x20, s7, s12, $0xb8;
	[tilespmem:$0x1FB00] =	vst v63  }
0x16c: {  	s9 =	rddreg [dreg:$0x7]  }
0x16d: {  	[tilespmem:s16], [sflag:$0x1] =	stream.indirect.gather [hbm4b:s4+s12], $0x20, s9, s12, $0xb8;
	[tilespmem:$0x1FB00] =	vst v63  }
0x16e: {  	s8 =	rddreg [dreg:$0x8]  }
0x16f: {  	[tilespmem:s17], [sflag:$0x1] =	stream.indirect.gather [hbm4b:s4+s12], $0x20, s8, s12, $0xb8;
	[tilespmem:$0x1FB00] =	vst v63  }
0x170: {  	s9 =	rddreg [dreg:$0x9]  }
0x171: {  	[tilespmem:s18], [sflag:$0x1] =	stream.indirect.gather [hbm4b:s4+s12], $0x20, s9, s12, $0xb8;
	[tilespmem:$0x1FB00] =	vst v63  }
0x172: {  	s8 =	rddreg [dreg:$0xa]  }
0x173: {  	[tilespmem:s19], [sflag:$0x1] =	stream.indirect.gather [hbm4b:s4+s12], $0x20, s8, s12, $0xb8;
	[tilespmem:$0x1FB00] =	vst v63  }
0x174: {  	s9 =	rddreg [dreg:$0xb]  }
0x175: {  	[tilespmem:s20], [sflag:$0x1] =	stream.indirect.gather [hbm4b:s4+s12], $0x20, s9, s12, $0xb8;
	[tilespmem:$0x1FB00] =	vst v63  }
0x176: {  	s8 =	rddreg [dreg:$0xc]  }
0x177: {  	[tilespmem:s21], [sflag:$0x1] =	stream.indirect.gather [hbm4b:s4+s12], $0x20, s8, s12, $0xb8;
	[tilespmem:$0x1FB00] =	vst v63  }
0x178: {  	s9 =	rddreg [dreg:$0xd]  }
0x179: {  	[tilespmem:s22], [sflag:$0x1] =	stream.indirect.gather [hbm4b:s4+s12], $0x20, s9, s12, $0xb8;
	[tilespmem:$0x1FB00] =	vst v63  }
0x17a: {  	s8 =	rddreg [dreg:$0xe]  }
0x17b: {  	[tilespmem:s23], [sflag:$0x1] =	stream.indirect.gather [hbm4b:s4+s12], $0x20, s8, s12, $0xb8;
	[tilespmem:$0x1FB00] =	vst v63  }
0x17c: {  	s9 =	rddreg [dreg:$0xf]  }
0x17d: {  	[tilespmem:s24], [sflag:$0x1] =	stream.indirect.gather [hbm4b:s4+s12], $0x20, s9, s12, $0xb8;
	[tilespmem:$0x1FB00] =	vst v63  }
0x17e: {  	s8 =	rddreg [dreg:$0x10]  }
0x17f: {  	[tilespmem:s25], [sflag:$0x1] =	stream.indirect.gather [hbm4b:s4+s12], $0x20, s8, s12, $0xb8;
	[tilespmem:$0x1FB00] =	vst v63  }
0x180: {  	s9 =	rddreg [dreg:$0x11]  }
0x181: {  	[tilespmem:s26], [sflag:$0x1] =	stream.indirect.gather [hbm4b:s4+s12], $0x20, s9, s12, $0xb8;
	[tilespmem:$0x1FB00] =	vst v63  }
0x182: {  	s8 =	rddreg [dreg:$0x12]  }
0x183: {  	[tilespmem:s28], [sflag:$0x1] =	stream.indirect.gather [hbm4b:s4+s12], $0x20, s8, s12, $0xb8;
	[tilespmem:$0x1FB00] =	vst v63  }
0x184: {  	s9 =	rddreg [dreg:$0x13]  }
0x185: {  	[tilespmem:s29], [sflag:$0x1] =	stream.indirect.gather [hbm4b:s4+s12], $0x20, s9, s12, $0xb8;
	[tilespmem:$0x1FB00] =	vst v63  }
0x186: {  	_ =	swait.ge [sflag:s30], $0x1000  }
0x187: {  	[sflag:s30] =	ssyncset.done $0x0  }
0x188: {  	[sflag:s30] =	ssyncadd.s32 $0xFFFFF000  }
0x189: {  	[spmem:s2] =	stream.indirect.scatter.add.f32 [tilespmem:s13], [sflag:$0x2], $0x20, s3, s12, $0xb8;
	[tilespmem:$0x1FB00] =	vst v63  }
0x18a: {  	_ =	swait.ge [sflag:s30], $0x1000  }
0x18b: {  	[sflag:s30] =	ssyncset.done $0x0  }
0x18c: {  	[sflag:s30] =	ssyncadd.s32 $0xFFFFF000  }
0x18d: {  	[spmem:s2] =	stream.indirect.scatter.add.f32 [tilespmem:s14], [sflag:$0x2], $0x20, s12, s12, $0xb8;
	[tilespmem:$0x1FB00] =	vst v63  }
0x18e: {  	_ =	swait.ge [sflag:s30], $0x1000  }
0x18f: {  	[sflag:s30] =	ssyncset.done $0x0  }
0x190: {  	s7 =	rddreg [dreg:$0x14];
	[sflag:s30] =	ssyncadd.s32 $0xFFFFF000  }
0x191: {  	[spmem:s2] =	stream.indirect.scatter.add.f32 [tilespmem:s15], [sflag:$0x2], $0x20, s7, s12, $0xb8;
	[tilespmem:$0x1FB00] =	vst v63  }
0x192: {  	_ =	swait.ge [sflag:s30], $0x1000  }
0x193: {  	[sflag:s30] =	ssyncset.done $0x0  }
0x194: {  	s8 =	rddreg [dreg:$0x15];
	[sflag:s30] =	ssyncadd.s32 $0xFFFFF000  }
0x195: {  	[spmem:s2] =	stream.indirect.scatter.add.f32 [tilespmem:s16], [sflag:$0x2], $0x20, s8, s12, $0xb8;
	[tilespmem:$0x1FB00] =	vst v63  }
0x196: {  	_ =	swait.ge [sflag:s30], $0x1000  }
0x197: {  	[sflag:s30] =	ssyncset.done $0x0  }
0x198: {  	s9 =	rddreg [dreg:$0x16];
	[sflag:s30] =	ssyncadd.s32 $0xFFFFF000  }
0x199: {  	[spmem:s2] =	stream.indirect.scatter.add.f32 [tilespmem:s17], [sflag:$0x2], $0x20, s9, s12, $0xb8;
	[tilespmem:$0x1FB00] =	vst v63  }
0x19a: {  	_ =	swait.ge [sflag:s30], $0x1000  }
0x19b: {  	[sflag:s30] =	ssyncset.done $0x0  }
0x19c: {  	s7 =	rddreg [dreg:$0x17];
	[sflag:s30] =	ssyncadd.s32 $0xFFFFF000  }
0x19d: {  	[spmem:s2] =	stream.indirect.scatter.add.f32 [tilespmem:s18], [sflag:$0x2], $0x20, s7, s12, $0xb8;
	[tilespmem:$0x1FB00] =	vst v63  }
0x19e: {  	_ =	swait.ge [sflag:s30], $0x1000  }
0x19f: {  	[sflag:s30] =	ssyncset.done $0x0  }
0x1a0: {  	s8 =	rddreg [dreg:$0x18];
	[sflag:s30] =	ssyncadd.s32 $0xFFFFF000  }
0x1a1: {  	[spmem:s2] =	stream.indirect.scatter.add.f32 [tilespmem:s19], [sflag:$0x2], $0x20, s8, s12, $0xb8;
	[tilespmem:$0x1FB00] =	vst v63  }
0x1a2: {  	_ =	swait.ge [sflag:s30], $0x1000  }
0x1a3: {  	[sflag:s30] =	ssyncset.done $0x0  }
0x1a4: {  	s9 =	rddreg [dreg:$0x19];
	[sflag:s30] =	ssyncadd.s32 $0xFFFFF000  }
0x1a5: {  	[spmem:s2] =	stream.indirect.scatter.add.f32 [tilespmem:s20], [sflag:$0x2], $0x20, s9, s12, $0xb8;
	[tilespmem:$0x1FB00] =	vst v63  }
0x1a6: {  	_ =	swait.ge [sflag:s30], $0x1000  }
0x1a7: {  	[sflag:s30] =	ssyncset.done $0x0  }
0x1a8: {  	s7 =	rddreg [dreg:$0x1a];
	[sflag:s30] =	ssyncadd.s32 $0xFFFFF000  }
0x1a9: {  	[spmem:s2] =	stream.indirect.scatter.add.f32 [tilespmem:s21], [sflag:$0x2], $0x20, s7, s12, $0xb8;
	[tilespmem:$0x1FB00] =	vst v63  }
0x1aa: {  	_ =	swait.ge [sflag:s30], $0x1000  }
0x1ab: {  	[sflag:s30] =	ssyncset.done $0x0  }
0x1ac: {  	s8 =	rddreg [dreg:$0x1b];
	[sflag:s30] =	ssyncadd.s32 $0xFFFFF000  }
0x1ad: {  	[spmem:s2] =	stream.indirect.scatter.add.f32 [tilespmem:s22], [sflag:$0x2], $0x20, s8, s12, $0xb8;
	[tilespmem:$0x1FB00] =	vst v63  }
0x1ae: {  	_ =	swait.ge [sflag:s30], $0x1000  }
0x1af: {  	[sflag:s30] =	ssyncset.done $0x0  }
0x1b0: {  	s9 =	rddreg [dreg:$0x1c];
	[sflag:s30] =	ssyncadd.s32 $0xFFFFF000  }
0x1b1: {  	[spmem:s2] =	stream.indirect.scatter.add.f32 [tilespmem:s23], [sflag:$0x2], $0x20, s9, s12, $0xb8;
	[tilespmem:$0x1FB00] =	vst v63  }
0x1b2: {  	_ =	swait.ge [sflag:s30], $0x1000  }
0x1b3: {  	[sflag:s30] =	ssyncset.done $0x0  }
0x1b4: {  	s7 =	rddreg [dreg:$0x1d];
	[sflag:s30] =	ssyncadd.s32 $0xFFFFF000  }
0x1b5: {  	[spmem:s2] =	stream.indirect.scatter.add.f32 [tilespmem:s24], [sflag:$0x2], $0x20, s7, s12, $0xb8;
	[tilespmem:$0x1FB00] =	vst v63  }
0x1b6: {  	_ =	swait.ge [sflag:s30], $0x1000  }
0x1b7: {  	[sflag:s30] =	ssyncset.done $0x0  }
0x1b8: {  	s8 =	rddreg [dreg:$0x1e];
	[sflag:s30] =	ssyncadd.s32 $0xFFFFF000  }
0x1b9: {  	[spmem:s2] =	stream.indirect.scatter.add.f32 [tilespmem:s25], [sflag:$0x2], $0x20, s8, s12, $0xb8;
	[tilespmem:$0x1FB00] =	vst v63  }
0x1ba: {  	_ =	swait.ge [sflag:s30], $0x1000  }
0x1bb: {  	[sflag:s30] =	ssyncset.done $0x0  }
0x1bc: {  	[sflag:s30] =	ssyncadd.s32 $0xFFFFF000  }
0x1bd: {  	[spmem:s2] =	stream.indirect.scatter.add.f32 [tilespmem:s26], [sflag:$0x2], $0x20, s31, s12, $0xb8;
	[tilespmem:$0x1FB00] =	vst v63  }
0x1be: {  	_ =	swait.ge [sflag:s30], $0x1000  }
0x1bf: {  	[sflag:s30] =	ssyncset.done $0x0  }
0x1c0: {  	[sflag:s30] =	ssyncadd.s32 $0xFFFFF000  }
0x1c1: {  	[spmem:s2] =	stream.indirect.scatter.add.f32 [tilespmem:s28], [sflag:$0x2], $0x20, s0, s12, $0xb8;
	[tilespmem:$0x1FB00] =	vst v63  }
0x1c2: {  	_ =	swait.ge [sflag:s30], $0x1000  }
0x1c3: {  	[sflag:s30] =	ssyncset.done $0x0  }
0x1c4: {  	[sflag:s30] =	ssyncadd.s32 $0xFFFFF000  }
0x1c5: {  	[spmem:s2] =	stream.indirect.scatter.add.f32 [tilespmem:s29], [sflag:$0x2], $0x20, s1, s12, $0xb8;
	[tilespmem:$0x1FB00] =	vst v63  }
0x1c6: {  	_ =	swait.ge [sflag:s5], $0x1000  }
0x1c7: {  	[sflag:s5] =	ssyncset.done $0x0  }
0x1c8: {  	[sflag:s5] =	ssyncadd.s32 $0xFFFFF000  }
0x1c9: {  	_ =	swait.ge [sflag:s5], $0x1000  }
0x1ca: {  	[sflag:s5] =	ssyncset.done $0x0  }
0x1cb: {  	[sflag:s5] =	ssyncadd.s32 $0xFFFFF000  }
0x1cc: {  	_ =	swait.ge [sflag:s5], $0x1000  }
0x1cd: {  	[sflag:s5] =	ssyncset.done $0x0  }
0x1ce: {  	[sflag:s5] =	ssyncadd.s32 $0xFFFFF000  }
0x1cf: {  	_ =	swait.ge [sflag:s5], $0x1000  }
0x1d0: {  	[sflag:s5] =	ssyncset.done $0x0  }
0x1d1: {  	[sflag:s5] =	ssyncadd.s32 $0xFFFFF000  }
0x1d2: {  	_ =	swait.ge [sflag:s5], $0x1000  }
0x1d3: {  	[sflag:s5] =	ssyncset.done $0x0  }
0x1d4: {  	[sflag:s5] =	ssyncadd.s32 $0xFFFFF000  }
0x1d5: {  	_ =	swait.ge [sflag:s5], $0x1000  }
0x1d6: {  	[sflag:s5] =	ssyncset.done $0x0  }
0x1d7: {  	[sflag:s5] =	ssyncadd.s32 $0xFFFFF000  }
0x1d8: {  	_ =	swait.ge [sflag:s5], $0x1000  }
0x1d9: {  	[sflag:s5] =	ssyncset.done $0x0  }
0x1da: {  	[sflag:s5] =	ssyncadd.s32 $0xFFFFF000  }
0x1db: {  	_ =	swait.ge [sflag:s5], $0x1000  }
0x1dc: {  	[sflag:s5] =	ssyncset.done $0x0  }
0x1dd: {  	[sflag:s5] =	ssyncadd.s32 $0xFFFFF000  }
0x1de: {  	_ =	swait.ge [sflag:s5], $0x1000  }
0x1df: {  	[sflag:s5] =	ssyncset.done $0x0  }
0x1e0: {  	[sflag:s5] =	ssyncadd.s32 $0xFFFFF000  }
0x1e1: {  	_ =	swait.ge [sflag:s5], $0x1000  }
0x1e2: {  	[sflag:s5] =	ssyncset.done $0x0  }
0x1e3: {  	[sflag:s5] =	ssyncadd.s32 $0xFFFFF000  }
0x1e4: {  	_ =	swait.ge [sflag:s5], $0x1000  }
0x1e5: {  	[sflag:s5] =	ssyncset.done $0x0  }
0x1e6: {  	[sflag:s5] =	ssyncadd.s32 $0xFFFFF000  }
0x1e7: {  	_ =	swait.ge [sflag:s5], $0x1000  }
0x1e8: {  	[sflag:s5] =	ssyncset.done $0x0  }
0x1e9: {  	[sflag:s5] =	ssyncadd.s32 $0xFFFFF000  }
0x1ea: {  	_ =	swait.ge [sflag:s5], $0x1000  }
0x1eb: {  	[sflag:s5] =	ssyncset.done $0x0  }
0x1ec: {  	[sflag:s5] =	ssyncadd.s32 $0xFFFFF000  }
0x1ed: {  	_ =	swait.ge [sflag:s5], $0x1000  }
0x1ee: {  	[sflag:s5] =	ssyncset.done $0x0  }
0x1ef: {  	[sflag:s5] =	ssyncadd.s32 $0xFFFFF000  }
0x1f0: {  	_ =	swait.ge [sflag:s5], $0x1000  }
0x1f1: {  	[sflag:s5] =	ssyncset.done $0x0  }
0x1f2: {  	[sflag:s5] =	ssyncadd.s32 $0xFFFFF000  }
0x1f3: {  	_ =	swait.ge [sflag:s5], $0x1000  }
0x1f4: {  	[sflag:s5] =	ssyncset.done $0x0  }
0x1f5: {  	[sflag:s5] =	ssyncadd.s32 $0xFFFFF000  }
0x1f6: {  	[bflag:$0x0] =	sbarrier.arrive $0xFFFF  }
0x1f7: {  	s7 =	sld [smem:$0x7FC]  }
0x1f8: {  	s9 =	sld [smem:$0x7FA]  }
0x1f9: {  	s8 =	sld [smem:$0x7FD];
	_ =	sdelay $0x2  }
0x1fa: {  	[hbm:s9], [sflag:s7] =	dma.local [spmem:s8], $0x1D60  }
0x1fb: {  	_ =	swait.ge [sflag:s10], $0x1D60  }
0x1fc: {  	s6 =	sld [smem:$0x7F9];
	_ =	sdelay $0x2  }
0x1fd: {  	s9 =	sadd.s32 $0x1, s6;
	s6 =	sld [smem:$0x7FB];
	_ =	sdelay $0x2  }
0x1fe: {  	p0 =	sne.s32 s9, s6  }
.Ltmp1:
0x1ff: {  	_ = 	snop;
	(pc) =	sbr.rel @p0 .LBB2_1-.Ltmp1, $3  }
0x200: {  	_ =	sdelay $0x1  }
0x201: {  	[sflag:s10] =	ssyncset.done $0x0  }
0x202: {  	[sflag:s10] =	ssyncadd.s32 $0xFFFFE2A0  }
0x203: {  	_ =	sfence.sel $0x180000  }
0x204: {  	[bflag:$0x0] =	sbarrier.arrive $0xFFFF  }
0x205: {  	_ =	strace $0x90000053  }
0x206: {  	s0 =	stileid.u32;
	[bflag:$0x2] =	sbarrier.arrive $0xFFFF  }
0x207: {  	p0 =	sne.s32 s0, $0x0;
	s0 =	rddreg [dreg:$0x2]  }
0x208: {  	s0 =	sadd.s32 @!p0 $0x100000, s0  }
0x209: {  	[sflag:s0] =	ssyncadd.tile.s32 @!p0 $0x1;
	_ =	shalt  }
.Lfunc_end2:
_tile_overlayer_lowered:
.L_overlay_start_2:
0x20a: {  	(tag) =	ssettag $0x2  }
0x20b: {  	s0 =	rddreg [dreg:$0x0];
	s2 =	stileid.u32  }
0x20c: {  	s1 =	rddreg [dreg:$0x1];
	p0 =	sne.s32 s2, $0x0  }
0x20d: {  	s3 =	rddreg [dreg:$0x2];
	[bflag:$0x3] =	sbarrier.arrive $0xFFFF;
	s2 =	simm.s32 @!p0 $0x1C03  }
0x20e: {  	[timem:s3], [sflag:s2] =	dma.local @!p0 [hbm:s0], s1  }
0x20f: {  	s0 =	simm.s32 @!p0 $0x3  }
0x210: {  	_ =	swait.ge @!p0 [sflag:s0], s1  }
0x211: {  	s1 =	ssub.s32 @!p0 $0x0, s1;
	[sflag:s0] =	ssyncset.done @!p0 $0x0  }
0x212: {  	[sflag:s0] =	ssyncadd.s32 @!p0 s1  }
0x213: {  	[bflag:$0x3] =	sbarrier.arrive $0xFFFF  }
0x214: {  	_ =	shalt  }

</sc_bundles>
